<compile_context>
chip_gen: v7x
topology: tpu7x:2x2x1
jax: 0.10.2.dev20260603
libtpu: 0.0.44.dev20260713+nightly
codegen_flags: <defaults>
</compile_context>

<pallas_src>
import functools

import jax
import jax.numpy as jnp
from jax import lax
from jax.experimental import pallas as pl
from jax.experimental.pallas import tpu as pltpu
from jax.experimental.pallas import tpu_sc as plsc

NC = 2
NS = 16
NW = NC * NS

_SC_PARAMS = pltpu.CompilerParams(use_tc_tiling_on_sc=False,
                                  needs_layout_passes=False)


def _degrees_call(E, NPAD, CH):
  EPW = E // NW
  NCH = EPW // CH
  ZS = NPAD // NS
  assert EPW % CH == 0 and NCH % 2 == 0
  mesh = plsc.VectorSubcoreMesh(
      core_axis_name="c", subcore_axis_name="s",
      num_cores=NC, num_subcores=NS)

  @functools.partial(
      pl.kernel,
      out_type=(jax.ShapeDtypeStruct((NC, NPAD), jnp.float32),
                jax.ShapeDtypeStruct((NC, NPAD), jnp.float32)),
      mesh=mesh,
      scratch_types=[
          pltpu.VMEM((2, CH), jnp.int32),
          pltpu.VMEM((2, CH), jnp.int32),
          pltpu.VMEM((CH,), jnp.float32),
          pltpu.VMEM_SHARED((NPAD,), jnp.float32),
          pltpu.VMEM_SHARED((NPAD,), jnp.float32),
          pltpu.SemaphoreType.DMA,
          pltpu.SemaphoreType.DMA,
      ],
      compiler_params=_SC_PARAMS,
  )
  def deg_kernel(src_h, dst_h, zeros_h, ones_h, dego_out, degi_out,
                 is_v, id_v, ones_v, dego_sh, degi_sh, sem_i, sem_s):
    c = lax.axis_index("c")
    s = lax.axis_index("s")
    wid = s * NC + c
    e0 = wid * EPW
    sl = pl.ds(s * ZS, ZS)
    pltpu.sync_copy(zeros_h.at[sl], dego_sh.at[sl])
    pltpu.sync_copy(zeros_h.at[sl], degi_sh.at[sl])
    pltpu.sync_copy(ones_h, ones_v)
    plsc.subcore_barrier()

    def load(g, b):
      pltpu.async_copy(src_h.at[pl.ds(e0 + g * CH, CH)], is_v.at[b], sem_i)
      pltpu.async_copy(dst_h.at[pl.ds(e0 + g * CH, CH)], id_v.at[b], sem_i)

    def wait_loads(b):
      pltpu.make_async_copy(src_h.at[pl.ds(0, CH)], is_v.at[b], sem_i).wait()
      pltpu.make_async_copy(dst_h.at[pl.ds(0, CH)], id_v.at[b], sem_i).wait()

    def scat(b):
      pltpu.async_copy(ones_v, dego_sh.at[is_v.at[b]], sem_s, add=True)
      pltpu.async_copy(ones_v, degi_sh.at[id_v.at[b]], sem_s, add=True)

    def wait_scat(b):
      pltpu.make_async_copy(ones_v, dego_sh.at[is_v.at[b]], sem_s).wait()
      pltpu.make_async_copy(ones_v, degi_sh.at[id_v.at[b]], sem_s).wait()

    load(0, 0)

    def step(g2, carry):
      for u in range(2):
        g = g2 * 2 + u
        b = u
        o = 1 - u
        wait_loads(b)

        @pl.when(g >= 1)
        def _():
          wait_scat(o)
        @pl.when(g + 1 < NCH)
        def _():
          load(g + 1, o)
        scat(b)
      return carry
    lax.fori_loop(0, NCH // 2, step, 0)
    wait_scat((NCH - 1) % 2)
    plsc.subcore_barrier()
    pltpu.sync_copy(dego_sh.at[sl], dego_out.at[c, sl])
    pltpu.sync_copy(degi_sh.at[sl], degi_out.at[c, sl])

  return deg_kernel


def _agg_call(E, NPAD, CH, SUB):
  EPW = E // NW
  NCH = EPW // CH
  ZS = NPAD // NS
  assert EPW % CH == 0 and NCH % 4 == 0
  mesh = plsc.VectorSubcoreMesh(
      core_axis_name="c", subcore_axis_name="s",
      num_cores=NC, num_subcores=NS)

  @functools.partial(
      pl.kernel,
      out_type=jax.ShapeDtypeStruct((NC, 2, NPAD), jnp.float32),
      mesh=mesh,
      scratch_types=[
          pltpu.VMEM((4, CH), jnp.int32),
          pltpu.VMEM((4, CH), jnp.int32),
          pltpu.VMEM((2, CH), jnp.float32),
          pltpu.VMEM((2, CH), jnp.float32),
          pltpu.VMEM((SUB,), jnp.float32),
          pltpu.VMEM((SUB,), jnp.float32),
          pltpu.VMEM((SUB,), jnp.float32),
          pltpu.VMEM((SUB,), jnp.float32),
          pltpu.VMEM((SUB,), jnp.float32),
          pltpu.VMEM((SUB,), jnp.float32),
          pltpu.VMEM_SHARED((NPAD,), jnp.float32),
          pltpu.VMEM_SHARED((NPAD,), jnp.float32),
          pltpu.VMEM_SHARED((NPAD,), jnp.float32),
          pltpu.VMEM_SHARED((NPAD,), jnp.float32),
          pltpu.SemaphoreType.DMA,
          pltpu.SemaphoreType.DMA,
          pltpu.SemaphoreType.DMA,
      ],
      compiler_params=_SC_PARAMS,
  )
  def agg_kernel(src_h, dst_h, ft_h, dego_h, zeros_h, agg_out,
                 is_v, id_v, r0_v, r1_v,
                 d0_v, d1_v, f0_v, f1_v, hb0_v, hb1_v,
                 agg0_sh, agg1_sh, h0_sh, h1_sh, sem_i, sem_g, sem_s):
    c = lax.axis_index("c")
    s = lax.axis_index("s")
    wid = s * NC + c
    e0 = wid * EPW
    sl = pl.ds(s * ZS, ZS)
    pltpu.sync_copy(zeros_h.at[sl], agg0_sh.at[sl])
    pltpu.sync_copy(zeros_h.at[sl], agg1_sh.at[sl])
    for t in range(ZS // SUB):
      ssl = pl.ds(s * ZS + t * SUB, SUB)
      pltpu.sync_copy(dego_h.at[0, ssl], d0_v)
      pltpu.sync_copy(dego_h.at[1, ssl], d1_v)
      pltpu.sync_copy(ft_h.at[0, ssl], f0_v)
      pltpu.sync_copy(ft_h.at[1, ssl], f1_v)

      def nwt(j, carry):
        jj = pl.ds(j * 16, 16)
        x = jnp.maximum(d0_v[jj] + d1_v[jj], 1.0)
        i = plsc.bitcast(x, jnp.int32)
        y = plsc.bitcast(0x5F3759DF - lax.shift_right_logical(i, 1),
                         jnp.float32)
        y = y * (1.5 - 0.5 * x * y * y)
        y = y * (1.5 - 0.5 * x * y * y)
        y = y * (1.5 - 0.5 * x * y * y)
        hb0_v[jj] = f0_v[jj] * y
        hb1_v[jj] = f1_v[jj] * y
        return carry
      lax.fori_loop(0, SUB // 16, nwt, 0)
      pltpu.sync_copy(hb0_v, h0_sh.at[ssl])
      pltpu.sync_copy(hb1_v, h1_sh.at[ssl])
    plsc.subcore_barrier()

    def load(g, b4):
      pltpu.async_copy(src_h.at[pl.ds(e0 + g * CH, CH)], is_v.at[b4], sem_i)
      pltpu.async_copy(dst_h.at[pl.ds(e0 + g * CH, CH)], id_v.at[b4], sem_i)

    def wait_loads(b4):
      pltpu.make_async_copy(src_h.at[pl.ds(0, CH)], is_v.at[b4], sem_i).wait()
      pltpu.make_async_copy(dst_h.at[pl.ds(0, CH)], id_v.at[b4], sem_i).wait()

    def gath(b4, b2):
      pltpu.async_copy(h0_sh.at[is_v.at[b4]], r0_v.at[b2], sem_g)
      pltpu.async_copy(h1_sh.at[is_v.at[b4]], r1_v.at[b2], sem_g)

    def wait_gath(b4, b2):
      pltpu.make_async_copy(h0_sh.at[is_v.at[b4]], r0_v.at[b2], sem_g).wait()
      pltpu.make_async_copy(h1_sh.at[is_v.at[b4]], r1_v.at[b2], sem_g).wait()

    def scat(b4, b2):
      pltpu.async_copy(r0_v.at[b2], agg0_sh.at[id_v.at[b4]], sem_s, add=True)
      pltpu.async_copy(r1_v.at[b2], agg1_sh.at[id_v.at[b4]], sem_s, add=True)

    def wait_scat(b4, b2):
      pltpu.make_async_copy(r0_v.at[b2], agg0_sh.at[id_v.at[b4]], sem_s).wait()
      pltpu.make_async_copy(r1_v.at[b2], agg1_sh.at[id_v.at[b4]], sem_s).wait()

    load(0, 0)
    load(1, 1)

    def step(q, carry):
      for u in range(4):
        g = q * 4 + u
        b4 = u
        b2 = u % 2
        wait_loads(b4)

        @pl.when(g >= 2)
        def _():
          wait_scat((u + 2) % 4, b2)
        gath(b4, b2)

        @pl.when(g + 2 < NCH)
        def _():
          load(g + 2, (u + 2) % 4)
        wait_gath(b4, b2)
        scat(b4, b2)
      return carry
    lax.fori_loop(0, NCH // 4, step, 0)
    wait_scat((NCH - 2) % 4, (NCH - 2) % 2)
    wait_scat((NCH - 1) % 4, (NCH - 1) % 2)
    plsc.subcore_barrier()
    pltpu.sync_copy(agg0_sh.at[sl], agg_out.at[c, 0, sl])
    pltpu.sync_copy(agg1_sh.at[sl], agg_out.at[c, 1, sl])

  return agg_kernel


def _expm1_f32(x):
  t = x * 1.4426950408889634
  n = jnp.maximum(jnp.floor(t + 0.5), -126.0)
  u = (t - n) * 0.6931471805599453
  p = 1.0 + u * (1.0 + u * (0.5 + u * (0.16666666666666666 + u * (
      0.041666666666666664 + u * (0.008333333333333333 + u * (
          0.001388888888888889 + u * 0.0001984126984126984))))))
  ni = n.astype(jnp.int32)
  scale = lax.bitcast_convert_type(lax.shift_left(ni + 127, 23), jnp.float32)
  big = p * scale - 1.0
  ts = x * (1.0 + x * (0.5 + x * (0.16666666666666666 + x * (
      0.041666666666666664 + x * (0.008333333333333333 + x *
                                  0.001388888888888889)))))
  return jnp.where(x > -0.3, ts, big)


def _tanh_f32(x):
  xc = jnp.clip(x, -7.90531110763549805, 7.90531110763549805)
  x2 = xc * xc
  p = xc * (4.89352455891786e-03 + x2 * (6.37261928875436e-04 + x2 * (
      1.48572235717979e-05 + x2 * (5.12229709037114e-08 + x2 * (
          -8.60467152213735e-11 + x2 * (2.00018790482477e-13 + x2 * (
              -2.76076847742355e-16)))))))
  q = 4.89352518554385e-03 + x2 * (2.26843463243900e-03 + x2 * (
      1.18534705686654e-04 + x2 * 1.19825839466702e-06))
  return jnp.where(jnp.abs(x) < 0.0004, x, p / q)


def _tail_call(NPAD, BL, N, H):
  G = NPAD // BL

  def body(ap_ref, dgi_ref, WT_ref, bT_ref, W1T_ref, b1T_ref,
           W2T_ref, b2T_ref, W3T_ref, b3_ref, out_ref, acc_ref):
    i = pl.program_id(0)

    @pl.when(i == 0)
    def _init():
      acc_ref[...] = jnp.full((H, 1), -jnp.inf, jnp.float32)

    nrm = lax.rsqrt(jnp.maximum(dgi_ref[0:1, :] + dgi_ref[1:2, :], 1.0))
    agg0 = (ap_ref[0:1, :] + ap_ref[2:3, :]) * nrm
    agg1 = (ap_ref[1:2, :] + ap_ref[3:4, :]) * nrm
    z = WT_ref[:, 0:1] * agg0 + WT_ref[:, 1:2] * agg1
    colid = lax.broadcasted_iota(jnp.int32, (1, BL), 1) + i * BL
    zm = jnp.where(colid < N, z, -jnp.inf)
    m = jnp.max(zm, axis=1, keepdims=True)
    acc_ref[...] = jnp.maximum(acc_ref[...], m)

    @pl.when(i == G - 1)
    def _tail():
      pooled = _tanh_f32(acc_ref[...] + bT_ref[...])
      x1 = lax.dot(W1T_ref[...], pooled,
                   preferred_element_type=jnp.float32,
                 precision=lax.Precision.HIGHEST) + b1T_ref[...]
      x1 = jnp.where(x1 > 0, x1, _expm1_f32(jnp.minimum(x1, 0.0)))
      x2 = lax.dot(W2T_ref[...], x1,
                   preferred_element_type=jnp.float32,
                 precision=lax.Precision.HIGHEST) + b2T_ref[...]
      x2 = jnp.where(x2 > 0, x2, _expm1_f32(jnp.minimum(x2, 0.0)))
      out_ref[...] = lax.dot(W3T_ref[...], x2,
                             preferred_element_type=jnp.float32,
                 precision=lax.Precision.HIGHEST) + b3_ref[...]

  full = lambda i: (0, 0)
  return pl.pallas_call(
      body,
      grid=(G,),
      in_specs=[pl.BlockSpec((4, BL), lambda i: (0, i)),
                pl.BlockSpec((NC, BL), lambda i: (0, i)),
                pl.BlockSpec((H, 2), full),
                pl.BlockSpec((H, 1), full),
                pl.BlockSpec((H, H), full),
                pl.BlockSpec((H, 1), full),
                pl.BlockSpec((32, H), full),
                pl.BlockSpec((32, 1), full),
                pl.BlockSpec((1, 32), full),
                pl.BlockSpec((1, 1), full)],
      out_specs=pl.BlockSpec((1, 1), full),
      out_shape=jax.ShapeDtypeStruct((1, 1), jnp.float32),
      scratch_shapes=[pltpu.VMEM((H, 1), jnp.float32)],
  )


def kernel(feats, edge_index, W, b, W1, b1, W2, b2, W3, b3):
  N = feats.shape[0]
  E = edge_index.shape[1]
  H = W.shape[1]
  CH1 = 10000
  CH3 = 5000
  BLN = 12800
  BLT = 2048
  NPAD = ((N + BLN - 1) // BLN) * BLN

  src = edge_index[0]
  dst = edge_index[1]
  zeros_n = jnp.zeros((NPAD,), jnp.float32)
  ones_c = jnp.ones((CH1,), jnp.float32)

  dego_p, degi_p = _degrees_call(E, NPAD, CH1)(src, dst, zeros_n, ones_c)

  featsT = jnp.pad(feats.T, ((0, 0), (0, NPAD - N)))
  aggp = _agg_call(E, NPAD, CH3, 1600)(src, dst, featsT, dego_p, zeros_n)

  out = _tail_call(NPAD, BLT, N, H)(
      aggp.reshape(4, NPAD), degi_p, W.T, b.reshape(H, 1),
      W1.T, b1.reshape(H, 1), W2.T, b2.reshape(32, 1),
      W3.T, b3.reshape(1, 1))
  return out

# --- scband reference (transcript-rebuilt; emitter-appended) ---
"""Pipeline reference for scband-gcnmodel-57440892617189 (READ-ONLY COPY).

The authoritative reference and input builder live on the scoring server;
editing this copy changes nothing except your own understanding.
"""

import jax, jax.numpy as jnp
import numpy as np

N = 100000
E = 6400000
HIDDEN = 128

def setup_inputs(seed: int = 0) -> dict:
    key = jax.random.key(seed)
    ks = jax.random.split(key, 12)
    feats = jax.random.normal(ks[0], (N, 2), dtype=jnp.float32)
    edge_index = jax.random.randint(ks[1], (2, E), 0, N, dtype=jnp.int32)
    # GraphConv weight/bias (in=2, out=HIDDEN)
    W = jax.random.normal(ks[2], (2, HIDDEN), dtype=jnp.float32) * 0.5
    b = jnp.zeros((HIDDEN,), dtype=jnp.float32)
    # classifier: Linear(HIDDEN,HIDDEN) -> ELU -> Dropout(eval) -> Linear(HIDDEN,32) -> ELU -> Linear(32,1)
    W1 = jax.random.normal(ks[3], (HIDDEN, HIDDEN), dtype=jnp.float32) * (1.0 / np.sqrt(HIDDEN))
    b1 = jnp.zeros((HIDDEN,), dtype=jnp.float32)
    W2 = jax.random.normal(ks[4], (HIDDEN, 32), dtype=jnp.float32) * (1.0 / np.sqrt(HIDDEN))
    b2 = jnp.zeros((32,), dtype=jnp.float32)
    W3 = jax.random.normal(ks[5], (32, 1), dtype=jnp.float32) * (1.0 / np.sqrt(32))
    b3 = jnp.zeros((1,), dtype=jnp.float32)
    return {"feats": feats, "edge_index": edge_index, "W": W, "b": b,
            "W1": W1, "b1": b1, "W2": W2, "b2": b2, "W3": W3, "b3": b3}

def reference(feats, edge_index, W, b, W1, b1, W2, b2, W3, b3):
    src = edge_index[0]
    dst = edge_index[1]
    ones = jnp.ones((E,), dtype=jnp.float32)
    # DGL GraphConv, norm='both': scale src by out-degree^-1/2, aggregate, scale dst by in-degree^-1/2
    deg_out = jax.ops.segment_sum(ones, src, num_segments=N)
    norm_src = jnp.power(jnp.clip(deg_out, 1.0, None), -0.5)
    h = feats * norm_src[:, None]
    # aggregate first (in_feats < out_feats), then linear transform
    agg = jax.ops.segment_sum(jnp.take(h, src, axis=0), dst, num_segments=N)
    deg_in = jax.ops.segment_sum(ones, dst, num_segments=N)
    norm_dst = jnp.power(jnp.clip(deg_in, 1.0, None), -0.5)
    agg = agg * norm_dst[:, None]
    h = agg @ W + b
    h = jnp.tanh(h)  # activation; dropout p=0 is identity
    # MaxPooling over single graph -> [1, HIDDEN]
    pooled = jnp.max(h, axis=0, keepdims=True)
    x = jax.nn.elu(pooled @ W1 + b1)  # Dropout(0.5) in eval mode = identity
    x = jax.nn.elu(x @ W2 + b2)
    out = x @ W3 + b3
    return out

if __name__ == "__main__":
    import jax
    _d = setup_inputs()
    print(jax.jit(kernel)(*tuple(_d.values())))

</pallas_src>

<mosaic_0001>
#map = affine_map<(d0, d1) -> (0)>
#map1 = affine_map<(d0, d1) -> (0, 0)>
module attributes {stable_mosaic.version = 14 : i64} {
  func.func @deg_kernel(%arg0: i32, %arg1: i32, %arg2: memref<6400000xi32, #tpu.memory_space<hbm>>, %arg3: memref<6400000xi32, #tpu.memory_space<hbm>>, %arg4: memref<102400xf32, #tpu.memory_space<hbm>>, %arg5: memref<10000xf32, #tpu.memory_space<hbm>>, %arg6: memref<2x102400xf32, #tpu.memory_space<hbm>>, %arg7: memref<2x102400xf32, #tpu.memory_space<hbm>>, %arg8: memref<2x10000xi32, #tpu.memory_space<vmem>>, %arg9: memref<2x10000xi32, #tpu.memory_space<vmem>>, %arg10: memref<10000xf32, #tpu.memory_space<vmem>>, %arg11: memref<102400xf32, #tpu.memory_space<vmem_shared>>, %arg12: memref<102400xf32, #tpu.memory_space<vmem_shared>>, %arg13: memref<!tpu.dma_semaphore, #tpu.memory_space<semaphore_mem>>, %arg14: memref<!tpu.dma_semaphore, #tpu.memory_space<semaphore_mem>>) attributes {dimension_semantics = [#tpu.dimension_semantics<core_parallel>, #tpu.dimension_semantics<subcore_parallel>], iteration_bounds = array<i64: 2, 16>, scalar_prefetch = 0 : i64, scratch_operands = 7 : i64, tpu.core_type = #tpu.core_type<sc_vector_subcore>, window_params = [{transform_indices = #map}, {transform_indices = #map}, {transform_indices = #map}, {transform_indices = #map}, {transform_indices = #map1}, {transform_indices = #map1}]} {
    %mul3A = arith.constant 2 : i32
    %mul3A_0 = arith.muli %arg1, %mul3A : i32
    %add3A = arith.addi %mul3A_0, %arg0 : i32
    %mul3A_1 = arith.constant 200000 : i32
    %mul3A_2 = arith.muli %add3A, %mul3A_1 : i32
    %mul3A_3 = arith.constant 6400 : i32
    %mul3A_4 = arith.muli %arg1, %mul3A_3 : i32
    "tpu.region"() ({
      %run_scoped3A = tpu.sem_alloc : memref<!tpu.dma_semaphore, #tpu.memory_space<semaphore_mem>>
      %dma_start3A_43 = tpu.memref_slice %arg11[%mul3A_4] : memref<102400xf32, #tpu.memory_space<vmem_shared>> -> memref<6400xf32, #tpu.memory_space<vmem_shared>>
      %dma_start3A_44 = tpu.memref_slice %arg4[%mul3A_4] : memref<102400xf32, #tpu.memory_space<hbm>> -> memref<6400xf32, #tpu.memory_space<hbm>>
      tpu.enqueue_dma source(%dma_start3A_44 : memref<6400xf32, #tpu.memory_space<hbm>>) target(%dma_start3A_43 : memref<6400xf32, #tpu.memory_space<vmem_shared>>) target_semaphore(%run_scoped3A : memref<!tpu.dma_semaphore, #tpu.memory_space<semaphore_mem>>)
      %dma_wait3A_45 = tpu.memref_slice %arg11[%mul3A_4] : memref<102400xf32, #tpu.memory_space<vmem_shared>> -> memref<6400xf32, #tpu.memory_space<vmem_shared>>
      %dma_wait3A_46 = tpu.memref_slice %arg4[%mul3A_4] : memref<102400xf32, #tpu.memory_space<hbm>> -> memref<6400xf32, #tpu.memory_space<hbm>>
      tpu.wait_dma2 semaphore(%run_scoped3A : memref<!tpu.dma_semaphore, #tpu.memory_space<semaphore_mem>>) src(%dma_wait3A_46 : memref<6400xf32, #tpu.memory_space<hbm>>) dst(%dma_wait3A_45 : memref<6400xf32, #tpu.memory_space<vmem_shared>>)
      tpu.yield
    }) : () -> ()
    "tpu.region"() ({
      %run_scoped3A = tpu.sem_alloc : memref<!tpu.dma_semaphore, #tpu.memory_space<semaphore_mem>>
      %dma_start3A_43 = tpu.memref_slice %arg12[%mul3A_4] : memref<102400xf32, #tpu.memory_space<vmem_shared>> -> memref<6400xf32, #tpu.memory_space<vmem_shared>>
      %dma_start3A_44 = tpu.memref_slice %arg4[%mul3A_4] : memref<102400xf32, #tpu.memory_space<hbm>> -> memref<6400xf32, #tpu.memory_space<hbm>>
      tpu.enqueue_dma source(%dma_start3A_44 : memref<6400xf32, #tpu.memory_space<hbm>>) target(%dma_start3A_43 : memref<6400xf32, #tpu.memory_space<vmem_shared>>) target_semaphore(%run_scoped3A : memref<!tpu.dma_semaphore, #tpu.memory_space<semaphore_mem>>)
      %dma_wait3A_45 = tpu.memref_slice %arg12[%mul3A_4] : memref<102400xf32, #tpu.memory_space<vmem_shared>> -> memref<6400xf32, #tpu.memory_space<vmem_shared>>
      %dma_wait3A_46 = tpu.memref_slice %arg4[%mul3A_4] : memref<102400xf32, #tpu.memory_space<hbm>> -> memref<6400xf32, #tpu.memory_space<hbm>>
      tpu.wait_dma2 semaphore(%run_scoped3A : memref<!tpu.dma_semaphore, #tpu.memory_space<semaphore_mem>>) src(%dma_wait3A_46 : memref<6400xf32, #tpu.memory_space<hbm>>) dst(%dma_wait3A_45 : memref<6400xf32, #tpu.memory_space<vmem_shared>>)
      tpu.yield
    }) : () -> ()
    "tpu.region"() ({
      %run_scoped3A = tpu.sem_alloc : memref<!tpu.dma_semaphore, #tpu.memory_space<semaphore_mem>>
      tpu.enqueue_dma source(%arg5 : memref<10000xf32, #tpu.memory_space<hbm>>) target(%arg10 : memref<10000xf32, #tpu.memory_space<vmem>>) target_semaphore(%run_scoped3A : memref<!tpu.dma_semaphore, #tpu.memory_space<semaphore_mem>>)
      tpu.wait_dma2 semaphore(%run_scoped3A : memref<!tpu.dma_semaphore, #tpu.memory_space<semaphore_mem>>) src(%arg5 : memref<10000xf32, #tpu.memory_space<hbm>>) dst(%arg10 : memref<10000xf32, #tpu.memory_space<vmem>>)
      tpu.yield
    }) : () -> ()
    %barrier3A = arith.constant 0 : index
    tpu.barrier barrier_id(%barrier3A)
    %add3A_5 = arith.constant 0 : i32
    %add3A_6 = arith.addi %mul3A_2, %add3A_5 : i32
    %dma_start3A = arith.constant 0 : i32
    %dma_start3A_7 = arith.constant 0 : i32
    %dma_start3A_8 = tpu.memref_slice %arg8[%dma_start3A, %dma_start3A_7] : memref<2x10000xi32, #tpu.memory_space<vmem>> -> memref<1x10000xi32, #tpu.memory_space<vmem>>
    %dma_start3A_9 = tpu.memref_squeeze %dma_start3A_8 : memref<1x10000xi32, #tpu.memory_space<vmem>> -> memref<10000xi32, #tpu.memory_space<vmem>>
    %dma_start3A_10 = tpu.memref_slice %arg2[%add3A_6] : memref<6400000xi32, #tpu.memory_space<hbm>> -> memref<10000xi32, #tpu.memory_space<hbm>>
    %dma_start3A_11 = arith.constant 0 : i32
    %dma_start3A_12 = tpu.memref_slice %arg8[%dma_start3A, %dma_start3A_11] : memref<2x10000xi32, #tpu.memory_space<vmem>> -> memref<1x10000xi32, #tpu.memory_space<vmem>>
    %dma_start3A_13 = tpu.memref_squeeze %dma_start3A_12 : memref<1x10000xi32, #tpu.memory_space<vmem>> -> memref<10000xi32, #tpu.memory_space<vmem>>
    %dma_start3A_14 = tpu.memref_slice %arg2[%add3A_6] : memref<6400000xi32, #tpu.memory_space<hbm>> -> memref<10000xi32, #tpu.memory_space<hbm>>
    tpu.enqueue_dma source(%dma_start3A_14 : memref<10000xi32, #tpu.memory_space<hbm>>) target(%dma_start3A_13 : memref<10000xi32, #tpu.memory_space<vmem>>) target_semaphore(%arg13 : memref<!tpu.dma_semaphore, #tpu.memory_space<semaphore_mem>>)
    %add3A_15 = arith.constant 0 : i32
    %add3A_16 = arith.addi %mul3A_2, %add3A_15 : i32
    %dma_start3A_17 = arith.constant 0 : i32
    %dma_start3A_18 = arith.constant 0 : i32
    %dma_start3A_19 = tpu.memref_slice %arg9[%dma_start3A_17, %dma_start3A_18] : memref<2x10000xi32, #tpu.memory_space<vmem>> -> memref<1x10000xi32, #tpu.memory_space<vmem>>
    %dma_start3A_20 = tpu.memref_squeeze %dma_start3A_19 : memref<1x10000xi32, #tpu.memory_space<vmem>> -> memref<10000xi32, #tpu.memory_space<vmem>>
    %dma_start3A_21 = tpu.memref_slice %arg3[%add3A_16] : memref<6400000xi32, #tpu.memory_space<hbm>> -> memref<10000xi32, #tpu.memory_space<hbm>>
    %dma_start3A_22 = arith.constant 0 : i32
    %dma_start3A_23 = tpu.memref_slice %arg9[%dma_start3A_17, %dma_start3A_22] : memref<2x10000xi32, #tpu.memory_space<vmem>> -> memref<1x10000xi32, #tpu.memory_space<vmem>>
    %dma_start3A_24 = tpu.memref_squeeze %dma_start3A_23 : memref<1x10000xi32, #tpu.memory_space<vmem>> -> memref<10000xi32, #tpu.memory_space<vmem>>
    %dma_start3A_25 = tpu.memref_slice %arg3[%add3A_16] : memref<6400000xi32, #tpu.memory_space<hbm>> -> memref<10000xi32, #tpu.memory_space<hbm>>
    tpu.enqueue_dma source(%dma_start3A_25 : memref<10000xi32, #tpu.memory_space<hbm>>) target(%dma_start3A_24 : memref<10000xi32, #tpu.memory_space<vmem>>) target_semaphore(%arg13 : memref<!tpu.dma_semaphore, #tpu.memory_space<semaphore_mem>>)
    %scan3A = arith.constant 0 : i32
    %scan3A_26 = arith.constant 0 : i32
    %scan3A_27 = arith.constant 10 : i32
    %scan3A_28 = arith.addi %scan3A_26, %scan3A_27 : i32
    %scan3A_29 = arith.constant 1 : i32
    scf.for %scan3A_43 = %scan3A_26 to %scan3A_28 step %scan3A_29  : i32 {
      %mul3A_44 = arith.constant 2 : i32
      %mul3A_45 = arith.muli %scan3A_43, %mul3A_44 : i32
      %add3A_46 = arith.constant 0 : i32
      %add3A_47 = arith.addi %mul3A_45, %add3A_46 : i32
      %dma_wait3A_48 = arith.constant 0 : i32
      %dma_wait3A_49 = arith.constant 0 : i32
      %dma_wait3A_50 = tpu.memref_slice %arg8[%dma_wait3A_48, %dma_wait3A_49] : memref<2x10000xi32, #tpu.memory_space<vmem>> -> memref<1x10000xi32, #tpu.memory_space<vmem>>
      %dma_wait3A_51 = tpu.memref_squeeze %dma_wait3A_50 : memref<1x10000xi32, #tpu.memory_space<vmem>> -> memref<10000xi32, #tpu.memory_space<vmem>>
      %dma_wait3A_52 = arith.constant 0 : i32
      %dma_wait3A_53 = tpu.memref_slice %arg2[%dma_wait3A_52] : memref<6400000xi32, #tpu.memory_space<hbm>> -> memref<10000xi32, #tpu.memory_space<hbm>>
      %dma_wait3A_54 = arith.constant 0 : i32
      %dma_wait3A_55 = tpu.memref_slice %arg8[%dma_wait3A_48, %dma_wait3A_54] : memref<2x10000xi32, #tpu.memory_space<vmem>> -> memref<1x10000xi32, #tpu.memory_space<vmem>>
      %dma_wait3A_56 = tpu.memref_squeeze %dma_wait3A_55 : memref<1x10000xi32, #tpu.memory_space<vmem>> -> memref<10000xi32, #tpu.memory_space<vmem>>
      %dma_wait3A_57 = arith.constant 0 : i32
      %dma_wait3A_58 = tpu.memref_slice %arg2[%dma_wait3A_57] : memref<6400000xi32, #tpu.memory_space<hbm>> -> memref<10000xi32, #tpu.memory_space<hbm>>
      tpu.wait_dma2 semaphore(%arg13 : memref<!tpu.dma_semaphore, #tpu.memory_space<semaphore_mem>>) src(%dma_wait3A_58 : memref<10000xi32, #tpu.memory_space<hbm>>) dst(%dma_wait3A_56 : memref<10000xi32, #tpu.memory_space<vmem>>)
      %dma_wait3A_59 = arith.constant 0 : i32
      %dma_wait3A_60 = arith.constant 0 : i32
      %dma_wait3A_61 = tpu.memref_slice %arg9[%dma_wait3A_59, %dma_wait3A_60] : memref<2x10000xi32, #tpu.memory_space<vmem>> -> memref<1x10000xi32, #tpu.memory_space<vmem>>
      %dma_wait3A_62 = tpu.memref_squeeze %dma_wait3A_61 : memref<1x10000xi32, #tpu.memory_space<vmem>> -> memref<10000xi32, #tpu.memory_space<vmem>>
      %dma_wait3A_63 = arith.constant 0 : i32
      %dma_wait3A_64 = tpu.memref_slice %arg3[%dma_wait3A_63] : memref<6400000xi32, #tpu.memory_space<hbm>> -> memref<10000xi32, #tpu.memory_space<hbm>>
      %dma_wait3A_65 = arith.constant 0 : i32
      %dma_wait3A_66 = tpu.memref_slice %arg9[%dma_wait3A_59, %dma_wait3A_65] : memref<2x10000xi32, #tpu.memory_space<vmem>> -> memref<1x10000xi32, #tpu.memory_space<vmem>>
      %dma_wait3A_67 = tpu.memref_squeeze %dma_wait3A_66 : memref<1x10000xi32, #tpu.memory_space<vmem>> -> memref<10000xi32, #tpu.memory_space<vmem>>
      %dma_wait3A_68 = arith.constant 0 : i32
      %dma_wait3A_69 = tpu.memref_slice %arg3[%dma_wait3A_68] : memref<6400000xi32, #tpu.memory_space<hbm>> -> memref<10000xi32, #tpu.memory_space<hbm>>
      tpu.wait_dma2 semaphore(%arg13 : memref<!tpu.dma_semaphore, #tpu.memory_space<semaphore_mem>>) src(%dma_wait3A_69 : memref<10000xi32, #tpu.memory_space<hbm>>) dst(%dma_wait3A_67 : memref<10000xi32, #tpu.memory_space<vmem>>)
      %ge3A = arith.constant 1 : i32
      %ge3A_70 = arith.cmpi sge, %add3A_47, %ge3A : i32
      %convert_element_type3A = arith.extui %ge3A_70 : i1 to i32
      %cond3A = arith.constant 0 : i32
      %cond3A_71 = arith.cmpi ne, %convert_element_type3A, %cond3A : i32
      scf.if %cond3A_71 {
        %dma_wait3A_140 = arith.constant 1 : i32
        %dma_wait3A_141 = arith.constant 0 : i32
        %dma_wait3A_142 = tpu.memref_slice %arg8[%dma_wait3A_140, %dma_wait3A_141] : memref<2x10000xi32, #tpu.memory_space<vmem>> -> memref<1x10000xi32, #tpu.memory_space<vmem>>
        %dma_wait3A_143 = tpu.memref_squeeze %dma_wait3A_142 : memref<1x10000xi32, #tpu.memory_space<vmem>> -> memref<10000xi32, #tpu.memory_space<vmem>>
        %dma_wait3A_144 = arith.constant 0 : i32
        %dma_wait3A_145 = tpu.memref_slice %arg11[%dma_wait3A_144] : memref<102400xf32, #tpu.memory_space<vmem_shared>> -> memref<102400xf32, #tpu.memory_space<vmem_shared>>
        tpu.wait_indirect_dma semaphore(%arg14 : memref<!tpu.dma_semaphore, #tpu.memory_space<semaphore_mem>>) src(%arg10 : memref<10000xf32, #tpu.memory_space<vmem>>) dst(%dma_wait3A_145 : memref<102400xf32, #tpu.memory_space<vmem_shared>>)
        %dma_wait3A_146 = arith.constant 1 : i32
        %dma_wait3A_147 = arith.constant 0 : i32
        %dma_wait3A_148 = tpu.memref_slice %arg9[%dma_wait3A_146, %dma_wait3A_147] : memref<2x10000xi32, #tpu.memory_space<vmem>> -> memref<1x10000xi32, #tpu.memory_space<vmem>>
        %dma_wait3A_149 = tpu.memref_squeeze %dma_wait3A_148 : memref<1x10000xi32, #tpu.memory_space<vmem>> -> memref<10000xi32, #tpu.memory_space<vmem>>
        %dma_wait3A_150 = arith.constant 0 : i32
        %dma_wait3A_151 = tpu.memref_slice %arg12[%dma_wait3A_150] : memref<102400xf32, #tpu.memory_space<vmem_shared>> -> memref<102400xf32, #tpu.memory_space<vmem_shared>>
        tpu.wait_indirect_dma semaphore(%arg14 : memref<!tpu.dma_semaphore, #tpu.memory_space<semaphore_mem>>) src(%arg10 : memref<10000xf32, #tpu.memory_space<vmem>>) dst(%dma_wait3A_151 : memref<102400xf32, #tpu.memory_space<vmem_shared>>)
      } else {
      }
      %add3A_72 = arith.constant 1 : i32
      %add3A_73 = arith.addi %add3A_47, %add3A_72 : i32
      %lt3A = arith.constant 20 : i32
      %lt3A_74 = arith.cmpi slt, %add3A_73, %lt3A : i32
      %convert_element_type3A_75 = arith.extui %lt3A_74 : i1 to i32
      %cond3A_76 = arith.constant 0 : i32
      %cond3A_77 = arith.cmpi ne, %convert_element_type3A_75, %cond3A_76 : i32
      scf.if %cond3A_77 {
        %add3A_140 = arith.constant 1 : i32
        %add3A_141 = arith.addi %add3A_47, %add3A_140 : i32
        %mul3A_142 = arith.constant 10000 : i32
        %mul3A_143 = arith.muli %add3A_141, %mul3A_142 : i32
        %add3A_144 = arith.addi %mul3A_2, %mul3A_143 : i32
        %dma_start3A_145 = arith.constant 1 : i32
        %dma_start3A_146 = arith.constant 0 : i32
        %dma_start3A_147 = tpu.memref_slice %arg8[%dma_start3A_145, %dma_start3A_146] : memref<2x10000xi32, #tpu.memory_space<vmem>> -> memref<1x10000xi32, #tpu.memory_space<vmem>>
        %dma_start3A_148 = tpu.memref_squeeze %dma_start3A_147 : memref<1x10000xi32, #tpu.memory_space<vmem>> -> memref<10000xi32, #tpu.memory_space<vmem>>
        %dma_start3A_149 = tpu.memref_slice %arg2[%add3A_144] : memref<6400000xi32, #tpu.memory_space<hbm>> -> memref<10000xi32, #tpu.memory_space<hbm>>
        %dma_start3A_150 = arith.constant 0 : i32
        %dma_start3A_151 = tpu.memref_slice %arg8[%dma_start3A_145, %dma_start3A_150] : memref<2x10000xi32, #tpu.memory_space<vmem>> -> memref<1x10000xi32, #tpu.memory_space<vmem>>
        %dma_start3A_152 = tpu.memref_squeeze %dma_start3A_151 : memref<1x10000xi32, #tpu.memory_space<vmem>> -> memref<10000xi32, #tpu.memory_space<vmem>>
        %dma_start3A_153 = tpu.memref_slice %arg2[%add3A_144] : memref<6400000xi32, #tpu.memory_space<hbm>> -> memref<10000xi32, #tpu.memory_space<hbm>>
        tpu.enqueue_dma source(%dma_start3A_153 : memref<10000xi32, #tpu.memory_space<hbm>>) target(%dma_start3A_152 : memref<10000xi32, #tpu.memory_space<vmem>>) target_semaphore(%arg13 : memref<!tpu.dma_semaphore, #tpu.memory_space<semaphore_mem>>)
        %mul3A_154 = arith.constant 10000 : i32
        %mul3A_155 = arith.muli %add3A_141, %mul3A_154 : i32
        %add3A_156 = arith.addi %mul3A_2, %mul3A_155 : i32
        %dma_start3A_157 = arith.constant 1 : i32
        %dma_start3A_158 = arith.constant 0 : i32
        %dma_start3A_159 = tpu.memref_slice %arg9[%dma_start3A_157, %dma_start3A_158] : memref<2x10000xi32, #tpu.memory_space<vmem>> -> memref<1x10000xi32, #tpu.memory_space<vmem>>
        %dma_start3A_160 = tpu.memref_squeeze %dma_start3A_159 : memref<1x10000xi32, #tpu.memory_space<vmem>> -> memref<10000xi32, #tpu.memory_space<vmem>>
        %dma_start3A_161 = tpu.memref_slice %arg3[%add3A_156] : memref<6400000xi32, #tpu.memory_space<hbm>> -> memref<10000xi32, #tpu.memory_space<hbm>>
        %dma_start3A_162 = arith.constant 0 : i32
        %dma_start3A_163 = tpu.memref_slice %arg9[%dma_start3A_157, %dma_start3A_162] : memref<2x10000xi32, #tpu.memory_space<vmem>> -> memref<1x10000xi32, #tpu.memory_space<vmem>>
        %dma_start3A_164 = tpu.memref_squeeze %dma_start3A_163 : memref<1x10000xi32, #tpu.memory_space<vmem>> -> memref<10000xi32, #tpu.memory_space<vmem>>
        %dma_start3A_165 = tpu.memref_slice %arg3[%add3A_156] : memref<6400000xi32, #tpu.memory_space<hbm>> -> memref<10000xi32, #tpu.memory_space<hbm>>
        tpu.enqueue_dma source(%dma_start3A_165 : memref<10000xi32, #tpu.memory_space<hbm>>) target(%dma_start3A_164 : memref<10000xi32, #tpu.memory_space<vmem>>) target_semaphore(%arg13 : memref<!tpu.dma_semaphore, #tpu.memory_space<semaphore_mem>>)
      } else {
      }
      %dma_start3A_78 = arith.constant 0 : i32
      %dma_start3A_79 = arith.constant 0 : i32
      %dma_start3A_80 = tpu.memref_slice %arg8[%dma_start3A_78, %dma_start3A_79] : memref<2x10000xi32, #tpu.memory_space<vmem>> -> memref<1x10000xi32, #tpu.memory_space<vmem>>
      %dma_start3A_81 = tpu.memref_squeeze %dma_start3A_80 : memref<1x10000xi32, #tpu.memory_space<vmem>> -> memref<10000xi32, #tpu.memory_space<vmem>>
      %dma_start3A_82 = arith.constant 0 : i32
      %dma_start3A_83 = tpu.memref_slice %arg11[%dma_start3A_82] : memref<102400xf32, #tpu.memory_space<vmem_shared>> -> memref<102400xf32, #tpu.memory_space<vmem_shared>>
      tpu.enqueue_indirect_dma source(%arg10 : memref<10000xf32, #tpu.memory_space<vmem>>) target(%dma_start3A_83 : memref<102400xf32, #tpu.memory_space<vmem_shared>>) offsets(%dma_start3A_81 : memref<10000xi32, #tpu.memory_space<vmem>>) semaphore(%arg14 : memref<!tpu.dma_semaphore, #tpu.memory_space<semaphore_mem>>) {add = true}
      %dma_start3A_84 = arith.constant 0 : i32
      %dma_start3A_85 = arith.constant 0 : i32
      %dma_start3A_86 = tpu.memref_slice %arg9[%dma_start3A_84, %dma_start3A_85] : memref<2x10000xi32, #tpu.memory_space<vmem>> -> memref<1x10000xi32, #tpu.memory_space<vmem>>
      %dma_start3A_87 = tpu.memref_squeeze %dma_start3A_86 : memref<1x10000xi32, #tpu.memory_space<vmem>> -> memref<10000xi32, #tpu.memory_space<vmem>>
      %dma_start3A_88 = arith.constant 0 : i32
      %dma_start3A_89 = tpu.memref_slice %arg12[%dma_start3A_88] : memref<102400xf32, #tpu.memory_space<vmem_shared>> -> memref<102400xf32, #tpu.memory_space<vmem_shared>>
      tpu.enqueue_indirect_dma source(%arg10 : memref<10000xf32, #tpu.memory_space<vmem>>) target(%dma_start3A_89 : memref<102400xf32, #tpu.memory_space<vmem_shared>>) offsets(%dma_start3A_87 : memref<10000xi32, #tpu.memory_space<vmem>>) semaphore(%arg14 : memref<!tpu.dma_semaphore, #tpu.memory_space<semaphore_mem>>) {add = true}
      %mul3A_90 = arith.constant 2 : i32
      %mul3A_91 = arith.muli %scan3A_43, %mul3A_90 : i32
      %add3A_92 = arith.constant 1 : i32
      %add3A_93 = arith.addi %mul3A_91, %add3A_92 : i32
      %dma_wait3A_94 = arith.constant 1 : i32
      %dma_wait3A_95 = arith.constant 0 : i32
      %dma_wait3A_96 = tpu.memref_slice %arg8[%dma_wait3A_94, %dma_wait3A_95] : memref<2x10000xi32, #tpu.memory_space<vmem>> -> memref<1x10000xi32, #tpu.memory_space<vmem>>
      %dma_wait3A_97 = tpu.memref_squeeze %dma_wait3A_96 : memref<1x10000xi32, #tpu.memory_space<vmem>> -> memref<10000xi32, #tpu.memory_space<vmem>>
      %dma_wait3A_98 = arith.constant 0 : i32
      %dma_wait3A_99 = tpu.memref_slice %arg2[%dma_wait3A_98] : memref<6400000xi32, #tpu.memory_space<hbm>> -> memref<10000xi32, #tpu.memory_space<hbm>>
      %dma_wait3A_100 = arith.constant 0 : i32
      %dma_wait3A_101 = tpu.memref_slice %arg8[%dma_wait3A_94, %dma_wait3A_100] : memref<2x10000xi32, #tpu.memory_space<vmem>> -> memref<1x10000xi32, #tpu.memory_space<vmem>>
      %dma_wait3A_102 = tpu.memref_squeeze %dma_wait3A_101 : memref<1x10000xi32, #tpu.memory_space<vmem>> -> memref<10000xi32, #tpu.memory_space<vmem>>
      %dma_wait3A_103 = arith.constant 0 : i32
      %dma_wait3A_104 = tpu.memref_slice %arg2[%dma_wait3A_103] : memref<6400000xi32, #tpu.memory_space<hbm>> -> memref<10000xi32, #tpu.memory_space<hbm>>
      tpu.wait_dma2 semaphore(%arg13 : memref<!tpu.dma_semaphore, #tpu.memory_space<semaphore_mem>>) src(%dma_wait3A_104 : memref<10000xi32, #tpu.memory_space<hbm>>) dst(%dma_wait3A_102 : memref<10000xi32, #tpu.memory_space<vmem>>)
      %dma_wait3A_105 = arith.constant 1 : i32
      %dma_wait3A_106 = arith.constant 0 : i32
      %dma_wait3A_107 = tpu.memref_slice %arg9[%dma_wait3A_105, %dma_wait3A_106] : memref<2x10000xi32, #tpu.memory_space<vmem>> -> memref<1x10000xi32, #tpu.memory_space<vmem>>
      %dma_wait3A_108 = tpu.memref_squeeze %dma_wait3A_107 : memref<1x10000xi32, #tpu.memory_space<vmem>> -> memref<10000xi32, #tpu.memory_space<vmem>>
      %dma_wait3A_109 = arith.constant 0 : i32
      %dma_wait3A_110 = tpu.memref_slice %arg3[%dma_wait3A_109] : memref<6400000xi32, #tpu.memory_space<hbm>> -> memref<10000xi32, #tpu.memory_space<hbm>>
      %dma_wait3A_111 = arith.constant 0 : i32
      %dma_wait3A_112 = tpu.memref_slice %arg9[%dma_wait3A_105, %dma_wait3A_111] : memref<2x10000xi32, #tpu.memory_space<vmem>> -> memref<1x10000xi32, #tpu.memory_space<vmem>>
      %dma_wait3A_113 = tpu.memref_squeeze %dma_wait3A_112 : memref<1x10000xi32, #tpu.memory_space<vmem>> -> memref<10000xi32, #tpu.memory_space<vmem>>
      %dma_wait3A_114 = arith.constant 0 : i32
      %dma_wait3A_115 = tpu.memref_slice %arg3[%dma_wait3A_114] : memref<6400000xi32, #tpu.memory_space<hbm>> -> memref<10000xi32, #tpu.memory_space<hbm>>
      tpu.wait_dma2 semaphore(%arg13 : memref<!tpu.dma_semaphore, #tpu.memory_space<semaphore_mem>>) src(%dma_wait3A_115 : memref<10000xi32, #tpu.memory_space<hbm>>) dst(%dma_wait3A_113 : memref<10000xi32, #tpu.memory_space<vmem>>)
      %ge3A_116 = arith.constant 1 : i32
      %ge3A_117 = arith.cmpi sge, %add3A_93, %ge3A_116 : i32
      %convert_element_type3A_118 = arith.extui %ge3A_117 : i1 to i32
      %cond3A_119 = arith.constant 0 : i32
      %cond3A_120 = arith.cmpi ne, %convert_element_type3A_118, %cond3A_119 : i32
      scf.if %cond3A_120 {
        %dma_wait3A_140 = arith.constant 0 : i32
        %dma_wait3A_141 = arith.constant 0 : i32
        %dma_wait3A_142 = tpu.memref_slice %arg8[%dma_wait3A_140, %dma_wait3A_141] : memref<2x10000xi32, #tpu.memory_space<vmem>> -> memref<1x10000xi32, #tpu.memory_space<vmem>>
        %dma_wait3A_143 = tpu.memref_squeeze %dma_wait3A_142 : memref<1x10000xi32, #tpu.memory_space<vmem>> -> memref<10000xi32, #tpu.memory_space<vmem>>
        %dma_wait3A_144 = arith.constant 0 : i32
        %dma_wait3A_145 = tpu.memref_slice %arg11[%dma_wait3A_144] : memref<102400xf32, #tpu.memory_space<vmem_shared>> -> memref<102400xf32, #tpu.memory_space<vmem_shared>>
        tpu.wait_indirect_dma semaphore(%arg14 : memref<!tpu.dma_semaphore, #tpu.memory_space<semaphore_mem>>) src(%arg10 : memref<10000xf32, #tpu.memory_space<vmem>>) dst(%dma_wait3A_145 : memref<102400xf32, #tpu.memory_space<vmem_shared>>)
        %dma_wait3A_146 = arith.constant 0 : i32
        %dma_wait3A_147 = arith.constant 0 : i32
        %dma_wait3A_148 = tpu.memref_slice %arg9[%dma_wait3A_146, %dma_wait3A_147] : memref<2x10000xi32, #tpu.memory_space<vmem>> -> memref<1x10000xi32, #tpu.memory_space<vmem>>
        %dma_wait3A_149 = tpu.memref_squeeze %dma_wait3A_148 : memref<1x10000xi32, #tpu.memory_space<vmem>> -> memref<10000xi32, #tpu.memory_space<vmem>>
        %dma_wait3A_150 = arith.constant 0 : i32
        %dma_wait3A_151 = tpu.memref_slice %arg12[%dma_wait3A_150] : memref<102400xf32, #tpu.memory_space<vmem_shared>> -> memref<102400xf32, #tpu.memory_space<vmem_shared>>
        tpu.wait_indirect_dma semaphore(%arg14 : memref<!tpu.dma_semaphore, #tpu.memory_space<semaphore_mem>>) src(%arg10 : memref<10000xf32, #tpu.memory_space<vmem>>) dst(%dma_wait3A_151 : memref<102400xf32, #tpu.memory_space<vmem_shared>>)
      } else {
      }
      %add3A_121 = arith.constant 1 : i32
      %add3A_122 = arith.addi %add3A_93, %add3A_121 : i32
      %lt3A_123 = arith.constant 20 : i32
      %lt3A_124 = arith.cmpi slt, %add3A_122, %lt3A_123 : i32
      %convert_element_type3A_125 = arith.extui %lt3A_124 : i1 to i32
      %cond3A_126 = arith.constant 0 : i32
      %cond3A_127 = arith.cmpi ne, %convert_element_type3A_125, %cond3A_126 : i32
      scf.if %cond3A_127 {
        %add3A_140 = arith.constant 1 : i32
        %add3A_141 = arith.addi %add3A_93, %add3A_140 : i32
        %mul3A_142 = arith.constant 10000 : i32
        %mul3A_143 = arith.muli %add3A_141, %mul3A_142 : i32
        %add3A_144 = arith.addi %mul3A_2, %mul3A_143 : i32
        %dma_start3A_145 = arith.constant 0 : i32
        %dma_start3A_146 = arith.constant 0 : i32
        %dma_start3A_147 = tpu.memref_slice %arg8[%dma_start3A_145, %dma_start3A_146] : memref<2x10000xi32, #tpu.memory_space<vmem>> -> memref<1x10000xi32, #tpu.memory_space<vmem>>
        %dma_start3A_148 = tpu.memref_squeeze %dma_start3A_147 : memref<1x10000xi32, #tpu.memory_space<vmem>> -> memref<10000xi32, #tpu.memory_space<vmem>>
        %dma_start3A_149 = tpu.memref_slice %arg2[%add3A_144] : memref<6400000xi32, #tpu.memory_space<hbm>> -> memref<10000xi32, #tpu.memory_space<hbm>>
        %dma_start3A_150 = arith.constant 0 : i32
        %dma_start3A_151 = tpu.memref_slice %arg8[%dma_start3A_145, %dma_start3A_150] : memref<2x10000xi32, #tpu.memory_space<vmem>> -> memref<1x10000xi32, #tpu.memory_space<vmem>>
        %dma_start3A_152 = tpu.memref_squeeze %dma_start3A_151 : memref<1x10000xi32, #tpu.memory_space<vmem>> -> memref<10000xi32, #tpu.memory_space<vmem>>
        %dma_start3A_153 = tpu.memref_slice %arg2[%add3A_144] : memref<6400000xi32, #tpu.memory_space<hbm>> -> memref<10000xi32, #tpu.memory_space<hbm>>
        tpu.enqueue_dma source(%dma_start3A_153 : memref<10000xi32, #tpu.memory_space<hbm>>) target(%dma_start3A_152 : memref<10000xi32, #tpu.memory_space<vmem>>) target_semaphore(%arg13 : memref<!tpu.dma_semaphore, #tpu.memory_space<semaphore_mem>>)
        %mul3A_154 = arith.constant 10000 : i32
        %mul3A_155 = arith.muli %add3A_141, %mul3A_154 : i32
        %add3A_156 = arith.addi %mul3A_2, %mul3A_155 : i32
        %dma_start3A_157 = arith.constant 0 : i32
        %dma_start3A_158 = arith.constant 0 : i32
        %dma_start3A_159 = tpu.memref_slice %arg9[%dma_start3A_157, %dma_start3A_158] : memref<2x10000xi32, #tpu.memory_space<vmem>> -> memref<1x10000xi32, #tpu.memory_space<vmem>>
        %dma_start3A_160 = tpu.memref_squeeze %dma_start3A_159 : memref<1x10000xi32, #tpu.memory_space<vmem>> -> memref<10000xi32, #tpu.memory_space<vmem>>
        %dma_start3A_161 = tpu.memref_slice %arg3[%add3A_156] : memref<6400000xi32, #tpu.memory_space<hbm>> -> memref<10000xi32, #tpu.memory_space<hbm>>
        %dma_start3A_162 = arith.constant 0 : i32
        %dma_start3A_163 = tpu.memref_slice %arg9[%dma_start3A_157, %dma_start3A_162] : memref<2x10000xi32, #tpu.memory_space<vmem>> -> memref<1x10000xi32, #tpu.memory_space<vmem>>
        %dma_start3A_164 = tpu.memref_squeeze %dma_start3A_163 : memref<1x10000xi32, #tpu.memory_space<vmem>> -> memref<10000xi32, #tpu.memory_space<vmem>>
        %dma_start3A_165 = tpu.memref_slice %arg3[%add3A_156] : memref<6400000xi32, #tpu.memory_space<hbm>> -> memref<10000xi32, #tpu.memory_space<hbm>>
        tpu.enqueue_dma source(%dma_start3A_165 : memref<10000xi32, #tpu.memory_space<hbm>>) target(%dma_start3A_164 : memref<10000xi32, #tpu.memory_space<vmem>>) target_semaphore(%arg13 : memref<!tpu.dma_semaphore, #tpu.memory_space<semaphore_mem>>)
      } else {
      }
      %dma_start3A_128 = arith.constant 1 : i32
      %dma_start3A_129 = arith.constant 0 : i32
      %dma_start3A_130 = tpu.memref_slice %arg8[%dma_start3A_128, %dma_start3A_129] : memref<2x10000xi32, #tpu.memory_space<vmem>> -> memref<1x10000xi32, #tpu.memory_space<vmem>>
      %dma_start3A_131 = tpu.memref_squeeze %dma_start3A_130 : memref<1x10000xi32, #tpu.memory_space<vmem>> -> memref<10000xi32, #tpu.memory_space<vmem>>
      %dma_start3A_132 = arith.constant 0 : i32
      %dma_start3A_133 = tpu.memref_slice %arg11[%dma_start3A_132] : memref<102400xf32, #tpu.memory_space<vmem_shared>> -> memref<102400xf32, #tpu.memory_space<vmem_shared>>
      tpu.enqueue_indirect_dma source(%arg10 : memref<10000xf32, #tpu.memory_space<vmem>>) target(%dma_start3A_133 : memref<102400xf32, #tpu.memory_space<vmem_shared>>) offsets(%dma_start3A_131 : memref<10000xi32, #tpu.memory_space<vmem>>) semaphore(%arg14 : memref<!tpu.dma_semaphore, #tpu.memory_space<semaphore_mem>>) {add = true}
      %dma_start3A_134 = arith.constant 1 : i32
      %dma_start3A_135 = arith.constant 0 : i32
      %dma_start3A_136 = tpu.memref_slice %arg9[%dma_start3A_134, %dma_start3A_135] : memref<2x10000xi32, #tpu.memory_space<vmem>> -> memref<1x10000xi32, #tpu.memory_space<vmem>>
      %dma_start3A_137 = tpu.memref_squeeze %dma_start3A_136 : memref<1x10000xi32, #tpu.memory_space<vmem>> -> memref<10000xi32, #tpu.memory_space<vmem>>
      %dma_start3A_138 = arith.constant 0 : i32
      %dma_start3A_139 = tpu.memref_slice %arg12[%dma_start3A_138] : memref<102400xf32, #tpu.memory_space<vmem_shared>> -> memref<102400xf32, #tpu.memory_space<vmem_shared>>
      tpu.enqueue_indirect_dma source(%arg10 : memref<10000xf32, #tpu.memory_space<vmem>>) target(%dma_start3A_139 : memref<102400xf32, #tpu.memory_space<vmem_shared>>) offsets(%dma_start3A_137 : memref<10000xi32, #tpu.memory_space<vmem>>) semaphore(%arg14 : memref<!tpu.dma_semaphore, #tpu.memory_space<semaphore_mem>>) {add = true}
    }
    %scan3A_30 = arith.constant 10 : i32
    %dma_wait3A = arith.constant 1 : i32
    %dma_wait3A_31 = arith.constant 0 : i32
    %dma_wait3A_32 = tpu.memref_slice %arg8[%dma_wait3A, %dma_wait3A_31] : memref<2x10000xi32, #tpu.memory_space<vmem>> -> memref<1x10000xi32, #tpu.memory_space<vmem>>
    %dma_wait3A_33 = tpu.memref_squeeze %dma_wait3A_32 : memref<1x10000xi32, #tpu.memory_space<vmem>> -> memref<10000xi32, #tpu.memory_space<vmem>>
    %dma_wait3A_34 = arith.constant 0 : i32
    %dma_wait3A_35 = tpu.memref_slice %arg11[%dma_wait3A_34] : memref<102400xf32, #tpu.memory_space<vmem_shared>> -> memref<102400xf32, #tpu.memory_space<vmem_shared>>
    tpu.wait_indirect_dma semaphore(%arg14 : memref<!tpu.dma_semaphore, #tpu.memory_space<semaphore_mem>>) src(%arg10 : memref<10000xf32, #tpu.memory_space<vmem>>) dst(%dma_wait3A_35 : memref<102400xf32, #tpu.memory_space<vmem_shared>>)
    %dma_wait3A_36 = arith.constant 1 : i32
    %dma_wait3A_37 = arith.constant 0 : i32
    %dma_wait3A_38 = tpu.memref_slice %arg9[%dma_wait3A_36, %dma_wait3A_37] : memref<2x10000xi32, #tpu.memory_space<vmem>> -> memref<1x10000xi32, #tpu.memory_space<vmem>>
    %dma_wait3A_39 = tpu.memref_squeeze %dma_wait3A_38 : memref<1x10000xi32, #tpu.memory_space<vmem>> -> memref<10000xi32, #tpu.memory_space<vmem>>
    %dma_wait3A_40 = arith.constant 0 : i32
    %dma_wait3A_41 = tpu.memref_slice %arg12[%dma_wait3A_40] : memref<102400xf32, #tpu.memory_space<vmem_shared>> -> memref<102400xf32, #tpu.memory_space<vmem_shared>>
    tpu.wait_indirect_dma semaphore(%arg14 : memref<!tpu.dma_semaphore, #tpu.memory_space<semaphore_mem>>) src(%arg10 : memref<10000xf32, #tpu.memory_space<vmem>>) dst(%dma_wait3A_41 : memref<102400xf32, #tpu.memory_space<vmem_shared>>)
    %barrier3A_42 = arith.constant 0 : index
    tpu.barrier barrier_id(%barrier3A_42)
    "tpu.region"() ({
      %run_scoped3A = tpu.sem_alloc : memref<!tpu.dma_semaphore, #tpu.memory_space<semaphore_mem>>
      %dma_start3A_43 = tpu.memref_slice %arg6[%arg0, %mul3A_4] : memref<2x102400xf32, #tpu.memory_space<hbm>> -> memref<1x6400xf32, #tpu.memory_space<hbm>>
      %dma_start3A_44 = tpu.memref_squeeze %dma_start3A_43 : memref<1x6400xf32, #tpu.memory_space<hbm>> -> memref<6400xf32, #tpu.memory_space<hbm>>
      %dma_start3A_45 = tpu.memref_slice %arg11[%mul3A_4] : memref<102400xf32, #tpu.memory_space<vmem_shared>> -> memref<6400xf32, #tpu.memory_space<vmem_shared>>
      tpu.enqueue_dma source(%dma_start3A_45 : memref<6400xf32, #tpu.memory_space<vmem_shared>>) target(%dma_start3A_44 : memref<6400xf32, #tpu.memory_space<hbm>>) target_semaphore(%run_scoped3A : memref<!tpu.dma_semaphore, #tpu.memory_space<semaphore_mem>>)
      %dma_wait3A_46 = tpu.memref_slice %arg6[%arg0, %mul3A_4] : memref<2x102400xf32, #tpu.memory_space<hbm>> -> memref<1x6400xf32, #tpu.memory_space<hbm>>
      %dma_wait3A_47 = tpu.memref_squeeze %dma_wait3A_46 : memref<1x6400xf32, #tpu.memory_space<hbm>> -> memref<6400xf32, #tpu.memory_space<hbm>>
      %dma_wait3A_48 = tpu.memref_slice %arg11[%mul3A_4] : memref<102400xf32, #tpu.memory_space<vmem_shared>> -> memref<6400xf32, #tpu.memory_space<vmem_shared>>
      tpu.wait_dma2 semaphore(%run_scoped3A : memref<!tpu.dma_semaphore, #tpu.memory_space<semaphore_mem>>) src(%dma_wait3A_48 : memref<6400xf32, #tpu.memory_space<vmem_shared>>) dst(%dma_wait3A_47 : memref<6400xf32, #tpu.memory_space<hbm>>)
      tpu.yield
    }) : () -> ()
    "tpu.region"() ({
      %run_scoped3A = tpu.sem_alloc : memref<!tpu.dma_semaphore, #tpu.memory_space<semaphore_mem>>
      %dma_start3A_43 = tpu.memref_slice %arg7[%arg0, %mul3A_4] : memref<2x102400xf32, #tpu.memory_space<hbm>> -> memref<1x6400xf32, #tpu.memory_space<hbm>>
      %dma_start3A_44 = tpu.memref_squeeze %dma_start3A_43 : memref<1x6400xf32, #tpu.memory_space<hbm>> -> memref<6400xf32, #tpu.memory_space<hbm>>
      %dma_start3A_45 = tpu.memref_slice %arg12[%mul3A_4] : memref<102400xf32, #tpu.memory_space<vmem_shared>> -> memref<6400xf32, #tpu.memory_space<vmem_shared>>
      tpu.enqueue_dma source(%dma_start3A_45 : memref<6400xf32, #tpu.memory_space<vmem_shared>>) target(%dma_start3A_44 : memref<6400xf32, #tpu.memory_space<hbm>>) target_semaphore(%run_scoped3A : memref<!tpu.dma_semaphore, #tpu.memory_space<semaphore_mem>>)
      %dma_wait3A_46 = tpu.memref_slice %arg7[%arg0, %mul3A_4] : memref<2x102400xf32, #tpu.memory_space<hbm>> -> memref<1x6400xf32, #tpu.memory_space<hbm>>
      %dma_wait3A_47 = tpu.memref_squeeze %dma_wait3A_46 : memref<1x6400xf32, #tpu.memory_space<hbm>> -> memref<6400xf32, #tpu.memory_space<hbm>>
      %dma_wait3A_48 = tpu.memref_slice %arg12[%mul3A_4] : memref<102400xf32, #tpu.memory_space<vmem_shared>> -> memref<6400xf32, #tpu.memory_space<vmem_shared>>
      tpu.wait_dma2 semaphore(%run_scoped3A : memref<!tpu.dma_semaphore, #tpu.memory_space<semaphore_mem>>) src(%dma_wait3A_48 : memref<6400xf32, #tpu.memory_space<vmem_shared>>) dst(%dma_wait3A_47 : memref<6400xf32, #tpu.memory_space<hbm>>)
      tpu.yield
    }) : () -> ()
    return
  }
}

#map = affine_map<(d0, d1) -> (0)>
#map1 = affine_map<(d0, d1) -> (0, 0)>
#map2 = affine_map<(d0, d1) -> (0, 0, 0)>
module attributes {stable_mosaic.version = 14 : i64} {
  func.func @agg_kernel(%arg0: i32, %arg1: i32, %arg2: memref<6400000xi32, #tpu.memory_space<hbm>>, %arg3: memref<6400000xi32, #tpu.memory_space<hbm>>, %arg4: memref<2x102400xf32, #tpu.memory_space<hbm>>, %arg5: memref<2x102400xf32, #tpu.memory_space<hbm>>, %arg6: memref<102400xf32, #tpu.memory_space<hbm>>, %arg7: memref<2x2x102400xf32, #tpu.memory_space<hbm>>, %arg8: memref<4x5000xi32, #tpu.memory_space<vmem>>, %arg9: memref<4x5000xi32, #tpu.memory_space<vmem>>, %arg10: memref<2x5000xf32, #tpu.memory_space<vmem>>, %arg11: memref<2x5000xf32, #tpu.memory_space<vmem>>, %arg12: memref<1600xf32, #tpu.memory_space<vmem>>, %arg13: memref<1600xf32, #tpu.memory_space<vmem>>, %arg14: memref<1600xf32, #tpu.memory_space<vmem>>, %arg15: memref<1600xf32, #tpu.memory_space<vmem>>, %arg16: memref<1600xf32, #tpu.memory_space<vmem>>, %arg17: memref<1600xf32, #tpu.memory_space<vmem>>, %arg18: memref<102400xf32, #tpu.memory_space<vmem_shared>>, %arg19: memref<102400xf32, #tpu.memory_space<vmem_shared>>, %arg20: memref<102400xf32, #tpu.memory_space<vmem_shared>>, %arg21: memref<102400xf32, #tpu.memory_space<vmem_shared>>, %arg22: memref<!tpu.dma_semaphore, #tpu.memory_space<semaphore_mem>>, %arg23: memref<!tpu.dma_semaphore, #tpu.memory_space<semaphore_mem>>, %arg24: memref<!tpu.dma_semaphore, #tpu.memory_space<semaphore_mem>>) attributes {dimension_semantics = [#tpu.dimension_semantics<core_parallel>, #tpu.dimension_semantics<subcore_parallel>], iteration_bounds = array<i64: 2, 16>, scalar_prefetch = 0 : i64, scratch_operands = 17 : i64, tpu.core_type = #tpu.core_type<sc_vector_subcore>, window_params = [{transform_indices = #map}, {transform_indices = #map}, {transform_indices = #map1}, {transform_indices = #map1}, {transform_indices = #map}, {transform_indices = #map2}]} {
    %mul3A = arith.constant 2 : i32
    %mul3A_0 = arith.muli %arg1, %mul3A : i32
    %add3A = arith.addi %mul3A_0, %arg0 : i32
    %mul3A_1 = arith.constant 200000 : i32
    %mul3A_2 = arith.muli %add3A, %mul3A_1 : i32
    %mul3A_3 = arith.constant 6400 : i32
    %mul3A_4 = arith.muli %arg1, %mul3A_3 : i32
    "tpu.region"() ({
      %run_scoped3A_150 = tpu.sem_alloc : memref<!tpu.dma_semaphore, #tpu.memory_space<semaphore_mem>>
      %dma_start3A_151 = tpu.memref_slice %arg18[%mul3A_4] : memref<102400xf32, #tpu.memory_space<vmem_shared>> -> memref<6400xf32, #tpu.memory_space<vmem_shared>>
      %dma_start3A_152 = tpu.memref_slice %arg6[%mul3A_4] : memref<102400xf32, #tpu.memory_space<hbm>> -> memref<6400xf32, #tpu.memory_space<hbm>>
      tpu.enqueue_dma source(%dma_start3A_152 : memref<6400xf32, #tpu.memory_space<hbm>>) target(%dma_start3A_151 : memref<6400xf32, #tpu.memory_space<vmem_shared>>) target_semaphore(%run_scoped3A_150 : memref<!tpu.dma_semaphore, #tpu.memory_space<semaphore_mem>>)
      %dma_wait3A_153 = tpu.memref_slice %arg18[%mul3A_4] : memref<102400xf32, #tpu.memory_space<vmem_shared>> -> memref<6400xf32, #tpu.memory_space<vmem_shared>>
      %dma_wait3A_154 = tpu.memref_slice %arg6[%mul3A_4] : memref<102400xf32, #tpu.memory_space<hbm>> -> memref<6400xf32, #tpu.memory_space<hbm>>
      tpu.wait_dma2 semaphore(%run_scoped3A_150 : memref<!tpu.dma_semaphore, #tpu.memory_space<semaphore_mem>>) src(%dma_wait3A_154 : memref<6400xf32, #tpu.memory_space<hbm>>) dst(%dma_wait3A_153 : memref<6400xf32, #tpu.memory_space<vmem_shared>>)
      tpu.yield
    }) : () -> ()
    "tpu.region"() ({
      %run_scoped3A_150 = tpu.sem_alloc : memref<!tpu.dma_semaphore, #tpu.memory_space<semaphore_mem>>
      %dma_start3A_151 = tpu.memref_slice %arg19[%mul3A_4] : memref<102400xf32, #tpu.memory_space<vmem_shared>> -> memref<6400xf32, #tpu.memory_space<vmem_shared>>
      %dma_start3A_152 = tpu.memref_slice %arg6[%mul3A_4] : memref<102400xf32, #tpu.memory_space<hbm>> -> memref<6400xf32, #tpu.memory_space<hbm>>
      tpu.enqueue_dma source(%dma_start3A_152 : memref<6400xf32, #tpu.memory_space<hbm>>) target(%dma_start3A_151 : memref<6400xf32, #tpu.memory_space<vmem_shared>>) target_semaphore(%run_scoped3A_150 : memref<!tpu.dma_semaphore, #tpu.memory_space<semaphore_mem>>)
      %dma_wait3A_153 = tpu.memref_slice %arg19[%mul3A_4] : memref<102400xf32, #tpu.memory_space<vmem_shared>> -> memref<6400xf32, #tpu.memory_space<vmem_shared>>
      %dma_wait3A_154 = tpu.memref_slice %arg6[%mul3A_4] : memref<102400xf32, #tpu.memory_space<hbm>> -> memref<6400xf32, #tpu.memory_space<hbm>>
      tpu.wait_dma2 semaphore(%run_scoped3A_150 : memref<!tpu.dma_semaphore, #tpu.memory_space<semaphore_mem>>) src(%dma_wait3A_154 : memref<6400xf32, #tpu.memory_space<hbm>>) dst(%dma_wait3A_153 : memref<6400xf32, #tpu.memory_space<vmem_shared>>)
      tpu.yield
    }) : () -> ()
    %mul3A_5 = arith.constant 6400 : i32
    %mul3A_6 = arith.muli %arg1, %mul3A_5 : i32
    %add3A_7 = arith.constant 0 : i32
    %add3A_8 = arith.addi %mul3A_6, %add3A_7 : i32
    %run_scoped3A = arith.constant 0 : i32
    "tpu.region"() ({
      %run_scoped3A_150 = tpu.sem_alloc : memref<!tpu.dma_semaphore, #tpu.memory_space<semaphore_mem>>
      %dma_start3A_151 = tpu.memref_slice %arg5[%run_scoped3A, %add3A_8] : memref<2x102400xf32, #tpu.memory_space<hbm>> -> memref<1x1600xf32, #tpu.memory_space<hbm>>
      %dma_start3A_152 = tpu.memref_squeeze %dma_start3A_151 : memref<1x1600xf32, #tpu.memory_space<hbm>> -> memref<1600xf32, #tpu.memory_space<hbm>>
      %dma_start3A_153 = tpu.memref_slice %arg5[%run_scoped3A, %add3A_8] : memref<2x102400xf32, #tpu.memory_space<hbm>> -> memref<1x1600xf32, #tpu.memory_space<hbm>>
      %dma_start3A_154 = tpu.memref_squeeze %dma_start3A_153 : memref<1x1600xf32, #tpu.memory_space<hbm>> -> memref<1600xf32, #tpu.memory_space<hbm>>
      tpu.enqueue_dma source(%dma_start3A_154 : memref<1600xf32, #tpu.memory_space<hbm>>) target(%arg12 : memref<1600xf32, #tpu.memory_space<vmem>>) target_semaphore(%run_scoped3A_150 : memref<!tpu.dma_semaphore, #tpu.memory_space<semaphore_mem>>)
      %dma_wait3A_155 = tpu.memref_slice %arg5[%run_scoped3A, %add3A_8] : memref<2x102400xf32, #tpu.memory_space<hbm>> -> memref<1x1600xf32, #tpu.memory_space<hbm>>
      %dma_wait3A_156 = tpu.memref_squeeze %dma_wait3A_155 : memref<1x1600xf32, #tpu.memory_space<hbm>> -> memref<1600xf32, #tpu.memory_space<hbm>>
      %dma_wait3A_157 = tpu.memref_slice %arg5[%run_scoped3A, %add3A_8] : memref<2x102400xf32, #tpu.memory_space<hbm>> -> memref<1x1600xf32, #tpu.memory_space<hbm>>
      %dma_wait3A_158 = tpu.memref_squeeze %dma_wait3A_157 : memref<1x1600xf32, #tpu.memory_space<hbm>> -> memref<1600xf32, #tpu.memory_space<hbm>>
      tpu.wait_dma2 semaphore(%run_scoped3A_150 : memref<!tpu.dma_semaphore, #tpu.memory_space<semaphore_mem>>) src(%dma_wait3A_158 : memref<1600xf32, #tpu.memory_space<hbm>>) dst(%arg12 : memref<1600xf32, #tpu.memory_space<vmem>>)
      tpu.yield
    }) : () -> ()
    %run_scoped3A_9 = arith.constant 1 : i32
    "tpu.region"() ({
      %run_scoped3A_150 = tpu.sem_alloc : memref<!tpu.dma_semaphore, #tpu.memory_space<semaphore_mem>>
      %dma_start3A_151 = tpu.memref_slice %arg5[%run_scoped3A_9, %add3A_8] : memref<2x102400xf32, #tpu.memory_space<hbm>> -> memref<1x1600xf32, #tpu.memory_space<hbm>>
      %dma_start3A_152 = tpu.memref_squeeze %dma_start3A_151 : memref<1x1600xf32, #tpu.memory_space<hbm>> -> memref<1600xf32, #tpu.memory_space<hbm>>
      %dma_start3A_153 = tpu.memref_slice %arg5[%run_scoped3A_9, %add3A_8] : memref<2x102400xf32, #tpu.memory_space<hbm>> -> memref<1x1600xf32, #tpu.memory_space<hbm>>
      %dma_start3A_154 = tpu.memref_squeeze %dma_start3A_153 : memref<1x1600xf32, #tpu.memory_space<hbm>> -> memref<1600xf32, #tpu.memory_space<hbm>>
      tpu.enqueue_dma source(%dma_start3A_154 : memref<1600xf32, #tpu.memory_space<hbm>>) target(%arg13 : memref<1600xf32, #tpu.memory_space<vmem>>) target_semaphore(%run_scoped3A_150 : memref<!tpu.dma_semaphore, #tpu.memory_space<semaphore_mem>>)
      %dma_wait3A_155 = tpu.memref_slice %arg5[%run_scoped3A_9, %add3A_8] : memref<2x102400xf32, #tpu.memory_space<hbm>> -> memref<1x1600xf32, #tpu.memory_space<hbm>>
      %dma_wait3A_156 = tpu.memref_squeeze %dma_wait3A_155 : memref<1x1600xf32, #tpu.memory_space<hbm>> -> memref<1600xf32, #tpu.memory_space<hbm>>
      %dma_wait3A_157 = tpu.memref_slice %arg5[%run_scoped3A_9, %add3A_8] : memref<2x102400xf32, #tpu.memory_space<hbm>> -> memref<1x1600xf32, #tpu.memory_space<hbm>>
      %dma_wait3A_158 = tpu.memref_squeeze %dma_wait3A_157 : memref<1x1600xf32, #tpu.memory_space<hbm>> -> memref<1600xf32, #tpu.memory_space<hbm>>
      tpu.wait_dma2 semaphore(%run_scoped3A_150 : memref<!tpu.dma_semaphore, #tpu.memory_space<semaphore_mem>>) src(%dma_wait3A_158 : memref<1600xf32, #tpu.memory_space<hbm>>) dst(%arg13 : memref<1600xf32, #tpu.memory_space<vmem>>)
      tpu.yield
    }) : () -> ()
    %run_scoped3A_10 = arith.constant 0 : i32
    "tpu.region"() ({
      %run_scoped3A_150 = tpu.sem_alloc : memref<!tpu.dma_semaphore, #tpu.memory_space<semaphore_mem>>
      %dma_start3A_151 = tpu.memref_slice %arg4[%run_scoped3A_10, %add3A_8] : memref<2x102400xf32, #tpu.memory_space<hbm>> -> memref<1x1600xf32, #tpu.memory_space<hbm>>
      %dma_start3A_152 = tpu.memref_squeeze %dma_start3A_151 : memref<1x1600xf32, #tpu.memory_space<hbm>> -> memref<1600xf32, #tpu.memory_space<hbm>>
      %dma_start3A_153 = tpu.memref_slice %arg4[%run_scoped3A_10, %add3A_8] : memref<2x102400xf32, #tpu.memory_space<hbm>> -> memref<1x1600xf32, #tpu.memory_space<hbm>>
      %dma_start3A_154 = tpu.memref_squeeze %dma_start3A_153 : memref<1x1600xf32, #tpu.memory_space<hbm>> -> memref<1600xf32, #tpu.memory_space<hbm>>
      tpu.enqueue_dma source(%dma_start3A_154 : memref<1600xf32, #tpu.memory_space<hbm>>) target(%arg14 : memref<1600xf32, #tpu.memory_space<vmem>>) target_semaphore(%run_scoped3A_150 : memref<!tpu.dma_semaphore, #tpu.memory_space<semaphore_mem>>)
      %dma_wait3A_155 = tpu.memref_slice %arg4[%run_scoped3A_10, %add3A_8] : memref<2x102400xf32, #tpu.memory_space<hbm>> -> memref<1x1600xf32, #tpu.memory_space<hbm>>
      %dma_wait3A_156 = tpu.memref_squeeze %dma_wait3A_155 : memref<1x1600xf32, #tpu.memory_space<hbm>> -> memref<1600xf32, #tpu.memory_space<hbm>>
      %dma_wait3A_157 = tpu.memref_slice %arg4[%run_scoped3A_10, %add3A_8] : memref<2x102400xf32, #tpu.memory_space<hbm>> -> memref<1x1600xf32, #tpu.memory_space<hbm>>
      %dma_wait3A_158 = tpu.memref_squeeze %dma_wait3A_157 : memref<1x1600xf32, #tpu.memory_space<hbm>> -> memref<1600xf32, #tpu.memory_space<hbm>>
      tpu.wait_dma2 semaphore(%run_scoped3A_150 : memref<!tpu.dma_semaphore, #tpu.memory_space<semaphore_mem>>) src(%dma_wait3A_158 : memref<1600xf32, #tpu.memory_space<hbm>>) dst(%arg14 : memref<1600xf32, #tpu.memory_space<vmem>>)
      tpu.yield
    }) : () -> ()
    %run_scoped3A_11 = arith.constant 1 : i32
    "tpu.region"() ({
      %run_scoped3A_150 = tpu.sem_alloc : memref<!tpu.dma_semaphore, #tpu.memory_space<semaphore_mem>>
      %dma_start3A_151 = tpu.memref_slice %arg4[%run_scoped3A_11, %add3A_8] : memref<2x102400xf32, #tpu.memory_space<hbm>> -> memref<1x1600xf32, #tpu.memory_space<hbm>>
      %dma_start3A_152 = tpu.memref_squeeze %dma_start3A_151 : memref<1x1600xf32, #tpu.memory_space<hbm>> -> memref<1600xf32, #tpu.memory_space<hbm>>
      %dma_start3A_153 = tpu.memref_slice %arg4[%run_scoped3A_11, %add3A_8] : memref<2x102400xf32, #tpu.memory_space<hbm>> -> memref<1x1600xf32, #tpu.memory_space<hbm>>
      %dma_start3A_154 = tpu.memref_squeeze %dma_start3A_153 : memref<1x1600xf32, #tpu.memory_space<hbm>> -> memref<1600xf32, #tpu.memory_space<hbm>>
      tpu.enqueue_dma source(%dma_start3A_154 : memref<1600xf32, #tpu.memory_space<hbm>>) target(%arg15 : memref<1600xf32, #tpu.memory_space<vmem>>) target_semaphore(%run_scoped3A_150 : memref<!tpu.dma_semaphore, #tpu.memory_space<semaphore_mem>>)
      %dma_wait3A_155 = tpu.memref_slice %arg4[%run_scoped3A_11, %add3A_8] : memref<2x102400xf32, #tpu.memory_space<hbm>> -> memref<1x1600xf32, #tpu.memory_space<hbm>>
      %dma_wait3A_156 = tpu.memref_squeeze %dma_wait3A_155 : memref<1x1600xf32, #tpu.memory_space<hbm>> -> memref<1600xf32, #tpu.memory_space<hbm>>
      %dma_wait3A_157 = tpu.memref_slice %arg4[%run_scoped3A_11, %add3A_8] : memref<2x102400xf32, #tpu.memory_space<hbm>> -> memref<1x1600xf32, #tpu.memory_space<hbm>>
      %dma_wait3A_158 = tpu.memref_squeeze %dma_wait3A_157 : memref<1x1600xf32, #tpu.memory_space<hbm>> -> memref<1600xf32, #tpu.memory_space<hbm>>
      tpu.wait_dma2 semaphore(%run_scoped3A_150 : memref<!tpu.dma_semaphore, #tpu.memory_space<semaphore_mem>>) src(%dma_wait3A_158 : memref<1600xf32, #tpu.memory_space<hbm>>) dst(%arg15 : memref<1600xf32, #tpu.memory_space<vmem>>)
      tpu.yield
    }) : () -> ()
    %scan3A = arith.constant 0 : i32
    %scan3A_12 = arith.constant 0 : i32
    %scan3A_13 = arith.constant 100 : i32
    %scan3A_14 = arith.addi %scan3A_12, %scan3A_13 : i32
    %scan3A_15 = arith.constant 1 : i32
    scf.for %scan3A_150 = %scan3A_12 to %scan3A_14 step %scan3A_15  : i32 {
      %mul3A_151 = arith.constant 16 : i32
      %mul3A_152 = arith.muli %scan3A_150, %mul3A_151 : i32
      %get3A = arith.index_cast %mul3A_152 : i32 to index
      %get3A_153 = tpu.vector_load %arg12[%get3A] {strides = array<i32>} : memref<1600xf32, #tpu.memory_space<vmem>>, vector<16xf32>,
      %get3A_154 = arith.index_cast %mul3A_152 : i32 to index
      %get3A_155 = tpu.vector_load %arg13[%get3A_154] {strides = array<i32>} : memref<1600xf32, #tpu.memory_space<vmem>>, vector<16xf32>,
      %add3A_156 = arith.addf %get3A_153, %get3A_155 : vector<16xf32>
      %max3A = arith.constant 1.000000e+00 : f32
      %max3A_157 = vector.broadcast %max3A : f32 to vector<16xf32>
      %max3A_158 = arith.maximumf %add3A_156, %max3A_157 : vector<16xf32>
      %bitcast3A = vector.bitcast %max3A_158 : vector<16xf32> to vector<16xi32>
      %shift_right_logical3A = arith.constant 1 : i32
      %shift_right_logical3A_159 = vector.broadcast %shift_right_logical3A : i32 to vector<16xi32>
      %shift_right_logical3A_160 = arith.shrui %bitcast3A, %shift_right_logical3A_159 : vector<16xi32>
      %sub3A = arith.constant 1597463007 : i32
      %sub3A_161 = vector.broadcast %sub3A : i32 to vector<16xi32>
      %sub3A_162 = arith.subi %sub3A_161, %shift_right_logical3A_160 : vector<16xi32>
      %bitcast3A_163 = vector.bitcast %sub3A_162 : vector<16xi32> to vector<16xf32>
      %mul3A_164 = arith.constant 5.000000e-01 : f32
      %mul3A_165 = vector.broadcast %mul3A_164 : f32 to vector<16xf32>
      %mul3A_166 = arith.mulf %mul3A_165, %max3A_158 : vector<16xf32>
      %mul3A_167 = arith.mulf %mul3A_166, %bitcast3A_163 : vector<16xf32>
      %mul3A_168 = arith.mulf %mul3A_167, %bitcast3A_163 : vector<16xf32>
      %sub3A_169 = arith.constant 1.500000e+00 : f32
      %sub3A_170 = vector.broadcast %sub3A_169 : f32 to vector<16xf32>
      %sub3A_171 = arith.subf %sub3A_170, %mul3A_168 : vector<16xf32>
      %mul3A_172 = arith.mulf %bitcast3A_163, %sub3A_171 : vector<16xf32>
      %mul3A_173 = arith.constant 5.000000e-01 : f32
      %mul3A_174 = vector.broadcast %mul3A_173 : f32 to vector<16xf32>
      %mul3A_175 = arith.mulf %mul3A_174, %max3A_158 : vector<16xf32>
      %mul3A_176 = arith.mulf %mul3A_175, %mul3A_172 : vector<16xf32>
      %mul3A_177 = arith.mulf %mul3A_176, %mul3A_172 : vector<16xf32>
      %sub3A_178 = arith.constant 1.500000e+00 : f32
      %sub3A_179 = vector.broadcast %sub3A_178 : f32 to vector<16xf32>
      %sub3A_180 = arith.subf %sub3A_179, %mul3A_177 : vector<16xf32>
      %mul3A_181 = arith.mulf %mul3A_172, %sub3A_180 : vector<16xf32>
      %mul3A_182 = arith.constant 5.000000e-01 : f32
      %mul3A_183 = vector.broadcast %mul3A_182 : f32 to vector<16xf32>
      %mul3A_184 = arith.mulf %mul3A_183, %max3A_158 : vector<16xf32>
      %mul3A_185 = arith.mulf %mul3A_184, %mul3A_181 : vector<16xf32>
      %mul3A_186 = arith.mulf %mul3A_185, %mul3A_181 : vector<16xf32>
      %sub3A_187 = arith.constant 1.500000e+00 : f32
      %sub3A_188 = vector.broadcast %sub3A_187 : f32 to vector<16xf32>
      %sub3A_189 = arith.subf %sub3A_188, %mul3A_186 : vector<16xf32>
      %mul3A_190 = arith.mulf %mul3A_181, %sub3A_189 : vector<16xf32>
      %get3A_191 = arith.index_cast %mul3A_152 : i32 to index
      %get3A_192 = tpu.vector_load %arg14[%get3A_191] {strides = array<i32>} : memref<1600xf32, #tpu.memory_space<vmem>>, vector<16xf32>,
      %mul3A_193 = arith.mulf %get3A_192, %mul3A_190 : vector<16xf32>
      %swap3A = arith.index_cast %mul3A_152 : i32 to index
      %swap3A_194 = tpu.vector_load %arg16[%swap3A] {strides = array<i32>} : memref<1600xf32, #tpu.memory_space<vmem>>, vector<16xf32>,
      tpu.vector_store %arg16[%swap3A], %mul3A_193 {strides = array<i32>} : memref<1600xf32, #tpu.memory_space<vmem>>, vector<16xf32>,
      %get3A_195 = arith.index_cast %mul3A_152 : i32 to index
      %get3A_196 = tpu.vector_load %arg15[%get3A_195] {strides = array<i32>} : memref<1600xf32, #tpu.memory_space<vmem>>, vector<16xf32>,
      %mul3A_197 = arith.mulf %get3A_196, %mul3A_190 : vector<16xf32>
      %swap3A_198 = arith.index_cast %mul3A_152 : i32 to index
      %swap3A_199 = tpu.vector_load %arg17[%swap3A_198] {strides = array<i32>} : memref<1600xf32, #tpu.memory_space<vmem>>, vector<16xf32>,
      tpu.vector_store %arg17[%swap3A_198], %mul3A_197 {strides = array<i32>} : memref<1600xf32, #tpu.memory_space<vmem>>, vector<16xf32>,
    }
    %scan3A_16 = arith.constant 100 : i32
    "tpu.region"() ({
      %run_scoped3A_150 = tpu.sem_alloc : memref<!tpu.dma_semaphore, #tpu.memory_space<semaphore_mem>>
      %dma_start3A_151 = tpu.memref_slice %arg20[%add3A_8] : memref<102400xf32, #tpu.memory_space<vmem_shared>> -> memref<1600xf32, #tpu.memory_space<vmem_shared>>
      %dma_start3A_152 = tpu.memref_slice %arg20[%add3A_8] : memref<102400xf32, #tpu.memory_space<vmem_shared>> -> memref<1600xf32, #tpu.memory_space<vmem_shared>>
      tpu.enqueue_dma source(%arg16 : memref<1600xf32, #tpu.memory_space<vmem>>) target(%dma_start3A_152 : memref<1600xf32, #tpu.memory_space<vmem_shared>>) target_semaphore(%run_scoped3A_150 : memref<!tpu.dma_semaphore, #tpu.memory_space<semaphore_mem>>)
      %dma_wait3A_153 = tpu.memref_slice %arg20[%add3A_8] : memref<102400xf32, #tpu.memory_space<vmem_shared>> -> memref<1600xf32, #tpu.memory_space<vmem_shared>>
      %dma_wait3A_154 = tpu.memref_slice %arg20[%add3A_8] : memref<102400xf32, #tpu.memory_space<vmem_shared>> -> memref<1600xf32, #tpu.memory_space<vmem_shared>>
      tpu.wait_dma2 semaphore(%run_scoped3A_150 : memref<!tpu.dma_semaphore, #tpu.memory_space<semaphore_mem>>) src(%arg16 : memref<1600xf32, #tpu.memory_space<vmem>>) dst(%dma_wait3A_154 : memref<1600xf32, #tpu.memory_space<vmem_shared>>)
      tpu.yield
    }) : () -> ()
    "tpu.region"() ({
      %run_scoped3A_150 = tpu.sem_alloc : memref<!tpu.dma_semaphore, #tpu.memory_space<semaphore_mem>>
      %dma_start3A_151 = tpu.memref_slice %arg21[%add3A_8] : memref<102400xf32, #tpu.memory_space<vmem_shared>> -> memref<1600xf32, #tpu.memory_space<vmem_shared>>
      %dma_start3A_152 = tpu.memref_slice %arg21[%add3A_8] : memref<102400xf32, #tpu.memory_space<vmem_shared>> -> memref<1600xf32, #tpu.memory_space<vmem_shared>>
      tpu.enqueue_dma source(%arg17 : memref<1600xf32, #tpu.memory_space<vmem>>) target(%dma_start3A_152 : memref<1600xf32, #tpu.memory_space<vmem_shared>>) target_semaphore(%run_scoped3A_150 : memref<!tpu.dma_semaphore, #tpu.memory_space<semaphore_mem>>)
      %dma_wait3A_153 = tpu.memref_slice %arg21[%add3A_8] : memref<102400xf32, #tpu.memory_space<vmem_shared>> -> memref<1600xf32, #tpu.memory_space<vmem_shared>>
      %dma_wait3A_154 = tpu.memref_slice %arg21[%add3A_8] : memref<102400xf32, #tpu.memory_space<vmem_shared>> -> memref<1600xf32, #tpu.memory_space<vmem_shared>>
      tpu.wait_dma2 semaphore(%run_scoped3A_150 : memref<!tpu.dma_semaphore, #tpu.memory_space<semaphore_mem>>) src(%arg17 : memref<1600xf32, #tpu.memory_space<vmem>>) dst(%dma_wait3A_154 : memref<1600xf32, #tpu.memory_space<vmem_shared>>)
      tpu.yield
    }) : () -> ()
    %mul3A_17 = arith.constant 6400 : i32
    %mul3A_18 = arith.muli %arg1, %mul3A_17 : i32
    %add3A_19 = arith.constant 1600 : i32
    %add3A_20 = arith.addi %mul3A_18, %add3A_19 : i32
    %run_scoped3A_21 = arith.constant 0 : i32
    "tpu.region"() ({
      %run_scoped3A_150 = tpu.sem_alloc : memref<!tpu.dma_semaphore, #tpu.memory_space<semaphore_mem>>
      %dma_start3A_151 = tpu.memref_slice %arg5[%run_scoped3A_21, %add3A_20] : memref<2x102400xf32, #tpu.memory_space<hbm>> -> memref<1x1600xf32, #tpu.memory_space<hbm>>
      %dma_start3A_152 = tpu.memref_squeeze %dma_start3A_151 : memref<1x1600xf32, #tpu.memory_space<hbm>> -> memref<1600xf32, #tpu.memory_space<hbm>>
      %dma_start3A_153 = tpu.memref_slice %arg5[%run_scoped3A_21, %add3A_20] : memref<2x102400xf32, #tpu.memory_space<hbm>> -> memref<1x1600xf32, #tpu.memory_space<hbm>>
      %dma_start3A_154 = tpu.memref_squeeze %dma_start3A_153 : memref<1x1600xf32, #tpu.memory_space<hbm>> -> memref<1600xf32, #tpu.memory_space<hbm>>
      tpu.enqueue_dma source(%dma_start3A_154 : memref<1600xf32, #tpu.memory_space<hbm>>) target(%arg12 : memref<1600xf32, #tpu.memory_space<vmem>>) target_semaphore(%run_scoped3A_150 : memref<!tpu.dma_semaphore, #tpu.memory_space<semaphore_mem>>)
      %dma_wait3A_155 = tpu.memref_slice %arg5[%run_scoped3A_21, %add3A_20] : memref<2x102400xf32, #tpu.memory_space<hbm>> -> memref<1x1600xf32, #tpu.memory_space<hbm>>
      %dma_wait3A_156 = tpu.memref_squeeze %dma_wait3A_155 : memref<1x1600xf32, #tpu.memory_space<hbm>> -> memref<1600xf32, #tpu.memory_space<hbm>>
      %dma_wait3A_157 = tpu.memref_slice %arg5[%run_scoped3A_21, %add3A_20] : memref<2x102400xf32, #tpu.memory_space<hbm>> -> memref<1x1600xf32, #tpu.memory_space<hbm>>
      %dma_wait3A_158 = tpu.memref_squeeze %dma_wait3A_157 : memref<1x1600xf32, #tpu.memory_space<hbm>> -> memref<1600xf32, #tpu.memory_space<hbm>>
      tpu.wait_dma2 semaphore(%run_scoped3A_150 : memref<!tpu.dma_semaphore, #tpu.memory_space<semaphore_mem>>) src(%dma_wait3A_158 : memref<1600xf32, #tpu.memory_space<hbm>>) dst(%arg12 : memref<1600xf32, #tpu.memory_space<vmem>>)
      tpu.yield
    }) : () -> ()
    %run_scoped3A_22 = arith.constant 1 : i32
    "tpu.region"() ({
      %run_scoped3A_150 = tpu.sem_alloc : memref<!tpu.dma_semaphore, #tpu.memory_space<semaphore_mem>>
      %dma_start3A_151 = tpu.memref_slice %arg5[%run_scoped3A_22, %add3A_20] : memref<2x102400xf32, #tpu.memory_space<hbm>> -> memref<1x1600xf32, #tpu.memory_space<hbm>>
      %dma_start3A_152 = tpu.memref_squeeze %dma_start3A_151 : memref<1x1600xf32, #tpu.memory_space<hbm>> -> memref<1600xf32, #tpu.memory_space<hbm>>
      %dma_start3A_153 = tpu.memref_slice %arg5[%run_scoped3A_22, %add3A_20] : memref<2x102400xf32, #tpu.memory_space<hbm>> -> memref<1x1600xf32, #tpu.memory_space<hbm>>
      %dma_start3A_154 = tpu.memref_squeeze %dma_start3A_153 : memref<1x1600xf32, #tpu.memory_space<hbm>> -> memref<1600xf32, #tpu.memory_space<hbm>>
      tpu.enqueue_dma source(%dma_start3A_154 : memref<1600xf32, #tpu.memory_space<hbm>>) target(%arg13 : memref<1600xf32, #tpu.memory_space<vmem>>) target_semaphore(%run_scoped3A_150 : memref<!tpu.dma_semaphore, #tpu.memory_space<semaphore_mem>>)
      %dma_wait3A_155 = tpu.memref_slice %arg5[%run_scoped3A_22, %add3A_20] : memref<2x102400xf32, #tpu.memory_space<hbm>> -> memref<1x1600xf32, #tpu.memory_space<hbm>>
      %dma_wait3A_156 = tpu.memref_squeeze %dma_wait3A_155 : memref<1x1600xf32, #tpu.memory_space<hbm>> -> memref<1600xf32, #tpu.memory_space<hbm>>
      %dma_wait3A_157 = tpu.memref_slice %arg5[%run_scoped3A_22, %add3A_20] : memref<2x102400xf32, #tpu.memory_space<hbm>> -> memref<1x1600xf32, #tpu.memory_space<hbm>>
      %dma_wait3A_158 = tpu.memref_squeeze %dma_wait3A_157 : memref<1x1600xf32, #tpu.memory_space<hbm>> -> memref<1600xf32, #tpu.memory_space<hbm>>
      tpu.wait_dma2 semaphore(%run_scoped3A_150 : memref<!tpu.dma_semaphore, #tpu.memory_space<semaphore_mem>>) src(%dma_wait3A_158 : memref<1600xf32, #tpu.memory_space<hbm>>) dst(%arg13 : memref<1600xf32, #tpu.memory_space<vmem>>)
      tpu.yield
    }) : () -> ()
    %run_scoped3A_23 = arith.constant 0 : i32
    "tpu.region"() ({
      %run_scoped3A_150 = tpu.sem_alloc : memref<!tpu.dma_semaphore, #tpu.memory_space<semaphore_mem>>
      %dma_start3A_151 = tpu.memref_slice %arg4[%run_scoped3A_23, %add3A_20] : memref<2x102400xf32, #tpu.memory_space<hbm>> -> memref<1x1600xf32, #tpu.memory_space<hbm>>
      %dma_start3A_152 = tpu.memref_squeeze %dma_start3A_151 : memref<1x1600xf32, #tpu.memory_space<hbm>> -> memref<1600xf32, #tpu.memory_space<hbm>>
      %dma_start3A_153 = tpu.memref_slice %arg4[%run_scoped3A_23, %add3A_20] : memref<2x102400xf32, #tpu.memory_space<hbm>> -> memref<1x1600xf32, #tpu.memory_space<hbm>>
      %dma_start3A_154 = tpu.memref_squeeze %dma_start3A_153 : memref<1x1600xf32, #tpu.memory_space<hbm>> -> memref<1600xf32, #tpu.memory_space<hbm>>
      tpu.enqueue_dma source(%dma_start3A_154 : memref<1600xf32, #tpu.memory_space<hbm>>) target(%arg14 : memref<1600xf32, #tpu.memory_space<vmem>>) target_semaphore(%run_scoped3A_150 : memref<!tpu.dma_semaphore, #tpu.memory_space<semaphore_mem>>)
      %dma_wait3A_155 = tpu.memref_slice %arg4[%run_scoped3A_23, %add3A_20] : memref<2x102400xf32, #tpu.memory_space<hbm>> -> memref<1x1600xf32, #tpu.memory_space<hbm>>
      %dma_wait3A_156 = tpu.memref_squeeze %dma_wait3A_155 : memref<1x1600xf32, #tpu.memory_space<hbm>> -> memref<1600xf32, #tpu.memory_space<hbm>>
      %dma_wait3A_157 = tpu.memref_slice %arg4[%run_scoped3A_23, %add3A_20] : memref<2x102400xf32, #tpu.memory_space<hbm>> -> memref<1x1600xf32, #tpu.memory_space<hbm>>
      %dma_wait3A_158 = tpu.memref_squeeze %dma_wait3A_157 : memref<1x1600xf32, #tpu.memory_space<hbm>> -> memref<1600xf32, #tpu.memory_space<hbm>>
      tpu.wait_dma2 semaphore(%run_scoped3A_150 : memref<!tpu.dma_semaphore, #tpu.memory_space<semaphore_mem>>) src(%dma_wait3A_158 : memref<1600xf32, #tpu.memory_space<hbm>>) dst(%arg14 : memref<1600xf32, #tpu.memory_space<vmem>>)
      tpu.yield
    }) : () -> ()
    %run_scoped3A_24 = arith.constant 1 : i32
    "tpu.region"() ({
      %run_scoped3A_150 = tpu.sem_alloc : memref<!tpu.dma_semaphore, #tpu.memory_space<semaphore_mem>>
      %dma_start3A_151 = tpu.memref_slice %arg4[%run_scoped3A_24, %add3A_20] : memref<2x102400xf32, #tpu.memory_space<hbm>> -> memref<1x1600xf32, #tpu.memory_space<hbm>>
      %dma_start3A_152 = tpu.memref_squeeze %dma_start3A_151 : memref<1x1600xf32, #tpu.memory_space<hbm>> -> memref<1600xf32, #tpu.memory_space<hbm>>
      %dma_start3A_153 = tpu.memref_slice %arg4[%run_scoped3A_24, %add3A_20] : memref<2x102400xf32, #tpu.memory_space<hbm>> -> memref<1x1600xf32, #tpu.memory_space<hbm>>
      %dma_start3A_154 = tpu.memref_squeeze %dma_start3A_153 : memref<1x1600xf32, #tpu.memory_space<hbm>> -> memref<1600xf32, #tpu.memory_space<hbm>>
      tpu.enqueue_dma source(%dma_start3A_154 : memref<1600xf32, #tpu.memory_space<hbm>>) target(%arg15 : memref<1600xf32, #tpu.memory_space<vmem>>) target_semaphore(%run_scoped3A_150 : memref<!tpu.dma_semaphore, #tpu.memory_space<semaphore_mem>>)
      %dma_wait3A_155 = tpu.memref_slice %arg4[%run_scoped3A_24, %add3A_20] : memref<2x102400xf32, #tpu.memory_space<hbm>> -> memref<1x1600xf32, #tpu.memory_space<hbm>>
      %dma_wait3A_156 = tpu.memref_squeeze %dma_wait3A_155 : memref<1x1600xf32, #tpu.memory_space<hbm>> -> memref<1600xf32, #tpu.memory_space<hbm>>
      %dma_wait3A_157 = tpu.memref_slice %arg4[%run_scoped3A_24, %add3A_20] : memref<2x102400xf32, #tpu.memory_space<hbm>> -> memref<1x1600xf32, #tpu.memory_space<hbm>>
      %dma_wait3A_158 = tpu.memref_squeeze %dma_wait3A_157 : memref<1x1600xf32, #tpu.memory_space<hbm>> -> memref<1600xf32, #tpu.memory_space<hbm>>
      tpu.wait_dma2 semaphore(%run_scoped3A_150 : memref<!tpu.dma_semaphore, #tpu.memory_space<semaphore_mem>>) src(%dma_wait3A_158 : memref<1600xf32, #tpu.memory_space<hbm>>) dst(%arg15 : memref<1600xf32, #tpu.memory_space<vmem>>)
      tpu.yield
    }) : () -> ()
    %scan3A_25 = arith.constant 0 : i32
    %scan3A_26 = arith.constant 0 : i32
    %scan3A_27 = arith.constant 100 : i32
    %scan3A_28 = arith.addi %scan3A_26, %scan3A_27 : i32
    %scan3A_29 = arith.constant 1 : i32
    scf.for %scan3A_150 = %scan3A_26 to %scan3A_28 step %scan3A_29  : i32 {
      %mul3A_151 = arith.constant 16 : i32
      %mul3A_152 = arith.muli %scan3A_150, %mul3A_151 : i32
      %get3A = arith.index_cast %mul3A_152 : i32 to index
      %get3A_153 = tpu.vector_load %arg12[%get3A] {strides = array<i32>} : memref<1600xf32, #tpu.memory_space<vmem>>, vector<16xf32>,
      %get3A_154 = arith.index_cast %mul3A_152 : i32 to index
      %get3A_155 = tpu.vector_load %arg13[%get3A_154] {strides = array<i32>} : memref<1600xf32, #tpu.memory_space<vmem>>, vector<16xf32>,
      %add3A_156 = arith.addf %get3A_153, %get3A_155 : vector<16xf32>
      %max3A = arith.constant 1.000000e+00 : f32
      %max3A_157 = vector.broadcast %max3A : f32 to vector<16xf32>
      %max3A_158 = arith.maximumf %add3A_156, %max3A_157 : vector<16xf32>
      %bitcast3A = vector.bitcast %max3A_158 : vector<16xf32> to vector<16xi32>
      %shift_right_logical3A = arith.constant 1 : i32
      %shift_right_logical3A_159 = vector.broadcast %shift_right_logical3A : i32 to vector<16xi32>
      %shift_right_logical3A_160 = arith.shrui %bitcast3A, %shift_right_logical3A_159 : vector<16xi32>
      %sub3A = arith.constant 1597463007 : i32
      %sub3A_161 = vector.broadcast %sub3A : i32 to vector<16xi32>
      %sub3A_162 = arith.subi %sub3A_161, %shift_right_logical3A_160 : vector<16xi32>
      %bitcast3A_163 = vector.bitcast %sub3A_162 : vector<16xi32> to vector<16xf32>
      %mul3A_164 = arith.constant 5.000000e-01 : f32
      %mul3A_165 = vector.broadcast %mul3A_164 : f32 to vector<16xf32>
      %mul3A_166 = arith.mulf %mul3A_165, %max3A_158 : vector<16xf32>
      %mul3A_167 = arith.mulf %mul3A_166, %bitcast3A_163 : vector<16xf32>
      %mul3A_168 = arith.mulf %mul3A_167, %bitcast3A_163 : vector<16xf32>
      %sub3A_169 = arith.constant 1.500000e+00 : f32
      %sub3A_170 = vector.broadcast %sub3A_169 : f32 to vector<16xf32>
      %sub3A_171 = arith.subf %sub3A_170, %mul3A_168 : vector<16xf32>
      %mul3A_172 = arith.mulf %bitcast3A_163, %sub3A_171 : vector<16xf32>
      %mul3A_173 = arith.constant 5.000000e-01 : f32
      %mul3A_174 = vector.broadcast %mul3A_173 : f32 to vector<16xf32>
      %mul3A_175 = arith.mulf %mul3A_174, %max3A_158 : vector<16xf32>
      %mul3A_176 = arith.mulf %mul3A_175, %mul3A_172 : vector<16xf32>
      %mul3A_177 = arith.mulf %mul3A_176, %mul3A_172 : vector<16xf32>
      %sub3A_178 = arith.constant 1.500000e+00 : f32
      %sub3A_179 = vector.broadcast %sub3A_178 : f32 to vector<16xf32>
      %sub3A_180 = arith.subf %sub3A_179, %mul3A_177 : vector<16xf32>
      %mul3A_181 = arith.mulf %mul3A_172, %sub3A_180 : vector<16xf32>
      %mul3A_182 = arith.constant 5.000000e-01 : f32
      %mul3A_183 = vector.broadcast %mul3A_182 : f32 to vector<16xf32>
      %mul3A_184 = arith.mulf %mul3A_183, %max3A_158 : vector<16xf32>
      %mul3A_185 = arith.mulf %mul3A_184, %mul3A_181 : vector<16xf32>
      %mul3A_186 = arith.mulf %mul3A_185, %mul3A_181 : vector<16xf32>
      %sub3A_187 = arith.constant 1.500000e+00 : f32
      %sub3A_188 = vector.broadcast %sub3A_187 : f32 to vector<16xf32>
      %sub3A_189 = arith.subf %sub3A_188, %mul3A_186 : vector<16xf32>
      %mul3A_190 = arith.mulf %mul3A_181, %sub3A_189 : vector<16xf32>
      %get3A_191 = arith.index_cast %mul3A_152 : i32 to index
      %get3A_192 = tpu.vector_load %arg14[%get3A_191] {strides = array<i32>} : memref<1600xf32, #tpu.memory_space<vmem>>, vector<16xf32>,
      %mul3A_193 = arith.mulf %get3A_192, %mul3A_190 : vector<16xf32>
      %swap3A = arith.index_cast %mul3A_152 : i32 to index
      %swap3A_194 = tpu.vector_load %arg16[%swap3A] {strides = array<i32>} : memref<1600xf32, #tpu.memory_space<vmem>>, vector<16xf32>,
      tpu.vector_store %arg16[%swap3A], %mul3A_193 {strides = array<i32>} : memref<1600xf32, #tpu.memory_space<vmem>>, vector<16xf32>,
      %get3A_195 = arith.index_cast %mul3A_152 : i32 to index
      %get3A_196 = tpu.vector_load %arg15[%get3A_195] {strides = array<i32>} : memref<1600xf32, #tpu.memory_space<vmem>>, vector<16xf32>,
      %mul3A_197 = arith.mulf %get3A_196, %mul3A_190 : vector<16xf32>
      %swap3A_198 = arith.index_cast %mul3A_152 : i32 to index
      %swap3A_199 = tpu.vector_load %arg17[%swap3A_198] {strides = array<i32>} : memref<1600xf32, #tpu.memory_space<vmem>>, vector<16xf32>,
      tpu.vector_store %arg17[%swap3A_198], %mul3A_197 {strides = array<i32>} : memref<1600xf32, #tpu.memory_space<vmem>>, vector<16xf32>,
    }
    %scan3A_30 = arith.constant 100 : i32
    "tpu.region"() ({
      %run_scoped3A_150 = tpu.sem_alloc : memref<!tpu.dma_semaphore, #tpu.memory_space<semaphore_mem>>
      %dma_start3A_151 = tpu.memref_slice %arg20[%add3A_20] : memref<102400xf32, #tpu.memory_space<vmem_shared>> -> memref<1600xf32, #tpu.memory_space<vmem_shared>>
      %dma_start3A_152 = tpu.memref_slice %arg20[%add3A_20] : memref<102400xf32, #tpu.memory_space<vmem_shared>> -> memref<1600xf32, #tpu.memory_space<vmem_shared>>
      tpu.enqueue_dma source(%arg16 : memref<1600xf32, #tpu.memory_space<vmem>>) target(%dma_start3A_152 : memref<1600xf32, #tpu.memory_space<vmem_shared>>) target_semaphore(%run_scoped3A_150 : memref<!tpu.dma_semaphore, #tpu.memory_space<semaphore_mem>>)
      %dma_wait3A_153 = tpu.memref_slice %arg20[%add3A_20] : memref<102400xf32, #tpu.memory_space<vmem_shared>> -> memref<1600xf32, #tpu.memory_space<vmem_shared>>
      %dma_wait3A_154 = tpu.memref_slice %arg20[%add3A_20] : memref<102400xf32, #tpu.memory_space<vmem_shared>> -> memref<1600xf32, #tpu.memory_space<vmem_shared>>
      tpu.wait_dma2 semaphore(%run_scoped3A_150 : memref<!tpu.dma_semaphore, #tpu.memory_space<semaphore_mem>>) src(%arg16 : memref<1600xf32, #tpu.memory_space<vmem>>) dst(%dma_wait3A_154 : memref<1600xf32, #tpu.memory_space<vmem_shared>>)
      tpu.yield
    }) : () -> ()
    "tpu.region"() ({
      %run_scoped3A_150 = tpu.sem_alloc : memref<!tpu.dma_semaphore, #tpu.memory_space<semaphore_mem>>
      %dma_start3A_151 = tpu.memref_slice %arg21[%add3A_20] : memref<102400xf32, #tpu.memory_space<vmem_shared>> -> memref<1600xf32, #tpu.memory_space<vmem_shared>>
      %dma_start3A_152 = tpu.memref_slice %arg21[%add3A_20] : memref<102400xf32, #tpu.memory_space<vmem_shared>> -> memref<1600xf32, #tpu.memory_space<vmem_shared>>
      tpu.enqueue_dma source(%arg17 : memref<1600xf32, #tpu.memory_space<vmem>>) target(%dma_start3A_152 : memref<1600xf32, #tpu.memory_space<vmem_shared>>) target_semaphore(%run_scoped3A_150 : memref<!tpu.dma_semaphore, #tpu.memory_space<semaphore_mem>>)
      %dma_wait3A_153 = tpu.memref_slice %arg21[%add3A_20] : memref<102400xf32, #tpu.memory_space<vmem_shared>> -> memref<1600xf32, #tpu.memory_space<vmem_shared>>
      %dma_wait3A_154 = tpu.memref_slice %arg21[%add3A_20] : memref<102400xf32, #tpu.memory_space<vmem_shared>> -> memref<1600xf32, #tpu.memory_space<vmem_shared>>
      tpu.wait_dma2 semaphore(%run_scoped3A_150 : memref<!tpu.dma_semaphore, #tpu.memory_space<semaphore_mem>>) src(%arg17 : memref<1600xf32, #tpu.memory_space<vmem>>) dst(%dma_wait3A_154 : memref<1600xf32, #tpu.memory_space<vmem_shared>>)
      tpu.yield
    }) : () -> ()
    %mul3A_31 = arith.constant 6400 : i32
    %mul3A_32 = arith.muli %arg1, %mul3A_31 : i32
    %add3A_33 = arith.constant 3200 : i32
    %add3A_34 = arith.addi %mul3A_32, %add3A_33 : i32
    %run_scoped3A_35 = arith.constant 0 : i32
    "tpu.region"() ({
      %run_scoped3A_150 = tpu.sem_alloc : memref<!tpu.dma_semaphore, #tpu.memory_space<semaphore_mem>>
      %dma_start3A_151 = tpu.memref_slice %arg5[%run_scoped3A_35, %add3A_34] : memref<2x102400xf32, #tpu.memory_space<hbm>> -> memref<1x1600xf32, #tpu.memory_space<hbm>>
      %dma_start3A_152 = tpu.memref_squeeze %dma_start3A_151 : memref<1x1600xf32, #tpu.memory_space<hbm>> -> memref<1600xf32, #tpu.memory_space<hbm>>
      %dma_start3A_153 = tpu.memref_slice %arg5[%run_scoped3A_35, %add3A_34] : memref<2x102400xf32, #tpu.memory_space<hbm>> -> memref<1x1600xf32, #tpu.memory_space<hbm>>
      %dma_start3A_154 = tpu.memref_squeeze %dma_start3A_153 : memref<1x1600xf32, #tpu.memory_space<hbm>> -> memref<1600xf32, #tpu.memory_space<hbm>>
      tpu.enqueue_dma source(%dma_start3A_154 : memref<1600xf32, #tpu.memory_space<hbm>>) target(%arg12 : memref<1600xf32, #tpu.memory_space<vmem>>) target_semaphore(%run_scoped3A_150 : memref<!tpu.dma_semaphore, #tpu.memory_space<semaphore_mem>>)
      %dma_wait3A_155 = tpu.memref_slice %arg5[%run_scoped3A_35, %add3A_34] : memref<2x102400xf32, #tpu.memory_space<hbm>> -> memref<1x1600xf32, #tpu.memory_space<hbm>>
      %dma_wait3A_156 = tpu.memref_squeeze %dma_wait3A_155 : memref<1x1600xf32, #tpu.memory_space<hbm>> -> memref<1600xf32, #tpu.memory_space<hbm>>
      %dma_wait3A_157 = tpu.memref_slice %arg5[%run_scoped3A_35, %add3A_34] : memref<2x102400xf32, #tpu.memory_space<hbm>> -> memref<1x1600xf32, #tpu.memory_space<hbm>>
      %dma_wait3A_158 = tpu.memref_squeeze %dma_wait3A_157 : memref<1x1600xf32, #tpu.memory_space<hbm>> -> memref<1600xf32, #tpu.memory_space<hbm>>
      tpu.wait_dma2 semaphore(%run_scoped3A_150 : memref<!tpu.dma_semaphore, #tpu.memory_space<semaphore_mem>>) src(%dma_wait3A_158 : memref<1600xf32, #tpu.memory_space<hbm>>) dst(%arg12 : memref<1600xf32, #tpu.memory_space<vmem>>)
      tpu.yield
    }) : () -> ()
    %run_scoped3A_36 = arith.constant 1 : i32
    "tpu.region"() ({
      %run_scoped3A_150 = tpu.sem_alloc : memref<!tpu.dma_semaphore, #tpu.memory_space<semaphore_mem>>
      %dma_start3A_151 = tpu.memref_slice %arg5[%run_scoped3A_36, %add3A_34] : memref<2x102400xf32, #tpu.memory_space<hbm>> -> memref<1x1600xf32, #tpu.memory_space<hbm>>
      %dma_start3A_152 = tpu.memref_squeeze %dma_start3A_151 : memref<1x1600xf32, #tpu.memory_space<hbm>> -> memref<1600xf32, #tpu.memory_space<hbm>>
      %dma_start3A_153 = tpu.memref_slice %arg5[%run_scoped3A_36, %add3A_34] : memref<2x102400xf32, #tpu.memory_space<hbm>> -> memref<1x1600xf32, #tpu.memory_space<hbm>>
      %dma_start3A_154 = tpu.memref_squeeze %dma_start3A_153 : memref<1x1600xf32, #tpu.memory_space<hbm>> -> memref<1600xf32, #tpu.memory_space<hbm>>
      tpu.enqueue_dma source(%dma_start3A_154 : memref<1600xf32, #tpu.memory_space<hbm>>) target(%arg13 : memref<1600xf32, #tpu.memory_space<vmem>>) target_semaphore(%run_scoped3A_150 : memref<!tpu.dma_semaphore, #tpu.memory_space<semaphore_mem>>)
      %dma_wait3A_155 = tpu.memref_slice %arg5[%run_scoped3A_36, %add3A_34] : memref<2x102400xf32, #tpu.memory_space<hbm>> -> memref<1x1600xf32, #tpu.memory_space<hbm>>
      %dma_wait3A_156 = tpu.memref_squeeze %dma_wait3A_155 : memref<1x1600xf32, #tpu.memory_space<hbm>> -> memref<1600xf32, #tpu.memory_space<hbm>>
      %dma_wait3A_157 = tpu.memref_slice %arg5[%run_scoped3A_36, %add3A_34] : memref<2x102400xf32, #tpu.memory_space<hbm>> -> memref<1x1600xf32, #tpu.memory_space<hbm>>
      %dma_wait3A_158 = tpu.memref_squeeze %dma_wait3A_157 : memref<1x1600xf32, #tpu.memory_space<hbm>> -> memref<1600xf32, #tpu.memory_space<hbm>>
      tpu.wait_dma2 semaphore(%run_scoped3A_150 : memref<!tpu.dma_semaphore, #tpu.memory_space<semaphore_mem>>) src(%dma_wait3A_158 : memref<1600xf32, #tpu.memory_space<hbm>>) dst(%arg13 : memref<1600xf32, #tpu.memory_space<vmem>>)
      tpu.yield
    }) : () -> ()
    %run_scoped3A_37 = arith.constant 0 : i32
    "tpu.region"() ({
      %run_scoped3A_150 = tpu.sem_alloc : memref<!tpu.dma_semaphore, #tpu.memory_space<semaphore_mem>>
      %dma_start3A_151 = tpu.memref_slice %arg4[%run_scoped3A_37, %add3A_34] : memref<2x102400xf32, #tpu.memory_space<hbm>> -> memref<1x1600xf32, #tpu.memory_space<hbm>>
      %dma_start3A_152 = tpu.memref_squeeze %dma_start3A_151 : memref<1x1600xf32, #tpu.memory_space<hbm>> -> memref<1600xf32, #tpu.memory_space<hbm>>
      %dma_start3A_153 = tpu.memref_slice %arg4[%run_scoped3A_37, %add3A_34] : memref<2x102400xf32, #tpu.memory_space<hbm>> -> memref<1x1600xf32, #tpu.memory_space<hbm>>
      %dma_start3A_154 = tpu.memref_squeeze %dma_start3A_153 : memref<1x1600xf32, #tpu.memory_space<hbm>> -> memref<1600xf32, #tpu.memory_space<hbm>>
      tpu.enqueue_dma source(%dma_start3A_154 : memref<1600xf32, #tpu.memory_space<hbm>>) target(%arg14 : memref<1600xf32, #tpu.memory_space<vmem>>) target_semaphore(%run_scoped3A_150 : memref<!tpu.dma_semaphore, #tpu.memory_space<semaphore_mem>>)
      %dma_wait3A_155 = tpu.memref_slice %arg4[%run_scoped3A_37, %add3A_34] : memref<2x102400xf32, #tpu.memory_space<hbm>> -> memref<1x1600xf32, #tpu.memory_space<hbm>>
      %dma_wait3A_156 = tpu.memref_squeeze %dma_wait3A_155 : memref<1x1600xf32, #tpu.memory_space<hbm>> -> memref<1600xf32, #tpu.memory_space<hbm>>
      %dma_wait3A_157 = tpu.memref_slice %arg4[%run_scoped3A_37, %add3A_34] : memref<2x102400xf32, #tpu.memory_space<hbm>> -> memref<1x1600xf32, #tpu.memory_space<hbm>>
      %dma_wait3A_158 = tpu.memref_squeeze %dma_wait3A_157 : memref<1x1600xf32, #tpu.memory_space<hbm>> -> memref<1600xf32, #tpu.memory_space<hbm>>
      tpu.wait_dma2 semaphore(%run_scoped3A_150 : memref<!tpu.dma_semaphore, #tpu.memory_space<semaphore_mem>>) src(%dma_wait3A_158 : memref<1600xf32, #tpu.memory_space<hbm>>) dst(%arg14 : memref<1600xf32, #tpu.memory_space<vmem>>)
      tpu.yield
    }) : () -> ()
    %run_scoped3A_38 = arith.constant 1 : i32
    "tpu.region"() ({
      %run_scoped3A_150 = tpu.sem_alloc : memref<!tpu.dma_semaphore, #tpu.memory_space<semaphore_mem>>
      %dma_start3A_151 = tpu.memref_slice %arg4[%run_scoped3A_38, %add3A_34] : memref<2x102400xf32, #tpu.memory_space<hbm>> -> memref<1x1600xf32, #tpu.memory_space<hbm>>
      %dma_start3A_152 = tpu.memref_squeeze %dma_start3A_151 : memref<1x1600xf32, #tpu.memory_space<hbm>> -> memref<1600xf32, #tpu.memory_space<hbm>>
      %dma_start3A_153 = tpu.memref_slice %arg4[%run_scoped3A_38, %add3A_34] : memref<2x102400xf32, #tpu.memory_space<hbm>> -> memref<1x1600xf32, #tpu.memory_space<hbm>>
      %dma_start3A_154 = tpu.memref_squeeze %dma_start3A_153 : memref<1x1600xf32, #tpu.memory_space<hbm>> -> memref<1600xf32, #tpu.memory_space<hbm>>
      tpu.enqueue_dma source(%dma_start3A_154 : memref<1600xf32, #tpu.memory_space<hbm>>) target(%arg15 : memref<1600xf32, #tpu.memory_space<vmem>>) target_semaphore(%run_scoped3A_150 : memref<!tpu.dma_semaphore, #tpu.memory_space<semaphore_mem>>)
      %dma_wait3A_155 = tpu.memref_slice %arg4[%run_scoped3A_38, %add3A_34] : memref<2x102400xf32, #tpu.memory_space<hbm>> -> memref<1x1600xf32, #tpu.memory_space<hbm>>
      %dma_wait3A_156 = tpu.memref_squeeze %dma_wait3A_155 : memref<1x1600xf32, #tpu.memory_space<hbm>> -> memref<1600xf32, #tpu.memory_space<hbm>>
      %dma_wait3A_157 = tpu.memref_slice %arg4[%run_scoped3A_38, %add3A_34] : memref<2x102400xf32, #tpu.memory_space<hbm>> -> memref<1x1600xf32, #tpu.memory_space<hbm>>
      %dma_wait3A_158 = tpu.memref_squeeze %dma_wait3A_157 : memref<1x1600xf32, #tpu.memory_space<hbm>> -> memref<1600xf32, #tpu.memory_space<hbm>>
      tpu.wait_dma2 semaphore(%run_scoped3A_150 : memref<!tpu.dma_semaphore, #tpu.memory_space<semaphore_mem>>) src(%dma_wait3A_158 : memref<1600xf32, #tpu.memory_space<hbm>>) dst(%arg15 : memref<1600xf32, #tpu.memory_space<vmem>>)
      tpu.yield
    }) : () -> ()
    %scan3A_39 = arith.constant 0 : i32
    %scan3A_40 = arith.constant 0 : i32
    %scan3A_41 = arith.constant 100 : i32
    %scan3A_42 = arith.addi %scan3A_40, %scan3A_41 : i32
    %scan3A_43 = arith.constant 1 : i32
    scf.for %scan3A_150 = %scan3A_40 to %scan3A_42 step %scan3A_43  : i32 {
      %mul3A_151 = arith.constant 16 : i32
      %mul3A_152 = arith.muli %scan3A_150, %mul3A_151 : i32
      %get3A = arith.index_cast %mul3A_152 : i32 to index
      %get3A_153 = tpu.vector_load %arg12[%get3A] {strides = array<i32>} : memref<1600xf32, #tpu.memory_space<vmem>>, vector<16xf32>,
      %get3A_154 = arith.index_cast %mul3A_152 : i32 to index
      %get3A_155 = tpu.vector_load %arg13[%get3A_154] {strides = array<i32>} : memref<1600xf32, #tpu.memory_space<vmem>>, vector<16xf32>,
      %add3A_156 = arith.addf %get3A_153, %get3A_155 : vector<16xf32>
      %max3A = arith.constant 1.000000e+00 : f32
      %max3A_157 = vector.broadcast %max3A : f32 to vector<16xf32>
      %max3A_158 = arith.maximumf %add3A_156, %max3A_157 : vector<16xf32>
      %bitcast3A = vector.bitcast %max3A_158 : vector<16xf32> to vector<16xi32>
      %shift_right_logical3A = arith.constant 1 : i32
      %shift_right_logical3A_159 = vector.broadcast %shift_right_logical3A : i32 to vector<16xi32>
      %shift_right_logical3A_160 = arith.shrui %bitcast3A, %shift_right_logical3A_159 : vector<16xi32>
      %sub3A = arith.constant 1597463007 : i32
      %sub3A_161 = vector.broadcast %sub3A : i32 to vector<16xi32>
      %sub3A_162 = arith.subi %sub3A_161, %shift_right_logical3A_160 : vector<16xi32>
      %bitcast3A_163 = vector.bitcast %sub3A_162 : vector<16xi32> to vector<16xf32>
      %mul3A_164 = arith.constant 5.000000e-01 : f32
      %mul3A_165 = vector.broadcast %mul3A_164 : f32 to vector<16xf32>
      %mul3A_166 = arith.mulf %mul3A_165, %max3A_158 : vector<16xf32>
      %mul3A_167 = arith.mulf %mul3A_166, %bitcast3A_163 : vector<16xf32>
      %mul3A_168 = arith.mulf %mul3A_167, %bitcast3A_163 : vector<16xf32>
      %sub3A_169 = arith.constant 1.500000e+00 : f32
      %sub3A_170 = vector.broadcast %sub3A_169 : f32 to vector<16xf32>
      %sub3A_171 = arith.subf %sub3A_170, %mul3A_168 : vector<16xf32>
      %mul3A_172 = arith.mulf %bitcast3A_163, %sub3A_171 : vector<16xf32>
      %mul3A_173 = arith.constant 5.000000e-01 : f32
      %mul3A_174 = vector.broadcast %mul3A_173 : f32 to vector<16xf32>
      %mul3A_175 = arith.mulf %mul3A_174, %max3A_158 : vector<16xf32>
      %mul3A_176 = arith.mulf %mul3A_175, %mul3A_172 : vector<16xf32>
      %mul3A_177 = arith.mulf %mul3A_176, %mul3A_172 : vector<16xf32>
      %sub3A_178 = arith.constant 1.500000e+00 : f32
      %sub3A_179 = vector.broadcast %sub3A_178 : f32 to vector<16xf32>
      %sub3A_180 = arith.subf %sub3A_179, %mul3A_177 : vector<16xf32>
      %mul3A_181 = arith.mulf %mul3A_172, %sub3A_180 : vector<16xf32>
      %mul3A_182 = arith.constant 5.000000e-01 : f32
      %mul3A_183 = vector.broadcast %mul3A_182 : f32 to vector<16xf32>
      %mul3A_184 = arith.mulf %mul3A_183, %max3A_158 : vector<16xf32>
      %mul3A_185 = arith.mulf %mul3A_184, %mul3A_181 : vector<16xf32>
      %mul3A_186 = arith.mulf %mul3A_185, %mul3A_181 : vector<16xf32>
      %sub3A_187 = arith.constant 1.500000e+00 : f32
      %sub3A_188 = vector.broadcast %sub3A_187 : f32 to vector<16xf32>
      %sub3A_189 = arith.subf %sub3A_188, %mul3A_186 : vector<16xf32>
      %mul3A_190 = arith.mulf %mul3A_181, %sub3A_189 : vector<16xf32>
      %get3A_191 = arith.index_cast %mul3A_152 : i32 to index
      %get3A_192 = tpu.vector_load %arg14[%get3A_191] {strides = array<i32>} : memref<1600xf32, #tpu.memory_space<vmem>>, vector<16xf32>,
      %mul3A_193 = arith.mulf %get3A_192, %mul3A_190 : vector<16xf32>
      %swap3A = arith.index_cast %mul3A_152 : i32 to index
      %swap3A_194 = tpu.vector_load %arg16[%swap3A] {strides = array<i32>} : memref<1600xf32, #tpu.memory_space<vmem>>, vector<16xf32>,
      tpu.vector_store %arg16[%swap3A], %mul3A_193 {strides = array<i32>} : memref<1600xf32, #tpu.memory_space<vmem>>, vector<16xf32>,
      %get3A_195 = arith.index_cast %mul3A_152 : i32 to index
      %get3A_196 = tpu.vector_load %arg15[%get3A_195] {strides = array<i32>} : memref<1600xf32, #tpu.memory_space<vmem>>, vector<16xf32>,
      %mul3A_197 = arith.mulf %get3A_196, %mul3A_190 : vector<16xf32>
      %swap3A_198 = arith.index_cast %mul3A_152 : i32 to index
      %swap3A_199 = tpu.vector_load %arg17[%swap3A_198] {strides = array<i32>} : memref<1600xf32, #tpu.memory_space<vmem>>, vector<16xf32>,
      tpu.vector_store %arg17[%swap3A_198], %mul3A_197 {strides = array<i32>} : memref<1600xf32, #tpu.memory_space<vmem>>, vector<16xf32>,
    }
    %scan3A_44 = arith.constant 100 : i32
    "tpu.region"() ({
      %run_scoped3A_150 = tpu.sem_alloc : memref<!tpu.dma_semaphore, #tpu.memory_space<semaphore_mem>>
      %dma_start3A_151 = tpu.memref_slice %arg20[%add3A_34] : memref<102400xf32, #tpu.memory_space<vmem_shared>> -> memref<1600xf32, #tpu.memory_space<vmem_shared>>
      %dma_start3A_152 = tpu.memref_slice %arg20[%add3A_34] : memref<102400xf32, #tpu.memory_space<vmem_shared>> -> memref<1600xf32, #tpu.memory_space<vmem_shared>>
      tpu.enqueue_dma source(%arg16 : memref<1600xf32, #tpu.memory_space<vmem>>) target(%dma_start3A_152 : memref<1600xf32, #tpu.memory_space<vmem_shared>>) target_semaphore(%run_scoped3A_150 : memref<!tpu.dma_semaphore, #tpu.memory_space<semaphore_mem>>)
      %dma_wait3A_153 = tpu.memref_slice %arg20[%add3A_34] : memref<102400xf32, #tpu.memory_space<vmem_shared>> -> memref<1600xf32, #tpu.memory_space<vmem_shared>>
      %dma_wait3A_154 = tpu.memref_slice %arg20[%add3A_34] : memref<102400xf32, #tpu.memory_space<vmem_shared>> -> memref<1600xf32, #tpu.memory_space<vmem_shared>>
      tpu.wait_dma2 semaphore(%run_scoped3A_150 : memref<!tpu.dma_semaphore, #tpu.memory_space<semaphore_mem>>) src(%arg16 : memref<1600xf32, #tpu.memory_space<vmem>>) dst(%dma_wait3A_154 : memref<1600xf32, #tpu.memory_space<vmem_shared>>)
      tpu.yield
    }) : () -> ()
    "tpu.region"() ({
      %run_scoped3A_150 = tpu.sem_alloc : memref<!tpu.dma_semaphore, #tpu.memory_space<semaphore_mem>>
      %dma_start3A_151 = tpu.memref_slice %arg21[%add3A_34] : memref<102400xf32, #tpu.memory_space<vmem_shared>> -> memref<1600xf32, #tpu.memory_space<vmem_shared>>
      %dma_start3A_152 = tpu.memref_slice %arg21[%add3A_34] : memref<102400xf32, #tpu.memory_space<vmem_shared>> -> memref<1600xf32, #tpu.memory_space<vmem_shared>>
      tpu.enqueue_dma source(%arg17 : memref<1600xf32, #tpu.memory_space<vmem>>) target(%dma_start3A_152 : memref<1600xf32, #tpu.memory_space<vmem_shared>>) target_semaphore(%run_scoped3A_150 : memref<!tpu.dma_semaphore, #tpu.memory_space<semaphore_mem>>)
      %dma_wait3A_153 = tpu.memref_slice %arg21[%add3A_34] : memref<102400xf32, #tpu.memory_space<vmem_shared>> -> memref<1600xf32, #tpu.memory_space<vmem_shared>>
      %dma_wait3A_154 = tpu.memref_slice %arg21[%add3A_34] : memref<102400xf32, #tpu.memory_space<vmem_shared>> -> memref<1600xf32, #tpu.memory_space<vmem_shared>>
      tpu.wait_dma2 semaphore(%run_scoped3A_150 : memref<!tpu.dma_semaphore, #tpu.memory_space<semaphore_mem>>) src(%arg17 : memref<1600xf32, #tpu.memory_space<vmem>>) dst(%dma_wait3A_154 : memref<1600xf32, #tpu.memory_space<vmem_shared>>)
      tpu.yield
    }) : () -> ()
    %mul3A_45 = arith.constant 6400 : i32
    %mul3A_46 = arith.muli %arg1, %mul3A_45 : i32
    %add3A_47 = arith.constant 4800 : i32
    %add3A_48 = arith.addi %mul3A_46, %add3A_47 : i32
    %run_scoped3A_49 = arith.constant 0 : i32
    "tpu.region"() ({
      %run_scoped3A_150 = tpu.sem_alloc : memref<!tpu.dma_semaphore, #tpu.memory_space<semaphore_mem>>
      %dma_start3A_151 = tpu.memref_slice %arg5[%run_scoped3A_49, %add3A_48] : memref<2x102400xf32, #tpu.memory_space<hbm>> -> memref<1x1600xf32, #tpu.memory_space<hbm>>
      %dma_start3A_152 = tpu.memref_squeeze %dma_start3A_151 : memref<1x1600xf32, #tpu.memory_space<hbm>> -> memref<1600xf32, #tpu.memory_space<hbm>>
      %dma_start3A_153 = tpu.memref_slice %arg5[%run_scoped3A_49, %add3A_48] : memref<2x102400xf32, #tpu.memory_space<hbm>> -> memref<1x1600xf32, #tpu.memory_space<hbm>>
      %dma_start3A_154 = tpu.memref_squeeze %dma_start3A_153 : memref<1x1600xf32, #tpu.memory_space<hbm>> -> memref<1600xf32, #tpu.memory_space<hbm>>
      tpu.enqueue_dma source(%dma_start3A_154 : memref<1600xf32, #tpu.memory_space<hbm>>) target(%arg12 : memref<1600xf32, #tpu.memory_space<vmem>>) target_semaphore(%run_scoped3A_150 : memref<!tpu.dma_semaphore, #tpu.memory_space<semaphore_mem>>)
      %dma_wait3A_155 = tpu.memref_slice %arg5[%run_scoped3A_49, %add3A_48] : memref<2x102400xf32, #tpu.memory_space<hbm>> -> memref<1x1600xf32, #tpu.memory_space<hbm>>
      %dma_wait3A_156 = tpu.memref_squeeze %dma_wait3A_155 : memref<1x1600xf32, #tpu.memory_space<hbm>> -> memref<1600xf32, #tpu.memory_space<hbm>>
      %dma_wait3A_157 = tpu.memref_slice %arg5[%run_scoped3A_49, %add3A_48] : memref<2x102400xf32, #tpu.memory_space<hbm>> -> memref<1x1600xf32, #tpu.memory_space<hbm>>
      %dma_wait3A_158 = tpu.memref_squeeze %dma_wait3A_157 : memref<1x1600xf32, #tpu.memory_space<hbm>> -> memref<1600xf32, #tpu.memory_space<hbm>>
      tpu.wait_dma2 semaphore(%run_scoped3A_150 : memref<!tpu.dma_semaphore, #tpu.memory_space<semaphore_mem>>) src(%dma_wait3A_158 : memref<1600xf32, #tpu.memory_space<hbm>>) dst(%arg12 : memref<1600xf32, #tpu.memory_space<vmem>>)
      tpu.yield
    }) : () -> ()
    %run_scoped3A_50 = arith.constant 1 : i32
    "tpu.region"() ({
      %run_scoped3A_150 = tpu.sem_alloc : memref<!tpu.dma_semaphore, #tpu.memory_space<semaphore_mem>>
      %dma_start3A_151 = tpu.memref_slice %arg5[%run_scoped3A_50, %add3A_48] : memref<2x102400xf32, #tpu.memory_space<hbm>> -> memref<1x1600xf32, #tpu.memory_space<hbm>>
      %dma_start3A_152 = tpu.memref_squeeze %dma_start3A_151 : memref<1x1600xf32, #tpu.memory_space<hbm>> -> memref<1600xf32, #tpu.memory_space<hbm>>
      %dma_start3A_153 = tpu.memref_slice %arg5[%run_scoped3A_50, %add3A_48] : memref<2x102400xf32, #tpu.memory_space<hbm>> -> memref<1x1600xf32, #tpu.memory_space<hbm>>
      %dma_start3A_154 = tpu.memref_squeeze %dma_start3A_153 : memref<1x1600xf32, #tpu.memory_space<hbm>> -> memref<1600xf32, #tpu.memory_space<hbm>>
      tpu.enqueue_dma source(%dma_start3A_154 : memref<1600xf32, #tpu.memory_space<hbm>>) target(%arg13 : memref<1600xf32, #tpu.memory_space<vmem>>) target_semaphore(%run_scoped3A_150 : memref<!tpu.dma_semaphore, #tpu.memory_space<semaphore_mem>>)
      %dma_wait3A_155 = tpu.memref_slice %arg5[%run_scoped3A_50, %add3A_48] : memref<2x102400xf32, #tpu.memory_space<hbm>> -> memref<1x1600xf32, #tpu.memory_space<hbm>>
      %dma_wait3A_156 = tpu.memref_squeeze %dma_wait3A_155 : memref<1x1600xf32, #tpu.memory_space<hbm>> -> memref<1600xf32, #tpu.memory_space<hbm>>
      %dma_wait3A_157 = tpu.memref_slice %arg5[%run_scoped3A_50, %add3A_48] : memref<2x102400xf32, #tpu.memory_space<hbm>> -> memref<1x1600xf32, #tpu.memory_space<hbm>>
      %dma_wait3A_158 = tpu.memref_squeeze %dma_wait3A_157 : memref<1x1600xf32, #tpu.memory_space<hbm>> -> memref<1600xf32, #tpu.memory_space<hbm>>
      tpu.wait_dma2 semaphore(%run_scoped3A_150 : memref<!tpu.dma_semaphore, #tpu.memory_space<semaphore_mem>>) src(%dma_wait3A_158 : memref<1600xf32, #tpu.memory_space<hbm>>) dst(%arg13 : memref<1600xf32, #tpu.memory_space<vmem>>)
      tpu.yield
    }) : () -> ()
    %run_scoped3A_51 = arith.constant 0 : i32
    "tpu.region"() ({
      %run_scoped3A_150 = tpu.sem_alloc : memref<!tpu.dma_semaphore, #tpu.memory_space<semaphore_mem>>
      %dma_start3A_151 = tpu.memref_slice %arg4[%run_scoped3A_51, %add3A_48] : memref<2x102400xf32, #tpu.memory_space<hbm>> -> memref<1x1600xf32, #tpu.memory_space<hbm>>
      %dma_start3A_152 = tpu.memref_squeeze %dma_start3A_151 : memref<1x1600xf32, #tpu.memory_space<hbm>> -> memref<1600xf32, #tpu.memory_space<hbm>>
      %dma_start3A_153 = tpu.memref_slice %arg4[%run_scoped3A_51, %add3A_48] : memref<2x102400xf32, #tpu.memory_space<hbm>> -> memref<1x1600xf32, #tpu.memory_space<hbm>>
      %dma_start3A_154 = tpu.memref_squeeze %dma_start3A_153 : memref<1x1600xf32, #tpu.memory_space<hbm>> -> memref<1600xf32, #tpu.memory_space<hbm>>
      tpu.enqueue_dma source(%dma_start3A_154 : memref<1600xf32, #tpu.memory_space<hbm>>) target(%arg14 : memref<1600xf32, #tpu.memory_space<vmem>>) target_semaphore(%run_scoped3A_150 : memref<!tpu.dma_semaphore, #tpu.memory_space<semaphore_mem>>)
      %dma_wait3A_155 = tpu.memref_slice %arg4[%run_scoped3A_51, %add3A_48] : memref<2x102400xf32, #tpu.memory_space<hbm>> -> memref<1x1600xf32, #tpu.memory_space<hbm>>
      %dma_wait3A_156 = tpu.memref_squeeze %dma_wait3A_155 : memref<1x1600xf32, #tpu.memory_space<hbm>> -> memref<1600xf32, #tpu.memory_space<hbm>>
      %dma_wait3A_157 = tpu.memref_slice %arg4[%run_scoped3A_51, %add3A_48] : memref<2x102400xf32, #tpu.memory_space<hbm>> -> memref<1x1600xf32, #tpu.memory_space<hbm>>
      %dma_wait3A_158 = tpu.memref_squeeze %dma_wait3A_157 : memref<1x1600xf32, #tpu.memory_space<hbm>> -> memref<1600xf32, #tpu.memory_space<hbm>>
      tpu.wait_dma2 semaphore(%run_scoped3A_150 : memref<!tpu.dma_semaphore, #tpu.memory_space<semaphore_mem>>) src(%dma_wait3A_158 : memref<1600xf32, #tpu.memory_space<hbm>>) dst(%arg14 : memref<1600xf32, #tpu.memory_space<vmem>>)
      tpu.yield
    }) : () -> ()
    %run_scoped3A_52 = arith.constant 1 : i32
    "tpu.region"() ({
      %run_scoped3A_150 = tpu.sem_alloc : memref<!tpu.dma_semaphore, #tpu.memory_space<semaphore_mem>>
      %dma_start3A_151 = tpu.memref_slice %arg4[%run_scoped3A_52, %add3A_48] : memref<2x102400xf32, #tpu.memory_space<hbm>> -> memref<1x1600xf32, #tpu.memory_space<hbm>>
      %dma_start3A_152 = tpu.memref_squeeze %dma_start3A_151 : memref<1x1600xf32, #tpu.memory_space<hbm>> -> memref<1600xf32, #tpu.memory_space<hbm>>
      %dma_start3A_153 = tpu.memref_slice %arg4[%run_scoped3A_52, %add3A_48] : memref<2x102400xf32, #tpu.memory_space<hbm>> -> memref<1x1600xf32, #tpu.memory_space<hbm>>
      %dma_start3A_154 = tpu.memref_squeeze %dma_start3A_153 : memref<1x1600xf32, #tpu.memory_space<hbm>> -> memref<1600xf32, #tpu.memory_space<hbm>>
      tpu.enqueue_dma source(%dma_start3A_154 : memref<1600xf32, #tpu.memory_space<hbm>>) target(%arg15 : memref<1600xf32, #tpu.memory_space<vmem>>) target_semaphore(%run_scoped3A_150 : memref<!tpu.dma_semaphore, #tpu.memory_space<semaphore_mem>>)
      %dma_wait3A_155 = tpu.memref_slice %arg4[%run_scoped3A_52, %add3A_48] : memref<2x102400xf32, #tpu.memory_space<hbm>> -> memref<1x1600xf32, #tpu.memory_space<hbm>>
      %dma_wait3A_156 = tpu.memref_squeeze %dma_wait3A_155 : memref<1x1600xf32, #tpu.memory_space<hbm>> -> memref<1600xf32, #tpu.memory_space<hbm>>
      %dma_wait3A_157 = tpu.memref_slice %arg4[%run_scoped3A_52, %add3A_48] : memref<2x102400xf32, #tpu.memory_space<hbm>> -> memref<1x1600xf32, #tpu.memory_space<hbm>>
      %dma_wait3A_158 = tpu.memref_squeeze %dma_wait3A_157 : memref<1x1600xf32, #tpu.memory_space<hbm>> -> memref<1600xf32, #tpu.memory_space<hbm>>
      tpu.wait_dma2 semaphore(%run_scoped3A_150 : memref<!tpu.dma_semaphore, #tpu.memory_space<semaphore_mem>>) src(%dma_wait3A_158 : memref<1600xf32, #tpu.memory_space<hbm>>) dst(%arg15 : memref<1600xf32, #tpu.memory_space<vmem>>)
      tpu.yield
    }) : () -> ()
    %scan3A_53 = arith.constant 0 : i32
    %scan3A_54 = arith.constant 0 : i32
    %scan3A_55 = arith.constant 100 : i32
    %scan3A_56 = arith.addi %scan3A_54, %scan3A_55 : i32
    %scan3A_57 = arith.constant 1 : i32
    scf.for %scan3A_150 = %scan3A_54 to %scan3A_56 step %scan3A_57  : i32 {
      %mul3A_151 = arith.constant 16 : i32
      %mul3A_152 = arith.muli %scan3A_150, %mul3A_151 : i32
      %get3A = arith.index_cast %mul3A_152 : i32 to index
      %get3A_153 = tpu.vector_load %arg12[%get3A] {strides = array<i32>} : memref<1600xf32, #tpu.memory_space<vmem>>, vector<16xf32>,
      %get3A_154 = arith.index_cast %mul3A_152 : i32 to index
      %get3A_155 = tpu.vector_load %arg13[%get3A_154] {strides = array<i32>} : memref<1600xf32, #tpu.memory_space<vmem>>, vector<16xf32>,
      %add3A_156 = arith.addf %get3A_153, %get3A_155 : vector<16xf32>
      %max3A = arith.constant 1.000000e+00 : f32
      %max3A_157 = vector.broadcast %max3A : f32 to vector<16xf32>
      %max3A_158 = arith.maximumf %add3A_156, %max3A_157 : vector<16xf32>
      %bitcast3A = vector.bitcast %max3A_158 : vector<16xf32> to vector<16xi32>
      %shift_right_logical3A = arith.constant 1 : i32
      %shift_right_logical3A_159 = vector.broadcast %shift_right_logical3A : i32 to vector<16xi32>
      %shift_right_logical3A_160 = arith.shrui %bitcast3A, %shift_right_logical3A_159 : vector<16xi32>
      %sub3A = arith.constant 1597463007 : i32
      %sub3A_161 = vector.broadcast %sub3A : i32 to vector<16xi32>
      %sub3A_162 = arith.subi %sub3A_161, %shift_right_logical3A_160 : vector<16xi32>
      %bitcast3A_163 = vector.bitcast %sub3A_162 : vector<16xi32> to vector<16xf32>
      %mul3A_164 = arith.constant 5.000000e-01 : f32
      %mul3A_165 = vector.broadcast %mul3A_164 : f32 to vector<16xf32>
      %mul3A_166 = arith.mulf %mul3A_165, %max3A_158 : vector<16xf32>
      %mul3A_167 = arith.mulf %mul3A_166, %bitcast3A_163 : vector<16xf32>
      %mul3A_168 = arith.mulf %mul3A_167, %bitcast3A_163 : vector<16xf32>
      %sub3A_169 = arith.constant 1.500000e+00 : f32
      %sub3A_170 = vector.broadcast %sub3A_169 : f32 to vector<16xf32>
      %sub3A_171 = arith.subf %sub3A_170, %mul3A_168 : vector<16xf32>
      %mul3A_172 = arith.mulf %bitcast3A_163, %sub3A_171 : vector<16xf32>
      %mul3A_173 = arith.constant 5.000000e-01 : f32
      %mul3A_174 = vector.broadcast %mul3A_173 : f32 to vector<16xf32>
      %mul3A_175 = arith.mulf %mul3A_174, %max3A_158 : vector<16xf32>
      %mul3A_176 = arith.mulf %mul3A_175, %mul3A_172 : vector<16xf32>
      %mul3A_177 = arith.mulf %mul3A_176, %mul3A_172 : vector<16xf32>
      %sub3A_178 = arith.constant 1.500000e+00 : f32
      %sub3A_179 = vector.broadcast %sub3A_178 : f32 to vector<16xf32>
      %sub3A_180 = arith.subf %sub3A_179, %mul3A_177 : vector<16xf32>
      %mul3A_181 = arith.mulf %mul3A_172, %sub3A_180 : vector<16xf32>
      %mul3A_182 = arith.constant 5.000000e-01 : f32
      %mul3A_183 = vector.broadcast %mul3A_182 : f32 to vector<16xf32>
      %mul3A_184 = arith.mulf %mul3A_183, %max3A_158 : vector<16xf32>
      %mul3A_185 = arith.mulf %mul3A_184, %mul3A_181 : vector<16xf32>
      %mul3A_186 = arith.mulf %mul3A_185, %mul3A_181 : vector<16xf32>
      %sub3A_187 = arith.constant 1.500000e+00 : f32
      %sub3A_188 = vector.broadcast %sub3A_187 : f32 to vector<16xf32>
      %sub3A_189 = arith.subf %sub3A_188, %mul3A_186 : vector<16xf32>
      %mul3A_190 = arith.mulf %mul3A_181, %sub3A_189 : vector<16xf32>
      %get3A_191 = arith.index_cast %mul3A_152 : i32 to index
      %get3A_192 = tpu.vector_load %arg14[%get3A_191] {strides = array<i32>} : memref<1600xf32, #tpu.memory_space<vmem>>, vector<16xf32>,
      %mul3A_193 = arith.mulf %get3A_192, %mul3A_190 : vector<16xf32>
      %swap3A = arith.index_cast %mul3A_152 : i32 to index
      %swap3A_194 = tpu.vector_load %arg16[%swap3A] {strides = array<i32>} : memref<1600xf32, #tpu.memory_space<vmem>>, vector<16xf32>,
      tpu.vector_store %arg16[%swap3A], %mul3A_193 {strides = array<i32>} : memref<1600xf32, #tpu.memory_space<vmem>>, vector<16xf32>,
      %get3A_195 = arith.index_cast %mul3A_152 : i32 to index
      %get3A_196 = tpu.vector_load %arg15[%get3A_195] {strides = array<i32>} : memref<1600xf32, #tpu.memory_space<vmem>>, vector<16xf32>,
      %mul3A_197 = arith.mulf %get3A_196, %mul3A_190 : vector<16xf32>
      %swap3A_198 = arith.index_cast %mul3A_152 : i32 to index
      %swap3A_199 = tpu.vector_load %arg17[%swap3A_198] {strides = array<i32>} : memref<1600xf32, #tpu.memory_space<vmem>>, vector<16xf32>,
      tpu.vector_store %arg17[%swap3A_198], %mul3A_197 {strides = array<i32>} : memref<1600xf32, #tpu.memory_space<vmem>>, vector<16xf32>,
    }
    %scan3A_58 = arith.constant 100 : i32
    "tpu.region"() ({
      %run_scoped3A_150 = tpu.sem_alloc : memref<!tpu.dma_semaphore, #tpu.memory_space<semaphore_mem>>
      %dma_start3A_151 = tpu.memref_slice %arg20[%add3A_48] : memref<102400xf32, #tpu.memory_space<vmem_shared>> -> memref<1600xf32, #tpu.memory_space<vmem_shared>>
      %dma_start3A_152 = tpu.memref_slice %arg20[%add3A_48] : memref<102400xf32, #tpu.memory_space<vmem_shared>> -> memref<1600xf32, #tpu.memory_space<vmem_shared>>
      tpu.enqueue_dma source(%arg16 : memref<1600xf32, #tpu.memory_space<vmem>>) target(%dma_start3A_152 : memref<1600xf32, #tpu.memory_space<vmem_shared>>) target_semaphore(%run_scoped3A_150 : memref<!tpu.dma_semaphore, #tpu.memory_space<semaphore_mem>>)
      %dma_wait3A_153 = tpu.memref_slice %arg20[%add3A_48] : memref<102400xf32, #tpu.memory_space<vmem_shared>> -> memref<1600xf32, #tpu.memory_space<vmem_shared>>
      %dma_wait3A_154 = tpu.memref_slice %arg20[%add3A_48] : memref<102400xf32, #tpu.memory_space<vmem_shared>> -> memref<1600xf32, #tpu.memory_space<vmem_shared>>
      tpu.wait_dma2 semaphore(%run_scoped3A_150 : memref<!tpu.dma_semaphore, #tpu.memory_space<semaphore_mem>>) src(%arg16 : memref<1600xf32, #tpu.memory_space<vmem>>) dst(%dma_wait3A_154 : memref<1600xf32, #tpu.memory_space<vmem_shared>>)
      tpu.yield
    }) : () -> ()
    "tpu.region"() ({
      %run_scoped3A_150 = tpu.sem_alloc : memref<!tpu.dma_semaphore, #tpu.memory_space<semaphore_mem>>
      %dma_start3A_151 = tpu.memref_slice %arg21[%add3A_48] : memref<102400xf32, #tpu.memory_space<vmem_shared>> -> memref<1600xf32, #tpu.memory_space<vmem_shared>>
      %dma_start3A_152 = tpu.memref_slice %arg21[%add3A_48] : memref<102400xf32, #tpu.memory_space<vmem_shared>> -> memref<1600xf32, #tpu.memory_space<vmem_shared>>
      tpu.enqueue_dma source(%arg17 : memref<1600xf32, #tpu.memory_space<vmem>>) target(%dma_start3A_152 : memref<1600xf32, #tpu.memory_space<vmem_shared>>) target_semaphore(%run_scoped3A_150 : memref<!tpu.dma_semaphore, #tpu.memory_space<semaphore_mem>>)
      %dma_wait3A_153 = tpu.memref_slice %arg21[%add3A_48] : memref<102400xf32, #tpu.memory_space<vmem_shared>> -> memref<1600xf32, #tpu.memory_space<vmem_shared>>
      %dma_wait3A_154 = tpu.memref_slice %arg21[%add3A_48] : memref<102400xf32, #tpu.memory_space<vmem_shared>> -> memref<1600xf32, #tpu.memory_space<vmem_shared>>
      tpu.wait_dma2 semaphore(%run_scoped3A_150 : memref<!tpu.dma_semaphore, #tpu.memory_space<semaphore_mem>>) src(%arg17 : memref<1600xf32, #tpu.memory_space<vmem>>) dst(%dma_wait3A_154 : memref<1600xf32, #tpu.memory_space<vmem_shared>>)
      tpu.yield
    }) : () -> ()
    %barrier3A = arith.constant 0 : index
    tpu.barrier barrier_id(%barrier3A)
    %add3A_59 = arith.constant 0 : i32
    %add3A_60 = arith.addi %mul3A_2, %add3A_59 : i32
    %dma_start3A = arith.constant 0 : i32
    %dma_start3A_61 = arith.constant 0 : i32
    %dma_start3A_62 = tpu.memref_slice %arg8[%dma_start3A, %dma_start3A_61] : memref<4x5000xi32, #tpu.memory_space<vmem>> -> memref<1x5000xi32, #tpu.memory_space<vmem>>
    %dma_start3A_63 = tpu.memref_squeeze %dma_start3A_62 : memref<1x5000xi32, #tpu.memory_space<vmem>> -> memref<5000xi32, #tpu.memory_space<vmem>>
    %dma_start3A_64 = tpu.memref_slice %arg2[%add3A_60] : memref<6400000xi32, #tpu.memory_space<hbm>> -> memref<5000xi32, #tpu.memory_space<hbm>>
    %dma_start3A_65 = arith.constant 0 : i32
    %dma_start3A_66 = tpu.memref_slice %arg8[%dma_start3A, %dma_start3A_65] : memref<4x5000xi32, #tpu.memory_space<vmem>> -> memref<1x5000xi32, #tpu.memory_space<vmem>>
    %dma_start3A_67 = tpu.memref_squeeze %dma_start3A_66 : memref<1x5000xi32, #tpu.memory_space<vmem>> -> memref<5000xi32, #tpu.memory_space<vmem>>
    %dma_start3A_68 = tpu.memref_slice %arg2[%add3A_60] : memref<6400000xi32, #tpu.memory_space<hbm>> -> memref<5000xi32, #tpu.memory_space<hbm>>
    tpu.enqueue_dma source(%dma_start3A_68 : memref<5000xi32, #tpu.memory_space<hbm>>) target(%dma_start3A_67 : memref<5000xi32, #tpu.memory_space<vmem>>) target_semaphore(%arg22 : memref<!tpu.dma_semaphore, #tpu.memory_space<semaphore_mem>>)
    %add3A_69 = arith.constant 0 : i32
    %add3A_70 = arith.addi %mul3A_2, %add3A_69 : i32
    %dma_start3A_71 = arith.constant 0 : i32
    %dma_start3A_72 = arith.constant 0 : i32
    %dma_start3A_73 = tpu.memref_slice %arg9[%dma_start3A_71, %dma_start3A_72] : memref<4x5000xi32, #tpu.memory_space<vmem>> -> memref<1x5000xi32, #tpu.memory_space<vmem>>
    %dma_start3A_74 = tpu.memref_squeeze %dma_start3A_73 : memref<1x5000xi32, #tpu.memory_space<vmem>> -> memref<5000xi32, #tpu.memory_space<vmem>>
    %dma_start3A_75 = tpu.memref_slice %arg3[%add3A_70] : memref<6400000xi32, #tpu.memory_space<hbm>> -> memref<5000xi32, #tpu.memory_space<hbm>>
    %dma_start3A_76 = arith.constant 0 : i32
    %dma_start3A_77 = tpu.memref_slice %arg9[%dma_start3A_71, %dma_start3A_76] : memref<4x5000xi32, #tpu.memory_space<vmem>> -> memref<1x5000xi32, #tpu.memory_space<vmem>>
    %dma_start3A_78 = tpu.memref_squeeze %dma_start3A_77 : memref<1x5000xi32, #tpu.memory_space<vmem>> -> memref<5000xi32, #tpu.memory_space<vmem>>
    %dma_start3A_79 = tpu.memref_slice %arg3[%add3A_70] : memref<6400000xi32, #tpu.memory_space<hbm>> -> memref<5000xi32, #tpu.memory_space<hbm>>
    tpu.enqueue_dma source(%dma_start3A_79 : memref<5000xi32, #tpu.memory_space<hbm>>) target(%dma_start3A_78 : memref<5000xi32, #tpu.memory_space<vmem>>) target_semaphore(%arg22 : memref<!tpu.dma_semaphore, #tpu.memory_space<semaphore_mem>>)
    %add3A_80 = arith.constant 5000 : i32
    %add3A_81 = arith.addi %mul3A_2, %add3A_80 : i32
    %dma_start3A_82 = arith.constant 1 : i32
    %dma_start3A_83 = arith.constant 0 : i32
    %dma_start3A_84 = tpu.memref_slice %arg8[%dma_start3A_82, %dma_start3A_83] : memref<4x5000xi32, #tpu.memory_space<vmem>> -> memref<1x5000xi32, #tpu.memory_space<vmem>>
    %dma_start3A_85 = tpu.memref_squeeze %dma_start3A_84 : memref<1x5000xi32, #tpu.memory_space<vmem>> -> memref<5000xi32, #tpu.memory_space<vmem>>
    %dma_start3A_86 = tpu.memref_slice %arg2[%add3A_81] : memref<6400000xi32, #tpu.memory_space<hbm>> -> memref<5000xi32, #tpu.memory_space<hbm>>
    %dma_start3A_87 = arith.constant 0 : i32
    %dma_start3A_88 = tpu.memref_slice %arg8[%dma_start3A_82, %dma_start3A_87] : memref<4x5000xi32, #tpu.memory_space<vmem>> -> memref<1x5000xi32, #tpu.memory_space<vmem>>
    %dma_start3A_89 = tpu.memref_squeeze %dma_start3A_88 : memref<1x5000xi32, #tpu.memory_space<vmem>> -> memref<5000xi32, #tpu.memory_space<vmem>>
    %dma_start3A_90 = tpu.memref_slice %arg2[%add3A_81] : memref<6400000xi32, #tpu.memory_space<hbm>> -> memref<5000xi32, #tpu.memory_space<hbm>>
    tpu.enqueue_dma source(%dma_start3A_90 : memref<5000xi32, #tpu.memory_space<hbm>>) target(%dma_start3A_89 : memref<5000xi32, #tpu.memory_space<vmem>>) target_semaphore(%arg22 : memref<!tpu.dma_semaphore, #tpu.memory_space<semaphore_mem>>)
    %add3A_91 = arith.constant 5000 : i32
    %add3A_92 = arith.addi %mul3A_2, %add3A_91 : i32
    %dma_start3A_93 = arith.constant 1 : i32
    %dma_start3A_94 = arith.constant 0 : i32
    %dma_start3A_95 = tpu.memref_slice %arg9[%dma_start3A_93, %dma_start3A_94] : memref<4x5000xi32, #tpu.memory_space<vmem>> -> memref<1x5000xi32, #tpu.memory_space<vmem>>
    %dma_start3A_96 = tpu.memref_squeeze %dma_start3A_95 : memref<1x5000xi32, #tpu.memory_space<vmem>> -> memref<5000xi32, #tpu.memory_space<vmem>>
    %dma_start3A_97 = tpu.memref_slice %arg3[%add3A_92] : memref<6400000xi32, #tpu.memory_space<hbm>> -> memref<5000xi32, #tpu.memory_space<hbm>>
    %dma_start3A_98 = arith.constant 0 : i32
    %dma_start3A_99 = tpu.memref_slice %arg9[%dma_start3A_93, %dma_start3A_98] : memref<4x5000xi32, #tpu.memory_space<vmem>> -> memref<1x5000xi32, #tpu.memory_space<vmem>>
    %dma_start3A_100 = tpu.memref_squeeze %dma_start3A_99 : memref<1x5000xi32, #tpu.memory_space<vmem>> -> memref<5000xi32, #tpu.memory_space<vmem>>
    %dma_start3A_101 = tpu.memref_slice %arg3[%add3A_92] : memref<6400000xi32, #tpu.memory_space<hbm>> -> memref<5000xi32, #tpu.memory_space<hbm>>
    tpu.enqueue_dma source(%dma_start3A_101 : memref<5000xi32, #tpu.memory_space<hbm>>) target(%dma_start3A_100 : memref<5000xi32, #tpu.memory_space<vmem>>) target_semaphore(%arg22 : memref<!tpu.dma_semaphore, #tpu.memory_space<semaphore_mem>>)
    %scan3A_102 = arith.constant 0 : i32
    %scan3A_103 = arith.constant 0 : i32
    %scan3A_104 = arith.constant 10 : i32
    %scan3A_105 = arith.addi %scan3A_103, %scan3A_104 : i32
    %scan3A_106 = arith.constant 1 : i32
    scf.for %scan3A_150 = %scan3A_103 to %scan3A_105 step %scan3A_106  : i32 {
      %mul3A_151 = arith.constant 4 : i32
      %mul3A_152 = arith.muli %scan3A_150, %mul3A_151 : i32
      %add3A_153 = arith.constant 0 : i32
      %add3A_154 = arith.addi %mul3A_152, %add3A_153 : i32
      %dma_wait3A_155 = arith.constant 0 : i32
      %dma_wait3A_156 = arith.constant 0 : i32
      %dma_wait3A_157 = tpu.memref_slice %arg8[%dma_wait3A_155, %dma_wait3A_156] : memref<4x5000xi32, #tpu.memory_space<vmem>> -> memref<1x5000xi32, #tpu.memory_space<vmem>>
      %dma_wait3A_158 = tpu.memref_squeeze %dma_wait3A_157 : memref<1x5000xi32, #tpu.memory_space<vmem>> -> memref<5000xi32, #tpu.memory_space<vmem>>
      %dma_wait3A_159 = arith.constant 0 : i32
      %dma_wait3A_160 = tpu.memref_slice %arg2[%dma_wait3A_159] : memref<6400000xi32, #tpu.memory_space<hbm>> -> memref<5000xi32, #tpu.memory_space<hbm>>
      %dma_wait3A_161 = arith.constant 0 : i32
      %dma_wait3A_162 = tpu.memref_slice %arg8[%dma_wait3A_155, %dma_wait3A_161] : memref<4x5000xi32, #tpu.memory_space<vmem>> -> memref<1x5000xi32, #tpu.memory_space<vmem>>
      %dma_wait3A_163 = tpu.memref_squeeze %dma_wait3A_162 : memref<1x5000xi32, #tpu.memory_space<vmem>> -> memref<5000xi32, #tpu.memory_space<vmem>>
      %dma_wait3A_164 = arith.constant 0 : i32
      %dma_wait3A_165 = tpu.memref_slice %arg2[%dma_wait3A_164] : memref<6400000xi32, #tpu.memory_space<hbm>> -> memref<5000xi32, #tpu.memory_space<hbm>>
      tpu.wait_dma2 semaphore(%arg22 : memref<!tpu.dma_semaphore, #tpu.memory_space<semaphore_mem>>) src(%dma_wait3A_165 : memref<5000xi32, #tpu.memory_space<hbm>>) dst(%dma_wait3A_163 : memref<5000xi32, #tpu.memory_space<vmem>>)
      %dma_wait3A_166 = arith.constant 0 : i32
      %dma_wait3A_167 = arith.constant 0 : i32
      %dma_wait3A_168 = tpu.memref_slice %arg9[%dma_wait3A_166, %dma_wait3A_167] : memref<4x5000xi32, #tpu.memory_space<vmem>> -> memref<1x5000xi32, #tpu.memory_space<vmem>>
      %dma_wait3A_169 = tpu.memref_squeeze %dma_wait3A_168 : memref<1x5000xi32, #tpu.memory_space<vmem>> -> memref<5000xi32, #tpu.memory_space<vmem>>
      %dma_wait3A_170 = arith.constant 0 : i32
      %dma_wait3A_171 = tpu.memref_slice %arg3[%dma_wait3A_170] : memref<6400000xi32, #tpu.memory_space<hbm>> -> memref<5000xi32, #tpu.memory_space<hbm>>
      %dma_wait3A_172 = arith.constant 0 : i32
      %dma_wait3A_173 = tpu.memref_slice %arg9[%dma_wait3A_166, %dma_wait3A_172] : memref<4x5000xi32, #tpu.memory_space<vmem>> -> memref<1x5000xi32, #tpu.memory_space<vmem>>
      %dma_wait3A_174 = tpu.memref_squeeze %dma_wait3A_173 : memref<1x5000xi32, #tpu.memory_space<vmem>> -> memref<5000xi32, #tpu.memory_space<vmem>>
      %dma_wait3A_175 = arith.constant 0 : i32
      %dma_wait3A_176 = tpu.memref_slice %arg3[%dma_wait3A_175] : memref<6400000xi32, #tpu.memory_space<hbm>> -> memref<5000xi32, #tpu.memory_space<hbm>>
      tpu.wait_dma2 semaphore(%arg22 : memref<!tpu.dma_semaphore, #tpu.memory_space<semaphore_mem>>) src(%dma_wait3A_176 : memref<5000xi32, #tpu.memory_space<hbm>>) dst(%dma_wait3A_174 : memref<5000xi32, #tpu.memory_space<vmem>>)
      %ge3A = arith.constant 2 : i32
      %ge3A_177 = arith.cmpi sge, %add3A_154, %ge3A : i32
      %convert_element_type3A = arith.extui %ge3A_177 : i1 to i32
      %cond3A = arith.constant 0 : i32
      %cond3A_178 = arith.cmpi ne, %convert_element_type3A, %cond3A : i32
      scf.if %cond3A_178 {
        %dma_wait3A_539 = arith.constant 0 : i32
        %dma_wait3A_540 = arith.constant 2 : i32
        %dma_wait3A_541 = arith.constant 0 : i32
        %dma_wait3A_542 = tpu.memref_slice %arg10[%dma_wait3A_539, %dma_wait3A_541] : memref<2x5000xf32, #tpu.memory_space<vmem>> -> memref<1x5000xf32, #tpu.memory_space<vmem>>
        %dma_wait3A_543 = tpu.memref_squeeze %dma_wait3A_542 : memref<1x5000xf32, #tpu.memory_space<vmem>> -> memref<5000xf32, #tpu.memory_space<vmem>>
        %dma_wait3A_544 = arith.constant 0 : i32
        %dma_wait3A_545 = tpu.memref_slice %arg9[%dma_wait3A_540, %dma_wait3A_544] : memref<4x5000xi32, #tpu.memory_space<vmem>> -> memref<1x5000xi32, #tpu.memory_space<vmem>>
        %dma_wait3A_546 = tpu.memref_squeeze %dma_wait3A_545 : memref<1x5000xi32, #tpu.memory_space<vmem>> -> memref<5000xi32, #tpu.memory_space<vmem>>
        %dma_wait3A_547 = arith.constant 0 : i32
        %dma_wait3A_548 = tpu.memref_slice %arg18[%dma_wait3A_547] : memref<102400xf32, #tpu.memory_space<vmem_shared>> -> memref<102400xf32, #tpu.memory_space<vmem_shared>>
        tpu.wait_indirect_dma semaphore(%arg24 : memref<!tpu.dma_semaphore, #tpu.memory_space<semaphore_mem>>) src(%dma_wait3A_543 : memref<5000xf32, #tpu.memory_space<vmem>>) dst(%dma_wait3A_548 : memref<102400xf32, #tpu.memory_space<vmem_shared>>)
        %dma_wait3A_549 = arith.constant 0 : i32
        %dma_wait3A_550 = arith.constant 2 : i32
        %dma_wait3A_551 = arith.constant 0 : i32
        %dma_wait3A_552 = tpu.memref_slice %arg11[%dma_wait3A_549, %dma_wait3A_551] : memref<2x5000xf32, #tpu.memory_space<vmem>> -> memref<1x5000xf32, #tpu.memory_space<vmem>>
        %dma_wait3A_553 = tpu.memref_squeeze %dma_wait3A_552 : memref<1x5000xf32, #tpu.memory_space<vmem>> -> memref<5000xf32, #tpu.memory_space<vmem>>
        %dma_wait3A_554 = arith.constant 0 : i32
        %dma_wait3A_555 = tpu.memref_slice %arg9[%dma_wait3A_550, %dma_wait3A_554] : memref<4x5000xi32, #tpu.memory_space<vmem>> -> memref<1x5000xi32, #tpu.memory_space<vmem>>
        %dma_wait3A_556 = tpu.memref_squeeze %dma_wait3A_555 : memref<1x5000xi32, #tpu.memory_space<vmem>> -> memref<5000xi32, #tpu.memory_space<vmem>>
        %dma_wait3A_557 = arith.constant 0 : i32
        %dma_wait3A_558 = tpu.memref_slice %arg19[%dma_wait3A_557] : memref<102400xf32, #tpu.memory_space<vmem_shared>> -> memref<102400xf32, #tpu.memory_space<vmem_shared>>
        tpu.wait_indirect_dma semaphore(%arg24 : memref<!tpu.dma_semaphore, #tpu.memory_space<semaphore_mem>>) src(%dma_wait3A_553 : memref<5000xf32, #tpu.memory_space<vmem>>) dst(%dma_wait3A_558 : memref<102400xf32, #tpu.memory_space<vmem_shared>>)
      } else {
      }
      %dma_start3A_179 = arith.constant 0 : i32
      %dma_start3A_180 = arith.constant 0 : i32
      %dma_start3A_181 = arith.constant 0 : i32
      %dma_start3A_182 = tpu.memref_slice %arg10[%dma_start3A_180, %dma_start3A_181] : memref<2x5000xf32, #tpu.memory_space<vmem>> -> memref<1x5000xf32, #tpu.memory_space<vmem>>
      %dma_start3A_183 = tpu.memref_squeeze %dma_start3A_182 : memref<1x5000xf32, #tpu.memory_space<vmem>> -> memref<5000xf32, #tpu.memory_space<vmem>>
      %dma_start3A_184 = arith.constant 0 : i32
      %dma_start3A_185 = tpu.memref_slice %arg8[%dma_start3A_179, %dma_start3A_184] : memref<4x5000xi32, #tpu.memory_space<vmem>> -> memref<1x5000xi32, #tpu.memory_space<vmem>>
      %dma_start3A_186 = tpu.memref_squeeze %dma_start3A_185 : memref<1x5000xi32, #tpu.memory_space<vmem>> -> memref<5000xi32, #tpu.memory_space<vmem>>
      %dma_start3A_187 = arith.constant 0 : i32
      %dma_start3A_188 = tpu.memref_slice %arg20[%dma_start3A_187] : memref<102400xf32, #tpu.memory_space<vmem_shared>> -> memref<102400xf32, #tpu.memory_space<vmem_shared>>
      tpu.enqueue_indirect_dma source(%dma_start3A_188 : memref<102400xf32, #tpu.memory_space<vmem_shared>>) target(%dma_start3A_183 : memref<5000xf32, #tpu.memory_space<vmem>>) offsets(%dma_start3A_186 : memref<5000xi32, #tpu.memory_space<vmem>>) semaphore(%arg23 : memref<!tpu.dma_semaphore, #tpu.memory_space<semaphore_mem>>)
      %dma_start3A_189 = arith.constant 0 : i32
      %dma_start3A_190 = arith.constant 0 : i32
      %dma_start3A_191 = arith.constant 0 : i32
      %dma_start3A_192 = tpu.memref_slice %arg11[%dma_start3A_190, %dma_start3A_191] : memref<2x5000xf32, #tpu.memory_space<vmem>> -> memref<1x5000xf32, #tpu.memory_space<vmem>>
      %dma_start3A_193 = tpu.memref_squeeze %dma_start3A_192 : memref<1x5000xf32, #tpu.memory_space<vmem>> -> memref<5000xf32, #tpu.memory_space<vmem>>
      %dma_start3A_194 = arith.constant 0 : i32
      %dma_start3A_195 = tpu.memref_slice %arg8[%dma_start3A_189, %dma_start3A_194] : memref<4x5000xi32, #tpu.memory_space<vmem>> -> memref<1x5000xi32, #tpu.memory_space<vmem>>
      %dma_start3A_196 = tpu.memref_squeeze %dma_start3A_195 : memref<1x5000xi32, #tpu.memory_space<vmem>> -> memref<5000xi32, #tpu.memory_space<vmem>>
      %dma_start3A_197 = arith.constant 0 : i32
      %dma_start3A_198 = tpu.memref_slice %arg21[%dma_start3A_197] : memref<102400xf32, #tpu.memory_space<vmem_shared>> -> memref<102400xf32, #tpu.memory_space<vmem_shared>>
      tpu.enqueue_indirect_dma source(%dma_start3A_198 : memref<102400xf32, #tpu.memory_space<vmem_shared>>) target(%dma_start3A_193 : memref<5000xf32, #tpu.memory_space<vmem>>) offsets(%dma_start3A_196 : memref<5000xi32, #tpu.memory_space<vmem>>) semaphore(%arg23 : memref<!tpu.dma_semaphore, #tpu.memory_space<semaphore_mem>>)
      %add3A_199 = arith.constant 2 : i32
      %add3A_200 = arith.addi %add3A_154, %add3A_199 : i32
      %lt3A = arith.constant 40 : i32
      %lt3A_201 = arith.cmpi slt, %add3A_200, %lt3A : i32
      %convert_element_type3A_202 = arith.extui %lt3A_201 : i1 to i32
      %cond3A_203 = arith.constant 0 : i32
      %cond3A_204 = arith.cmpi ne, %convert_element_type3A_202, %cond3A_203 : i32
      scf.if %cond3A_204 {
        %add3A_539 = arith.constant 2 : i32
        %add3A_540 = arith.addi %add3A_154, %add3A_539 : i32
        %mul3A_541 = arith.constant 5000 : i32
        %mul3A_542 = arith.muli %add3A_540, %mul3A_541 : i32
        %add3A_543 = arith.addi %mul3A_2, %mul3A_542 : i32
        %dma_start3A_544 = arith.constant 2 : i32
        %dma_start3A_545 = arith.constant 0 : i32
        %dma_start3A_546 = tpu.memref_slice %arg8[%dma_start3A_544, %dma_start3A_545] : memref<4x5000xi32, #tpu.memory_space<vmem>> -> memref<1x5000xi32, #tpu.memory_space<vmem>>
        %dma_start3A_547 = tpu.memref_squeeze %dma_start3A_546 : memref<1x5000xi32, #tpu.memory_space<vmem>> -> memref<5000xi32, #tpu.memory_space<vmem>>
        %dma_start3A_548 = tpu.memref_slice %arg2[%add3A_543] : memref<6400000xi32, #tpu.memory_space<hbm>> -> memref<5000xi32, #tpu.memory_space<hbm>>
        %dma_start3A_549 = arith.constant 0 : i32
        %dma_start3A_550 = tpu.memref_slice %arg8[%dma_start3A_544, %dma_start3A_549] : memref<4x5000xi32, #tpu.memory_space<vmem>> -> memref<1x5000xi32, #tpu.memory_space<vmem>>
        %dma_start3A_551 = tpu.memref_squeeze %dma_start3A_550 : memref<1x5000xi32, #tpu.memory_space<vmem>> -> memref<5000xi32, #tpu.memory_space<vmem>>
        %dma_start3A_552 = tpu.memref_slice %arg2[%add3A_543] : memref<6400000xi32, #tpu.memory_space<hbm>> -> memref<5000xi32, #tpu.memory_space<hbm>>
        tpu.enqueue_dma source(%dma_start3A_552 : memref<5000xi32, #tpu.memory_space<hbm>>) target(%dma_start3A_551 : memref<5000xi32, #tpu.memory_space<vmem>>) target_semaphore(%arg22 : memref<!tpu.dma_semaphore, #tpu.memory_space<semaphore_mem>>)
        %mul3A_553 = arith.constant 5000 : i32
        %mul3A_554 = arith.muli %add3A_540, %mul3A_553 : i32
        %add3A_555 = arith.addi %mul3A_2, %mul3A_554 : i32
        %dma_start3A_556 = arith.constant 2 : i32
        %dma_start3A_557 = arith.constant 0 : i32
        %dma_start3A_558 = tpu.memref_slice %arg9[%dma_start3A_556, %dma_start3A_557] : memref<4x5000xi32, #tpu.memory_space<vmem>> -> memref<1x5000xi32, #tpu.memory_space<vmem>>
        %dma_start3A_559 = tpu.memref_squeeze %dma_start3A_558 : memref<1x5000xi32, #tpu.memory_space<vmem>> -> memref<5000xi32, #tpu.memory_space<vmem>>
        %dma_start3A_560 = tpu.memref_slice %arg3[%add3A_555] : memref<6400000xi32, #tpu.memory_space<hbm>> -> memref<5000xi32, #tpu.memory_space<hbm>>
        %dma_start3A_561 = arith.constant 0 : i32
        %dma_start3A_562 = tpu.memref_slice %arg9[%dma_start3A_556, %dma_start3A_561] : memref<4x5000xi32, #tpu.memory_space<vmem>> -> memref<1x5000xi32, #tpu.memory_space<vmem>>
        %dma_start3A_563 = tpu.memref_squeeze %dma_start3A_562 : memref<1x5000xi32, #tpu.memory_space<vmem>> -> memref<5000xi32, #tpu.memory_space<vmem>>
        %dma_start3A_564 = tpu.memref_slice %arg3[%add3A_555] : memref<6400000xi32, #tpu.memory_space<hbm>> -> memref<5000xi32, #tpu.memory_space<hbm>>
        tpu.enqueue_dma source(%dma_start3A_564 : memref<5000xi32, #tpu.memory_space<hbm>>) target(%dma_start3A_563 : memref<5000xi32, #tpu.memory_space<vmem>>) target_semaphore(%arg22 : memref<!tpu.dma_semaphore, #tpu.memory_space<semaphore_mem>>)
      } else {
      }
      %dma_wait3A_205 = arith.constant 0 : i32
      %dma_wait3A_206 = arith.constant 0 : i32
      %dma_wait3A_207 = arith.constant 0 : i32
      %dma_wait3A_208 = tpu.memref_slice %arg10[%dma_wait3A_206, %dma_wait3A_207] : memref<2x5000xf32, #tpu.memory_space<vmem>> -> memref<1x5000xf32, #tpu.memory_space<vmem>>
      %dma_wait3A_209 = tpu.memref_squeeze %dma_wait3A_208 : memref<1x5000xf32, #tpu.memory_space<vmem>> -> memref<5000xf32, #tpu.memory_space<vmem>>
      %dma_wait3A_210 = arith.constant 0 : i32
      %dma_wait3A_211 = tpu.memref_slice %arg8[%dma_wait3A_205, %dma_wait3A_210] : memref<4x5000xi32, #tpu.memory_space<vmem>> -> memref<1x5000xi32, #tpu.memory_space<vmem>>
      %dma_wait3A_212 = tpu.memref_squeeze %dma_wait3A_211 : memref<1x5000xi32, #tpu.memory_space<vmem>> -> memref<5000xi32, #tpu.memory_space<vmem>>
      %dma_wait3A_213 = arith.constant 0 : i32
      %dma_wait3A_214 = tpu.memref_slice %arg20[%dma_wait3A_213] : memref<102400xf32, #tpu.memory_space<vmem_shared>> -> memref<102400xf32, #tpu.memory_space<vmem_shared>>
      tpu.wait_indirect_dma semaphore(%arg23 : memref<!tpu.dma_semaphore, #tpu.memory_space<semaphore_mem>>) src(%dma_wait3A_214 : memref<102400xf32, #tpu.memory_space<vmem_shared>>) dst(%dma_wait3A_209 : memref<5000xf32, #tpu.memory_space<vmem>>)
      %dma_wait3A_215 = arith.constant 0 : i32
      %dma_wait3A_216 = arith.constant 0 : i32
      %dma_wait3A_217 = arith.constant 0 : i32
      %dma_wait3A_218 = tpu.memref_slice %arg11[%dma_wait3A_216, %dma_wait3A_217] : memref<2x5000xf32, #tpu.memory_space<vmem>> -> memref<1x5000xf32, #tpu.memory_space<vmem>>
      %dma_wait3A_219 = tpu.memref_squeeze %dma_wait3A_218 : memref<1x5000xf32, #tpu.memory_space<vmem>> -> memref<5000xf32, #tpu.memory_space<vmem>>
      %dma_wait3A_220 = arith.constant 0 : i32
      %dma_wait3A_221 = tpu.memref_slice %arg8[%dma_wait3A_215, %dma_wait3A_220] : memref<4x5000xi32, #tpu.memory_space<vmem>> -> memref<1x5000xi32, #tpu.memory_space<vmem>>
      %dma_wait3A_222 = tpu.memref_squeeze %dma_wait3A_221 : memref<1x5000xi32, #tpu.memory_space<vmem>> -> memref<5000xi32, #tpu.memory_space<vmem>>
      %dma_wait3A_223 = arith.constant 0 : i32
      %dma_wait3A_224 = tpu.memref_slice %arg21[%dma_wait3A_223] : memref<102400xf32, #tpu.memory_space<vmem_shared>> -> memref<102400xf32, #tpu.memory_space<vmem_shared>>
      tpu.wait_indirect_dma semaphore(%arg23 : memref<!tpu.dma_semaphore, #tpu.memory_space<semaphore_mem>>) src(%dma_wait3A_224 : memref<102400xf32, #tpu.memory_space<vmem_shared>>) dst(%dma_wait3A_219 : memref<5000xf32, #tpu.memory_space<vmem>>)
      %dma_start3A_225 = arith.constant 0 : i32
      %dma_start3A_226 = arith.constant 0 : i32
      %dma_start3A_227 = arith.constant 0 : i32
      %dma_start3A_228 = tpu.memref_slice %arg10[%dma_start3A_225, %dma_start3A_227] : memref<2x5000xf32, #tpu.memory_space<vmem>> -> memref<1x5000xf32, #tpu.memory_space<vmem>>
      %dma_start3A_229 = tpu.memref_squeeze %dma_start3A_228 : memref<1x5000xf32, #tpu.memory_space<vmem>> -> memref<5000xf32, #tpu.memory_space<vmem>>
      %dma_start3A_230 = arith.constant 0 : i32
      %dma_start3A_231 = tpu.memref_slice %arg9[%dma_start3A_226, %dma_start3A_230] : memref<4x5000xi32, #tpu.memory_space<vmem>> -> memref<1x5000xi32, #tpu.memory_space<vmem>>
      %dma_start3A_232 = tpu.memref_squeeze %dma_start3A_231 : memref<1x5000xi32, #tpu.memory_space<vmem>> -> memref<5000xi32, #tpu.memory_space<vmem>>
      %dma_start3A_233 = arith.constant 0 : i32
      %dma_start3A_234 = tpu.memref_slice %arg18[%dma_start3A_233] : memref<102400xf32, #tpu.memory_space<vmem_shared>> -> memref<102400xf32, #tpu.memory_space<vmem_shared>>
      tpu.enqueue_indirect_dma source(%dma_start3A_229 : memref<5000xf32, #tpu.memory_space<vmem>>) target(%dma_start3A_234 : memref<102400xf32, #tpu.memory_space<vmem_shared>>) offsets(%dma_start3A_232 : memref<5000xi32, #tpu.memory_space<vmem>>) semaphore(%arg24 : memref<!tpu.dma_semaphore, #tpu.memory_space<semaphore_mem>>) {add = true}
      %dma_start3A_235 = arith.constant 0 : i32
      %dma_start3A_236 = arith.constant 0 : i32
      %dma_start3A_237 = arith.constant 0 : i32
      %dma_start3A_238 = tpu.memref_slice %arg11[%dma_start3A_235, %dma_start3A_237] : memref<2x5000xf32, #tpu.memory_space<vmem>> -> memref<1x5000xf32, #tpu.memory_space<vmem>>
      %dma_start3A_239 = tpu.memref_squeeze %dma_start3A_238 : memref<1x5000xf32, #tpu.memory_space<vmem>> -> memref<5000xf32, #tpu.memory_space<vmem>>
      %dma_start3A_240 = arith.constant 0 : i32
      %dma_start3A_241 = tpu.memref_slice %arg9[%dma_start3A_236, %dma_start3A_240] : memref<4x5000xi32, #tpu.memory_space<vmem>> -> memref<1x5000xi32, #tpu.memory_space<vmem>>
      %dma_start3A_242 = tpu.memref_squeeze %dma_start3A_241 : memref<1x5000xi32, #tpu.memory_space<vmem>> -> memref<5000xi32, #tpu.memory_space<vmem>>
      %dma_start3A_243 = arith.constant 0 : i32
      %dma_start3A_244 = tpu.memref_slice %arg19[%dma_start3A_243] : memref<102400xf32, #tpu.memory_space<vmem_shared>> -> memref<102400xf32, #tpu.memory_space<vmem_shared>>
      tpu.enqueue_indirect_dma source(%dma_start3A_239 : memref<5000xf32, #tpu.memory_space<vmem>>) target(%dma_start3A_244 : memref<102400xf32, #tpu.memory_space<vmem_shared>>) offsets(%dma_start3A_242 : memref<5000xi32, #tpu.memory_space<vmem>>) semaphore(%arg24 : memref<!tpu.dma_semaphore, #tpu.memory_space<semaphore_mem>>) {add = true}
      %mul3A_245 = arith.constant 4 : i32
      %mul3A_246 = arith.muli %scan3A_150, %mul3A_245 : i32
      %add3A_247 = arith.constant 1 : i32
      %add3A_248 = arith.addi %mul3A_246, %add3A_247 : i32
      %dma_wait3A_249 = arith.constant 1 : i32
      %dma_wait3A_250 = arith.constant 0 : i32
      %dma_wait3A_251 = tpu.memref_slice %arg8[%dma_wait3A_249, %dma_wait3A_250] : memref<4x5000xi32, #tpu.memory_space<vmem>> -> memref<1x5000xi32, #tpu.memory_space<vmem>>
      %dma_wait3A_252 = tpu.memref_squeeze %dma_wait3A_251 : memref<1x5000xi32, #tpu.memory_space<vmem>> -> memref<5000xi32, #tpu.memory_space<vmem>>
      %dma_wait3A_253 = arith.constant 0 : i32
      %dma_wait3A_254 = tpu.memref_slice %arg2[%dma_wait3A_253] : memref<6400000xi32, #tpu.memory_space<hbm>> -> memref<5000xi32, #tpu.memory_space<hbm>>
      %dma_wait3A_255 = arith.constant 0 : i32
      %dma_wait3A_256 = tpu.memref_slice %arg8[%dma_wait3A_249, %dma_wait3A_255] : memref<4x5000xi32, #tpu.memory_space<vmem>> -> memref<1x5000xi32, #tpu.memory_space<vmem>>
      %dma_wait3A_257 = tpu.memref_squeeze %dma_wait3A_256 : memref<1x5000xi32, #tpu.memory_space<vmem>> -> memref<5000xi32, #tpu.memory_space<vmem>>
      %dma_wait3A_258 = arith.constant 0 : i32
      %dma_wait3A_259 = tpu.memref_slice %arg2[%dma_wait3A_258] : memref<6400000xi32, #tpu.memory_space<hbm>> -> memref<5000xi32, #tpu.memory_space<hbm>>
      tpu.wait_dma2 semaphore(%arg22 : memref<!tpu.dma_semaphore, #tpu.memory_space<semaphore_mem>>) src(%dma_wait3A_259 : memref<5000xi32, #tpu.memory_space<hbm>>) dst(%dma_wait3A_257 : memref<5000xi32, #tpu.memory_space<vmem>>)
      %dma_wait3A_260 = arith.constant 1 : i32
      %dma_wait3A_261 = arith.constant 0 : i32
      %dma_wait3A_262 = tpu.memref_slice %arg9[%dma_wait3A_260, %dma_wait3A_261] : memref<4x5000xi32, #tpu.memory_space<vmem>> -> memref<1x5000xi32, #tpu.memory_space<vmem>>
      %dma_wait3A_263 = tpu.memref_squeeze %dma_wait3A_262 : memref<1x5000xi32, #tpu.memory_space<vmem>> -> memref<5000xi32, #tpu.memory_space<vmem>>
      %dma_wait3A_264 = arith.constant 0 : i32
      %dma_wait3A_265 = tpu.memref_slice %arg3[%dma_wait3A_264] : memref<6400000xi32, #tpu.memory_space<hbm>> -> memref<5000xi32, #tpu.memory_space<hbm>>
      %dma_wait3A_266 = arith.constant 0 : i32
      %dma_wait3A_267 = tpu.memref_slice %arg9[%dma_wait3A_260, %dma_wait3A_266] : memref<4x5000xi32, #tpu.memory_space<vmem>> -> memref<1x5000xi32, #tpu.memory_space<vmem>>
      %dma_wait3A_268 = tpu.memref_squeeze %dma_wait3A_267 : memref<1x5000xi32, #tpu.memory_space<vmem>> -> memref<5000xi32, #tpu.memory_space<vmem>>
      %dma_wait3A_269 = arith.constant 0 : i32
      %dma_wait3A_270 = tpu.memref_slice %arg3[%dma_wait3A_269] : memref<6400000xi32, #tpu.memory_space<hbm>> -> memref<5000xi32, #tpu.memory_space<hbm>>
      tpu.wait_dma2 semaphore(%arg22 : memref<!tpu.dma_semaphore, #tpu.memory_space<semaphore_mem>>) src(%dma_wait3A_270 : memref<5000xi32, #tpu.memory_space<hbm>>) dst(%dma_wait3A_268 : memref<5000xi32, #tpu.memory_space<vmem>>)
      %ge3A_271 = arith.constant 2 : i32
      %ge3A_272 = arith.cmpi sge, %add3A_248, %ge3A_271 : i32
      %convert_element_type3A_273 = arith.extui %ge3A_272 : i1 to i32
      %cond3A_274 = arith.constant 0 : i32
      %cond3A_275 = arith.cmpi ne, %convert_element_type3A_273, %cond3A_274 : i32
      scf.if %cond3A_275 {
        %dma_wait3A_539 = arith.constant 1 : i32
        %dma_wait3A_540 = arith.constant 3 : i32
        %dma_wait3A_541 = arith.constant 0 : i32
        %dma_wait3A_542 = tpu.memref_slice %arg10[%dma_wait3A_539, %dma_wait3A_541] : memref<2x5000xf32, #tpu.memory_space<vmem>> -> memref<1x5000xf32, #tpu.memory_space<vmem>>
        %dma_wait3A_543 = tpu.memref_squeeze %dma_wait3A_542 : memref<1x5000xf32, #tpu.memory_space<vmem>> -> memref<5000xf32, #tpu.memory_space<vmem>>
        %dma_wait3A_544 = arith.constant 0 : i32
        %dma_wait3A_545 = tpu.memref_slice %arg9[%dma_wait3A_540, %dma_wait3A_544] : memref<4x5000xi32, #tpu.memory_space<vmem>> -> memref<1x5000xi32, #tpu.memory_space<vmem>>
        %dma_wait3A_546 = tpu.memref_squeeze %dma_wait3A_545 : memref<1x5000xi32, #tpu.memory_space<vmem>> -> memref<5000xi32, #tpu.memory_space<vmem>>
        %dma_wait3A_547 = arith.constant 0 : i32
        %dma_wait3A_548 = tpu.memref_slice %arg18[%dma_wait3A_547] : memref<102400xf32, #tpu.memory_space<vmem_shared>> -> memref<102400xf32, #tpu.memory_space<vmem_shared>>
        tpu.wait_indirect_dma semaphore(%arg24 : memref<!tpu.dma_semaphore, #tpu.memory_space<semaphore_mem>>) src(%dma_wait3A_543 : memref<5000xf32, #tpu.memory_space<vmem>>) dst(%dma_wait3A_548 : memref<102400xf32, #tpu.memory_space<vmem_shared>>)
        %dma_wait3A_549 = arith.constant 1 : i32
        %dma_wait3A_550 = arith.constant 3 : i32
        %dma_wait3A_551 = arith.constant 0 : i32
        %dma_wait3A_552 = tpu.memref_slice %arg11[%dma_wait3A_549, %dma_wait3A_551] : memref<2x5000xf32, #tpu.memory_space<vmem>> -> memref<1x5000xf32, #tpu.memory_space<vmem>>
        %dma_wait3A_553 = tpu.memref_squeeze %dma_wait3A_552 : memref<1x5000xf32, #tpu.memory_space<vmem>> -> memref<5000xf32, #tpu.memory_space<vmem>>
        %dma_wait3A_554 = arith.constant 0 : i32
        %dma_wait3A_555 = tpu.memref_slice %arg9[%dma_wait3A_550, %dma_wait3A_554] : memref<4x5000xi32, #tpu.memory_space<vmem>> -> memref<1x5000xi32, #tpu.memory_space<vmem>>
        %dma_wait3A_556 = tpu.memref_squeeze %dma_wait3A_555 : memref<1x5000xi32, #tpu.memory_space<vmem>> -> memref<5000xi32, #tpu.memory_space<vmem>>
        %dma_wait3A_557 = arith.constant 0 : i32
        %dma_wait3A_558 = tpu.memref_slice %arg19[%dma_wait3A_557] : memref<102400xf32, #tpu.memory_space<vmem_shared>> -> memref<102400xf32, #tpu.memory_space<vmem_shared>>
        tpu.wait_indirect_dma semaphore(%arg24 : memref<!tpu.dma_semaphore, #tpu.memory_space<semaphore_mem>>) src(%dma_wait3A_553 : memref<5000xf32, #tpu.memory_space<vmem>>) dst(%dma_wait3A_558 : memref<102400xf32, #tpu.memory_space<vmem_shared>>)
      } else {
      }
      %dma_start3A_276 = arith.constant 1 : i32
      %dma_start3A_277 = arith.constant 1 : i32
      %dma_start3A_278 = arith.constant 0 : i32
      %dma_start3A_279 = tpu.memref_slice %arg10[%dma_start3A_277, %dma_start3A_278] : memref<2x5000xf32, #tpu.memory_space<vmem>> -> memref<1x5000xf32, #tpu.memory_space<vmem>>
      %dma_start3A_280 = tpu.memref_squeeze %dma_start3A_279 : memref<1x5000xf32, #tpu.memory_space<vmem>> -> memref<5000xf32, #tpu.memory_space<vmem>>
      %dma_start3A_281 = arith.constant 0 : i32
      %dma_start3A_282 = tpu.memref_slice %arg8[%dma_start3A_276, %dma_start3A_281] : memref<4x5000xi32, #tpu.memory_space<vmem>> -> memref<1x5000xi32, #tpu.memory_space<vmem>>
      %dma_start3A_283 = tpu.memref_squeeze %dma_start3A_282 : memref<1x5000xi32, #tpu.memory_space<vmem>> -> memref<5000xi32, #tpu.memory_space<vmem>>
      %dma_start3A_284 = arith.constant 0 : i32
      %dma_start3A_285 = tpu.memref_slice %arg20[%dma_start3A_284] : memref<102400xf32, #tpu.memory_space<vmem_shared>> -> memref<102400xf32, #tpu.memory_space<vmem_shared>>
      tpu.enqueue_indirect_dma source(%dma_start3A_285 : memref<102400xf32, #tpu.memory_space<vmem_shared>>) target(%dma_start3A_280 : memref<5000xf32, #tpu.memory_space<vmem>>) offsets(%dma_start3A_283 : memref<5000xi32, #tpu.memory_space<vmem>>) semaphore(%arg23 : memref<!tpu.dma_semaphore, #tpu.memory_space<semaphore_mem>>)
      %dma_start3A_286 = arith.constant 1 : i32
      %dma_start3A_287 = arith.constant 1 : i32
      %dma_start3A_288 = arith.constant 0 : i32
      %dma_start3A_289 = tpu.memref_slice %arg11[%dma_start3A_287, %dma_start3A_288] : memref<2x5000xf32, #tpu.memory_space<vmem>> -> memref<1x5000xf32, #tpu.memory_space<vmem>>
      %dma_start3A_290 = tpu.memref_squeeze %dma_start3A_289 : memref<1x5000xf32, #tpu.memory_space<vmem>> -> memref<5000xf32, #tpu.memory_space<vmem>>
      %dma_start3A_291 = arith.constant 0 : i32
      %dma_start3A_292 = tpu.memref_slice %arg8[%dma_start3A_286, %dma_start3A_291] : memref<4x5000xi32, #tpu.memory_space<vmem>> -> memref<1x5000xi32, #tpu.memory_space<vmem>>
      %dma_start3A_293 = tpu.memref_squeeze %dma_start3A_292 : memref<1x5000xi32, #tpu.memory_space<vmem>> -> memref<5000xi32, #tpu.memory_space<vmem>>
      %dma_start3A_294 = arith.constant 0 : i32
      %dma_start3A_295 = tpu.memref_slice %arg21[%dma_start3A_294] : memref<102400xf32, #tpu.memory_space<vmem_shared>> -> memref<102400xf32, #tpu.memory_space<vmem_shared>>
      tpu.enqueue_indirect_dma source(%dma_start3A_295 : memref<102400xf32, #tpu.memory_space<vmem_shared>>) target(%dma_start3A_290 : memref<5000xf32, #tpu.memory_space<vmem>>) offsets(%dma_start3A_293 : memref<5000xi32, #tpu.memory_space<vmem>>) semaphore(%arg23 : memref<!tpu.dma_semaphore, #tpu.memory_space<semaphore_mem>>)
      %add3A_296 = arith.constant 2 : i32
      %add3A_297 = arith.addi %add3A_248, %add3A_296 : i32
      %lt3A_298 = arith.constant 40 : i32
      %lt3A_299 = arith.cmpi slt, %add3A_297, %lt3A_298 : i32
      %convert_element_type3A_300 = arith.extui %lt3A_299 : i1 to i32
      %cond3A_301 = arith.constant 0 : i32
      %cond3A_302 = arith.cmpi ne, %convert_element_type3A_300, %cond3A_301 : i32
      scf.if %cond3A_302 {
        %add3A_539 = arith.constant 2 : i32
        %add3A_540 = arith.addi %add3A_248, %add3A_539 : i32
        %mul3A_541 = arith.constant 5000 : i32
        %mul3A_542 = arith.muli %add3A_540, %mul3A_541 : i32
        %add3A_543 = arith.addi %mul3A_2, %mul3A_542 : i32
        %dma_start3A_544 = arith.constant 3 : i32
        %dma_start3A_545 = arith.constant 0 : i32
        %dma_start3A_546 = tpu.memref_slice %arg8[%dma_start3A_544, %dma_start3A_545] : memref<4x5000xi32, #tpu.memory_space<vmem>> -> memref<1x5000xi32, #tpu.memory_space<vmem>>
        %dma_start3A_547 = tpu.memref_squeeze %dma_start3A_546 : memref<1x5000xi32, #tpu.memory_space<vmem>> -> memref<5000xi32, #tpu.memory_space<vmem>>
        %dma_start3A_548 = tpu.memref_slice %arg2[%add3A_543] : memref<6400000xi32, #tpu.memory_space<hbm>> -> memref<5000xi32, #tpu.memory_space<hbm>>
        %dma_start3A_549 = arith.constant 0 : i32
        %dma_start3A_550 = tpu.memref_slice %arg8[%dma_start3A_544, %dma_start3A_549] : memref<4x5000xi32, #tpu.memory_space<vmem>> -> memref<1x5000xi32, #tpu.memory_space<vmem>>
        %dma_start3A_551 = tpu.memref_squeeze %dma_start3A_550 : memref<1x5000xi32, #tpu.memory_space<vmem>> -> memref<5000xi32, #tpu.memory_space<vmem>>
        %dma_start3A_552 = tpu.memref_slice %arg2[%add3A_543] : memref<6400000xi32, #tpu.memory_space<hbm>> -> memref<5000xi32, #tpu.memory_space<hbm>>
        tpu.enqueue_dma source(%dma_start3A_552 : memref<5000xi32, #tpu.memory_space<hbm>>) target(%dma_start3A_551 : memref<5000xi32, #tpu.memory_space<vmem>>) target_semaphore(%arg22 : memref<!tpu.dma_semaphore, #tpu.memory_space<semaphore_mem>>)
        %mul3A_553 = arith.constant 5000 : i32
        %mul3A_554 = arith.muli %add3A_540, %mul3A_553 : i32
        %add3A_555 = arith.addi %mul3A_2, %mul3A_554 : i32
        %dma_start3A_556 = arith.constant 3 : i32
        %dma_start3A_557 = arith.constant 0 : i32
        %dma_start3A_558 = tpu.memref_slice %arg9[%dma_start3A_556, %dma_start3A_557] : memref<4x5000xi32, #tpu.memory_space<vmem>> -> memref<1x5000xi32, #tpu.memory_space<vmem>>
        %dma_start3A_559 = tpu.memref_squeeze %dma_start3A_558 : memref<1x5000xi32, #tpu.memory_space<vmem>> -> memref<5000xi32, #tpu.memory_space<vmem>>
        %dma_start3A_560 = tpu.memref_slice %arg3[%add3A_555] : memref<6400000xi32, #tpu.memory_space<hbm>> -> memref<5000xi32, #tpu.memory_space<hbm>>
        %dma_start3A_561 = arith.constant 0 : i32
        %dma_start3A_562 = tpu.memref_slice %arg9[%dma_start3A_556, %dma_start3A_561] : memref<4x5000xi32, #tpu.memory_space<vmem>> -> memref<1x5000xi32, #tpu.memory_space<vmem>>
        %dma_start3A_563 = tpu.memref_squeeze %dma_start3A_562 : memref<1x5000xi32, #tpu.memory_space<vmem>> -> memref<5000xi32, #tpu.memory_space<vmem>>
        %dma_start3A_564 = tpu.memref_slice %arg3[%add3A_555] : memref<6400000xi32, #tpu.memory_space<hbm>> -> memref<5000xi32, #tpu.memory_space<hbm>>
        tpu.enqueue_dma source(%dma_start3A_564 : memref<5000xi32, #tpu.memory_space<hbm>>) target(%dma_start3A_563 : memref<5000xi32, #tpu.memory_space<vmem>>) target_semaphore(%arg22 : memref<!tpu.dma_semaphore, #tpu.memory_space<semaphore_mem>>)
      } else {
      }
      %dma_wait3A_303 = arith.constant 1 : i32
      %dma_wait3A_304 = arith.constant 1 : i32
      %dma_wait3A_305 = arith.constant 0 : i32
      %dma_wait3A_306 = tpu.memref_slice %arg10[%dma_wait3A_304, %dma_wait3A_305] : memref<2x5000xf32, #tpu.memory_space<vmem>> -> memref<1x5000xf32, #tpu.memory_space<vmem>>
      %dma_wait3A_307 = tpu.memref_squeeze %dma_wait3A_306 : memref<1x5000xf32, #tpu.memory_space<vmem>> -> memref<5000xf32, #tpu.memory_space<vmem>>
      %dma_wait3A_308 = arith.constant 0 : i32
      %dma_wait3A_309 = tpu.memref_slice %arg8[%dma_wait3A_303, %dma_wait3A_308] : memref<4x5000xi32, #tpu.memory_space<vmem>> -> memref<1x5000xi32, #tpu.memory_space<vmem>>
      %dma_wait3A_310 = tpu.memref_squeeze %dma_wait3A_309 : memref<1x5000xi32, #tpu.memory_space<vmem>> -> memref<5000xi32, #tpu.memory_space<vmem>>
      %dma_wait3A_311 = arith.constant 0 : i32
      %dma_wait3A_312 = tpu.memref_slice %arg20[%dma_wait3A_311] : memref<102400xf32, #tpu.memory_space<vmem_shared>> -> memref<102400xf32, #tpu.memory_space<vmem_shared>>
      tpu.wait_indirect_dma semaphore(%arg23 : memref<!tpu.dma_semaphore, #tpu.memory_space<semaphore_mem>>) src(%dma_wait3A_312 : memref<102400xf32, #tpu.memory_space<vmem_shared>>) dst(%dma_wait3A_307 : memref<5000xf32, #tpu.memory_space<vmem>>)
      %dma_wait3A_313 = arith.constant 1 : i32
      %dma_wait3A_314 = arith.constant 1 : i32
      %dma_wait3A_315 = arith.constant 0 : i32
      %dma_wait3A_316 = tpu.memref_slice %arg11[%dma_wait3A_314, %dma_wait3A_315] : memref<2x5000xf32, #tpu.memory_space<vmem>> -> memref<1x5000xf32, #tpu.memory_space<vmem>>
      %dma_wait3A_317 = tpu.memref_squeeze %dma_wait3A_316 : memref<1x5000xf32, #tpu.memory_space<vmem>> -> memref<5000xf32, #tpu.memory_space<vmem>>
      %dma_wait3A_318 = arith.constant 0 : i32
      %dma_wait3A_319 = tpu.memref_slice %arg8[%dma_wait3A_313, %dma_wait3A_318] : memref<4x5000xi32, #tpu.memory_space<vmem>> -> memref<1x5000xi32, #tpu.memory_space<vmem>>
      %dma_wait3A_320 = tpu.memref_squeeze %dma_wait3A_319 : memref<1x5000xi32, #tpu.memory_space<vmem>> -> memref<5000xi32, #tpu.memory_space<vmem>>
      %dma_wait3A_321 = arith.constant 0 : i32
      %dma_wait3A_322 = tpu.memref_slice %arg21[%dma_wait3A_321] : memref<102400xf32, #tpu.memory_space<vmem_shared>> -> memref<102400xf32, #tpu.memory_space<vmem_shared>>
      tpu.wait_indirect_dma semaphore(%arg23 : memref<!tpu.dma_semaphore, #tpu.memory_space<semaphore_mem>>) src(%dma_wait3A_322 : memref<102400xf32, #tpu.memory_space<vmem_shared>>) dst(%dma_wait3A_317 : memref<5000xf32, #tpu.memory_space<vmem>>)
      %dma_start3A_323 = arith.constant 1 : i32
      %dma_start3A_324 = arith.constant 1 : i32
      %dma_start3A_325 = arith.constant 0 : i32
      %dma_start3A_326 = tpu.memref_slice %arg10[%dma_start3A_323, %dma_start3A_325] : memref<2x5000xf32, #tpu.memory_space<vmem>> -> memref<1x5000xf32, #tpu.memory_space<vmem>>
      %dma_start3A_327 = tpu.memref_squeeze %dma_start3A_326 : memref<1x5000xf32, #tpu.memory_space<vmem>> -> memref<5000xf32, #tpu.memory_space<vmem>>
      %dma_start3A_328 = arith.constant 0 : i32
      %dma_start3A_329 = tpu.memref_slice %arg9[%dma_start3A_324, %dma_start3A_328] : memref<4x5000xi32, #tpu.memory_space<vmem>> -> memref<1x5000xi32, #tpu.memory_space<vmem>>
      %dma_start3A_330 = tpu.memref_squeeze %dma_start3A_329 : memref<1x5000xi32, #tpu.memory_space<vmem>> -> memref<5000xi32, #tpu.memory_space<vmem>>
      %dma_start3A_331 = arith.constant 0 : i32
      %dma_start3A_332 = tpu.memref_slice %arg18[%dma_start3A_331] : memref<102400xf32, #tpu.memory_space<vmem_shared>> -> memref<102400xf32, #tpu.memory_space<vmem_shared>>
      tpu.enqueue_indirect_dma source(%dma_start3A_327 : memref<5000xf32, #tpu.memory_space<vmem>>) target(%dma_start3A_332 : memref<102400xf32, #tpu.memory_space<vmem_shared>>) offsets(%dma_start3A_330 : memref<5000xi32, #tpu.memory_space<vmem>>) semaphore(%arg24 : memref<!tpu.dma_semaphore, #tpu.memory_space<semaphore_mem>>) {add = true}
      %dma_start3A_333 = arith.constant 1 : i32
      %dma_start3A_334 = arith.constant 1 : i32
      %dma_start3A_335 = arith.constant 0 : i32
      %dma_start3A_336 = tpu.memref_slice %arg11[%dma_start3A_333, %dma_start3A_335] : memref<2x5000xf32, #tpu.memory_space<vmem>> -> memref<1x5000xf32, #tpu.memory_space<vmem>>
      %dma_start3A_337 = tpu.memref_squeeze %dma_start3A_336 : memref<1x5000xf32, #tpu.memory_space<vmem>> -> memref<5000xf32, #tpu.memory_space<vmem>>
      %dma_start3A_338 = arith.constant 0 : i32
      %dma_start3A_339 = tpu.memref_slice %arg9[%dma_start3A_334, %dma_start3A_338] : memref<4x5000xi32, #tpu.memory_space<vmem>> -> memref<1x5000xi32, #tpu.memory_space<vmem>>
      %dma_start3A_340 = tpu.memref_squeeze %dma_start3A_339 : memref<1x5000xi32, #tpu.memory_space<vmem>> -> memref<5000xi32, #tpu.memory_space<vmem>>
      %dma_start3A_341 = arith.constant 0 : i32
      %dma_start3A_342 = tpu.memref_slice %arg19[%dma_start3A_341] : memref<102400xf32, #tpu.memory_space<vmem_shared>> -> memref<102400xf32, #tpu.memory_space<vmem_shared>>
      tpu.enqueue_indirect_dma source(%dma_start3A_337 : memref<5000xf32, #tpu.memory_space<vmem>>) target(%dma_start3A_342 : memref<102400xf32, #tpu.memory_space<vmem_shared>>) offsets(%dma_start3A_340 : memref<5000xi32, #tpu.memory_space<vmem>>) semaphore(%arg24 : memref<!tpu.dma_semaphore, #tpu.memory_space<semaphore_mem>>) {add = true}
      %mul3A_343 = arith.constant 4 : i32
      %mul3A_344 = arith.muli %scan3A_150, %mul3A_343 : i32
      %add3A_345 = arith.constant 2 : i32
      %add3A_346 = arith.addi %mul3A_344, %add3A_345 : i32
      %dma_wait3A_347 = arith.constant 2 : i32
      %dma_wait3A_348 = arith.constant 0 : i32
      %dma_wait3A_349 = tpu.memref_slice %arg8[%dma_wait3A_347, %dma_wait3A_348] : memref<4x5000xi32, #tpu.memory_space<vmem>> -> memref<1x5000xi32, #tpu.memory_space<vmem>>
      %dma_wait3A_350 = tpu.memref_squeeze %dma_wait3A_349 : memref<1x5000xi32, #tpu.memory_space<vmem>> -> memref<5000xi32, #tpu.memory_space<vmem>>
      %dma_wait3A_351 = arith.constant 0 : i32
      %dma_wait3A_352 = tpu.memref_slice %arg2[%dma_wait3A_351] : memref<6400000xi32, #tpu.memory_space<hbm>> -> memref<5000xi32, #tpu.memory_space<hbm>>
      %dma_wait3A_353 = arith.constant 0 : i32
      %dma_wait3A_354 = tpu.memref_slice %arg8[%dma_wait3A_347, %dma_wait3A_353] : memref<4x5000xi32, #tpu.memory_space<vmem>> -> memref<1x5000xi32, #tpu.memory_space<vmem>>
      %dma_wait3A_355 = tpu.memref_squeeze %dma_wait3A_354 : memref<1x5000xi32, #tpu.memory_space<vmem>> -> memref<5000xi32, #tpu.memory_space<vmem>>
      %dma_wait3A_356 = arith.constant 0 : i32
      %dma_wait3A_357 = tpu.memref_slice %arg2[%dma_wait3A_356] : memref<6400000xi32, #tpu.memory_space<hbm>> -> memref<5000xi32, #tpu.memory_space<hbm>>
      tpu.wait_dma2 semaphore(%arg22 : memref<!tpu.dma_semaphore, #tpu.memory_space<semaphore_mem>>) src(%dma_wait3A_357 : memref<5000xi32, #tpu.memory_space<hbm>>) dst(%dma_wait3A_355 : memref<5000xi32, #tpu.memory_space<vmem>>)
      %dma_wait3A_358 = arith.constant 2 : i32
      %dma_wait3A_359 = arith.constant 0 : i32
      %dma_wait3A_360 = tpu.memref_slice %arg9[%dma_wait3A_358, %dma_wait3A_359] : memref<4x5000xi32, #tpu.memory_space<vmem>> -> memref<1x5000xi32, #tpu.memory_space<vmem>>
      %dma_wait3A_361 = tpu.memref_squeeze %dma_wait3A_360 : memref<1x5000xi32, #tpu.memory_space<vmem>> -> memref<5000xi32, #tpu.memory_space<vmem>>
      %dma_wait3A_362 = arith.constant 0 : i32
      %dma_wait3A_363 = tpu.memref_slice %arg3[%dma_wait3A_362] : memref<6400000xi32, #tpu.memory_space<hbm>> -> memref<5000xi32, #tpu.memory_space<hbm>>
      %dma_wait3A_364 = arith.constant 0 : i32
      %dma_wait3A_365 = tpu.memref_slice %arg9[%dma_wait3A_358, %dma_wait3A_364] : memref<4x5000xi32, #tpu.memory_space<vmem>> -> memref<1x5000xi32, #tpu.memory_space<vmem>>
      %dma_wait3A_366 = tpu.memref_squeeze %dma_wait3A_365 : memref<1x5000xi32, #tpu.memory_space<vmem>> -> memref<5000xi32, #tpu.memory_space<vmem>>
      %dma_wait3A_367 = arith.constant 0 : i32
      %dma_wait3A_368 = tpu.memref_slice %arg3[%dma_wait3A_367] : memref<6400000xi32, #tpu.memory_space<hbm>> -> memref<5000xi32, #tpu.memory_space<hbm>>
      tpu.wait_dma2 semaphore(%arg22 : memref<!tpu.dma_semaphore, #tpu.memory_space<semaphore_mem>>) src(%dma_wait3A_368 : memref<5000xi32, #tpu.memory_space<hbm>>) dst(%dma_wait3A_366 : memref<5000xi32, #tpu.memory_space<vmem>>)
      %ge3A_369 = arith.constant 2 : i32
      %ge3A_370 = arith.cmpi sge, %add3A_346, %ge3A_369 : i32
      %convert_element_type3A_371 = arith.extui %ge3A_370 : i1 to i32
      %cond3A_372 = arith.constant 0 : i32
      %cond3A_373 = arith.cmpi ne, %convert_element_type3A_371, %cond3A_372 : i32
      scf.if %cond3A_373 {
        %dma_wait3A_539 = arith.constant 0 : i32
        %dma_wait3A_540 = arith.constant 0 : i32
        %dma_wait3A_541 = arith.constant 0 : i32
        %dma_wait3A_542 = tpu.memref_slice %arg10[%dma_wait3A_539, %dma_wait3A_541] : memref<2x5000xf32, #tpu.memory_space<vmem>> -> memref<1x5000xf32, #tpu.memory_space<vmem>>
        %dma_wait3A_543 = tpu.memref_squeeze %dma_wait3A_542 : memref<1x5000xf32, #tpu.memory_space<vmem>> -> memref<5000xf32, #tpu.memory_space<vmem>>
        %dma_wait3A_544 = arith.constant 0 : i32
        %dma_wait3A_545 = tpu.memref_slice %arg9[%dma_wait3A_540, %dma_wait3A_544] : memref<4x5000xi32, #tpu.memory_space<vmem>> -> memref<1x5000xi32, #tpu.memory_space<vmem>>
        %dma_wait3A_546 = tpu.memref_squeeze %dma_wait3A_545 : memref<1x5000xi32, #tpu.memory_space<vmem>> -> memref<5000xi32, #tpu.memory_space<vmem>>
        %dma_wait3A_547 = arith.constant 0 : i32
        %dma_wait3A_548 = tpu.memref_slice %arg18[%dma_wait3A_547] : memref<102400xf32, #tpu.memory_space<vmem_shared>> -> memref<102400xf32, #tpu.memory_space<vmem_shared>>
        tpu.wait_indirect_dma semaphore(%arg24 : memref<!tpu.dma_semaphore, #tpu.memory_space<semaphore_mem>>) src(%dma_wait3A_543 : memref<5000xf32, #tpu.memory_space<vmem>>) dst(%dma_wait3A_548 : memref<102400xf32, #tpu.memory_space<vmem_shared>>)
        %dma_wait3A_549 = arith.constant 0 : i32
        %dma_wait3A_550 = arith.constant 0 : i32
        %dma_wait3A_551 = arith.constant 0 : i32
        %dma_wait3A_552 = tpu.memref_slice %arg11[%dma_wait3A_549, %dma_wait3A_551] : memref<2x5000xf32, #tpu.memory_space<vmem>> -> memref<1x5000xf32, #tpu.memory_space<vmem>>
        %dma_wait3A_553 = tpu.memref_squeeze %dma_wait3A_552 : memref<1x5000xf32, #tpu.memory_space<vmem>> -> memref<5000xf32, #tpu.memory_space<vmem>>
        %dma_wait3A_554 = arith.constant 0 : i32
        %dma_wait3A_555 = tpu.memref_slice %arg9[%dma_wait3A_550, %dma_wait3A_554] : memref<4x5000xi32, #tpu.memory_space<vmem>> -> memref<1x5000xi32, #tpu.memory_space<vmem>>
        %dma_wait3A_556 = tpu.memref_squeeze %dma_wait3A_555 : memref<1x5000xi32, #tpu.memory_space<vmem>> -> memref<5000xi32, #tpu.memory_space<vmem>>
        %dma_wait3A_557 = arith.constant 0 : i32
        %dma_wait3A_558 = tpu.memref_slice %arg19[%dma_wait3A_557] : memref<102400xf32, #tpu.memory_space<vmem_shared>> -> memref<102400xf32, #tpu.memory_space<vmem_shared>>
        tpu.wait_indirect_dma semaphore(%arg24 : memref<!tpu.dma_semaphore, #tpu.memory_space<semaphore_mem>>) src(%dma_wait3A_553 : memref<5000xf32, #tpu.memory_space<vmem>>) dst(%dma_wait3A_558 : memref<102400xf32, #tpu.memory_space<vmem_shared>>)
      } else {
      }
      %dma_start3A_374 = arith.constant 2 : i32
      %dma_start3A_375 = arith.constant 0 : i32
      %dma_start3A_376 = arith.constant 0 : i32
      %dma_start3A_377 = tpu.memref_slice %arg10[%dma_start3A_375, %dma_start3A_376] : memref<2x5000xf32, #tpu.memory_space<vmem>> -> memref<1x5000xf32, #tpu.memory_space<vmem>>
      %dma_start3A_378 = tpu.memref_squeeze %dma_start3A_377 : memref<1x5000xf32, #tpu.memory_space<vmem>> -> memref<5000xf32, #tpu.memory_space<vmem>>
      %dma_start3A_379 = arith.constant 0 : i32
      %dma_start3A_380 = tpu.memref_slice %arg8[%dma_start3A_374, %dma_start3A_379] : memref<4x5000xi32, #tpu.memory_space<vmem>> -> memref<1x5000xi32, #tpu.memory_space<vmem>>
      %dma_start3A_381 = tpu.memref_squeeze %dma_start3A_380 : memref<1x5000xi32, #tpu.memory_space<vmem>> -> memref<5000xi32, #tpu.memory_space<vmem>>
      %dma_start3A_382 = arith.constant 0 : i32
      %dma_start3A_383 = tpu.memref_slice %arg20[%dma_start3A_382] : memref<102400xf32, #tpu.memory_space<vmem_shared>> -> memref<102400xf32, #tpu.memory_space<vmem_shared>>
      tpu.enqueue_indirect_dma source(%dma_start3A_383 : memref<102400xf32, #tpu.memory_space<vmem_shared>>) target(%dma_start3A_378 : memref<5000xf32, #tpu.memory_space<vmem>>) offsets(%dma_start3A_381 : memref<5000xi32, #tpu.memory_space<vmem>>) semaphore(%arg23 : memref<!tpu.dma_semaphore, #tpu.memory_space<semaphore_mem>>)
      %dma_start3A_384 = arith.constant 2 : i32
      %dma_start3A_385 = arith.constant 0 : i32
      %dma_start3A_386 = arith.constant 0 : i32
      %dma_start3A_387 = tpu.memref_slice %arg11[%dma_start3A_385, %dma_start3A_386] : memref<2x5000xf32, #tpu.memory_space<vmem>> -> memref<1x5000xf32, #tpu.memory_space<vmem>>
      %dma_start3A_388 = tpu.memref_squeeze %dma_start3A_387 : memref<1x5000xf32, #tpu.memory_space<vmem>> -> memref<5000xf32, #tpu.memory_space<vmem>>
      %dma_start3A_389 = arith.constant 0 : i32
      %dma_start3A_390 = tpu.memref_slice %arg8[%dma_start3A_384, %dma_start3A_389] : memref<4x5000xi32, #tpu.memory_space<vmem>> -> memref<1x5000xi32, #tpu.memory_space<vmem>>
      %dma_start3A_391 = tpu.memref_squeeze %dma_start3A_390 : memref<1x5000xi32, #tpu.memory_space<vmem>> -> memref<5000xi32, #tpu.memory_space<vmem>>
      %dma_start3A_392 = arith.constant 0 : i32
      %dma_start3A_393 = tpu.memref_slice %arg21[%dma_start3A_392] : memref<102400xf32, #tpu.memory_space<vmem_shared>> -> memref<102400xf32, #tpu.memory_space<vmem_shared>>
      tpu.enqueue_indirect_dma source(%dma_start3A_393 : memref<102400xf32, #tpu.memory_space<vmem_shared>>) target(%dma_start3A_388 : memref<5000xf32, #tpu.memory_space<vmem>>) offsets(%dma_start3A_391 : memref<5000xi32, #tpu.memory_space<vmem>>) semaphore(%arg23 : memref<!tpu.dma_semaphore, #tpu.memory_space<semaphore_mem>>)
      %add3A_394 = arith.constant 2 : i32
      %add3A_395 = arith.addi %add3A_346, %add3A_394 : i32
      %lt3A_396 = arith.constant 40 : i32
      %lt3A_397 = arith.cmpi slt, %add3A_395, %lt3A_396 : i32
      %convert_element_type3A_398 = arith.extui %lt3A_397 : i1 to i32
      %cond3A_399 = arith.constant 0 : i32
      %cond3A_400 = arith.cmpi ne, %convert_element_type3A_398, %cond3A_399 : i32
      scf.if %cond3A_400 {
        %add3A_539 = arith.constant 2 : i32
        %add3A_540 = arith.addi %add3A_346, %add3A_539 : i32
        %mul3A_541 = arith.constant 5000 : i32
        %mul3A_542 = arith.muli %add3A_540, %mul3A_541 : i32
        %add3A_543 = arith.addi %mul3A_2, %mul3A_542 : i32
        %dma_start3A_544 = arith.constant 0 : i32
        %dma_start3A_545 = arith.constant 0 : i32
        %dma_start3A_546 = tpu.memref_slice %arg8[%dma_start3A_544, %dma_start3A_545] : memref<4x5000xi32, #tpu.memory_space<vmem>> -> memref<1x5000xi32, #tpu.memory_space<vmem>>
        %dma_start3A_547 = tpu.memref_squeeze %dma_start3A_546 : memref<1x5000xi32, #tpu.memory_space<vmem>> -> memref<5000xi32, #tpu.memory_space<vmem>>
        %dma_start3A_548 = tpu.memref_slice %arg2[%add3A_543] : memref<6400000xi32, #tpu.memory_space<hbm>> -> memref<5000xi32, #tpu.memory_space<hbm>>
        %dma_start3A_549 = arith.constant 0 : i32
        %dma_start3A_550 = tpu.memref_slice %arg8[%dma_start3A_544, %dma_start3A_549] : memref<4x5000xi32, #tpu.memory_space<vmem>> -> memref<1x5000xi32, #tpu.memory_space<vmem>>
        %dma_start3A_551 = tpu.memref_squeeze %dma_start3A_550 : memref<1x5000xi32, #tpu.memory_space<vmem>> -> memref<5000xi32, #tpu.memory_space<vmem>>
        %dma_start3A_552 = tpu.memref_slice %arg2[%add3A_543] : memref<6400000xi32, #tpu.memory_space<hbm>> -> memref<5000xi32, #tpu.memory_space<hbm>>
        tpu.enqueue_dma source(%dma_start3A_552 : memref<5000xi32, #tpu.memory_space<hbm>>) target(%dma_start3A_551 : memref<5000xi32, #tpu.memory_space<vmem>>) target_semaphore(%arg22 : memref<!tpu.dma_semaphore, #tpu.memory_space<semaphore_mem>>)
        %mul3A_553 = arith.constant 5000 : i32
        %mul3A_554 = arith.muli %add3A_540, %mul3A_553 : i32
        %add3A_555 = arith.addi %mul3A_2, %mul3A_554 : i32
        %dma_start3A_556 = arith.constant 0 : i32
        %dma_start3A_557 = arith.constant 0 : i32
        %dma_start3A_558 = tpu.memref_slice %arg9[%dma_start3A_556, %dma_start3A_557] : memref<4x5000xi32, #tpu.memory_space<vmem>> -> memref<1x5000xi32, #tpu.memory_space<vmem>>
        %dma_start3A_559 = tpu.memref_squeeze %dma_start3A_558 : memref<1x5000xi32, #tpu.memory_space<vmem>> -> memref<5000xi32, #tpu.memory_space<vmem>>
        %dma_start3A_560 = tpu.memref_slice %arg3[%add3A_555] : memref<6400000xi32, #tpu.memory_space<hbm>> -> memref<5000xi32, #tpu.memory_space<hbm>>
        %dma_start3A_561 = arith.constant 0 : i32
        %dma_start3A_562 = tpu.memref_slice %arg9[%dma_start3A_556, %dma_start3A_561] : memref<4x5000xi32, #tpu.memory_space<vmem>> -> memref<1x5000xi32, #tpu.memory_space<vmem>>
        %dma_start3A_563 = tpu.memref_squeeze %dma_start3A_562 : memref<1x5000xi32, #tpu.memory_space<vmem>> -> memref<5000xi32, #tpu.memory_space<vmem>>
        %dma_start3A_564 = tpu.memref_slice %arg3[%add3A_555] : memref<6400000xi32, #tpu.memory_space<hbm>> -> memref<5000xi32, #tpu.memory_space<hbm>>
        tpu.enqueue_dma source(%dma_start3A_564 : memref<5000xi32, #tpu.memory_space<hbm>>) target(%dma_start3A_563 : memref<5000xi32, #tpu.memory_space<vmem>>) target_semaphore(%arg22 : memref<!tpu.dma_semaphore, #tpu.memory_space<semaphore_mem>>)
      } else {
      }
      %dma_wait3A_401 = arith.constant 2 : i32
      %dma_wait3A_402 = arith.constant 0 : i32
      %dma_wait3A_403 = arith.constant 0 : i32
      %dma_wait3A_404 = tpu.memref_slice %arg10[%dma_wait3A_402, %dma_wait3A_403] : memref<2x5000xf32, #tpu.memory_space<vmem>> -> memref<1x5000xf32, #tpu.memory_space<vmem>>
      %dma_wait3A_405 = tpu.memref_squeeze %dma_wait3A_404 : memref<1x5000xf32, #tpu.memory_space<vmem>> -> memref<5000xf32, #tpu.memory_space<vmem>>
      %dma_wait3A_406 = arith.constant 0 : i32
      %dma_wait3A_407 = tpu.memref_slice %arg8[%dma_wait3A_401, %dma_wait3A_406] : memref<4x5000xi32, #tpu.memory_space<vmem>> -> memref<1x5000xi32, #tpu.memory_space<vmem>>
      %dma_wait3A_408 = tpu.memref_squeeze %dma_wait3A_407 : memref<1x5000xi32, #tpu.memory_space<vmem>> -> memref<5000xi32, #tpu.memory_space<vmem>>
      %dma_wait3A_409 = arith.constant 0 : i32
      %dma_wait3A_410 = tpu.memref_slice %arg20[%dma_wait3A_409] : memref<102400xf32, #tpu.memory_space<vmem_shared>> -> memref<102400xf32, #tpu.memory_space<vmem_shared>>
      tpu.wait_indirect_dma semaphore(%arg23 : memref<!tpu.dma_semaphore, #tpu.memory_space<semaphore_mem>>) src(%dma_wait3A_410 : memref<102400xf32, #tpu.memory_space<vmem_shared>>) dst(%dma_wait3A_405 : memref<5000xf32, #tpu.memory_space<vmem>>)
      %dma_wait3A_411 = arith.constant 2 : i32
      %dma_wait3A_412 = arith.constant 0 : i32
      %dma_wait3A_413 = arith.constant 0 : i32
      %dma_wait3A_414 = tpu.memref_slice %arg11[%dma_wait3A_412, %dma_wait3A_413] : memref<2x5000xf32, #tpu.memory_space<vmem>> -> memref<1x5000xf32, #tpu.memory_space<vmem>>
      %dma_wait3A_415 = tpu.memref_squeeze %dma_wait3A_414 : memref<1x5000xf32, #tpu.memory_space<vmem>> -> memref<5000xf32, #tpu.memory_space<vmem>>
      %dma_wait3A_416 = arith.constant 0 : i32
      %dma_wait3A_417 = tpu.memref_slice %arg8[%dma_wait3A_411, %dma_wait3A_416] : memref<4x5000xi32, #tpu.memory_space<vmem>> -> memref<1x5000xi32, #tpu.memory_space<vmem>>
      %dma_wait3A_418 = tpu.memref_squeeze %dma_wait3A_417 : memref<1x5000xi32, #tpu.memory_space<vmem>> -> memref<5000xi32, #tpu.memory_space<vmem>>
      %dma_wait3A_419 = arith.constant 0 : i32
      %dma_wait3A_420 = tpu.memref_slice %arg21[%dma_wait3A_419] : memref<102400xf32, #tpu.memory_space<vmem_shared>> -> memref<102400xf32, #tpu.memory_space<vmem_shared>>
      tpu.wait_indirect_dma semaphore(%arg23 : memref<!tpu.dma_semaphore, #tpu.memory_space<semaphore_mem>>) src(%dma_wait3A_420 : memref<102400xf32, #tpu.memory_space<vmem_shared>>) dst(%dma_wait3A_415 : memref<5000xf32, #tpu.memory_space<vmem>>)
      %dma_start3A_421 = arith.constant 0 : i32
      %dma_start3A_422 = arith.constant 2 : i32
      %dma_start3A_423 = arith.constant 0 : i32
      %dma_start3A_424 = tpu.memref_slice %arg10[%dma_start3A_421, %dma_start3A_423] : memref<2x5000xf32, #tpu.memory_space<vmem>> -> memref<1x5000xf32, #tpu.memory_space<vmem>>
      %dma_start3A_425 = tpu.memref_squeeze %dma_start3A_424 : memref<1x5000xf32, #tpu.memory_space<vmem>> -> memref<5000xf32, #tpu.memory_space<vmem>>
      %dma_start3A_426 = arith.constant 0 : i32
      %dma_start3A_427 = tpu.memref_slice %arg9[%dma_start3A_422, %dma_start3A_426] : memref<4x5000xi32, #tpu.memory_space<vmem>> -> memref<1x5000xi32, #tpu.memory_space<vmem>>
      %dma_start3A_428 = tpu.memref_squeeze %dma_start3A_427 : memref<1x5000xi32, #tpu.memory_space<vmem>> -> memref<5000xi32, #tpu.memory_space<vmem>>
      %dma_start3A_429 = arith.constant 0 : i32
      %dma_start3A_430 = tpu.memref_slice %arg18[%dma_start3A_429] : memref<102400xf32, #tpu.memory_space<vmem_shared>> -> memref<102400xf32, #tpu.memory_space<vmem_shared>>
      tpu.enqueue_indirect_dma source(%dma_start3A_425 : memref<5000xf32, #tpu.memory_space<vmem>>) target(%dma_start3A_430 : memref<102400xf32, #tpu.memory_space<vmem_shared>>) offsets(%dma_start3A_428 : memref<5000xi32, #tpu.memory_space<vmem>>) semaphore(%arg24 : memref<!tpu.dma_semaphore, #tpu.memory_space<semaphore_mem>>) {add = true}
      %dma_start3A_431 = arith.constant 0 : i32
      %dma_start3A_432 = arith.constant 2 : i32
      %dma_start3A_433 = arith.constant 0 : i32
      %dma_start3A_434 = tpu.memref_slice %arg11[%dma_start3A_431, %dma_start3A_433] : memref<2x5000xf32, #tpu.memory_space<vmem>> -> memref<1x5000xf32, #tpu.memory_space<vmem>>
      %dma_start3A_435 = tpu.memref_squeeze %dma_start3A_434 : memref<1x5000xf32, #tpu.memory_space<vmem>> -> memref<5000xf32, #tpu.memory_space<vmem>>
      %dma_start3A_436 = arith.constant 0 : i32
      %dma_start3A_437 = tpu.memref_slice %arg9[%dma_start3A_432, %dma_start3A_436] : memref<4x5000xi32, #tpu.memory_space<vmem>> -> memref<1x5000xi32, #tpu.memory_space<vmem>>
      %dma_start3A_438 = tpu.memref_squeeze %dma_start3A_437 : memref<1x5000xi32, #tpu.memory_space<vmem>> -> memref<5000xi32, #tpu.memory_space<vmem>>
      %dma_start3A_439 = arith.constant 0 : i32
      %dma_start3A_440 = tpu.memref_slice %arg19[%dma_start3A_439] : memref<102400xf32, #tpu.memory_space<vmem_shared>> -> memref<102400xf32, #tpu.memory_space<vmem_shared>>
      tpu.enqueue_indirect_dma source(%dma_start3A_435 : memref<5000xf32, #tpu.memory_space<vmem>>) target(%dma_start3A_440 : memref<102400xf32, #tpu.memory_space<vmem_shared>>) offsets(%dma_start3A_438 : memref<5000xi32, #tpu.memory_space<vmem>>) semaphore(%arg24 : memref<!tpu.dma_semaphore, #tpu.memory_space<semaphore_mem>>) {add = true}
      %mul3A_441 = arith.constant 4 : i32
      %mul3A_442 = arith.muli %scan3A_150, %mul3A_441 : i32
      %add3A_443 = arith.constant 3 : i32
      %add3A_444 = arith.addi %mul3A_442, %add3A_443 : i32
      %dma_wait3A_445 = arith.constant 3 : i32
      %dma_wait3A_446 = arith.constant 0 : i32
      %dma_wait3A_447 = tpu.memref_slice %arg8[%dma_wait3A_445, %dma_wait3A_446] : memref<4x5000xi32, #tpu.memory_space<vmem>> -> memref<1x5000xi32, #tpu.memory_space<vmem>>
      %dma_wait3A_448 = tpu.memref_squeeze %dma_wait3A_447 : memref<1x5000xi32, #tpu.memory_space<vmem>> -> memref<5000xi32, #tpu.memory_space<vmem>>
      %dma_wait3A_449 = arith.constant 0 : i32
      %dma_wait3A_450 = tpu.memref_slice %arg2[%dma_wait3A_449] : memref<6400000xi32, #tpu.memory_space<hbm>> -> memref<5000xi32, #tpu.memory_space<hbm>>
      %dma_wait3A_451 = arith.constant 0 : i32
      %dma_wait3A_452 = tpu.memref_slice %arg8[%dma_wait3A_445, %dma_wait3A_451] : memref<4x5000xi32, #tpu.memory_space<vmem>> -> memref<1x5000xi32, #tpu.memory_space<vmem>>
      %dma_wait3A_453 = tpu.memref_squeeze %dma_wait3A_452 : memref<1x5000xi32, #tpu.memory_space<vmem>> -> memref<5000xi32, #tpu.memory_space<vmem>>
      %dma_wait3A_454 = arith.constant 0 : i32
      %dma_wait3A_455 = tpu.memref_slice %arg2[%dma_wait3A_454] : memref<6400000xi32, #tpu.memory_space<hbm>> -> memref<5000xi32, #tpu.memory_space<hbm>>
      tpu.wait_dma2 semaphore(%arg22 : memref<!tpu.dma_semaphore, #tpu.memory_space<semaphore_mem>>) src(%dma_wait3A_455 : memref<5000xi32, #tpu.memory_space<hbm>>) dst(%dma_wait3A_453 : memref<5000xi32, #tpu.memory_space<vmem>>)
      %dma_wait3A_456 = arith.constant 3 : i32
      %dma_wait3A_457 = arith.constant 0 : i32
      %dma_wait3A_458 = tpu.memref_slice %arg9[%dma_wait3A_456, %dma_wait3A_457] : memref<4x5000xi32, #tpu.memory_space<vmem>> -> memref<1x5000xi32, #tpu.memory_space<vmem>>
      %dma_wait3A_459 = tpu.memref_squeeze %dma_wait3A_458 : memref<1x5000xi32, #tpu.memory_space<vmem>> -> memref<5000xi32, #tpu.memory_space<vmem>>
      %dma_wait3A_460 = arith.constant 0 : i32
      %dma_wait3A_461 = tpu.memref_slice %arg3[%dma_wait3A_460] : memref<6400000xi32, #tpu.memory_space<hbm>> -> memref<5000xi32, #tpu.memory_space<hbm>>
      %dma_wait3A_462 = arith.constant 0 : i32
      %dma_wait3A_463 = tpu.memref_slice %arg9[%dma_wait3A_456, %dma_wait3A_462] : memref<4x5000xi32, #tpu.memory_space<vmem>> -> memref<1x5000xi32, #tpu.memory_space<vmem>>
      %dma_wait3A_464 = tpu.memref_squeeze %dma_wait3A_463 : memref<1x5000xi32, #tpu.memory_space<vmem>> -> memref<5000xi32, #tpu.memory_space<vmem>>
      %dma_wait3A_465 = arith.constant 0 : i32
      %dma_wait3A_466 = tpu.memref_slice %arg3[%dma_wait3A_465] : memref<6400000xi32, #tpu.memory_space<hbm>> -> memref<5000xi32, #tpu.memory_space<hbm>>
      tpu.wait_dma2 semaphore(%arg22 : memref<!tpu.dma_semaphore, #tpu.memory_space<semaphore_mem>>) src(%dma_wait3A_466 : memref<5000xi32, #tpu.memory_space<hbm>>) dst(%dma_wait3A_464 : memref<5000xi32, #tpu.memory_space<vmem>>)
      %ge3A_467 = arith.constant 2 : i32
      %ge3A_468 = arith.cmpi sge, %add3A_444, %ge3A_467 : i32
      %convert_element_type3A_469 = arith.extui %ge3A_468 : i1 to i32
      %cond3A_470 = arith.constant 0 : i32
      %cond3A_471 = arith.cmpi ne, %convert_element_type3A_469, %cond3A_470 : i32
      scf.if %cond3A_471 {
        %dma_wait3A_539 = arith.constant 1 : i32
        %dma_wait3A_540 = arith.constant 1 : i32
        %dma_wait3A_541 = arith.constant 0 : i32
        %dma_wait3A_542 = tpu.memref_slice %arg10[%dma_wait3A_539, %dma_wait3A_541] : memref<2x5000xf32, #tpu.memory_space<vmem>> -> memref<1x5000xf32, #tpu.memory_space<vmem>>
        %dma_wait3A_543 = tpu.memref_squeeze %dma_wait3A_542 : memref<1x5000xf32, #tpu.memory_space<vmem>> -> memref<5000xf32, #tpu.memory_space<vmem>>
        %dma_wait3A_544 = arith.constant 0 : i32
        %dma_wait3A_545 = tpu.memref_slice %arg9[%dma_wait3A_540, %dma_wait3A_544] : memref<4x5000xi32, #tpu.memory_space<vmem>> -> memref<1x5000xi32, #tpu.memory_space<vmem>>
        %dma_wait3A_546 = tpu.memref_squeeze %dma_wait3A_545 : memref<1x5000xi32, #tpu.memory_space<vmem>> -> memref<5000xi32, #tpu.memory_space<vmem>>
        %dma_wait3A_547 = arith.constant 0 : i32
        %dma_wait3A_548 = tpu.memref_slice %arg18[%dma_wait3A_547] : memref<102400xf32, #tpu.memory_space<vmem_shared>> -> memref<102400xf32, #tpu.memory_space<vmem_shared>>
        tpu.wait_indirect_dma semaphore(%arg24 : memref<!tpu.dma_semaphore, #tpu.memory_space<semaphore_mem>>) src(%dma_wait3A_543 : memref<5000xf32, #tpu.memory_space<vmem>>) dst(%dma_wait3A_548 : memref<102400xf32, #tpu.memory_space<vmem_shared>>)
        %dma_wait3A_549 = arith.constant 1 : i32
        %dma_wait3A_550 = arith.constant 1 : i32
        %dma_wait3A_551 = arith.constant 0 : i32
        %dma_wait3A_552 = tpu.memref_slice %arg11[%dma_wait3A_549, %dma_wait3A_551] : memref<2x5000xf32, #tpu.memory_space<vmem>> -> memref<1x5000xf32, #tpu.memory_space<vmem>>
        %dma_wait3A_553 = tpu.memref_squeeze %dma_wait3A_552 : memref<1x5000xf32, #tpu.memory_space<vmem>> -> memref<5000xf32, #tpu.memory_space<vmem>>
        %dma_wait3A_554 = arith.constant 0 : i32
        %dma_wait3A_555 = tpu.memref_slice %arg9[%dma_wait3A_550, %dma_wait3A_554] : memref<4x5000xi32, #tpu.memory_space<vmem>> -> memref<1x5000xi32, #tpu.memory_space<vmem>>
        %dma_wait3A_556 = tpu.memref_squeeze %dma_wait3A_555 : memref<1x5000xi32, #tpu.memory_space<vmem>> -> memref<5000xi32, #tpu.memory_space<vmem>>
        %dma_wait3A_557 = arith.constant 0 : i32
        %dma_wait3A_558 = tpu.memref_slice %arg19[%dma_wait3A_557] : memref<102400xf32, #tpu.memory_space<vmem_shared>> -> memref<102400xf32, #tpu.memory_space<vmem_shared>>
        tpu.wait_indirect_dma semaphore(%arg24 : memref<!tpu.dma_semaphore, #tpu.memory_space<semaphore_mem>>) src(%dma_wait3A_553 : memref<5000xf32, #tpu.memory_space<vmem>>) dst(%dma_wait3A_558 : memref<102400xf32, #tpu.memory_space<vmem_shared>>)
      } else {
      }
      %dma_start3A_472 = arith.constant 3 : i32
      %dma_start3A_473 = arith.constant 1 : i32
      %dma_start3A_474 = arith.constant 0 : i32
      %dma_start3A_475 = tpu.memref_slice %arg10[%dma_start3A_473, %dma_start3A_474] : memref<2x5000xf32, #tpu.memory_space<vmem>> -> memref<1x5000xf32, #tpu.memory_space<vmem>>
      %dma_start3A_476 = tpu.memref_squeeze %dma_start3A_475 : memref<1x5000xf32, #tpu.memory_space<vmem>> -> memref<5000xf32, #tpu.memory_space<vmem>>
      %dma_start3A_477 = arith.constant 0 : i32
      %dma_start3A_478 = tpu.memref_slice %arg8[%dma_start3A_472, %dma_start3A_477] : memref<4x5000xi32, #tpu.memory_space<vmem>> -> memref<1x5000xi32, #tpu.memory_space<vmem>>
      %dma_start3A_479 = tpu.memref_squeeze %dma_start3A_478 : memref<1x5000xi32, #tpu.memory_space<vmem>> -> memref<5000xi32, #tpu.memory_space<vmem>>
      %dma_start3A_480 = arith.constant 0 : i32
      %dma_start3A_481 = tpu.memref_slice %arg20[%dma_start3A_480] : memref<102400xf32, #tpu.memory_space<vmem_shared>> -> memref<102400xf32, #tpu.memory_space<vmem_shared>>
      tpu.enqueue_indirect_dma source(%dma_start3A_481 : memref<102400xf32, #tpu.memory_space<vmem_shared>>) target(%dma_start3A_476 : memref<5000xf32, #tpu.memory_space<vmem>>) offsets(%dma_start3A_479 : memref<5000xi32, #tpu.memory_space<vmem>>) semaphore(%arg23 : memref<!tpu.dma_semaphore, #tpu.memory_space<semaphore_mem>>)
      %dma_start3A_482 = arith.constant 3 : i32
      %dma_start3A_483 = arith.constant 1 : i32
      %dma_start3A_484 = arith.constant 0 : i32
      %dma_start3A_485 = tpu.memref_slice %arg11[%dma_start3A_483, %dma_start3A_484] : memref<2x5000xf32, #tpu.memory_space<vmem>> -> memref<1x5000xf32, #tpu.memory_space<vmem>>
      %dma_start3A_486 = tpu.memref_squeeze %dma_start3A_485 : memref<1x5000xf32, #tpu.memory_space<vmem>> -> memref<5000xf32, #tpu.memory_space<vmem>>
      %dma_start3A_487 = arith.constant 0 : i32
      %dma_start3A_488 = tpu.memref_slice %arg8[%dma_start3A_482, %dma_start3A_487] : memref<4x5000xi32, #tpu.memory_space<vmem>> -> memref<1x5000xi32, #tpu.memory_space<vmem>>
      %dma_start3A_489 = tpu.memref_squeeze %dma_start3A_488 : memref<1x5000xi32, #tpu.memory_space<vmem>> -> memref<5000xi32, #tpu.memory_space<vmem>>
      %dma_start3A_490 = arith.constant 0 : i32
      %dma_start3A_491 = tpu.memref_slice %arg21[%dma_start3A_490] : memref<102400xf32, #tpu.memory_space<vmem_shared>> -> memref<102400xf32, #tpu.memory_space<vmem_shared>>
      tpu.enqueue_indirect_dma source(%dma_start3A_491 : memref<102400xf32, #tpu.memory_space<vmem_shared>>) target(%dma_start3A_486 : memref<5000xf32, #tpu.memory_space<vmem>>) offsets(%dma_start3A_489 : memref<5000xi32, #tpu.memory_space<vmem>>) semaphore(%arg23 : memref<!tpu.dma_semaphore, #tpu.memory_space<semaphore_mem>>)
      %add3A_492 = arith.constant 2 : i32
      %add3A_493 = arith.addi %add3A_444, %add3A_492 : i32
      %lt3A_494 = arith.constant 40 : i32
      %lt3A_495 = arith.cmpi slt, %add3A_493, %lt3A_494 : i32
      %convert_element_type3A_496 = arith.extui %lt3A_495 : i1 to i32
      %cond3A_497 = arith.constant 0 : i32
      %cond3A_498 = arith.cmpi ne, %convert_element_type3A_496, %cond3A_497 : i32
      scf.if %cond3A_498 {
        %add3A_539 = arith.constant 2 : i32
        %add3A_540 = arith.addi %add3A_444, %add3A_539 : i32
        %mul3A_541 = arith.constant 5000 : i32
        %mul3A_542 = arith.muli %add3A_540, %mul3A_541 : i32
        %add3A_543 = arith.addi %mul3A_2, %mul3A_542 : i32
        %dma_start3A_544 = arith.constant 1 : i32
        %dma_start3A_545 = arith.constant 0 : i32
        %dma_start3A_546 = tpu.memref_slice %arg8[%dma_start3A_544, %dma_start3A_545] : memref<4x5000xi32, #tpu.memory_space<vmem>> -> memref<1x5000xi32, #tpu.memory_space<vmem>>
        %dma_start3A_547 = tpu.memref_squeeze %dma_start3A_546 : memref<1x5000xi32, #tpu.memory_space<vmem>> -> memref<5000xi32, #tpu.memory_space<vmem>>
        %dma_start3A_548 = tpu.memref_slice %arg2[%add3A_543] : memref<6400000xi32, #tpu.memory_space<hbm>> -> memref<5000xi32, #tpu.memory_space<hbm>>
        %dma_start3A_549 = arith.constant 0 : i32
        %dma_start3A_550 = tpu.memref_slice %arg8[%dma_start3A_544, %dma_start3A_549] : memref<4x5000xi32, #tpu.memory_space<vmem>> -> memref<1x5000xi32, #tpu.memory_space<vmem>>
        %dma_start3A_551 = tpu.memref_squeeze %dma_start3A_550 : memref<1x5000xi32, #tpu.memory_space<vmem>> -> memref<5000xi32, #tpu.memory_space<vmem>>
        %dma_start3A_552 = tpu.memref_slice %arg2[%add3A_543] : memref<6400000xi32, #tpu.memory_space<hbm>> -> memref<5000xi32, #tpu.memory_space<hbm>>
        tpu.enqueue_dma source(%dma_start3A_552 : memref<5000xi32, #tpu.memory_space<hbm>>) target(%dma_start3A_551 : memref<5000xi32, #tpu.memory_space<vmem>>) target_semaphore(%arg22 : memref<!tpu.dma_semaphore, #tpu.memory_space<semaphore_mem>>)
        %mul3A_553 = arith.constant 5000 : i32
        %mul3A_554 = arith.muli %add3A_540, %mul3A_553 : i32
        %add3A_555 = arith.addi %mul3A_2, %mul3A_554 : i32
        %dma_start3A_556 = arith.constant 1 : i32
        %dma_start3A_557 = arith.constant 0 : i32
        %dma_start3A_558 = tpu.memref_slice %arg9[%dma_start3A_556, %dma_start3A_557] : memref<4x5000xi32, #tpu.memory_space<vmem>> -> memref<1x5000xi32, #tpu.memory_space<vmem>>
        %dma_start3A_559 = tpu.memref_squeeze %dma_start3A_558 : memref<1x5000xi32, #tpu.memory_space<vmem>> -> memref<5000xi32, #tpu.memory_space<vmem>>
        %dma_start3A_560 = tpu.memref_slice %arg3[%add3A_555] : memref<6400000xi32, #tpu.memory_space<hbm>> -> memref<5000xi32, #tpu.memory_space<hbm>>
        %dma_start3A_561 = arith.constant 0 : i32
        %dma_start3A_562 = tpu.memref_slice %arg9[%dma_start3A_556, %dma_start3A_561] : memref<4x5000xi32, #tpu.memory_space<vmem>> -> memref<1x5000xi32, #tpu.memory_space<vmem>>
        %dma_start3A_563 = tpu.memref_squeeze %dma_start3A_562 : memref<1x5000xi32, #tpu.memory_space<vmem>> -> memref<5000xi32, #tpu.memory_space<vmem>>
        %dma_start3A_564 = tpu.memref_slice %arg3[%add3A_555] : memref<6400000xi32, #tpu.memory_space<hbm>> -> memref<5000xi32, #tpu.memory_space<hbm>>
        tpu.enqueue_dma source(%dma_start3A_564 : memref<5000xi32, #tpu.memory_space<hbm>>) target(%dma_start3A_563 : memref<5000xi32, #tpu.memory_space<vmem>>) target_semaphore(%arg22 : memref<!tpu.dma_semaphore, #tpu.memory_space<semaphore_mem>>)
      } else {
      }
      %dma_wait3A_499 = arith.constant 3 : i32
      %dma_wait3A_500 = arith.constant 1 : i32
      %dma_wait3A_501 = arith.constant 0 : i32
      %dma_wait3A_502 = tpu.memref_slice %arg10[%dma_wait3A_500, %dma_wait3A_501] : memref<2x5000xf32, #tpu.memory_space<vmem>> -> memref<1x5000xf32, #tpu.memory_space<vmem>>
      %dma_wait3A_503 = tpu.memref_squeeze %dma_wait3A_502 : memref<1x5000xf32, #tpu.memory_space<vmem>> -> memref<5000xf32, #tpu.memory_space<vmem>>
      %dma_wait3A_504 = arith.constant 0 : i32
      %dma_wait3A_505 = tpu.memref_slice %arg8[%dma_wait3A_499, %dma_wait3A_504] : memref<4x5000xi32, #tpu.memory_space<vmem>> -> memref<1x5000xi32, #tpu.memory_space<vmem>>
      %dma_wait3A_506 = tpu.memref_squeeze %dma_wait3A_505 : memref<1x5000xi32, #tpu.memory_space<vmem>> -> memref<5000xi32, #tpu.memory_space<vmem>>
      %dma_wait3A_507 = arith.constant 0 : i32
      %dma_wait3A_508 = tpu.memref_slice %arg20[%dma_wait3A_507] : memref<102400xf32, #tpu.memory_space<vmem_shared>> -> memref<102400xf32, #tpu.memory_space<vmem_shared>>
      tpu.wait_indirect_dma semaphore(%arg23 : memref<!tpu.dma_semaphore, #tpu.memory_space<semaphore_mem>>) src(%dma_wait3A_508 : memref<102400xf32, #tpu.memory_space<vmem_shared>>) dst(%dma_wait3A_503 : memref<5000xf32, #tpu.memory_space<vmem>>)
      %dma_wait3A_509 = arith.constant 3 : i32
      %dma_wait3A_510 = arith.constant 1 : i32
      %dma_wait3A_511 = arith.constant 0 : i32
      %dma_wait3A_512 = tpu.memref_slice %arg11[%dma_wait3A_510, %dma_wait3A_511] : memref<2x5000xf32, #tpu.memory_space<vmem>> -> memref<1x5000xf32, #tpu.memory_space<vmem>>
      %dma_wait3A_513 = tpu.memref_squeeze %dma_wait3A_512 : memref<1x5000xf32, #tpu.memory_space<vmem>> -> memref<5000xf32, #tpu.memory_space<vmem>>
      %dma_wait3A_514 = arith.constant 0 : i32
      %dma_wait3A_515 = tpu.memref_slice %arg8[%dma_wait3A_509, %dma_wait3A_514] : memref<4x5000xi32, #tpu.memory_space<vmem>> -> memref<1x5000xi32, #tpu.memory_space<vmem>>
      %dma_wait3A_516 = tpu.memref_squeeze %dma_wait3A_515 : memref<1x5000xi32, #tpu.memory_space<vmem>> -> memref<5000xi32, #tpu.memory_space<vmem>>
      %dma_wait3A_517 = arith.constant 0 : i32
      %dma_wait3A_518 = tpu.memref_slice %arg21[%dma_wait3A_517] : memref<102400xf32, #tpu.memory_space<vmem_shared>> -> memref<102400xf32, #tpu.memory_space<vmem_shared>>
      tpu.wait_indirect_dma semaphore(%arg23 : memref<!tpu.dma_semaphore, #tpu.memory_space<semaphore_mem>>) src(%dma_wait3A_518 : memref<102400xf32, #tpu.memory_space<vmem_shared>>) dst(%dma_wait3A_513 : memref<5000xf32, #tpu.memory_space<vmem>>)
      %dma_start3A_519 = arith.constant 1 : i32
      %dma_start3A_520 = arith.constant 3 : i32
      %dma_start3A_521 = arith.constant 0 : i32
      %dma_start3A_522 = tpu.memref_slice %arg10[%dma_start3A_519, %dma_start3A_521] : memref<2x5000xf32, #tpu.memory_space<vmem>> -> memref<1x5000xf32, #tpu.memory_space<vmem>>
      %dma_start3A_523 = tpu.memref_squeeze %dma_start3A_522 : memref<1x5000xf32, #tpu.memory_space<vmem>> -> memref<5000xf32, #tpu.memory_space<vmem>>
      %dma_start3A_524 = arith.constant 0 : i32
      %dma_start3A_525 = tpu.memref_slice %arg9[%dma_start3A_520, %dma_start3A_524] : memref<4x5000xi32, #tpu.memory_space<vmem>> -> memref<1x5000xi32, #tpu.memory_space<vmem>>
      %dma_start3A_526 = tpu.memref_squeeze %dma_start3A_525 : memref<1x5000xi32, #tpu.memory_space<vmem>> -> memref<5000xi32, #tpu.memory_space<vmem>>
      %dma_start3A_527 = arith.constant 0 : i32
      %dma_start3A_528 = tpu.memref_slice %arg18[%dma_start3A_527] : memref<102400xf32, #tpu.memory_space<vmem_shared>> -> memref<102400xf32, #tpu.memory_space<vmem_shared>>
      tpu.enqueue_indirect_dma source(%dma_start3A_523 : memref<5000xf32, #tpu.memory_space<vmem>>) target(%dma_start3A_528 : memref<102400xf32, #tpu.memory_space<vmem_shared>>) offsets(%dma_start3A_526 : memref<5000xi32, #tpu.memory_space<vmem>>) semaphore(%arg24 : memref<!tpu.dma_semaphore, #tpu.memory_space<semaphore_mem>>) {add = true}
      %dma_start3A_529 = arith.constant 1 : i32
      %dma_start3A_530 = arith.constant 3 : i32
      %dma_start3A_531 = arith.constant 0 : i32
      %dma_start3A_532 = tpu.memref_slice %arg11[%dma_start3A_529, %dma_start3A_531] : memref<2x5000xf32, #tpu.memory_space<vmem>> -> memref<1x5000xf32, #tpu.memory_space<vmem>>
      %dma_start3A_533 = tpu.memref_squeeze %dma_start3A_532 : memref<1x5000xf32, #tpu.memory_space<vmem>> -> memref<5000xf32, #tpu.memory_space<vmem>>
      %dma_start3A_534 = arith.constant 0 : i32
      %dma_start3A_535 = tpu.memref_slice %arg9[%dma_start3A_530, %dma_start3A_534] : memref<4x5000xi32, #tpu.memory_space<vmem>> -> memref<1x5000xi32, #tpu.memory_space<vmem>>
      %dma_start3A_536 = tpu.memref_squeeze %dma_start3A_535 : memref<1x5000xi32, #tpu.memory_space<vmem>> -> memref<5000xi32, #tpu.memory_space<vmem>>
      %dma_start3A_537 = arith.constant 0 : i32
      %dma_start3A_538 = tpu.memref_slice %arg19[%dma_start3A_537] : memref<102400xf32, #tpu.memory_space<vmem_shared>> -> memref<102400xf32, #tpu.memory_space<vmem_shared>>
      tpu.enqueue_indirect_dma source(%dma_start3A_533 : memref<5000xf32, #tpu.memory_space<vmem>>) target(%dma_start3A_538 : memref<102400xf32, #tpu.memory_space<vmem_shared>>) offsets(%dma_start3A_536 : memref<5000xi32, #tpu.memory_space<vmem>>) semaphore(%arg24 : memref<!tpu.dma_semaphore, #tpu.memory_space<semaphore_mem>>) {add = true}
    }
    %scan3A_107 = arith.constant 10 : i32
    %dma_wait3A = arith.constant 0 : i32
    %dma_wait3A_108 = arith.constant 2 : i32
    %dma_wait3A_109 = arith.constant 0 : i32
    %dma_wait3A_110 = tpu.memref_slice %arg10[%dma_wait3A, %dma_wait3A_109] : memref<2x5000xf32, #tpu.memory_space<vmem>> -> memref<1x5000xf32, #tpu.memory_space<vmem>>
    %dma_wait3A_111 = tpu.memref_squeeze %dma_wait3A_110 : memref<1x5000xf32, #tpu.memory_space<vmem>> -> memref<5000xf32, #tpu.memory_space<vmem>>
    %dma_wait3A_112 = arith.constant 0 : i32
    %dma_wait3A_113 = tpu.memref_slice %arg9[%dma_wait3A_108, %dma_wait3A_112] : memref<4x5000xi32, #tpu.memory_space<vmem>> -> memref<1x5000xi32, #tpu.memory_space<vmem>>
    %dma_wait3A_114 = tpu.memref_squeeze %dma_wait3A_113 : memref<1x5000xi32, #tpu.memory_space<vmem>> -> memref<5000xi32, #tpu.memory_space<vmem>>
    %dma_wait3A_115 = arith.constant 0 : i32
    %dma_wait3A_116 = tpu.memref_slice %arg18[%dma_wait3A_115] : memref<102400xf32, #tpu.memory_space<vmem_shared>> -> memref<102400xf32, #tpu.memory_space<vmem_shared>>
    tpu.wait_indirect_dma semaphore(%arg24 : memref<!tpu.dma_semaphore, #tpu.memory_space<semaphore_mem>>) src(%dma_wait3A_111 : memref<5000xf32, #tpu.memory_space<vmem>>) dst(%dma_wait3A_116 : memref<102400xf32, #tpu.memory_space<vmem_shared>>)
    %dma_wait3A_117 = arith.constant 0 : i32
    %dma_wait3A_118 = arith.constant 2 : i32
    %dma_wait3A_119 = arith.constant 0 : i32
    %dma_wait3A_120 = tpu.memref_slice %arg11[%dma_wait3A_117, %dma_wait3A_119] : memref<2x5000xf32, #tpu.memory_space<vmem>> -> memref<1x5000xf32, #tpu.memory_space<vmem>>
    %dma_wait3A_121 = tpu.memref_squeeze %dma_wait3A_120 : memref<1x5000xf32, #tpu.memory_space<vmem>> -> memref<5000xf32, #tpu.memory_space<vmem>>
    %dma_wait3A_122 = arith.constant 0 : i32
    %dma_wait3A_123 = tpu.memref_slice %arg9[%dma_wait3A_118, %dma_wait3A_122] : memref<4x5000xi32, #tpu.memory_space<vmem>> -> memref<1x5000xi32, #tpu.memory_space<vmem>>
    %dma_wait3A_124 = tpu.memref_squeeze %dma_wait3A_123 : memref<1x5000xi32, #tpu.memory_space<vmem>> -> memref<5000xi32, #tpu.memory_space<vmem>>
    %dma_wait3A_125 = arith.constant 0 : i32
    %dma_wait3A_126 = tpu.memref_slice %arg19[%dma_wait3A_125] : memref<102400xf32, #tpu.memory_space<vmem_shared>> -> memref<102400xf32, #tpu.memory_space<vmem_shared>>
    tpu.wait_indirect_dma semaphore(%arg24 : memref<!tpu.dma_semaphore, #tpu.memory_space<semaphore_mem>>) src(%dma_wait3A_121 : memref<5000xf32, #tpu.memory_space<vmem>>) dst(%dma_wait3A_126 : memref<102400xf32, #tpu.memory_space<vmem_shared>>)
    %dma_wait3A_127 = arith.constant 1 : i32
    %dma_wait3A_128 = arith.constant 3 : i32
    %dma_wait3A_129 = arith.constant 0 : i32
    %dma_wait3A_130 = tpu.memref_slice %arg10[%dma_wait3A_127, %dma_wait3A_129] : memref<2x5000xf32, #tpu.memory_space<vmem>> -> memref<1x5000xf32, #tpu.memory_space<vmem>>
    %dma_wait3A_131 = tpu.memref_squeeze %dma_wait3A_130 : memref<1x5000xf32, #tpu.memory_space<vmem>> -> memref<5000xf32, #tpu.memory_space<vmem>>
    %dma_wait3A_132 = arith.constant 0 : i32
    %dma_wait3A_133 = tpu.memref_slice %arg9[%dma_wait3A_128, %dma_wait3A_132] : memref<4x5000xi32, #tpu.memory_space<vmem>> -> memref<1x5000xi32, #tpu.memory_space<vmem>>
    %dma_wait3A_134 = tpu.memref_squeeze %dma_wait3A_133 : memref<1x5000xi32, #tpu.memory_space<vmem>> -> memref<5000xi32, #tpu.memory_space<vmem>>
    %dma_wait3A_135 = arith.constant 0 : i32
    %dma_wait3A_136 = tpu.memref_slice %arg18[%dma_wait3A_135] : memref<102400xf32, #tpu.memory_space<vmem_shared>> -> memref<102400xf32, #tpu.memory_space<vmem_shared>>
    tpu.wait_indirect_dma semaphore(%arg24 : memref<!tpu.dma_semaphore, #tpu.memory_space<semaphore_mem>>) src(%dma_wait3A_131 : memref<5000xf32, #tpu.memory_space<vmem>>) dst(%dma_wait3A_136 : memref<102400xf32, #tpu.memory_space<vmem_shared>>)
    %dma_wait3A_137 = arith.constant 1 : i32
    %dma_wait3A_138 = arith.constant 3 : i32
    %dma_wait3A_139 = arith.constant 0 : i32
    %dma_wait3A_140 = tpu.memref_slice %arg11[%dma_wait3A_137, %dma_wait3A_139] : memref<2x5000xf32, #tpu.memory_space<vmem>> -> memref<1x5000xf32, #tpu.memory_space<vmem>>
    %dma_wait3A_141 = tpu.memref_squeeze %dma_wait3A_140 : memref<1x5000xf32, #tpu.memory_space<vmem>> -> memref<5000xf32, #tpu.memory_space<vmem>>
    %dma_wait3A_142 = arith.constant 0 : i32
    %dma_wait3A_143 = tpu.memref_slice %arg9[%dma_wait3A_138, %dma_wait3A_142] : memref<4x5000xi32, #tpu.memory_space<vmem>> -> memref<1x5000xi32, #tpu.memory_space<vmem>>
    %dma_wait3A_144 = tpu.memref_squeeze %dma_wait3A_143 : memref<1x5000xi32, #tpu.memory_space<vmem>> -> memref<5000xi32, #tpu.memory_space<vmem>>
    %dma_wait3A_145 = arith.constant 0 : i32
    %dma_wait3A_146 = tpu.memref_slice %arg19[%dma_wait3A_145] : memref<102400xf32, #tpu.memory_space<vmem_shared>> -> memref<102400xf32, #tpu.memory_space<vmem_shared>>
    tpu.wait_indirect_dma semaphore(%arg24 : memref<!tpu.dma_semaphore, #tpu.memory_space<semaphore_mem>>) src(%dma_wait3A_141 : memref<5000xf32, #tpu.memory_space<vmem>>) dst(%dma_wait3A_146 : memref<102400xf32, #tpu.memory_space<vmem_shared>>)
    %barrier3A_147 = arith.constant 0 : index
    tpu.barrier barrier_id(%barrier3A_147)
    %run_scoped3A_148 = arith.constant 0 : i32
    "tpu.region"() ({
      %run_scoped3A_150 = tpu.sem_alloc : memref<!tpu.dma_semaphore, #tpu.memory_space<semaphore_mem>>
      %dma_start3A_151 = tpu.memref_slice %arg7[%arg0, %run_scoped3A_148, %mul3A_4] : memref<2x2x102400xf32, #tpu.memory_space<hbm>> -> memref<1x1x6400xf32, #tpu.memory_space<hbm>>
      %dma_start3A_152 = tpu.memref_squeeze %dma_start3A_151 : memref<1x1x6400xf32, #tpu.memory_space<hbm>> -> memref<6400xf32, #tpu.memory_space<hbm>>
      %dma_start3A_153 = tpu.memref_slice %arg18[%mul3A_4] : memref<102400xf32, #tpu.memory_space<vmem_shared>> -> memref<6400xf32, #tpu.memory_space<vmem_shared>>
      tpu.enqueue_dma source(%dma_start3A_153 : memref<6400xf32, #tpu.memory_space<vmem_shared>>) target(%dma_start3A_152 : memref<6400xf32, #tpu.memory_space<hbm>>) target_semaphore(%run_scoped3A_150 : memref<!tpu.dma_semaphore, #tpu.memory_space<semaphore_mem>>)
      %dma_wait3A_154 = tpu.memref_slice %arg7[%arg0, %run_scoped3A_148, %mul3A_4] : memref<2x2x102400xf32, #tpu.memory_space<hbm>> -> memref<1x1x6400xf32, #tpu.memory_space<hbm>>
      %dma_wait3A_155 = tpu.memref_squeeze %dma_wait3A_154 : memref<1x1x6400xf32, #tpu.memory_space<hbm>> -> memref<6400xf32, #tpu.memory_space<hbm>>
      %dma_wait3A_156 = tpu.memref_slice %arg18[%mul3A_4] : memref<102400xf32, #tpu.memory_space<vmem_shared>> -> memref<6400xf32, #tpu.memory_space<vmem_shared>>
      tpu.wait_dma2 semaphore(%run_scoped3A_150 : memref<!tpu.dma_semaphore, #tpu.memory_space<semaphore_mem>>) src(%dma_wait3A_156 : memref<6400xf32, #tpu.memory_space<vmem_shared>>) dst(%dma_wait3A_155 : memref<6400xf32, #tpu.memory_space<hbm>>)
      tpu.yield
    }) : () -> ()
    %run_scoped3A_149 = arith.constant 1 : i32
    "tpu.region"() ({
      %run_scoped3A_150 = tpu.sem_alloc : memref<!tpu.dma_semaphore, #tpu.memory_space<semaphore_mem>>
      %dma_start3A_151 = tpu.memref_slice %arg7[%arg0, %run_scoped3A_149, %mul3A_4] : memref<2x2x102400xf32, #tpu.memory_space<hbm>> -> memref<1x1x6400xf32, #tpu.memory_space<hbm>>
      %dma_start3A_152 = tpu.memref_squeeze %dma_start3A_151 : memref<1x1x6400xf32, #tpu.memory_space<hbm>> -> memref<6400xf32, #tpu.memory_space<hbm>>
      %dma_start3A_153 = tpu.memref_slice %arg19[%mul3A_4] : memref<102400xf32, #tpu.memory_space<vmem_shared>> -> memref<6400xf32, #tpu.memory_space<vmem_shared>>
      tpu.enqueue_dma source(%dma_start3A_153 : memref<6400xf32, #tpu.memory_space<vmem_shared>>) target(%dma_start3A_152 : memref<6400xf32, #tpu.memory_space<hbm>>) target_semaphore(%run_scoped3A_150 : memref<!tpu.dma_semaphore, #tpu.memory_space<semaphore_mem>>)
      %dma_wait3A_154 = tpu.memref_slice %arg7[%arg0, %run_scoped3A_149, %mul3A_4] : memref<2x2x102400xf32, #tpu.memory_space<hbm>> -> memref<1x1x6400xf32, #tpu.memory_space<hbm>>
      %dma_wait3A_155 = tpu.memref_squeeze %dma_wait3A_154 : memref<1x1x6400xf32, #tpu.memory_space<hbm>> -> memref<6400xf32, #tpu.memory_space<hbm>>
      %dma_wait3A_156 = tpu.memref_slice %arg19[%mul3A_4] : memref<102400xf32, #tpu.memory_space<vmem_shared>> -> memref<6400xf32, #tpu.memory_space<vmem_shared>>
      tpu.wait_dma2 semaphore(%run_scoped3A_150 : memref<!tpu.dma_semaphore, #tpu.memory_space<semaphore_mem>>) src(%dma_wait3A_156 : memref<6400xf32, #tpu.memory_space<vmem_shared>>) dst(%dma_wait3A_155 : memref<6400xf32, #tpu.memory_space<hbm>>)
      tpu.yield
    }) : () -> ()
    return
  }
}

module attributes {stable_mosaic.version = 14 : i64} {
  func.func @body(%arg0: i32, %arg1: memref<4x2048xf32, #tpu.memory_space<vmem>>, %arg2: memref<2x2048xf32, #tpu.memory_space<vmem>>, %arg3: memref<128x2xf32, #tpu.memory_space<vmem>>, %arg4: memref<128x1xf32, #tpu.memory_space<vmem>>, %arg5: memref<128x128xf32, #tpu.memory_space<vmem>>, %arg6: memref<128x1xf32, #tpu.memory_space<vmem>>, %arg7: memref<32x128xf32, #tpu.memory_space<vmem>>, %arg8: memref<32x1xf32, #tpu.memory_space<vmem>>, %arg9: memref<1x32xf32, #tpu.memory_space<vmem>>, %arg10: memref<1x1xf32, #tpu.memory_space<vmem>>, %arg11: memref<1x1xf32, #tpu.memory_space<vmem>>, %arg12: memref<128x1xf32, #tpu.memory_space<vmem>>) attributes {dimension_semantics = [#tpu.dimension_semantics<arbitrary>], iteration_bounds = array<i64: 50>, scalar_prefetch = 0 : i64, scratch_operands = 1 : i64, tpu.core_type = #tpu.core_type<tc>, window_params = [{transform_indices = @transform_0, window_bounds = array<i64: 4, 2048>}, {transform_indices = @transform_1, window_bounds = array<i64: 2, 2048>}, {pipeline_mode = #tpu.pipeline_mode<synchronous>, transform_indices = @transform_2, window_bounds = array<i64: 128, 2>}, {pipeline_mode = #tpu.pipeline_mode<synchronous>, transform_indices = @transform_3, window_bounds = array<i64: 128, 1>}, {pipeline_mode = #tpu.pipeline_mode<synchronous>, transform_indices = @transform_4, window_bounds = array<i64: 128, 128>}, {pipeline_mode = #tpu.pipeline_mode<synchronous>, transform_indices = @transform_5, window_bounds = array<i64: 128, 1>}, {pipeline_mode = #tpu.pipeline_mode<synchronous>, transform_indices = @transform_6, window_bounds = array<i64: 32, 128>}, {pipeline_mode = #tpu.pipeline_mode<synchronous>, transform_indices = @transform_7, window_bounds = array<i64: 32, 1>}, {pipeline_mode = #tpu.pipeline_mode<synchronous>, transform_indices = @transform_8, window_bounds = array<i64: 1, 32>}, {pipeline_mode = #tpu.pipeline_mode<synchronous>, transform_indices = @transform_9, window_bounds = array<i64: 1, 1>}, {pipeline_mode = #tpu.pipeline_mode<synchronous>, transform_indices = @transform_10, window_bounds = array<i64: 1, 1>}]} {
    %eq3A = arith.constant 0 : i32
    %eq3A_0 = arith.cmpi eq, %arg0, %eq3A : i32
    %convert_element_type3A = arith.extui %eq3A_0 : i1 to i32
    %cond3A = arith.constant 0 : i32
    %cond3A_1 = arith.cmpi ne, %convert_element_type3A, %cond3A : i32
    scf.if %cond3A_1 {
      %broadcast_in_dim3A_58 = arith.constant 0xFF800000 : f32
      %broadcast_in_dim3A_59 = vector.broadcast %broadcast_in_dim3A_58 : f32 to vector<128x1xf32>
      %swap3A_60 = arith.constant 0 : index
      %swap3A_61 = arith.constant 0 : index
      %swap3A_62 = vector.load %arg12[%swap3A_60, %swap3A_61] : memref<128x1xf32, #tpu.memory_space<vmem>>, vector<128x1xf32>
      tpu.vector_store %arg12[%swap3A_60, %swap3A_61], %broadcast_in_dim3A_59 {strides = array<i32>} : memref<128x1xf32, #tpu.memory_space<vmem>>, vector<128x1xf32>,
    } else {
    }
    %get3A = arith.constant 0 : index
    %get3A_2 = arith.constant 0 : index
    %get3A_3 = vector.load %arg2[%get3A, %get3A_2] : memref<2x2048xf32, #tpu.memory_space<vmem>>, vector<1x2048xf32>
    %get3A_4 = arith.constant 1 : index
    %get3A_5 = arith.constant 0 : index
    %get3A_6 = vector.load %arg2[%get3A_4, %get3A_5] : memref<2x2048xf32, #tpu.memory_space<vmem>>, vector<1x2048xf32>
    %add3A = arith.addf %get3A_3, %get3A_6 : vector<1x2048xf32>
    %max3A = arith.constant 1.000000e+00 : f32
    %max3A_7 = vector.broadcast %max3A : f32 to vector<1x2048xf32>
    %max3A_8 = arith.maximumf %add3A, %max3A_7 : vector<1x2048xf32>
    %rsqrt3A = math.rsqrt %max3A_8 : vector<1x2048xf32>
    %get3A_9 = arith.constant 0 : index
    %get3A_10 = arith.constant 0 : index
    %get3A_11 = vector.load %arg1[%get3A_9, %get3A_10] : memref<4x2048xf32, #tpu.memory_space<vmem>>, vector<1x2048xf32>
    %get3A_12 = arith.constant 2 : index
    %get3A_13 = arith.constant 0 : index
    %get3A_14 = vector.load %arg1[%get3A_12, %get3A_13] : memref<4x2048xf32, #tpu.memory_space<vmem>>, vector<1x2048xf32>
    %add3A_15 = arith.addf %get3A_11, %get3A_14 : vector<1x2048xf32>
    %mul3A = arith.mulf %add3A_15, %rsqrt3A : vector<1x2048xf32>
    %get3A_16 = arith.constant 1 : index
    %get3A_17 = arith.constant 0 : index
    %get3A_18 = vector.load %arg1[%get3A_16, %get3A_17] : memref<4x2048xf32, #tpu.memory_space<vmem>>, vector<1x2048xf32>
    %get3A_19 = arith.constant 3 : index
    %get3A_20 = arith.constant 0 : index
    %get3A_21 = vector.load %arg1[%get3A_19, %get3A_20] : memref<4x2048xf32, #tpu.memory_space<vmem>>, vector<1x2048xf32>
    %add3A_22 = arith.addf %get3A_18, %get3A_21 : vector<1x2048xf32>
    %mul3A_23 = arith.mulf %add3A_22, %rsqrt3A : vector<1x2048xf32>
    %get3A_24 = arith.constant 0 : index
    %get3A_25 = arith.constant 0 : index
    %get3A_26 = vector.load %arg3[%get3A_24, %get3A_25] : memref<128x2xf32, #tpu.memory_space<vmem>>, vector<128x1xf32>
    %mul3A_27 = vector.broadcast %get3A_26 : vector<128x1xf32> to vector<128x2048xf32>
    %mul3A_28 = vector.broadcast %mul3A : vector<1x2048xf32> to vector<128x2048xf32>
    %mul3A_29 = arith.mulf %mul3A_27, %mul3A_28 : vector<128x2048xf32>
    %get3A_30 = arith.constant 0 : index
    %get3A_31 = arith.constant 1 : index
    %get3A_32 = vector.load %arg3[%get3A_30, %get3A_31] : memref<128x2xf32, #tpu.memory_space<vmem>>, vector<128x1xf32>
    %mul3A_33 = vector.broadcast %get3A_32 : vector<128x1xf32> to vector<128x2048xf32>
    %mul3A_34 = vector.broadcast %mul3A_23 : vector<1x2048xf32> to vector<128x2048xf32>
    %mul3A_35 = arith.mulf %mul3A_33, %mul3A_34 : vector<128x2048xf32>
    %add3A_36 = arith.addf %mul3A_29, %mul3A_35 : vector<128x2048xf32>
    %iota3A = tpu.iota {dimensions = array<i32: 1>} : vector<1x2048xi32>
    %mul3A_37 = arith.constant 2048 : i32
    %mul3A_38 = arith.muli %arg0, %mul3A_37 : i32
    %add3A_39 = vector.broadcast %mul3A_38 : i32 to vector<1x2048xi32>
    %add3A_40 = arith.addi %iota3A, %add3A_39 : vector<1x2048xi32>
    %lt3A = arith.constant 100000 : i32
    %lt3A_41 = vector.broadcast %lt3A : i32 to vector<1x2048xi32>
    %lt3A_42 = arith.cmpi slt, %add3A_40, %lt3A_41 : vector<1x2048xi32>
    %jit3A = arith.constant 0xFF800000 : f32
    %broadcast_in_dim3A = vector.shape_cast %lt3A_42 : vector<1x2048xi1> to vector<1x2048xi1>
    %broadcast_in_dim3A_43 = vector.broadcast %broadcast_in_dim3A : vector<1x2048xi1> to vector<128x2048xi1>
    %broadcast_in_dim3A_44 = vector.broadcast %jit3A : f32 to vector<128x2048xf32>
    %select_n3A = arith.select %broadcast_in_dim3A_43, %add3A_36, %broadcast_in_dim3A_44 : vector<128x2048xi1>, vector<128x2048xf32>
    %reduce_max3A = arith.constant dense<0xFF800000> : vector<128xf32>
    %reduce_max3A_45 = vector.multi_reduction <maximumf>, %select_n3A, %reduce_max3A [1] : vector<128x2048xf32> to vector<128xf32>
    %broadcast_in_dim3A_46 = vector.shape_cast %reduce_max3A_45 : vector<128xf32> to vector<128x1xf32>
    %get3A_47 = arith.constant 0 : index
    %get3A_48 = arith.constant 0 : index
    %get3A_49 = vector.load %arg12[%get3A_47, %get3A_48] : memref<128x1xf32, #tpu.memory_space<vmem>>, vector<128x1xf32>
    %max3A_50 = arith.maximumf %get3A_49, %broadcast_in_dim3A_46 : vector<128x1xf32>
    %swap3A = arith.constant 0 : index
    %swap3A_51 = arith.constant 0 : index
    %swap3A_52 = vector.load %arg12[%swap3A, %swap3A_51] : memref<128x1xf32, #tpu.memory_space<vmem>>, vector<128x1xf32>
    tpu.vector_store %arg12[%swap3A, %swap3A_51], %max3A_50 {strides = array<i32>} : memref<128x1xf32, #tpu.memory_space<vmem>>, vector<128x1xf32>,
    %eq3A_53 = arith.constant 49 : i32
    %eq3A_54 = arith.cmpi eq, %arg0, %eq3A_53 : i32
    %convert_element_type3A_55 = arith.extui %eq3A_54 : i1 to i32
    %cond3A_56 = arith.constant 0 : i32
    %cond3A_57 = arith.cmpi ne, %convert_element_type3A_55, %cond3A_56 : i32
    scf.if %cond3A_57 {
      %get3A_58 = arith.constant 0 : index
      %get3A_59 = arith.constant 0 : index
      %get3A_60 = vector.load %arg12[%get3A_58, %get3A_59] : memref<128x1xf32, #tpu.memory_space<vmem>>, vector<128x1xf32>
      %get3A_61 = arith.constant 0 : index
      %get3A_62 = arith.constant 0 : index
      %get3A_63 = vector.load %arg4[%get3A_61, %get3A_62] : memref<128x1xf32, #tpu.memory_space<vmem>>, vector<128x1xf32>
      %add3A_64 = arith.addf %get3A_60, %get3A_63 : vector<128x1xf32>
      %jit3A_65 = arith.constant -7.90531111 : f32
      %jit3A_66 = arith.constant 7.90531111 : f32
      %max3A_67 = vector.broadcast %jit3A_65 : f32 to vector<128x1xf32>
      %max3A_68 = arith.maximumf %max3A_67, %add3A_64 : vector<128x1xf32>
      %min3A = vector.broadcast %jit3A_66 : f32 to vector<128x1xf32>
      %min3A_69 = arith.minimumf %min3A, %max3A_68 : vector<128x1xf32>
      %mul3A_70 = arith.mulf %min3A_69, %min3A_69 : vector<128x1xf32>
      %mul3A_71 = arith.constant -2.76076837E-16 : f32
      %mul3A_72 = vector.broadcast %mul3A_71 : f32 to vector<128x1xf32>
      %mul3A_73 = arith.mulf %mul3A_70, %mul3A_72 : vector<128x1xf32>
      %add3A_74 = arith.constant 2.00018794E-13 : f32
      %add3A_75 = vector.broadcast %add3A_74 : f32 to vector<128x1xf32>
      %add3A_76 = arith.addf %add3A_75, %mul3A_73 : vector<128x1xf32>
      %mul3A_77 = arith.mulf %mul3A_70, %add3A_76 : vector<128x1xf32>
      %add3A_78 = arith.constant -8.60467184E-11 : f32
      %add3A_79 = vector.broadcast %add3A_78 : f32 to vector<128x1xf32>
      %add3A_80 = arith.addf %add3A_79, %mul3A_77 : vector<128x1xf32>
      %mul3A_81 = arith.mulf %mul3A_70, %add3A_80 : vector<128x1xf32>
      %add3A_82 = arith.constant 5.12229725E-8 : f32
      %add3A_83 = vector.broadcast %add3A_82 : f32 to vector<128x1xf32>
      %add3A_84 = arith.addf %add3A_83, %mul3A_81 : vector<128x1xf32>
      %mul3A_85 = arith.mulf %mul3A_70, %add3A_84 : vector<128x1xf32>
      %add3A_86 = arith.constant 1.48572235E-5 : f32
      %add3A_87 = vector.broadcast %add3A_86 : f32 to vector<128x1xf32>
      %add3A_88 = arith.addf %add3A_87, %mul3A_85 : vector<128x1xf32>
      %mul3A_89 = arith.mulf %mul3A_70, %add3A_88 : vector<128x1xf32>
      %add3A_90 = arith.constant 6.37261954E-4 : f32
      %add3A_91 = vector.broadcast %add3A_90 : f32 to vector<128x1xf32>
      %add3A_92 = arith.addf %add3A_91, %mul3A_89 : vector<128x1xf32>
      %mul3A_93 = arith.mulf %mul3A_70, %add3A_92 : vector<128x1xf32>
      %add3A_94 = arith.constant 0.00489352457 : f32
      %add3A_95 = vector.broadcast %add3A_94 : f32 to vector<128x1xf32>
      %add3A_96 = arith.addf %add3A_95, %mul3A_93 : vector<128x1xf32>
      %mul3A_97 = arith.mulf %min3A_69, %add3A_96 : vector<128x1xf32>
      %mul3A_98 = arith.constant 1.19825836E-6 : f32
      %mul3A_99 = vector.broadcast %mul3A_98 : f32 to vector<128x1xf32>
      %mul3A_100 = arith.mulf %mul3A_70, %mul3A_99 : vector<128x1xf32>
      %add3A_101 = arith.constant 1.18534706E-4 : f32
      %add3A_102 = vector.broadcast %add3A_101 : f32 to vector<128x1xf32>
      %add3A_103 = arith.addf %add3A_102, %mul3A_100 : vector<128x1xf32>
      %mul3A_104 = arith.mulf %mul3A_70, %add3A_103 : vector<128x1xf32>
      %add3A_105 = arith.constant 0.00226843474 : f32
      %add3A_106 = vector.broadcast %add3A_105 : f32 to vector<128x1xf32>
      %add3A_107 = arith.addf %add3A_106, %mul3A_104 : vector<128x1xf32>
      %mul3A_108 = arith.mulf %mul3A_70, %add3A_107 : vector<128x1xf32>
      %add3A_109 = arith.constant 0.00489352504 : f32
      %add3A_110 = vector.broadcast %add3A_109 : f32 to vector<128x1xf32>
      %add3A_111 = arith.addf %add3A_110, %mul3A_108 : vector<128x1xf32>
      %abs3A = math.absf %add3A_64 : vector<128x1xf32>
      %lt3A_112 = arith.constant 4.000000e-04 : f32
      %lt3A_113 = vector.broadcast %lt3A_112 : f32 to vector<128x1xf32>
      %lt3A_114 = arith.cmpf olt, %abs3A, %lt3A_113 : vector<128x1xf32>
      %div3A = arith.divf %mul3A_97, %add3A_111 : vector<128x1xf32>
      %select_n3A_115 = arith.select %lt3A_114, %add3A_64, %div3A : vector<128x1xi1>, vector<128x1xf32>
      %get3A_116 = arith.constant 0 : index
      %get3A_117 = arith.constant 0 : index
      %get3A_118 = vector.load %arg5[%get3A_116, %get3A_117] : memref<128x128xf32, #tpu.memory_space<vmem>>, vector<128x128xf32>
      %dot_general3A = arith.constant dense<0.000000e+00> : vector<128x1xf32>
      %dot_general3A_119 = tpu.matmul %get3A_118, %select_n3A_115, %dot_general3A {dimension_numbers = #tpu.dot_dimension_numbers<[1], [0], [0], [1], [0, 0, 1, 1], [], []>, precision = #tpu.contract_precision<fp32>, transpose_lhs_hint = false} : vector<128x128xf32>, vector<128x1xf32>, vector<128x1xf32> -> vector<128x1xf32>
      %get3A_120 = arith.constant 0 : index
      %get3A_121 = arith.constant 0 : index
      %get3A_122 = vector.load %arg6[%get3A_120, %get3A_121] : memref<128x1xf32, #tpu.memory_space<vmem>>, vector<128x1xf32>
      %add3A_123 = arith.addf %dot_general3A_119, %get3A_122 : vector<128x1xf32>
      %gt3A = arith.constant 0.000000e+00 : f32
      %gt3A_124 = vector.broadcast %gt3A : f32 to vector<128x1xf32>
      %gt3A_125 = arith.cmpf ogt, %add3A_123, %gt3A_124 : vector<128x1xf32>
      %min3A_126 = arith.constant 0.000000e+00 : f32
      %min3A_127 = vector.broadcast %min3A_126 : f32 to vector<128x1xf32>
      %min3A_128 = arith.minimumf %add3A_123, %min3A_127 : vector<128x1xf32>
      %mul3A_129 = arith.constant 1.44269502 : f32
      %mul3A_130 = vector.broadcast %mul3A_129 : f32 to vector<128x1xf32>
      %mul3A_131 = arith.mulf %min3A_128, %mul3A_130 : vector<128x1xf32>
      %add3A_132 = arith.constant 5.000000e-01 : f32
      %add3A_133 = vector.broadcast %add3A_132 : f32 to vector<128x1xf32>
      %add3A_134 = arith.addf %mul3A_131, %add3A_133 : vector<128x1xf32>
      %floor3A = math.floor %add3A_134 : vector<128x1xf32>
      %max3A_135 = arith.constant -1.260000e+02 : f32
      %max3A_136 = vector.broadcast %max3A_135 : f32 to vector<128x1xf32>
      %max3A_137 = arith.maximumf %floor3A, %max3A_136 : vector<128x1xf32>
      %sub3A = arith.subf %mul3A_131, %max3A_137 : vector<128x1xf32>
      %mul3A_138 = arith.constant 0.693147182 : f32
      %mul3A_139 = vector.broadcast %mul3A_138 : f32 to vector<128x1xf32>
      %mul3A_140 = arith.mulf %sub3A, %mul3A_139 : vector<128x1xf32>
      %mul3A_141 = arith.constant 1.98412701E-4 : f32
      %mul3A_142 = vector.broadcast %mul3A_141 : f32 to vector<128x1xf32>
      %mul3A_143 = arith.mulf %mul3A_140, %mul3A_142 : vector<128x1xf32>
      %add3A_144 = arith.constant 0.00138888892 : f32
      %add3A_145 = vector.broadcast %add3A_144 : f32 to vector<128x1xf32>
      %add3A_146 = arith.addf %add3A_145, %mul3A_143 : vector<128x1xf32>
      %mul3A_147 = arith.mulf %mul3A_140, %add3A_146 : vector<128x1xf32>
      %add3A_148 = arith.constant 0.00833333377 : f32
      %add3A_149 = vector.broadcast %add3A_148 : f32 to vector<128x1xf32>
      %add3A_150 = arith.addf %add3A_149, %mul3A_147 : vector<128x1xf32>
      %mul3A_151 = arith.mulf %mul3A_140, %add3A_150 : vector<128x1xf32>
      %add3A_152 = arith.constant 0.0416666679 : f32
      %add3A_153 = vector.broadcast %add3A_152 : f32 to vector<128x1xf32>
      %add3A_154 = arith.addf %add3A_153, %mul3A_151 : vector<128x1xf32>
      %mul3A_155 = arith.mulf %mul3A_140, %add3A_154 : vector<128x1xf32>
      %add3A_156 = arith.constant 0.166666672 : f32
      %add3A_157 = vector.broadcast %add3A_156 : f32 to vector<128x1xf32>
      %add3A_158 = arith.addf %add3A_157, %mul3A_155 : vector<128x1xf32>
      %mul3A_159 = arith.mulf %mul3A_140, %add3A_158 : vector<128x1xf32>
      %add3A_160 = arith.constant 5.000000e-01 : f32
      %add3A_161 = vector.broadcast %add3A_160 : f32 to vector<128x1xf32>
      %add3A_162 = arith.addf %add3A_161, %mul3A_159 : vector<128x1xf32>
      %mul3A_163 = arith.mulf %mul3A_140, %add3A_162 : vector<128x1xf32>
      %add3A_164 = arith.constant 1.000000e+00 : f32
      %add3A_165 = vector.broadcast %add3A_164 : f32 to vector<128x1xf32>
      %add3A_166 = arith.addf %add3A_165, %mul3A_163 : vector<128x1xf32>
      %mul3A_167 = arith.mulf %mul3A_140, %add3A_166 : vector<128x1xf32>
      %add3A_168 = arith.constant 1.000000e+00 : f32
      %add3A_169 = vector.broadcast %add3A_168 : f32 to vector<128x1xf32>
      %add3A_170 = arith.addf %add3A_169, %mul3A_167 : vector<128x1xf32>
      %convert_element_type3A_171 = arith.fptosi %max3A_137 : vector<128x1xf32> to vector<128x1xi32>
      %add3A_172 = arith.constant 127 : i32
      %add3A_173 = vector.broadcast %add3A_172 : i32 to vector<128x1xi32>
      %add3A_174 = arith.addi %convert_element_type3A_171, %add3A_173 : vector<128x1xi32>
      %shift_left3A = arith.constant 23 : i32
      %shift_left3A_175 = vector.broadcast %shift_left3A : i32 to vector<128x1xi32>
      %shift_left3A_176 = arith.shli %add3A_174, %shift_left3A_175 : vector<128x1xi32>
      %bitcast_convert_type3A = tpu.bitcast %shift_left3A_176 : vector<128x1xi32> -> vector<128x1xf32>
      %mul3A_177 = arith.mulf %add3A_170, %bitcast_convert_type3A : vector<128x1xf32>
      %sub3A_178 = arith.constant 1.000000e+00 : f32
      %sub3A_179 = vector.broadcast %sub3A_178 : f32 to vector<128x1xf32>
      %sub3A_180 = arith.subf %mul3A_177, %sub3A_179 : vector<128x1xf32>
      %mul3A_181 = arith.constant 0.00138888892 : f32
      %mul3A_182 = vector.broadcast %mul3A_181 : f32 to vector<128x1xf32>
      %mul3A_183 = arith.mulf %min3A_128, %mul3A_182 : vector<128x1xf32>
      %add3A_184 = arith.constant 0.00833333377 : f32
      %add3A_185 = vector.broadcast %add3A_184 : f32 to vector<128x1xf32>
      %add3A_186 = arith.addf %add3A_185, %mul3A_183 : vector<128x1xf32>
      %mul3A_187 = arith.mulf %min3A_128, %add3A_186 : vector<128x1xf32>
      %add3A_188 = arith.constant 0.0416666679 : f32
      %add3A_189 = vector.broadcast %add3A_188 : f32 to vector<128x1xf32>
      %add3A_190 = arith.addf %add3A_189, %mul3A_187 : vector<128x1xf32>
      %mul3A_191 = arith.mulf %min3A_128, %add3A_190 : vector<128x1xf32>
      %add3A_192 = arith.constant 0.166666672 : f32
      %add3A_193 = vector.broadcast %add3A_192 : f32 to vector<128x1xf32>
      %add3A_194 = arith.addf %add3A_193, %mul3A_191 : vector<128x1xf32>
      %mul3A_195 = arith.mulf %min3A_128, %add3A_194 : vector<128x1xf32>
      %add3A_196 = arith.constant 5.000000e-01 : f32
      %add3A_197 = vector.broadcast %add3A_196 : f32 to vector<128x1xf32>
      %add3A_198 = arith.addf %add3A_197, %mul3A_195 : vector<128x1xf32>
      %mul3A_199 = arith.mulf %min3A_128, %add3A_198 : vector<128x1xf32>
      %add3A_200 = arith.constant 1.000000e+00 : f32
      %add3A_201 = vector.broadcast %add3A_200 : f32 to vector<128x1xf32>
      %add3A_202 = arith.addf %add3A_201, %mul3A_199 : vector<128x1xf32>
      %mul3A_203 = arith.mulf %min3A_128, %add3A_202 : vector<128x1xf32>
      %gt3A_204 = arith.constant -3.000000e-01 : f32
      %gt3A_205 = vector.broadcast %gt3A_204 : f32 to vector<128x1xf32>
      %gt3A_206 = arith.cmpf ogt, %min3A_128, %gt3A_205 : vector<128x1xf32>
      %select_n3A_207 = arith.select %gt3A_206, %mul3A_203, %sub3A_180 : vector<128x1xi1>, vector<128x1xf32>
      %select_n3A_208 = arith.select %gt3A_125, %add3A_123, %select_n3A_207 : vector<128x1xi1>, vector<128x1xf32>
      %get3A_209 = arith.constant 0 : index
      %get3A_210 = arith.constant 0 : index
      %get3A_211 = vector.load %arg7[%get3A_209, %get3A_210] : memref<32x128xf32, #tpu.memory_space<vmem>>, vector<32x128xf32>
      %dot_general3A_212 = arith.constant dense<0.000000e+00> : vector<32x1xf32>
      %dot_general3A_213 = tpu.matmul %get3A_211, %select_n3A_208, %dot_general3A_212 {dimension_numbers = #tpu.dot_dimension_numbers<[1], [0], [0], [1], [0, 0, 1, 1], [], []>, precision = #tpu.contract_precision<fp32>, transpose_lhs_hint = false} : vector<32x128xf32>, vector<128x1xf32>, vector<32x1xf32> -> vector<32x1xf32>
      %get3A_214 = arith.constant 0 : index
      %get3A_215 = arith.constant 0 : index
      %get3A_216 = vector.load %arg8[%get3A_214, %get3A_215] : memref<32x1xf32, #tpu.memory_space<vmem>>, vector<32x1xf32>
      %add3A_217 = arith.addf %dot_general3A_213, %get3A_216 : vector<32x1xf32>
      %gt3A_218 = arith.constant 0.000000e+00 : f32
      %gt3A_219 = vector.broadcast %gt3A_218 : f32 to vector<32x1xf32>
      %gt3A_220 = arith.cmpf ogt, %add3A_217, %gt3A_219 : vector<32x1xf32>
      %min3A_221 = arith.constant 0.000000e+00 : f32
      %min3A_222 = vector.broadcast %min3A_221 : f32 to vector<32x1xf32>
      %min3A_223 = arith.minimumf %add3A_217, %min3A_222 : vector<32x1xf32>
      %mul3A_224 = arith.constant 1.44269502 : f32
      %mul3A_225 = vector.broadcast %mul3A_224 : f32 to vector<32x1xf32>
      %mul3A_226 = arith.mulf %min3A_223, %mul3A_225 : vector<32x1xf32>
      %add3A_227 = arith.constant 5.000000e-01 : f32
      %add3A_228 = vector.broadcast %add3A_227 : f32 to vector<32x1xf32>
      %add3A_229 = arith.addf %mul3A_226, %add3A_228 : vector<32x1xf32>
      %floor3A_230 = math.floor %add3A_229 : vector<32x1xf32>
      %max3A_231 = arith.constant -1.260000e+02 : f32
      %max3A_232 = vector.broadcast %max3A_231 : f32 to vector<32x1xf32>
      %max3A_233 = arith.maximumf %floor3A_230, %max3A_232 : vector<32x1xf32>
      %sub3A_234 = arith.subf %mul3A_226, %max3A_233 : vector<32x1xf32>
      %mul3A_235 = arith.constant 0.693147182 : f32
      %mul3A_236 = vector.broadcast %mul3A_235 : f32 to vector<32x1xf32>
      %mul3A_237 = arith.mulf %sub3A_234, %mul3A_236 : vector<32x1xf32>
      %mul3A_238 = arith.constant 1.98412701E-4 : f32
      %mul3A_239 = vector.broadcast %mul3A_238 : f32 to vector<32x1xf32>
      %mul3A_240 = arith.mulf %mul3A_237, %mul3A_239 : vector<32x1xf32>
      %add3A_241 = arith.constant 0.00138888892 : f32
      %add3A_242 = vector.broadcast %add3A_241 : f32 to vector<32x1xf32>
      %add3A_243 = arith.addf %add3A_242, %mul3A_240 : vector<32x1xf32>
      %mul3A_244 = arith.mulf %mul3A_237, %add3A_243 : vector<32x1xf32>
      %add3A_245 = arith.constant 0.00833333377 : f32
      %add3A_246 = vector.broadcast %add3A_245 : f32 to vector<32x1xf32>
      %add3A_247 = arith.addf %add3A_246, %mul3A_244 : vector<32x1xf32>
      %mul3A_248 = arith.mulf %mul3A_237, %add3A_247 : vector<32x1xf32>
      %add3A_249 = arith.constant 0.0416666679 : f32
      %add3A_250 = vector.broadcast %add3A_249 : f32 to vector<32x1xf32>
      %add3A_251 = arith.addf %add3A_250, %mul3A_248 : vector<32x1xf32>
      %mul3A_252 = arith.mulf %mul3A_237, %add3A_251 : vector<32x1xf32>
      %add3A_253 = arith.constant 0.166666672 : f32
      %add3A_254 = vector.broadcast %add3A_253 : f32 to vector<32x1xf32>
      %add3A_255 = arith.addf %add3A_254, %mul3A_252 : vector<32x1xf32>
      %mul3A_256 = arith.mulf %mul3A_237, %add3A_255 : vector<32x1xf32>
      %add3A_257 = arith.constant 5.000000e-01 : f32
      %add3A_258 = vector.broadcast %add3A_257 : f32 to vector<32x1xf32>
      %add3A_259 = arith.addf %add3A_258, %mul3A_256 : vector<32x1xf32>
      %mul3A_260 = arith.mulf %mul3A_237, %add3A_259 : vector<32x1xf32>
      %add3A_261 = arith.constant 1.000000e+00 : f32
      %add3A_262 = vector.broadcast %add3A_261 : f32 to vector<32x1xf32>
      %add3A_263 = arith.addf %add3A_262, %mul3A_260 : vector<32x1xf32>
      %mul3A_264 = arith.mulf %mul3A_237, %add3A_263 : vector<32x1xf32>
      %add3A_265 = arith.constant 1.000000e+00 : f32
      %add3A_266 = vector.broadcast %add3A_265 : f32 to vector<32x1xf32>
      %add3A_267 = arith.addf %add3A_266, %mul3A_264 : vector<32x1xf32>
      %convert_element_type3A_268 = arith.fptosi %max3A_233 : vector<32x1xf32> to vector<32x1xi32>
      %add3A_269 = arith.constant 127 : i32
      %add3A_270 = vector.broadcast %add3A_269 : i32 to vector<32x1xi32>
      %add3A_271 = arith.addi %convert_element_type3A_268, %add3A_270 : vector<32x1xi32>
      %shift_left3A_272 = arith.constant 23 : i32
      %shift_left3A_273 = vector.broadcast %shift_left3A_272 : i32 to vector<32x1xi32>
      %shift_left3A_274 = arith.shli %add3A_271, %shift_left3A_273 : vector<32x1xi32>
      %bitcast_convert_type3A_275 = tpu.bitcast %shift_left3A_274 : vector<32x1xi32> -> vector<32x1xf32>
      %mul3A_276 = arith.mulf %add3A_267, %bitcast_convert_type3A_275 : vector<32x1xf32>
      %sub3A_277 = arith.constant 1.000000e+00 : f32
      %sub3A_278 = vector.broadcast %sub3A_277 : f32 to vector<32x1xf32>
      %sub3A_279 = arith.subf %mul3A_276, %sub3A_278 : vector<32x1xf32>
      %mul3A_280 = arith.constant 0.00138888892 : f32
      %mul3A_281 = vector.broadcast %mul3A_280 : f32 to vector<32x1xf32>
      %mul3A_282 = arith.mulf %min3A_223, %mul3A_281 : vector<32x1xf32>
      %add3A_283 = arith.constant 0.00833333377 : f32
      %add3A_284 = vector.broadcast %add3A_283 : f32 to vector<32x1xf32>
      %add3A_285 = arith.addf %add3A_284, %mul3A_282 : vector<32x1xf32>
      %mul3A_286 = arith.mulf %min3A_223, %add3A_285 : vector<32x1xf32>
      %add3A_287 = arith.constant 0.0416666679 : f32
      %add3A_288 = vector.broadcast %add3A_287 : f32 to vector<32x1xf32>
      %add3A_289 = arith.addf %add3A_288, %mul3A_286 : vector<32x1xf32>
      %mul3A_290 = arith.mulf %min3A_223, %add3A_289 : vector<32x1xf32>
      %add3A_291 = arith.constant 0.166666672 : f32
      %add3A_292 = vector.broadcast %add3A_291 : f32 to vector<32x1xf32>
      %add3A_293 = arith.addf %add3A_292, %mul3A_290 : vector<32x1xf32>
      %mul3A_294 = arith.mulf %min3A_223, %add3A_293 : vector<32x1xf32>
      %add3A_295 = arith.constant 5.000000e-01 : f32
      %add3A_296 = vector.broadcast %add3A_295 : f32 to vector<32x1xf32>
      %add3A_297 = arith.addf %add3A_296, %mul3A_294 : vector<32x1xf32>
      %mul3A_298 = arith.mulf %min3A_223, %add3A_297 : vector<32x1xf32>
      %add3A_299 = arith.constant 1.000000e+00 : f32
      %add3A_300 = vector.broadcast %add3A_299 : f32 to vector<32x1xf32>
      %add3A_301 = arith.addf %add3A_300, %mul3A_298 : vector<32x1xf32>
      %mul3A_302 = arith.mulf %min3A_223, %add3A_301 : vector<32x1xf32>
      %gt3A_303 = arith.constant -3.000000e-01 : f32
      %gt3A_304 = vector.broadcast %gt3A_303 : f32 to vector<32x1xf32>
      %gt3A_305 = arith.cmpf ogt, %min3A_223, %gt3A_304 : vector<32x1xf32>
      %select_n3A_306 = arith.select %gt3A_305, %mul3A_302, %sub3A_279 : vector<32x1xi1>, vector<32x1xf32>
      %select_n3A_307 = arith.select %gt3A_220, %add3A_217, %select_n3A_306 : vector<32x1xi1>, vector<32x1xf32>
      %get3A_308 = arith.constant 0 : index
      %get3A_309 = arith.constant 0 : index
      %get3A_310 = vector.load %arg9[%get3A_308, %get3A_309] : memref<1x32xf32, #tpu.memory_space<vmem>>, vector<1x32xf32>
      %dot_general3A_311 = arith.constant dense<0.000000e+00> : vector<1x1xf32>
      %dot_general3A_312 = tpu.matmul %get3A_310, %select_n3A_307, %dot_general3A_311 {dimension_numbers = #tpu.dot_dimension_numbers<[1], [0], [0], [1], [0, 0, 1, 1], [], []>, precision = #tpu.contract_precision<fp32>, transpose_lhs_hint = false} : vector<1x32xf32>, vector<32x1xf32>, vector<1x1xf32> -> vector<1x1xf32>
      %get3A_313 = arith.constant 0 : index
      %get3A_314 = arith.constant 0 : index
      %get3A_315 = vector.load %arg10[%get3A_313, %get3A_314] : memref<1x1xf32, #tpu.memory_space<vmem>>, vector<1x1xf32>
      %add3A_316 = arith.addf %dot_general3A_312, %get3A_315 : vector<1x1xf32>
      %swap3A_317 = arith.constant 0 : index
      %swap3A_318 = arith.constant 0 : index
      %swap3A_319 = vector.load %arg11[%swap3A_317, %swap3A_318] : memref<1x1xf32, #tpu.memory_space<vmem>>, vector<1x1xf32>
      tpu.vector_store %arg11[%swap3A_317, %swap3A_318], %add3A_316 {strides = array<i32>} : memref<1x1xf32, #tpu.memory_space<vmem>>, vector<1x1xf32>,
    } else {
    }
    return
  }
  func.func @transform_0(%arg0: i32) -> (i32, i32) {
    %c0_i32 = arith.constant 0 : i32
    %c0_i32_0 = arith.constant 0 : i32
    return %c0_i32, %arg0 : i32, i32
  }
  func.func @transform_1(%arg0: i32) -> (i32, i32) {
    %c0_i32 = arith.constant 0 : i32
    %c0_i32_0 = arith.constant 0 : i32
    return %c0_i32, %arg0 : i32, i32
  }
  func.func @transform_2(%arg0: i32) -> (i32, i32) {
    %c0_i32 = arith.constant 0 : i32
    %c0_i32_0 = arith.constant 0 : i32
    %c0_i32_1 = arith.constant 0 : i32
    return %c0_i32, %c0_i32_0 : i32, i32
  }
  func.func @transform_3(%arg0: i32) -> (i32, i32) {
    %c0_i32 = arith.constant 0 : i32
    %c0_i32_0 = arith.constant 0 : i32
    %c0_i32_1 = arith.constant 0 : i32
    return %c0_i32, %c0_i32_0 : i32, i32
  }
  func.func @transform_4(%arg0: i32) -> (i32, i32) {
    %c0_i32 = arith.constant 0 : i32
    %c0_i32_0 = arith.constant 0 : i32
    %c0_i32_1 = arith.constant 0 : i32
    return %c0_i32, %c0_i32_0 : i32, i32
  }
  func.func @transform_5(%arg0: i32) -> (i32, i32) {
    %c0_i32 = arith.constant 0 : i32
    %c0_i32_0 = arith.constant 0 : i32
    %c0_i32_1 = arith.constant 0 : i32
    return %c0_i32, %c0_i32_0 : i32, i32
  }
  func.func @transform_6(%arg0: i32) -> (i32, i32) {
    %c0_i32 = arith.constant 0 : i32
    %c0_i32_0 = arith.constant 0 : i32
    %c0_i32_1 = arith.constant 0 : i32
    return %c0_i32, %c0_i32_0 : i32, i32
  }
  func.func @transform_7(%arg0: i32) -> (i32, i32) {
    %c0_i32 = arith.constant 0 : i32
    %c0_i32_0 = arith.constant 0 : i32
    %c0_i32_1 = arith.constant 0 : i32
    return %c0_i32, %c0_i32_0 : i32, i32
  }
  func.func @transform_8(%arg0: i32) -> (i32, i32) {
    %c0_i32 = arith.constant 0 : i32
    %c0_i32_0 = arith.constant 0 : i32
    %c0_i32_1 = arith.constant 0 : i32
    return %c0_i32, %c0_i32_0 : i32, i32
  }
  func.func @transform_9(%arg0: i32) -> (i32, i32) {
    %c0_i32 = arith.constant 0 : i32
    %c0_i32_0 = arith.constant 0 : i32
    %c0_i32_1 = arith.constant 0 : i32
    return %c0_i32, %c0_i32_0 : i32, i32
  }
  func.func @transform_10(%arg0: i32) -> (i32, i32) {
    %c0_i32 = arith.constant 0 : i32
    %c0_i32_0 = arith.constant 0 : i32
    %c0_i32_1 = arith.constant 0 : i32
    return %c0_i32, %c0_i32_0 : i32, i32
  }
}

</mosaic_0001>

<sc_bundles>
// kernel: kernel.5.cloned.1.call-start
scs
__scs_entry_jumppad:
0x0: {  	(pc) =	sbr.rel $0x88, $3  }
0x1: {  	(tag) =	ssettag $0x0;
	lr =	simm.s32 $0x1  }
0x2: {  	[smem:$0x3F97] =	sst lr;
	_ =	strace $0xD0000000  }
0x3: {  	_ = 	snop  }
0x4: {  	_ = 	snop  }
0x5: {  	_ = 	snop  }
0x6: {  	_ = 	snop  }
0x7: {  	_ = 	snop  }
__scs_overlays_trampoline_lowered:
0x8: {  	[smem:$0x3FA6] =	sst s0  }
0x9: {  	[smem:$0x3FA7] =	sst s1  }
0xa: {  	[smem:$0x3FA8] =	sst s2  }
0xb: {  	[smem:$0x3FA9] =	sst s3  }
0xc: {  	[smem:$0x3FAA] =	sst s4  }
0xd: {  	[smem:$0x3FAB] =	sst s5  }
0xe: {  	[smem:$0x3FAC] =	sst s6  }
0xf: {  	[smem:$0x3FAD] =	sst s7  }
0x10: {  	[smem:$0x3FAE] =	sst s8  }
0x11: {  	[smem:$0x3FAF] =	sst s9;
	s0 =	simm.s32 @!p0 $0x0  }
0x12: {  	s1 =	sld [smem:$0x3F95];
	s0 =	simm.s32 @p0 $0x1  }
0x13: {  	[smem:$0x3FB0] =	sst s0;
	s0 =	simm.s32 @!p1 $0x0  }
0x14: {  	s2 =	sld [smem:$0x3F94];
	s0 =	simm.s32 @p1 $0x1  }
0x15: {  	[smem:$0x3FB1] =	sst s0;
	s0 =	simm.s32 @!p2 $0x0  }
0x16: {  	s3 =	sld [smem:$0x3FDB];
	s0 =	simm.s32 @p2 $0x1  }
0x17: {  	s4 =	simm.s32 $0x1BF5;
	[smem:$0x3FB3] =	sst s0  }
0x18: {  	s0 =	sld [smem:$0x3F96];
	_ =	swait.ge [sflag:s4], $0x0  }
0x19: {  	s7 =	sld [smem:$0x3F97]  }
0x1a: {  	s8 =	sadd.s32 $0xFFFFE003, lr  }
0x1b: {  	s9 =	sadd.s32 $0xFFFFFEF7, lr;
	s5 =	simm.s32 $0xFFFFFFFF;
	p2 =	slt.u32 s8, $0xFFFFF086  }
0x1c: {  	p1 =	slt.u32 s9, $0xF7A;
	s5 =	simm.s32 @!p2 $0x0  }
0x1d: {  	s5 =	simm.s32 @p1 $0x1;
	p0 =	seq.s32 s7, s2  }
0x1e: {  	s7 =	smul.u32 @!p0 $0xF7A, s2;
	p2 =	seq.s32 @!p0 s5, $0x0  }
0x1f: {  	s9 =	smul.u32 $0xF7A, s1;
	s8 =	simm.s32 @!p0 $0x1BF5;
	p2 =	por !p2, p0  }
0x20: {  	[sflag:s8] =	ssyncset.s32 @!p0 $0xFFFFF086;
	s6 =	sadd.s32 @!p0 s3, s7;
	s7 =	simm.s32 @!p0 $0x108  }
0x21: {  	s3 =	sadd.s32 s3, s9;
	s6 =	sadd.s32 @!p0 $0x88, s6;
	s7 =	simm.s32 @p2 $0x1082  }
0x22: {  	[simem:s7], [sflag:s8] =	dma.local @!p0 [hbm:s6], $0xF7A  }
0x23: {  	s9 =	sor.u32 $0xD0000000, s2;
	s6 =	simm.s32 $0x108;
	_ =	swait.ge @!p0 [sflag:s8], $0x0  }
0x24: {  	s3 =	sadd.s32 $0x88, s3;
	s6 =	simm.s32 @!p1 $0x1082;
	[sflag:s4] =	ssyncset.s32 $0xFFFFF086  }
0x25: {  	[simem:s6], [sflag:s4] =	dma.local [hbm:s3], $0xF7A  }
0x26: {  	[smem:$0x3F97] =	sst s1;
	(tag) =	ssettag s2;
	_ =	strace s9  }
0x27: {  	s1 =	sld [smem:$0x3FA7]  }
0x28: {  	s2 =	sld [smem:$0x3FA8]  }
0x29: {  	s4 =	sld [smem:$0x3FAA]  }
0x2a: {  	p0 =	seq.s32 s5, $0x0;
	s5 =	sld [smem:$0x3FAB]  }
0x2b: {  	s6 =	sld [smem:$0x3FAC]  }
0x2c: {  	s7 =	sld [smem:$0x3FAD]  }
0x2d: {  	s3 =	simm.s32 $0x108;
	s8 =	sld [smem:$0x3FAE]  }
0x2e: {  	s3 =	simm.s32 @!p0 $0x1082;
	s9 =	sld [smem:$0x3FAF]  }
0x2f: {  	lr =	sadd.s32 s0, s3;
	s0 =	sld [smem:$0x3FA6]  }
0x30: {  	s3 =	sld [smem:$0x3FA9]  }
0x31: {  	[smem:$0x3FB2] =	sst s10  }
0x32: {  	s10 =	sld [smem:$0x3FB0];
	_ =	sdelay $0x3  }
0x33: {  	p0 =	seq.s32 s10, $0x1;
	s10 =	sld [smem:$0x3FB2];
	_ =	sdelay $0x3  }
0x34: {  	[smem:$0x3FB2] =	sst s10  }
0x35: {  	s10 =	sld [smem:$0x3FB1];
	_ =	sdelay $0x3  }
0x36: {  	p1 =	seq.s32 s10, $0x1;
	s10 =	sld [smem:$0x3FB2];
	_ =	sdelay $0x3  }
0x37: {  	[smem:$0x3FB2] =	sst s10  }
0x38: {  	s10 =	sld [smem:$0x3FB3]  }
0x39: {  	_ = 	snop;
	(pc) =	sbr.ind lr, $3  }
0x3a: {  	_ = 	snop  }
0x3b: {  	_ = 	snop  }
0x3c: {  	p2 =	seq.s32 s10, $0x1;
	s10 =	sld [smem:$0x3FB2]  }
0x3d: {  	_ =	shalt  }
0x3e: {  	_ =	shalt  }
0x3f: {  	_ =	shalt  }
0x40: {  	_ =	shalt  }
0x41: {  	_ =	shalt  }
0x42: {  	_ =	shalt  }
0x43: {  	_ =	shalt  }
0x44: {  	_ =	shalt  }
0x45: {  	_ =	shalt  }
0x46: {  	_ =	shalt  }
0x47: {  	_ =	shalt  }
0x48: {  	_ =	shalt  }
0x49: {  	_ =	shalt  }
0x4a: {  	_ =	shalt  }
0x4b: {  	_ =	shalt  }
0x4c: {  	_ =	shalt  }
0x4d: {  	_ =	shalt  }
0x4e: {  	_ =	shalt  }
0x4f: {  	_ =	shalt  }
0x50: {  	_ =	shalt  }
0x51: {  	_ =	shalt  }
0x52: {  	_ =	shalt  }
0x53: {  	_ =	shalt  }
0x54: {  	_ =	shalt  }
0x55: {  	_ =	shalt  }
0x56: {  	_ =	shalt  }
0x57: {  	_ =	shalt  }
0x58: {  	_ =	shalt  }
0x59: {  	_ =	shalt  }
0x5a: {  	_ =	shalt  }
0x5b: {  	_ =	shalt  }
0x5c: {  	_ =	shalt  }
0x5d: {  	_ =	shalt  }
0x5e: {  	_ =	shalt  }
0x5f: {  	_ =	shalt  }
0x60: {  	_ =	shalt  }
0x61: {  	_ =	shalt  }
0x62: {  	_ =	shalt  }
0x63: {  	_ =	shalt  }
0x64: {  	_ =	shalt  }
0x65: {  	_ =	shalt  }
0x66: {  	_ =	shalt  }
0x67: {  	_ =	shalt  }
0x68: {  	_ =	shalt  }
0x69: {  	_ =	shalt  }
0x6a: {  	_ =	shalt  }
0x6b: {  	_ =	shalt  }
0x6c: {  	_ =	shalt  }
0x6d: {  	_ =	shalt  }
0x6e: {  	_ =	shalt  }
0x6f: {  	_ =	shalt  }
0x70: {  	_ =	shalt  }
0x71: {  	_ =	shalt  }
0x72: {  	_ =	shalt  }
0x73: {  	_ =	shalt  }
0x74: {  	_ =	shalt  }
0x75: {  	_ =	shalt  }
0x76: {  	_ =	shalt  }
0x77: {  	_ =	shalt  }
0x78: {  	_ =	shalt  }
0x79: {  	_ =	shalt  }
0x7a: {  	_ =	shalt  }
0x7b: {  	_ =	shalt  }
0x7c: {  	_ =	shalt  }
0x7d: {  	_ =	shalt  }
0x7e: {  	_ =	shalt  }
0x7f: {  	_ =	shalt  }
0x80: {  	_ =	shalt  }
0x81: {  	_ =	shalt  }
0x82: {  	_ =	shalt  }
0x83: {  	_ =	shalt  }
0x84: {  	_ =	shalt  }
0x85: {  	_ =	shalt  }
0x86: {  	_ =	shalt  }
0x87: {  	_ =	shalt  }
.Lfunc_end0:
.L_simem_size_0:
called_computation_lowered:
.L_overlay_start_0:
0x88: {  	s2 =	sld [smem:$0x3FD9]  }
0x89: {  	s3 =	sld [smem:$0x3FFE];
	_ =	sdelay $0x1  }
0x8a: {  	s1 =	srdreg.scid  }
0x8b: {  	s0 =	sand.u32 $0x1, s1  }
0x8c: {  	s16 =	sshll.u32 s0, $0xA;
	s2 =	sadd.s32 s3, s2  }
0x8d: {  	s2 =	sadd.s32 s2, s16  }
0x8e: {  	[smem:$0x3FBE] =	sst s2  }
0x8f: {  	_ = 	snop  }
0x90: {  	(tm) =	ssettm $0x1  }
0x91: {  	s17 =	sld [smem:$0x3FFB];
	_ =	sdelay $0x3  }
0x92: {  	_ =	strace s17  }
0x93: {  	s2 =	sld [smem:$0x3FFC];
	_ =	sdelay $0x3  }
0x94: {  	_ =	strace s2  }
0x95: {  	s2 =	sld [smem:$0x3FFD];
	_ =	sdelay $0x3  }
0x96: {  	_ =	strace s2  }
0x97: {  	_ =	strace $0x8FFFFFFF  }
0x98: {  	s18 =	sld [smem:$0x3FDB];
	_ =	sdelay $0x1  }
0x99: {  	s19 =	simm.s32 $_scs_section_size  }
0x9a: {  	s4 =	simm.s32 $_size__tile_overlayer_lowered;
	s5 =	simm.s32 $_tile_overlayer_lowered  }
0x9b: {  	s22 =	simm.s32 $0x1BFF;
	s21 =	sshll.u32 s5, $0x1;
	s2 =	sadd.s32 s19, s18  }
0x9c: {  	s6 =	simm.s32 $0x0;
	s20 =	sshll.u32 s4, $0x1;
	s4 =	sadd.s32 s21, s2  }
0x9d: {  	[timem:s6], [sflag:s22] =	dma.local [hbm:s4], s20  }
0x9e: {  	_ =	swait.ge [sflag:s22], s20  }
0x9f: {  	s3 =	ssub.s32 $0x0, s20;
	[sflag:s22] =	ssyncset.done $0x0  }
0xa0: {  	[sflag:s22] =	ssyncadd.s32 s3;
	_ =	sdelay $0x1  }
0xa1: {  	s23 =	simm.s32 $0x1B8B  }
0xa2: {  	_ =	swait.ge [sflag:s23], $0x1  }
0xa3: {  	[sflag:s23] =	ssyncset.done $0x0  }
0xa4: {  	s25 =	simm.s32 $0x1B8E;
	s24 =	sld [smem:$0x3FFE];
	[sflag:s23] =	ssyncadd.s32 $0xFFFFFFFF  }
0xa5: {  	s26 =	simm.s32 $execute0_lowered;
	[smem:$0x3FD2] =	sst s25  }
0xa6: {  	s4 =	sshll.u32 s26, $0x1;
	_ =	strace $0x80000046;
	[dreg:$0x1] =	wrdreg $0xFFFFFFFF  }
0xa7: {  	s28 =	simm.s32 $_size_execute0_lowered;
	s2 =	sadd.s32 s2, s4;
	[dreg:$0x0] =	wrdreg $0x0  }
0xa8: {  	s4 =	sshll.u32 s28, $0x1;
	[dreg:$0x2] =	wrdreg s2  }
0xa9: {  	[dreg:$0x3] =	wrdreg s4  }
0xaa: {  	[dreg:$0x4] =	wrdreg $0xC0  }
0xab: {  	_ =	task [dreg:s6], $0x5FFFF  }
0xac: {  	[dreg:$0x1] =	wrdreg $0xFFFFFFFF  }
0xad: {  	[dreg:$0x0] =	wrdreg $0x60  }
0xae: {  	[dreg:$0x2] =	wrdreg s24  }
0xaf: {  	[dreg:$0x3] =	wrdreg $0xC3500  }
0xb0: {  	[dreg:$0x4] =	wrdreg $0xDC500  }
0xb1: {  	[dreg:$0x5] =	wrdreg $0x9  }
0xb2: {  	_ =	task.clear_ibuf [dreg:s6], $0x6FFFF;
	_ =	strace $0x90000046  }
0xb3: {  	s29 =	simm.s32 $0x9;
	_ =	strace $0x80000048  }
0xb4: {  	_ =	swait.ge [sflag:s29], $0x1  }
0xb5: {  	[sflag:s29] =	ssyncadd.s32 $0xFFFFFFFF  }
0xb6: {  	_ =	strace $0x90000048  }
0xb7: {  	_ =	sfence  }
0xb8: {  	s30 =	sld [smem:$0x0];
	_ =	sdelay $0x2  }
0xb9: {  	s31 =	sshll.u32 s1, $0xD;
	s1 =	sshrl.u32 s1, $0x2  }
0xba: {  	s3 =	sand.u32 $0x4000, s31;
	s1 =	sadd.s32 s1, s30  }
0xbb: {  	s0 =	sor.u32 s3, s0;
	s1 =	sshll.u32 s1, $0x11  }
0xbc: {  	s0 =	sor.u32 s1, s0  }
0xbd: {  	s0 =	sadd.s32 $0x8F2B, s0  }
0xbe: {  	[sflag:s0] =	ssyncadd.remote.s32 $0x1  }
0xbf: {  	_ =	sfence.sel $0xFFFF  }
0xc0: {  	[dreg:$0x0] =	wrdreg $0xFFFFFFFF;
	(pc) =	sbr.abs _section_cstart, $3  }
0xc1: {  	[dreg:$0x1] =	wrdreg $0xFFFFFFFF  }
0xc2: {  	_ =	task.clear_ibuf [dreg:s6], $0x2FFFF;
	_ =	strace $0x9FFFFFFF  }
0xc3: {  	(tm) =	ssettm $0x7FFFFFFF  }
tec
execute0_lowered:
.L_overlay_start_1:
0x0: {  	(tag) =	ssettag $0x1  }
0x1: {  	s0 =	rddreg [dreg:$0x0]  }
0x2: {  	s1 =	rddreg [dreg:$0x1]  }
0x3: {  	s3 =	rddreg [dreg:$0x2];
	s4 =	simm.s32 $0x0  }
0x4: {  	s12 =	stileid.u32;
	s5 =	srdreg.scid;
	s28 =	simm.s32 $0x2710  }
0x5: {  	s29 =	simm.s32 $0x7530;
	s30 =	simm.s32 $0x2;
	s31 =	simm.s32 $0x0  }
0x6: {  	[smem:$0x7FF] =	sst s4;
	s2 =	smul.u32 $0x1900, s12;
	s5 =	sand.u32 $0x1, s5  }
0x7: {  	s22 =	sadd.s32 $0xC5600, s0;
	s21 =	sadd.s32 $0x2000, s0;
	s15 =	sadd.s32 $0x18BE00, s0  }
0x8: {  	s9 =	sshll.u32 s12, $0x1;
	s20 =	sshll.u32 s12, $0x6;
	_ =	strace $0x80000047  }
0x9: {  	s7 =	smul.u32 $0x19000, s5;
	[dreg:$0x4] =	wrdreg s15;
	s17 =	ssub.s32 $0x2, s5  }
0xa: {  	s9 =	sor.u32 s5, s9;
	s5 =	smul.u32 $0x30D40, s5;
	s6 =	sshrl.u32 s2, $0x3  }
0xb: {  	s10 =	sshrl.u32 s17, $0x1;
	s18 =	smul.u32 $0x30D40, s9;
	s19 =	sadd.s32 s2, s1  }
0xc: {  	s9 =	sadd.s32 s2, s3;
	s8 =	sadd.s32 s6, s0;
	s16 =	sadd.s32 s2, s7  }
0xd: {  	s14 =	ssub.s32 s17, s10;
	[dreg:$0x5] =	wrdreg s19;
	s17 =	smul.u32 $0x61A80, s12  }
0xe: {  	s6 =	sshrl.u32 s16, $0x3;
	s7 =	sadd.s32 $0x188C00, s8;
	s8 =	sor.u32 $0x1C03, s20  }
0xf: {  	s23 =	sshrl.u32 s18, $0x3;
	s14 =	smax.u32 s14, $0x1;
	s0 =	sadd.s32 s6, s0  }
0x10: {  	s10 =	sadd.s32 s22, s23;
	s11 =	sadd.s32 s21, s23;
	s16 =	sadd.s32 $0x4E2, s23  }
0x11: {  	s24 =	sadd.s32 $0x9C4, s23;
	s25 =	sadd.s32 s5, s17;
	s23 =	simm.s32 $0x3  }
0x12: {  	s12 =	sadd.s32 $0x192800, s0;
	s13 =	sadd.s32 $0x18C400, s0;
	s15 =	sadd.s32 s22, s16  }
.Ltmp0:
0x13: {  	s16 =	sadd.s32 s21, s16;
	s17 =	sadd.s32 s22, s24;
	(pc) =	sbr.rel .LBB2_1-.Ltmp0, $4  }
0x14: {  	s5 =	sadd.s32 $0x9C40, s25;
	s2 =	sadd.s32 $0x7530, s25;
	s18 =	sadd.s32 s21, s24  }
0x15: {  	s24 =	simm.s32 $0x9C40;
	s25 =	simm.s32 $0x4E20;
	s26 =	sshrl.u32 s5, $0x3  }
0x16: {  	s2 =	sshrl.u32 s2, $0x3;
	s19 =	sadd.s32 s26, s21;
	s20 =	sadd.s32 s26, s22  }
0x17: {  	s21 =	sadd.s32 s2, s21;
	s22 =	sadd.s32 s2, s22;
	s26 =	simm.s32 $0x1  }
.LBB2_4:
0x18: {  	[spmem:s1] =	stream.indirect.scatter.add.f32 [tilespmem:s24], [sflag:$0x2], $0x1, s28, s28, $0xb8;
	[tilespmem:$0xF550] =	vst v63  }
0x19: {  	_ = 	snop  }
0x1a: {  	[spmem:s3] =	stream.indirect.scatter.add.f32 [tilespmem:s24], [sflag:$0x2], $0x1, s29, s28, $0xb8;
	[tilespmem:$0xF550] =	vst v63  }
0x1b: {  	_ =	swait.ge [sflag:s30], $0x2710  }
0x1c: {  	[sflag:s30] =	ssyncset.done $0x0  }
0x1d: {  	[sflag:s30] =	ssyncadd.s32 $0xFFFFD8F0  }
0x1e: {  	_ =	swait.ge [sflag:s30], $0x2710  }
0x1f: {  	[sflag:s30] =	ssyncset.done $0x0  }
0x20: {  	[sflag:s30] =	ssyncadd.s32 $0xFFFFD8F0  }
0x21: {  	[bflag:$0x0] =	sbarrier.arrive $0xFFFF  }
0x22: {  	[hbm:s12], [sflag:s8] =	dma.local [spmem:s0], $0x320  }
0x23: {  	s31 =	sadd.s32 $0x1, s31;
	_ =	swait.ge [sflag:s23], $0x320  }
0x24: {  	p0 =	sne.s32 s31, s14;
	[sflag:s23] =	ssyncset.done $0x0  }
.Ltmp1:
0x25: {  	[sflag:s23] =	ssyncadd.s32 $0xFFFFFCE0;
	(pc) =	sbr.rel @!p0 .LBB2_5-.Ltmp1, $4  }
0x26: {  	[hbm:s13], [sflag:s8] =	dma.local [spmem:s2], $0x320  }
0x27: {  	_ =	swait.ge [sflag:s23], $0x320  }
0x28: {  	[sflag:s23] =	ssyncset.done $0x0  }
0x29: {  	[sflag:s23] =	ssyncadd.s32 $0xFFFFFCE0  }
.LBB2_1:
0x2a: {  	s0 =	rddreg [dreg:$0x5]  }
0x2b: {  	s0 =	sshrl.u32 s0, $0x3  }
0x2c: {  	[spmem:s0], [sflag:s8] =	dma.local [hbm:s7], $0x320  }
0x2d: {  	_ =	swait.ge [sflag:s23], $0x320  }
0x2e: {  	[sflag:s23] =	ssyncset.done $0x0  }
0x2f: {  	s2 =	sshrl.u32 s9, $0x3;
	[sflag:s23] =	ssyncadd.s32 $0xFFFFFCE0  }
0x30: {  	[spmem:s2], [sflag:s8] =	dma.local [hbm:s7], $0x320  }
0x31: {  	_ =	swait.ge [sflag:s23], $0x320  }
0x32: {  	[sflag:s23] =	ssyncset.done $0x0  }
0x33: {  	s5 =	rddreg [dreg:$0x4];
	[sflag:s23] =	ssyncadd.s32 $0xFFFFFCE0  }
0x34: {  	[tilespmem:s24], [sflag:$0x3] =	stream.linear.gather [hbm4b:s5+s4], $0x2710, $0x38;
	[tilespmem:$0xF550] =	vst v63  }
0x35: {  	_ =	swait.ge [sflag:s23], $0x2710  }
0x36: {  	[sflag:s23] =	ssyncset.done $0x0  }
0x37: {  	[sflag:s23] =	ssyncadd.s32 $0xFFFFD8F0  }
0x38: {  	[bflag:$0x0] =	sbarrier.arrive $0xFFFF  }
0x39: {  	[tilespmem:s4], [sflag:$0x1] =	stream.linear.gather [hbm4b:s10+s4], $0x2710, $0x38;
	[tilespmem:$0xF550] =	vst v63  }
0x3a: {  	_ = 	snop  }
0x3b: {  	[tilespmem:s25], [sflag:$0x1] =	stream.linear.gather [hbm4b:s11+s4], $0x2710, $0x38;
	[tilespmem:$0xF550] =	vst v63  }
0x3c: {  	_ =	swait.ge [sflag:s26], $0x2710  }
0x3d: {  	[sflag:s26] =	ssyncset.done $0x0  }
0x3e: {  	[sflag:s26] =	ssyncadd.s32 $0xFFFFD8F0  }
0x3f: {  	_ =	swait.ge [sflag:s26], $0x2710  }
0x40: {  	[sflag:s26] =	ssyncset.done $0x0  }
0x41: {  	[sflag:s26] =	ssyncadd.s32 $0xFFFFD8F0  }
0x42: {  	[tilespmem:s28], [sflag:$0x1] =	stream.linear.gather [hbm4b:s15+s4], $0x2710, $0x38;
	[tilespmem:$0xF550] =	vst v63  }
0x43: {  	_ = 	snop  }
0x44: {  	[tilespmem:s29], [sflag:$0x1] =	stream.linear.gather [hbm4b:s16+s4], $0x2710, $0x38;
	[tilespmem:$0xF550] =	vst v63  }
0x45: {  	_ = 	snop  }
0x46: {  	[spmem:s1] =	stream.indirect.scatter.add.f32 [tilespmem:s24], [sflag:$0x2], $0x1, s4, s28, $0xb8;
	[tilespmem:$0xF550] =	vst v63  }
0x47: {  	_ = 	snop  }
0x48: {  	[spmem:s3] =	stream.indirect.scatter.add.f32 [tilespmem:s24], [sflag:$0x2], $0x1, s25, s28, $0xb8;
	[tilespmem:$0xF550] =	vst v63  }
0x49: {  	_ =	swait.ge [sflag:s26], $0x2710  }
0x4a: {  	[sflag:s26] =	ssyncset.done $0x0  }
0x4b: {  	[sflag:s26] =	ssyncadd.s32 $0xFFFFD8F0  }
0x4c: {  	_ =	swait.ge [sflag:s26], $0x2710  }
0x4d: {  	[sflag:s26] =	ssyncset.done $0x0  }
0x4e: {  	[sflag:s26] =	ssyncadd.s32 $0xFFFFD8F0  }
0x4f: {  	_ =	swait.ge [sflag:s30], $0x2710  }
0x50: {  	[sflag:s30] =	ssyncset.done $0x0  }
0x51: {  	[sflag:s30] =	ssyncadd.s32 $0xFFFFD8F0  }
0x52: {  	_ =	swait.ge [sflag:s30], $0x2710  }
0x53: {  	[sflag:s30] =	ssyncset.done $0x0  }
0x54: {  	[sflag:s30] =	ssyncadd.s32 $0xFFFFD8F0  }
0x55: {  	[tilespmem:s4], [sflag:$0x1] =	stream.linear.gather [hbm4b:s17+s4], $0x2710, $0x38;
	[tilespmem:$0xF550] =	vst v63  }
0x56: {  	_ = 	snop  }
0x57: {  	[tilespmem:s25], [sflag:$0x1] =	stream.linear.gather [hbm4b:s18+s4], $0x2710, $0x38;
	[tilespmem:$0xF550] =	vst v63  }
0x58: {  	_ = 	snop  }
0x59: {  	[spmem:s1] =	stream.indirect.scatter.add.f32 [tilespmem:s24], [sflag:$0x2], $0x1, s28, s28, $0xb8;
	[tilespmem:$0xF550] =	vst v63  }
0x5a: {  	s5 =	simm.s32 $0x0  }
0x5b: {  	[spmem:s3] =	stream.indirect.scatter.add.f32 [tilespmem:s24], [sflag:$0x2], $0x1, s29, s28, $0xb8;
	[tilespmem:$0xF550] =	vst v63  }
.LBB2_2:
0x5c: {  	_ =	swait.ge [sflag:s26], $0x2710  }
0x5d: {  	[sflag:s26] =	ssyncset.done $0x0  }
0x5e: {  	[sflag:s26] =	ssyncadd.s32 $0xFFFFD8F0  }
0x5f: {  	_ =	swait.ge [sflag:s26], $0x2710  }
0x60: {  	[sflag:s26] =	ssyncset.done $0x0  }
0x61: {  	[sflag:s26] =	ssyncadd.s32 $0xFFFFD8F0  }
0x62: {  	_ =	swait.ge [sflag:s30], $0x2710  }
0x63: {  	[sflag:s30] =	ssyncset.done $0x0  }
0x64: {  	[sflag:s30] =	ssyncadd.s32 $0xFFFFD8F0  }
0x65: {  	_ =	swait.ge [sflag:s30], $0x2710  }
0x66: {  	[sflag:s30] =	ssyncset.done $0x0  }
0x67: {  	s6 =	sadd.s32 s5, s22;
	[sflag:s30] =	ssyncadd.s32 $0xFFFFD8F0  }
0x68: {  	[tilespmem:s28], [sflag:$0x1] =	stream.linear.gather [hbm4b:s6+s4], $0x2710, $0x38;
	[tilespmem:$0xF550] =	vst v63  }
0x69: {  	s6 =	sadd.s32 s5, s21  }
0x6a: {  	[tilespmem:s29], [sflag:$0x1] =	stream.linear.gather [hbm4b:s6+s4], $0x2710, $0x38;
	[tilespmem:$0xF550] =	vst v63  }
0x6b: {  	_ = 	snop  }
0x6c: {  	[spmem:s1] =	stream.indirect.scatter.add.f32 [tilespmem:s24], [sflag:$0x2], $0x1, s4, s28, $0xb8;
	[tilespmem:$0xF550] =	vst v63  }
0x6d: {  	_ = 	snop  }
0x6e: {  	[spmem:s3] =	stream.indirect.scatter.add.f32 [tilespmem:s24], [sflag:$0x2], $0x1, s25, s28, $0xb8;
	[tilespmem:$0xF550] =	vst v63  }
0x6f: {  	_ =	swait.ge [sflag:s26], $0x2710  }
0x70: {  	[sflag:s26] =	ssyncset.done $0x0  }
0x71: {  	[sflag:s26] =	ssyncadd.s32 $0xFFFFD8F0  }
0x72: {  	_ =	swait.ge [sflag:s26], $0x2710  }
0x73: {  	[sflag:s26] =	ssyncset.done $0x0  }
0x74: {  	[sflag:s26] =	ssyncadd.s32 $0xFFFFD8F0  }
0x75: {  	p0 =	seq.s32 s5, $0x4E20;
	_ =	swait.ge [sflag:s30], $0x2710  }
.Ltmp2:
0x76: {  	[sflag:s30] =	ssyncset.done $0x0;
	(pc) =	sbr.rel @p0 .LBB2_4-.Ltmp2, $4  }
0x77: {  	[sflag:s30] =	ssyncadd.s32 $0xFFFFD8F0  }
0x78: {  	_ =	swait.ge [sflag:s30], $0x2710  }
0x79: {  	[sflag:s30] =	ssyncset.done $0x0  }
0x7a: {  	[sflag:s30] =	ssyncadd.s32 $0xFFFFD8F0  }
0x7b: {  	s6 =	sadd.s32 s5, s20  }
0x7c: {  	[tilespmem:s4], [sflag:$0x1] =	stream.linear.gather [hbm4b:s6+s4], $0x2710, $0x38;
	[tilespmem:$0xF550] =	vst v63  }
0x7d: {  	s6 =	sadd.s32 s5, s19  }
0x7e: {  	[tilespmem:s25], [sflag:$0x1] =	stream.linear.gather [hbm4b:s6+s4], $0x2710, $0x38;
	[tilespmem:$0xF550] =	vst v63  }
.Ltmp3:
0x7f: {  	_ = 	snop;
	(pc) =	sbr.rel .LBB2_2-.Ltmp3, $4  }
0x80: {  	_ = 	snop  }
0x81: {  	[spmem:s1] =	stream.indirect.scatter.add.f32 [tilespmem:s24], [sflag:$0x2], $0x1, s28, s28, $0xb8;
	[tilespmem:$0xF550] =	vst v63  }
0x82: {  	s5 =	sadd.s32 $0x9C4, s5  }
0x83: {  	[spmem:s3] =	stream.indirect.scatter.add.f32 [tilespmem:s24], [sflag:$0x2], $0x1, s29, s28, $0xb8;
	[tilespmem:$0xF550] =	vst v63  }
.LBB2_5:
0x84: {  	_ =	sfence.sel $0x180000  }
0x85: {  	[bflag:$0x0] =	sbarrier.arrive $0xFFFF  }
0x86: {  	_ =	strace $0x90000047  }
0x87: {  	s0 =	stileid.u32;
	[bflag:$0x2] =	sbarrier.arrive $0xFFFF  }
0x88: {  	p0 =	sne.s32 s0, $0x0;
	s0 =	rddreg [dreg:$0x3]  }
0x89: {  	s0 =	sadd.s32 @!p0 $0x100000, s0  }
0x8a: {  	[sflag:s0] =	ssyncadd.tile.s32 @!p0 $0x1;
	_ =	shalt  }
.Lfunc_end2:
_tile_overlayer_lowered:
.L_overlay_start_2:
0x8b: {  	(tag) =	ssettag $0x2  }
0x8c: {  	s0 =	rddreg [dreg:$0x0];
	s2 =	stileid.u32  }
0x8d: {  	s1 =	rddreg [dreg:$0x1];
	p0 =	sne.s32 s2, $0x0  }
0x8e: {  	s3 =	rddreg [dreg:$0x2];
	[bflag:$0x3] =	sbarrier.arrive $0xFFFF;
	s2 =	simm.s32 @!p0 $0x1C03  }
0x8f: {  	[timem:s3], [sflag:s2] =	dma.local @!p0 [hbm:s0], s1  }
0x90: {  	s0 =	simm.s32 @!p0 $0x3  }
0x91: {  	_ =	swait.ge @!p0 [sflag:s0], s1  }
0x92: {  	s1 =	ssub.s32 @!p0 $0x0, s1;
	[sflag:s0] =	ssyncset.done @!p0 $0x0  }
0x93: {  	[sflag:s0] =	ssyncadd.s32 @!p0 s1  }
0x94: {  	[bflag:$0x3] =	sbarrier.arrive $0xFFFF  }
0x95: {  	_ =	shalt  }

// kernel: kernel.8.cloned.1.call-start
scs
__scs_entry_jumppad:
0x0: {  	(pc) =	sbr.rel $0x88, $3  }
0x1: {  	(tag) =	ssettag $0x0;
	lr =	simm.s32 $0x1  }
0x2: {  	[smem:$0x3F97] =	sst lr;
	_ =	strace $0xD0000000  }
0x3: {  	_ = 	snop  }
0x4: {  	_ = 	snop  }
0x5: {  	_ = 	snop  }
0x6: {  	_ = 	snop  }
0x7: {  	_ = 	snop  }
__scs_overlays_trampoline_lowered:
0x8: {  	[smem:$0x3FA6] =	sst s0  }
0x9: {  	[smem:$0x3FA7] =	sst s1  }
0xa: {  	[smem:$0x3FA8] =	sst s2  }
0xb: {  	[smem:$0x3FA9] =	sst s3  }
0xc: {  	[smem:$0x3FAA] =	sst s4  }
0xd: {  	[smem:$0x3FAB] =	sst s5  }
0xe: {  	[smem:$0x3FAC] =	sst s6  }
0xf: {  	[smem:$0x3FAD] =	sst s7  }
0x10: {  	[smem:$0x3FAE] =	sst s8  }
0x11: {  	[smem:$0x3FAF] =	sst s9;
	s0 =	simm.s32 @!p0 $0x0  }
0x12: {  	s1 =	sld [smem:$0x3F95];
	s0 =	simm.s32 @p0 $0x1  }
0x13: {  	[smem:$0x3FB0] =	sst s0;
	s0 =	simm.s32 @!p1 $0x0  }
0x14: {  	s2 =	sld [smem:$0x3F94];
	s0 =	simm.s32 @p1 $0x1  }
0x15: {  	[smem:$0x3FB1] =	sst s0;
	s0 =	simm.s32 @!p2 $0x0  }
0x16: {  	s3 =	sld [smem:$0x3FDB];
	s0 =	simm.s32 @p2 $0x1  }
0x17: {  	s4 =	simm.s32 $0x1BF5;
	[smem:$0x3FB3] =	sst s0  }
0x18: {  	s0 =	sld [smem:$0x3F96];
	_ =	swait.ge [sflag:s4], $0x0  }
0x19: {  	s7 =	sld [smem:$0x3F97]  }
0x1a: {  	s8 =	sadd.s32 $0xFFFFE003, lr  }
0x1b: {  	s9 =	sadd.s32 $0xFFFFFEF7, lr;
	s5 =	simm.s32 $0xFFFFFFFF;
	p2 =	slt.u32 s8, $0xFFFFF086  }
0x1c: {  	p1 =	slt.u32 s9, $0xF7A;
	s5 =	simm.s32 @!p2 $0x0  }
0x1d: {  	s5 =	simm.s32 @p1 $0x1;
	p0 =	seq.s32 s7, s2  }
0x1e: {  	s7 =	smul.u32 @!p0 $0xF7A, s2;
	p2 =	seq.s32 @!p0 s5, $0x0  }
0x1f: {  	s9 =	smul.u32 $0xF7A, s1;
	s8 =	simm.s32 @!p0 $0x1BF5;
	p2 =	por !p2, p0  }
0x20: {  	[sflag:s8] =	ssyncset.s32 @!p0 $0xFFFFF086;
	s6 =	sadd.s32 @!p0 s3, s7;
	s7 =	simm.s32 @!p0 $0x108  }
0x21: {  	s3 =	sadd.s32 s3, s9;
	s6 =	sadd.s32 @!p0 $0x88, s6;
	s7 =	simm.s32 @p2 $0x1082  }
0x22: {  	[simem:s7], [sflag:s8] =	dma.local @!p0 [hbm:s6], $0xF7A  }
0x23: {  	s9 =	sor.u32 $0xD0000000, s2;
	s6 =	simm.s32 $0x108;
	_ =	swait.ge @!p0 [sflag:s8], $0x0  }
0x24: {  	s3 =	sadd.s32 $0x88, s3;
	s6 =	simm.s32 @!p1 $0x1082;
	[sflag:s4] =	ssyncset.s32 $0xFFFFF086  }
0x25: {  	[simem:s6], [sflag:s4] =	dma.local [hbm:s3], $0xF7A  }
0x26: {  	[smem:$0x3F97] =	sst s1;
	(tag) =	ssettag s2;
	_ =	strace s9  }
0x27: {  	s1 =	sld [smem:$0x3FA7]  }
0x28: {  	s2 =	sld [smem:$0x3FA8]  }
0x29: {  	s4 =	sld [smem:$0x3FAA]  }
0x2a: {  	p0 =	seq.s32 s5, $0x0;
	s5 =	sld [smem:$0x3FAB]  }
0x2b: {  	s6 =	sld [smem:$0x3FAC]  }
0x2c: {  	s7 =	sld [smem:$0x3FAD]  }
0x2d: {  	s3 =	simm.s32 $0x108;
	s8 =	sld [smem:$0x3FAE]  }
0x2e: {  	s3 =	simm.s32 @!p0 $0x1082;
	s9 =	sld [smem:$0x3FAF]  }
0x2f: {  	lr =	sadd.s32 s0, s3;
	s0 =	sld [smem:$0x3FA6]  }
0x30: {  	s3 =	sld [smem:$0x3FA9]  }
0x31: {  	[smem:$0x3FB2] =	sst s10  }
0x32: {  	s10 =	sld [smem:$0x3FB0];
	_ =	sdelay $0x3  }
0x33: {  	p0 =	seq.s32 s10, $0x1;
	s10 =	sld [smem:$0x3FB2];
	_ =	sdelay $0x3  }
0x34: {  	[smem:$0x3FB2] =	sst s10  }
0x35: {  	s10 =	sld [smem:$0x3FB1];
	_ =	sdelay $0x3  }
0x36: {  	p1 =	seq.s32 s10, $0x1;
	s10 =	sld [smem:$0x3FB2];
	_ =	sdelay $0x3  }
0x37: {  	[smem:$0x3FB2] =	sst s10  }
0x38: {  	s10 =	sld [smem:$0x3FB3]  }
0x39: {  	_ = 	snop;
	(pc) =	sbr.ind lr, $3  }
0x3a: {  	_ = 	snop  }
0x3b: {  	_ = 	snop  }
0x3c: {  	p2 =	seq.s32 s10, $0x1;
	s10 =	sld [smem:$0x3FB2]  }
0x3d: {  	_ =	shalt  }
0x3e: {  	_ =	shalt  }
0x3f: {  	_ =	shalt  }
0x40: {  	_ =	shalt  }
0x41: {  	_ =	shalt  }
0x42: {  	_ =	shalt  }
0x43: {  	_ =	shalt  }
0x44: {  	_ =	shalt  }
0x45: {  	_ =	shalt  }
0x46: {  	_ =	shalt  }
0x47: {  	_ =	shalt  }
0x48: {  	_ =	shalt  }
0x49: {  	_ =	shalt  }
0x4a: {  	_ =	shalt  }
0x4b: {  	_ =	shalt  }
0x4c: {  	_ =	shalt  }
0x4d: {  	_ =	shalt  }
0x4e: {  	_ =	shalt  }
0x4f: {  	_ =	shalt  }
0x50: {  	_ =	shalt  }
0x51: {  	_ =	shalt  }
0x52: {  	_ =	shalt  }
0x53: {  	_ =	shalt  }
0x54: {  	_ =	shalt  }
0x55: {  	_ =	shalt  }
0x56: {  	_ =	shalt  }
0x57: {  	_ =	shalt  }
0x58: {  	_ =	shalt  }
0x59: {  	_ =	shalt  }
0x5a: {  	_ =	shalt  }
0x5b: {  	_ =	shalt  }
0x5c: {  	_ =	shalt  }
0x5d: {  	_ =	shalt  }
0x5e: {  	_ =	shalt  }
0x5f: {  	_ =	shalt  }
0x60: {  	_ =	shalt  }
0x61: {  	_ =	shalt  }
0x62: {  	_ =	shalt  }
0x63: {  	_ =	shalt  }
0x64: {  	_ =	shalt  }
0x65: {  	_ =	shalt  }
0x66: {  	_ =	shalt  }
0x67: {  	_ =	shalt  }
0x68: {  	_ =	shalt  }
0x69: {  	_ =	shalt  }
0x6a: {  	_ =	shalt  }
0x6b: {  	_ =	shalt  }
0x6c: {  	_ =	shalt  }
0x6d: {  	_ =	shalt  }
0x6e: {  	_ =	shalt  }
0x6f: {  	_ =	shalt  }
0x70: {  	_ =	shalt  }
0x71: {  	_ =	shalt  }
0x72: {  	_ =	shalt  }
0x73: {  	_ =	shalt  }
0x74: {  	_ =	shalt  }
0x75: {  	_ =	shalt  }
0x76: {  	_ =	shalt  }
0x77: {  	_ =	shalt  }
0x78: {  	_ =	shalt  }
0x79: {  	_ =	shalt  }
0x7a: {  	_ =	shalt  }
0x7b: {  	_ =	shalt  }
0x7c: {  	_ =	shalt  }
0x7d: {  	_ =	shalt  }
0x7e: {  	_ =	shalt  }
0x7f: {  	_ =	shalt  }
0x80: {  	_ =	shalt  }
0x81: {  	_ =	shalt  }
0x82: {  	_ =	shalt  }
0x83: {  	_ =	shalt  }
0x84: {  	_ =	shalt  }
0x85: {  	_ =	shalt  }
0x86: {  	_ =	shalt  }
0x87: {  	_ =	shalt  }
.Lfunc_end0:
.L_simem_size_0:
called_computation.1_lowered:
.L_overlay_start_0:
0x88: {  	s2 =	sld [smem:$0x3FD9]  }
0x89: {  	s3 =	sld [smem:$0x3FFE];
	_ =	sdelay $0x1  }
0x8a: {  	s1 =	srdreg.scid  }
0x8b: {  	s0 =	sand.u32 $0x1, s1  }
0x8c: {  	s16 =	sshll.u32 s0, $0xA;
	s2 =	sadd.s32 s3, s2  }
0x8d: {  	s2 =	sadd.s32 s2, s16  }
0x8e: {  	[smem:$0x3FBE] =	sst s2  }
0x8f: {  	_ = 	snop  }
0x90: {  	(tm) =	ssettm $0x1  }
0x91: {  	s17 =	sld [smem:$0x3FFB];
	_ =	sdelay $0x3  }
0x92: {  	_ =	strace s17  }
0x93: {  	s2 =	sld [smem:$0x3FFC];
	_ =	sdelay $0x3  }
0x94: {  	_ =	strace s2  }
0x95: {  	s2 =	sld [smem:$0x3FFD];
	_ =	sdelay $0x3  }
0x96: {  	_ =	strace s2  }
0x97: {  	_ =	strace $0x8FFFFFFF  }
0x98: {  	s18 =	sld [smem:$0x3FDB];
	_ =	sdelay $0x1  }
0x99: {  	s19 =	simm.s32 $_scs_section_size  }
0x9a: {  	s4 =	simm.s32 $_size__tile_overlayer_lowered;
	s5 =	simm.s32 $_tile_overlayer_lowered  }
0x9b: {  	s22 =	simm.s32 $0x1BFF;
	s21 =	sshll.u32 s5, $0x1;
	s2 =	sadd.s32 s19, s18  }
0x9c: {  	s6 =	simm.s32 $0x0;
	s20 =	sshll.u32 s4, $0x1;
	s4 =	sadd.s32 s21, s2  }
0x9d: {  	[timem:s6], [sflag:s22] =	dma.local [hbm:s4], s20  }
0x9e: {  	_ =	swait.ge [sflag:s22], s20  }
0x9f: {  	s3 =	ssub.s32 $0x0, s20;
	[sflag:s22] =	ssyncset.done $0x0  }
0xa0: {  	[sflag:s22] =	ssyncadd.s32 s3;
	_ =	sdelay $0x1  }
0xa1: {  	s23 =	simm.s32 $0x1B8B  }
0xa2: {  	_ =	swait.ge [sflag:s23], $0x1  }
0xa3: {  	[sflag:s23] =	ssyncset.done $0x0  }
0xa4: {  	s25 =	simm.s32 $0x1B8E;
	s24 =	sld [smem:$0x3FFE];
	[sflag:s23] =	ssyncadd.s32 $0xFFFFFFFF  }
0xa5: {  	s26 =	simm.s32 $execute0_lowered;
	[smem:$0x3FD2] =	sst s25  }
0xa6: {  	s4 =	sshll.u32 s26, $0x1;
	_ =	strace $0x80000049;
	[dreg:$0x1] =	wrdreg $0xFFFFFFFF  }
0xa7: {  	s28 =	simm.s32 $_size_execute0_lowered;
	s2 =	sadd.s32 s2, s4;
	[dreg:$0x0] =	wrdreg $0x0  }
0xa8: {  	s4 =	sshll.u32 s28, $0x1;
	[dreg:$0x2] =	wrdreg s2  }
0xa9: {  	[dreg:$0x3] =	wrdreg s4  }
0xaa: {  	[dreg:$0x4] =	wrdreg $0xC0  }
0xab: {  	_ =	task [dreg:s6], $0x5FFFF  }
0xac: {  	[dreg:$0x1] =	wrdreg $0xFFFFFFFF  }
0xad: {  	[dreg:$0x0] =	wrdreg $0x60  }
0xae: {  	[dreg:$0x2] =	wrdreg s24  }
0xaf: {  	[dreg:$0x3] =	wrdreg $0x10FE00  }
0xb0: {  	[dreg:$0x4] =	wrdreg $0x128E00  }
0xb1: {  	[dreg:$0x5] =	wrdreg $0x141E00  }
0xb2: {  	[dreg:$0x6] =	wrdreg $0x15AE00  }
0xb3: {  	[dreg:$0x7] =	wrdreg $0x9  }
0xb4: {  	_ =	task.clear_ibuf [dreg:s6], $0x8FFFF;
	_ =	strace $0x90000049  }
0xb5: {  	s29 =	simm.s32 $0x9;
	_ =	strace $0x8000004B  }
0xb6: {  	_ =	swait.ge [sflag:s29], $0x1  }
0xb7: {  	[sflag:s29] =	ssyncadd.s32 $0xFFFFFFFF  }
0xb8: {  	_ =	strace $0x9000004B  }
0xb9: {  	_ =	sfence  }
0xba: {  	s30 =	sld [smem:$0x0];
	_ =	sdelay $0x2  }
0xbb: {  	s31 =	sshll.u32 s1, $0xD;
	s1 =	sshrl.u32 s1, $0x2  }
0xbc: {  	s3 =	sand.u32 $0x4000, s31;
	s1 =	sadd.s32 s1, s30  }
0xbd: {  	s0 =	sor.u32 s3, s0;
	s1 =	sshll.u32 s1, $0x11  }
0xbe: {  	s0 =	sor.u32 s1, s0  }
0xbf: {  	s0 =	sadd.s32 $0x8F2B, s0  }
0xc0: {  	[sflag:s0] =	ssyncadd.remote.s32 $0x1  }
0xc1: {  	_ =	sfence.sel $0xFFFF  }
0xc2: {  	[dreg:$0x0] =	wrdreg $0xFFFFFFFF;
	(pc) =	sbr.abs _section_cstart, $3  }
0xc3: {  	[dreg:$0x1] =	wrdreg $0xFFFFFFFF  }
0xc4: {  	_ =	task.clear_ibuf [dreg:s6], $0x2FFFF;
	_ =	strace $0x9FFFFFFF  }
0xc5: {  	(tm) =	ssettm $0x7FFFFFFF  }
tec
execute0_lowered:
.L_overlay_start_1:
0x0: {  	(tag) =	ssettag $0x1  }
0x1: {  	s4 =	rddreg [dreg:$0x0]  }
0x2: {  	s1 =	rddreg [dreg:$0x1]  }
0x3: {  	s2 =	rddreg [dreg:$0x2]  }
0x4: {  	s3 =	rddreg [dreg:$0x3]  }
0x5: {  	s5 =	rddreg [dreg:$0x4]  }
0x6: {  	s6 =	simm.s32 $0x0;
	s21 =	stileid.u32;
	s8 =	srdreg.scid  }
0x7: {  	[smem:$0x7FF] =	sst s6;
	s0 =	smul.u32 $0x1900, s21  }
0x8: {  	s7 =	sadd.s32 $0xC5600, s4;
	s10 =	sand.u32 $0x1, s8;
	s12 =	sadd.s32 $0x198C00, s4  }
0x9: {  	s8 =	sadd.s32 $0x2000, s4;
	s13 =	sadd.s32 $0x192800, s4;
	s16 =	smul.u32 $0x61A80, s21  }
0xa: {  	_ =	strace $0x8000004A;
	s9 =	smul.u32 $0x32000, s10;
	s15 =	ssub.s32 $0x2, s10  }
0xb: {  	s18 =	smul.u32 $0x30D40, s10;
	s11 =	sshrl.u32 s0, $0x3;
	s17 =	sshrl.u32 s15, $0x1  }
0xc: {  	s14 =	sadd.s32 s11, s4;
	s9 =	sadd.s32 s0, s9;
	s19 =	sadd.s32 $0x3200, s11  }
0xd: {  	s25 =	sadd.s32 $0x32C8, s11;
	s9 =	sshrl.u32 s9, $0x3;
	s20 =	sadd.s32 s13, s19  }
0xe: {  	s28 =	sadd.s32 s13, s25;
	s30 =	sadd.s32 s12, s25;
	[dreg:$0xc] =	wrdreg s20  }
0xf: {  	s4 =	sadd.s32 s9, s4;
	s9 =	ssub.s32 s15, s17;
	[dreg:$0xf] =	wrdreg s28  }
0x10: {  	s17 =	sshll.u32 s21, $0x1;
	[dreg:$0x11] =	wrdreg s30;
	s28 =	sadd.s32 s12, s11  }
0x11: {  	s15 =	sor.u32 s10, s17;
	s10 =	sadd.s32 s18, s16;
	s16 =	sadd.s32 $0x640, s0  }
0x12: {  	s17 =	sadd.s32 s12, s19;
	[dreg:$0x17] =	wrdreg s28;
	s28 =	sadd.s32 $0x188C00, s14  }
0x13: {  	s18 =	sadd.s32 $0x61A8, s10;
	[dreg:$0xd] =	wrdreg s17;
	s22 =	sshrl.u32 s16, $0x3  }
0x14: {  	s20 =	sadd.s32 $0x3A98, s10;
	[dreg:$0x1c] =	wrdreg s28;
	s14 =	sadd.s32 s16, s3  }
0x15: {  	s30 =	sadd.s32 $0x2710, s10;
	s28 =	sadd.s32 $0x1A2200, s4;
	[smem:$0x7F0] =	sst s14  }
0x16: {  	s18 =	sshrl.u32 s18, $0x3;
	s19 =	sadd.s32 s13, s22;
	[smem:$0x7FB] =	sst s28  }
0x17: {  	s24 =	sshrl.u32 s20, $0x3;
	s17 =	sadd.s32 s12, s22;
	[dreg:$0xe] =	wrdreg s19  }
0x18: {  	s20 =	sshrl.u32 s30, $0x3;
	s30 =	sadd.s32 s0, s2;
	[dreg:$0x10] =	wrdreg s17  }
0x19: {  	s23 =	sadd.s32 s18, s8;
	[dreg:$0x1f] =	wrdreg s30  }
0x1a: {  	s18 =	sadd.s32 s18, s7;
	[dreg:$0x6] =	wrdreg s23  }
0x1b: {  	s26 =	sadd.s32 s24, s8;
	[dreg:$0x7] =	wrdreg s18  }
0x1c: {  	s22 =	sadd.s32 $0x3390, s11;
	s29 =	sadd.s32 s24, s7;
	[dreg:$0x8] =	wrdreg s26  }
0x1d: {  	s24 =	sadd.s32 s13, s22;
	[dreg:$0x9] =	wrdreg s29  }
0x1e: {  	s25 =	sadd.s32 s12, s22;
	[dreg:$0x14] =	wrdreg s24  }
0x1f: {  	s30 =	sadd.s32 $0x4E20, s10;
	[dreg:$0x15] =	wrdreg s25  }
0x20: {  	s31 =	simm.s32 $0x4E20;
	s26 =	sadd.s32 s13, s11;
	[smem:$0x7FD] =	sst s30  }
0x21: {  	s17 =	sadd.s32 $0xC80, s0;
	s24 =	sadd.s32 s20, s7;
	[dreg:$0x16] =	wrdreg s26  }
0x22: {  	s25 =	smul.u32 $0x30D40, s15;
	s15 =	sadd.s32 s16, s5;
	[dreg:$0xb] =	wrdreg s24  }
0x23: {  	s19 =	sshrl.u32 s17, $0x3;
	s16 =	sadd.s32 s17, s3;
	[smem:$0x7F1] =	sst s15  }
0x24: {  	s14 =	simm.s32 $0x2;
	s23 =	sadd.s32 s13, s19;
	[smem:$0x7F2] =	sst s16  }
0x25: {  	s10 =	simm.s32 $0x9C40;
	s18 =	sadd.s32 s12, s19;
	[dreg:$0x12] =	wrdreg s23  }
0x26: {  	s11 =	sadd.s32 $0x3458, s11;
	s19 =	sadd.s32 s17, s5;
	[dreg:$0x13] =	wrdreg s18  }
0x27: {  	s18 =	sadd.s32 $0x12C0, s0;
	s23 =	sadd.s32 s20, s8;
	[smem:$0x7F3] =	sst s19  }
0x28: {  	s26 =	sshll.u32 s21, $0x6;
	[dreg:$0xa] =	wrdreg s23;
	s20 =	sadd.s32 s18, s3  }
0x29: {  	s29 =	sshrl.u32 s18, $0x3;
	s23 =	sadd.s32 s18, s5;
	[smem:$0x7F4] =	sst s20  }
0x2a: {  	s15 =	simm.s32 $0xAFC8;
	s22 =	sadd.s32 s13, s29;
	[smem:$0x7F5] =	sst s23  }
0x2b: {  	s16 =	simm.s32 $0xD6D8;
	s13 =	sadd.s32 s13, s11;
	[dreg:$0x18] =	wrdreg s22  }
0x2c: {  	s17 =	simm.s32 $0x3A98;
	s11 =	sadd.s32 s12, s11;
	[dreg:$0x19] =	wrdreg s13  }
0x2d: {  	s21 =	sadd.s32 $0x1388, s25;
	s22 =	sadd.s32 s12, s29;
	[dreg:$0x1b] =	wrdreg s11  }
0x2e: {  	s19 =	simm.s32 $0x3;
	s29 =	sadd.s32 s0, s1;
	[dreg:$0x1a] =	wrdreg s22  }
0x2f: {  	s18 =	simm.s32 $0x88B8;
	s13 =	sadd.s32 s0, s3;
	[dreg:$0x1e] =	wrdreg s29  }
0x30: {  	s0 =	sadd.s32 s0, s5;
	s11 =	sshrl.u32 s25, $0x3;
	[smem:$0x7EE] =	sst s13  }
0x31: {  	s12 =	simm.s32 $0x2710;
	[smem:$0x7EF] =	sst s0;
	s24 =	sadd.s32 s7, s11  }
0x32: {  	s22 =	sor.u32 $0x1C04, s26;
	s11 =	sadd.s32 s8, s11;
	[smem:$0x7F6] =	sst s24  }
0x33: {  	s0 =	sshrl.u32 s21, $0x3;
	s26 =	sadd.s32 $0x19F000, s4;
	[smem:$0x7F7] =	sst s11  }
0x34: {  	s29 =	smax.u32 s9, $0x1;
	s21 =	simm.s32 $0x4;
	[smem:$0x7FA] =	sst s26  }
0x35: {  	s4 =	simm.s32 $0x61A8;
	s9 =	simm.s32 $0x1;
	[smem:$0x7FC] =	sst s29  }
0x36: {  	s13 =	simm.s32 $0x7530;
	s25 =	sadd.s32 s7, s0;
	[dreg:$0x1d] =	wrdreg s22  }
0x37: {  	s0 =	sadd.s32 s8, s0;
	s11 =	simm.s32 $0xC350;
	[smem:$0x7F8] =	sst s25  }
0x38: {  	[smem:$0x7F9] =	sst s0;
	s0 =	simm.s32 $0x1388;
	s25 =	simm.s32 $0x0  }
.LBB2_1:
0x39: {  	s20 =	rddreg [dreg:$0x1e]  }
0x3a: {  	s24 =	rddreg [dreg:$0x1c];
	s23 =	sshrl.u32 s20, $0x3  }
0x3b: {  	[smem:$0x7EC] =	sst s23  }
0x3c: {  	[spmem:s23], [sflag:s22] =	dma.local [hbm:s24], $0x320  }
0x3d: {  	_ =	swait.ge [sflag:s21], $0x320  }
0x3e: {  	s26 =	rddreg [dreg:$0x1f]  }
0x3f: {  	[sflag:s21] =	ssyncset.done $0x0;
	s23 =	sshrl.u32 s26, $0x3  }
0x40: {  	[sflag:s21] =	ssyncadd.s32 $0xFFFFFCE0;
	[smem:$0x7ED] =	sst s23  }
0x41: {  	[spmem:s23], [sflag:s22] =	dma.local [hbm:s24], $0x320  }
0x42: {  	_ =	swait.ge [sflag:s21], $0x320  }
0x43: {  	[sflag:s21] =	ssyncset.done $0x0  }
0x44: {  	s23 =	simm.s32 $0xEA60;
	s22 =	rddreg [dreg:$0x16];
	[sflag:s21] =	ssyncadd.s32 $0xFFFFFCE0  }
0x45: {  	[tilespmem:s23], [sflag:$0x4] =	stream.linear.gather [hbm4b:s22+s6], $0x640, $0x38;
	[tilespmem:$0x173E0] =	vst v63  }
0x46: {  	_ =	swait.ge [sflag:s21], $0x640  }
0x47: {  	[sflag:s21] =	ssyncset.done $0x0  }
0x48: {  	s26 =	simm.s32 $0xF0A0;
	s24 =	rddreg [dreg:$0xc];
	[sflag:s21] =	ssyncadd.s32 $0xFFFFF9C0  }
0x49: {  	[tilespmem:s26], [sflag:$0x4] =	stream.linear.gather [hbm4b:s24+s6], $0x640, $0x38;
	[tilespmem:$0x173E0] =	vst v63  }
0x4a: {  	_ =	swait.ge [sflag:s21], $0x640  }
0x4b: {  	[sflag:s21] =	ssyncset.done $0x0  }
0x4c: {  	s23 =	simm.s32 $0xF6E0;
	s22 =	rddreg [dreg:$0x17];
	[sflag:s21] =	ssyncadd.s32 $0xFFFFF9C0  }
0x4d: {  	[tilespmem:s23], [sflag:$0x4] =	stream.linear.gather [hbm4b:s22+s6], $0x640, $0x38;
	[tilespmem:$0x173E0] =	vst v63  }
0x4e: {  	_ =	swait.ge [sflag:s21], $0x640  }
0x4f: {  	[sflag:s21] =	ssyncset.done $0x0  }
0x50: {  	s26 =	simm.s32 $0xFD20;
	s24 =	rddreg [dreg:$0xd];
	[sflag:s21] =	ssyncadd.s32 $0xFFFFF9C0  }
0x51: {  	[tilespmem:s26], [sflag:$0x4] =	stream.linear.gather [hbm4b:s24+s6], $0x640, $0x38;
	[tilespmem:$0x173E0] =	vst v63  }
0x52: {  	_ =	swait.ge [sflag:s21], $0x640  }
0x53: {  	[sflag:s21] =	ssyncset.done $0x0  }
0x54: {  	s28 =	simm.s32 $0x0;
	[sflag:s21] =	ssyncadd.s32 $0xFFFFF9C0  }
0x55: {  	v0 =	vld [tilespmem:s28+$0xF0A0]  }
0x56: {  	v1 =	vld [tilespmem:s28+$0xEA60];
	_ =	sdelay $0x3  }
0x57: {  	s29 =	simm.s32 $0x10  }
0x58: {  	v2 =	vld [tilespmem:s29+$0xEA60];
	v0 =	vadd.f32 v0, v1  }
0x59: {  	v1 =	vld [tilespmem:s29+$0xF0A0]  }
0x5a: {  	v0 =	vmax.f32 v0, $1.000000000e+00  }
0x5b: {  	v3 =	vshrl.u32 v0, $0x1;
	v0 =	vmul.f32 $5.000000000e-01, v0  }
0x5c: {  	v3 =	vsub.s32 $0x5F3759DF, v3  }
0x5d: {  	v4 =	vmul.f32 v3, v0  }
0x5e: {  	s20 =	simm.s32 $0x20;
	v1 =	vadd.f32 v1, v2  }
0x5f: {  	v5 =	vld [tilespmem:s20+$0xEA60];
	v4 =	vmul.f32 v3, v4  }
0x60: {  	v2 =	vld [tilespmem:s20+$0xF0A0];
	v1 =	vmax.f32 v1, $1.000000000e+00  }
0x61: {  	v6 =	vshrl.u32 v1, $0x1;
	v8 =	vmul.f32 $5.000000000e-01, v1;
	v1 =	vsub.f32 $1.500000000e+00, v4  }
0x62: {  	v4 =	vsub.s32 $0x5F3759DF, v6  }
0x63: {  	s30 =	simm.s32 $0x30;
	v6 =	vmul.f32 v4, v8;
	v3 =	vmul.f32 v3, v1  }
0x64: {  	v7 =	vld [tilespmem:s30+$0xF0A0]  }
0x65: {  	v1 =	vadd.f32 v2, v5;
	v2 =	vld [tilespmem:s30+$0xEA60];
	v6 =	vmul.f32 v4, v6;
	v5 =	vmul.f32 v3, v0;
	_ =	sdelay $0x1  }
0x66: {  	v1 =	vmax.f32 v1, $1.000000000e+00;
	v6 =	vsub.f32 $1.500000000e+00, v6;
	v5 =	vmul.f32 v5, v3  }
0x67: {  	s24 =	simm.s32 $0x40;
	v9 =	vshrl.u32 v1, $0x1;
	v1 =	vmul.f32 $5.000000000e-01, v1  }
0x68: {  	v10 =	vld [tilespmem:s24+$0xF0A0];
	v9 =	vsub.s32 $0x5F3759DF, v9;
	v11 =	vmul.f32 v4, v6;
	v5 =	vsub.f32 $1.500000000e+00, v5  }
0x69: {  	v4 =	vmul.f32 v9, v1;
	v2 =	vadd.f32 v7, v2;
	v6 =	vld [tilespmem:s24+$0xEA60]  }
0x6a: {  	v12 =	vmul.f32 v5, v3;
	v3 =	vmul.f32 v11, v8  }
0x6b: {  	v2 =	vmax.f32 v2, $1.000000000e+00;
	v5 =	vmul.f32 v9, v4  }
0x6c: {  	v4 =	vshrl.u32 v2, $0x1;
	v2 =	vmul.f32 $5.000000000e-01, v2;
	v3 =	vmul.f32 v3, v11  }
0x6d: {  	v4 =	vsub.s32 $0x5F3759DF, v4;
	v0 =	vmul.f32 v12, v0;
	v5 =	vsub.f32 $1.500000000e+00, v5  }
0x6e: {  	s22 =	simm.s32 $0x50;
	v7 =	vadd.f32 v10, v6;
	v10 =	vmul.f32 v4, v2;
	v3 =	vsub.f32 $1.500000000e+00, v3  }
0x6f: {  	v0 =	vmul.f32 v0, v12;
	v6 =	vmul.f32 v9, v5;
	v9 =	vld [tilespmem:s22+$0xF0A0]  }
0x70: {  	v14 =	vmul.f32 v4, v10;
	v3 =	vmul.f32 v3, v11;
	v11 =	vld [tilespmem:s22+$0xEA60]  }
0x71: {  	v10 =	vld [tilespmem:s28+$0xF6E0];
	v16 =	vsub.f32 $1.500000000e+00, v0;
	v0 =	vmax.f32 v7, $1.000000000e+00;
	v13 =	vmul.f32 v6, v1  }
0x72: {  	v7 =	vld [tilespmem:s28+$0xFD20];
	v5 =	vshrl.u32 v0, $0x1;
	v0 =	vmul.f32 $5.000000000e-01, v0;
	v15 =	vmul.f32 v3, v8  }
0x73: {  	v5 =	vsub.s32 $0x5F3759DF, v5;
	v13 =	vmul.f32 v13, v6;
	v12 =	vmul.f32 v16, v12  }
0x74: {  	s23 =	simm.s32 $0x180;
	v14 =	vsub.f32 $1.500000000e+00, v14;
	v8 =	vmul.f32 v5, v0;
	v15 =	vmul.f32 v15, v3  }
.LBB2_2:
0x75: {  	s26 =	sshra.s32 s23, $0x2;
	p0 =	sne.s32 s23, $0x18C0;
	s23 =	sadd.s32 $0x40, s23;
	v16 =	vadd.f32 v9, v11;
	v13 =	vsub.f32 $1.500000000e+00, v13;
	v17 =	vld [tilespmem:s29+$0xFD20]  }
0x76: {  	v9 =	vld [tilespmem:s26+$0xF0A0];
	v14 =	vmul.f32 v4, v14;
	v18 =	vsub.f32 $1.500000000e+00, v15;
	v15 =	vmul.f32 v12, v10;
	v4 =	vmovc v5  }
.Ltmp0:
0x77: {  	v20 =	vmul.f32 v12, v7;
	v11 =	vld [tilespmem:s26+$0xEA60];
	v5 =	vmax.f32 v16, $1.000000000e+00;
	v16 =	vmul.f32 v13, v6;
	(pc) =	sbr.rel @p0 .LBB2_2-.Ltmp0, $4  }
0x78: {  	v12 =	vshrl.u32 v5, $0x1;
	v19 =	vmul.f32 $5.000000000e-01, v5;
	v13 =	vmul.f32 v14, v2;
	v10 =	vld [tilespmem:s29+$0xF6E0];
	[tilespmem:s28+$0x10360] =	vst v15;
	v6 =	vmovc v14  }
0x79: {  	v5 =	vsub.s32 $0x5F3759DF, v12;
	v12 =	vmul.f32 v4, v8;
	v15 =	vmul.f32 v16, v1;
	[tilespmem:s28+$0x109A0] =	vst v20;
	v1 =	vmovc v2;
	s28 =	smov.u32 s29;
	s29 =	smov.u32 s20;
	s20 =	smov.u32 s30  }
0x7a: {  	v2 =	vmovc v0;
	s30 =	smov.u32 s24;
	s24 =	smov.u32 s22;
	s22 =	smov.u32 s26;
	v8 =	vmul.f32 v5, v19;
	v13 =	vmul.f32 v13, v6;
	v7 =	vmovc v17;
	v0 =	vmov v19  }
0x7b: {  	v14 =	vsub.f32 $1.500000000e+00, v12;
	v15 =	vmul.f32 v15, v16;
	v12 =	vmul.f32 v18, v3;
	v3 =	vmovc v16  }
0x7c: {  	v9 =	vadd.f32 v9, v11  }
0x7d: {  	v11 =	vsub.f32 $1.500000000e+00, v13  }
0x7e: {  	v8 =	vmul.f32 v5, v8;
	v4 =	vmul.f32 v4, v14;
	v9 =	vmax.f32 v9, $1.000000000e+00  }
0x7f: {  	v6 =	vmul.f32 v11, v6;
	v11 =	vshrl.u32 v9, $0x1;
	v9 =	vmul.f32 $5.000000000e-01, v9  }
0x80: {  	v13 =	vsub.f32 $1.500000000e+00, v15;
	v15 =	vld [tilespmem:s29+$0xF6E0];
	v14 =	vmul.f32 v4, v2;
	v11 =	vsub.s32 $0x5F3759DF, v11  }
0x81: {  	v10 =	vmul.f32 v12, v10;
	v16 =	vmul.f32 v11, v9  }
0x82: {  	v8 =	vsub.f32 $1.500000000e+00, v8;
	v3 =	vmul.f32 v13, v3;
	v13 =	vld [tilespmem:s29+$0xFD20];
	v14 =	vmul.f32 v14, v4  }
0x83: {  	v1 =	vmul.f32 v6, v1;
	v16 =	vmul.f32 v11, v16  }
0x84: {  	v7 =	vmul.f32 v12, v7;
	v5 =	vmul.f32 v5, v8;
	v12 =	vsub.f32 $1.500000000e+00, v14  }
0x85: {  	[tilespmem:s28+$0x10360] =	vst v10;
	v1 =	vmul.f32 v1, v6;
	v8 =	vmul.f32 v3, v15;
	v10 =	vsub.f32 $1.500000000e+00, v16  }
0x86: {  	[tilespmem:s28+$0x109A0] =	vst v7;
	v7 =	vmul.f32 v5, v0;
	v4 =	vmul.f32 v12, v4  }
0x87: {  	v3 =	vmul.f32 v3, v13;
	v12 =	vld [tilespmem:s20+$0xF6E0];
	v10 =	vmul.f32 v11, v10  }
0x88: {  	v7 =	vmul.f32 v7, v5;
	v11 =	vld [tilespmem:s20+$0xFD20];
	v2 =	vmul.f32 v4, v2  }
0x89: {  	v1 =	vsub.f32 $1.500000000e+00, v1;
	[tilespmem:s29+$0x10360] =	vst v8;
	v8 =	vmul.f32 v10, v9  }
0x8a: {  	[tilespmem:s29+$0x109A0] =	vst v3;
	v3 =	vsub.f32 $1.500000000e+00, v7;
	v2 =	vmul.f32 v2, v4  }
0x8b: {  	v1 =	vmul.f32 v1, v6;
	v6 =	vld [tilespmem:s30+$0xF6E0];
	v7 =	vmul.f32 v8, v10  }
0x8c: {  	v3 =	vmul.f32 v3, v5;
	v8 =	vld [tilespmem:s30+$0xFD20];
	v2 =	vsub.f32 $1.500000000e+00, v2  }
0x8d: {  	v12 =	vmul.f32 v1, v12;
	v1 =	vmul.f32 v1, v11;
	v5 =	vsub.f32 $1.500000000e+00, v7  }
0x8e: {  	v0 =	vmul.f32 v3, v0;
	v2 =	vmul.f32 v2, v4  }
0x8f: {  	[tilespmem:s20+$0x109A0] =	vst v1;
	v1 =	vmul.f32 v5, v10  }
0x90: {  	[tilespmem:s20+$0x10360] =	vst v12;
	v0 =	vmul.f32 v0, v3;
	v5 =	vmul.f32 v2, v6  }
0x91: {  	v4 =	vld [tilespmem:s24+$0xFD20];
	v2 =	vmul.f32 v2, v8;
	v7 =	vmul.f32 v1, v9  }
0x92: {  	v6 =	vld [tilespmem:s24+$0xF6E0];
	[tilespmem:s30+$0x10360] =	vst v5  }
0x93: {  	v0 =	vsub.f32 $1.500000000e+00, v0;
	[tilespmem:s30+$0x109A0] =	vst v2;
	v2 =	vmul.f32 v7, v1  }
0x94: {  	v5 =	vld [tilespmem:s22+$0xF6E0]  }
0x95: {  	v0 =	vmul.f32 v0, v3;
	v3 =	vld [tilespmem:s22+$0xFD20];
	v2 =	vsub.f32 $1.500000000e+00, v2;
	_ =	sdelay $0x1  }
0x96: {  	v6 =	vmul.f32 v0, v6;
	v1 =	vmul.f32 v2, v1  }
0x97: {  	v0 =	vmul.f32 v0, v4  }
0x98: {  	[tilespmem:s24+$0x10360] =	vst v6;
	v2 =	vmul.f32 v1, v5  }
0x99: {  	[tilespmem:s24+$0x109A0] =	vst v0;
	s24 =	sld [smem:$0x7EE];
	v0 =	vmul.f32 v1, v3  }
0x9a: {  	[tilespmem:s22+$0x10360] =	vst v2  }
0x9b: {  	s26 =	simm.s32 $0x10360;
	[tilespmem:s22+$0x109A0] =	vst v0  }
0x9c: {  	[spmem:s24] =	stream.linear.scatter [tilespmem:s26], [sflag:$0x4], $0x640, $0x38;
	[tilespmem:$0x173E0] =	vst v63  }
0x9d: {  	_ =	swait.ge [sflag:s21], $0x640  }
0x9e: {  	s23 =	sld [smem:$0x7EF]  }
0x9f: {  	[sflag:s21] =	ssyncset.done $0x0  }
0xa0: {  	s24 =	simm.s32 $0x109A0;
	[sflag:s21] =	ssyncadd.s32 $0xFFFFF9C0  }
0xa1: {  	[spmem:s23] =	stream.linear.scatter [tilespmem:s24], [sflag:$0x4], $0x640, $0x38;
	[tilespmem:$0x173E0] =	vst v63  }
0xa2: {  	_ =	swait.ge [sflag:s21], $0x640  }
0xa3: {  	s20 =	simm.s32 $0x0;
	[sflag:s21] =	ssyncset.done $0x0  }
0xa4: {  	s23 =	simm.s32 $0xEA60;
	s26 =	rddreg [dreg:$0xe];
	[sflag:s21] =	ssyncadd.s32 $0xFFFFF9C0  }
0xa5: {  	[tilespmem:s23], [sflag:$0x4] =	stream.linear.gather [hbm4b:s26+s20], $0x640, $0x38;
	[tilespmem:$0x173E0] =	vst v63  }
0xa6: {  	_ =	swait.ge [sflag:s21], $0x640  }
0xa7: {  	[sflag:s21] =	ssyncset.done $0x0  }
0xa8: {  	s26 =	simm.s32 $0xF0A0;
	s24 =	rddreg [dreg:$0xf];
	[sflag:s21] =	ssyncadd.s32 $0xFFFFF9C0  }
0xa9: {  	[tilespmem:s26], [sflag:$0x4] =	stream.linear.gather [hbm4b:s24+s20], $0x640, $0x38;
	[tilespmem:$0x173E0] =	vst v63  }
0xaa: {  	_ =	swait.ge [sflag:s21], $0x640  }
0xab: {  	[sflag:s21] =	ssyncset.done $0x0  }
0xac: {  	s26 =	simm.s32 $0xF6E0;
	s24 =	rddreg [dreg:$0x10];
	[sflag:s21] =	ssyncadd.s32 $0xFFFFF9C0  }
0xad: {  	[tilespmem:s26], [sflag:$0x4] =	stream.linear.gather [hbm4b:s24+s20], $0x640, $0x38;
	[tilespmem:$0x173E0] =	vst v63  }
0xae: {  	_ =	swait.ge [sflag:s21], $0x640  }
0xaf: {  	[sflag:s21] =	ssyncset.done $0x0  }
0xb0: {  	s26 =	simm.s32 $0xFD20;
	s24 =	rddreg [dreg:$0x11];
	[sflag:s21] =	ssyncadd.s32 $0xFFFFF9C0  }
0xb1: {  	[tilespmem:s26], [sflag:$0x4] =	stream.linear.gather [hbm4b:s24+s20], $0x640, $0x38;
	[tilespmem:$0x173E0] =	vst v63  }
0xb2: {  	_ =	swait.ge [sflag:s21], $0x640  }
0xb3: {  	[sflag:s21] =	ssyncset.done $0x0  }
0xb4: {  	s28 =	simm.s32 $0x0;
	[sflag:s21] =	ssyncadd.s32 $0xFFFFF9C0  }
0xb5: {  	v0 =	vld [tilespmem:s28+$0xF0A0]  }
0xb6: {  	v1 =	vld [tilespmem:s28+$0xEA60];
	_ =	sdelay $0x3  }
0xb7: {  	s29 =	simm.s32 $0x10  }
0xb8: {  	v2 =	vld [tilespmem:s29+$0xEA60];
	v0 =	vadd.f32 v0, v1  }
0xb9: {  	v1 =	vld [tilespmem:s29+$0xF0A0]  }
0xba: {  	v0 =	vmax.f32 v0, $1.000000000e+00  }
0xbb: {  	v3 =	vshrl.u32 v0, $0x1;
	v0 =	vmul.f32 $5.000000000e-01, v0  }
0xbc: {  	v3 =	vsub.s32 $0x5F3759DF, v3  }
0xbd: {  	v4 =	vmul.f32 v3, v0  }
0xbe: {  	s20 =	simm.s32 $0x20;
	v1 =	vadd.f32 v1, v2  }
0xbf: {  	v5 =	vld [tilespmem:s20+$0xEA60];
	v4 =	vmul.f32 v3, v4  }
0xc0: {  	v2 =	vld [tilespmem:s20+$0xF0A0];
	v1 =	vmax.f32 v1, $1.000000000e+00  }
0xc1: {  	v6 =	vshrl.u32 v1, $0x1;
	v8 =	vmul.f32 $5.000000000e-01, v1;
	v1 =	vsub.f32 $1.500000000e+00, v4  }
0xc2: {  	v4 =	vsub.s32 $0x5F3759DF, v6  }
0xc3: {  	s30 =	simm.s32 $0x30;
	v6 =	vmul.f32 v4, v8;
	v3 =	vmul.f32 v3, v1  }
0xc4: {  	v7 =	vld [tilespmem:s30+$0xF0A0]  }
0xc5: {  	v1 =	vadd.f32 v2, v5;
	v2 =	vld [tilespmem:s30+$0xEA60];
	v6 =	vmul.f32 v4, v6;
	v5 =	vmul.f32 v3, v0;
	_ =	sdelay $0x1  }
0xc6: {  	v1 =	vmax.f32 v1, $1.000000000e+00;
	v6 =	vsub.f32 $1.500000000e+00, v6;
	v5 =	vmul.f32 v5, v3  }
0xc7: {  	s24 =	simm.s32 $0x40;
	v9 =	vshrl.u32 v1, $0x1;
	v1 =	vmul.f32 $5.000000000e-01, v1  }
0xc8: {  	v10 =	vld [tilespmem:s24+$0xF0A0];
	v9 =	vsub.s32 $0x5F3759DF, v9;
	v11 =	vmul.f32 v4, v6;
	v5 =	vsub.f32 $1.500000000e+00, v5  }
0xc9: {  	v4 =	vmul.f32 v9, v1;
	v2 =	vadd.f32 v7, v2;
	v6 =	vld [tilespmem:s24+$0xEA60]  }
0xca: {  	v12 =	vmul.f32 v5, v3;
	v3 =	vmul.f32 v11, v8  }
0xcb: {  	v2 =	vmax.f32 v2, $1.000000000e+00;
	v5 =	vmul.f32 v9, v4  }
0xcc: {  	v4 =	vshrl.u32 v2, $0x1;
	v2 =	vmul.f32 $5.000000000e-01, v2;
	v3 =	vmul.f32 v3, v11  }
0xcd: {  	v4 =	vsub.s32 $0x5F3759DF, v4;
	v0 =	vmul.f32 v12, v0;
	v5 =	vsub.f32 $1.500000000e+00, v5  }
0xce: {  	s22 =	simm.s32 $0x50;
	v7 =	vadd.f32 v10, v6;
	v10 =	vmul.f32 v4, v2;
	v3 =	vsub.f32 $1.500000000e+00, v3  }
0xcf: {  	v0 =	vmul.f32 v0, v12;
	v6 =	vmul.f32 v9, v5;
	v9 =	vld [tilespmem:s22+$0xF0A0]  }
0xd0: {  	v14 =	vmul.f32 v4, v10;
	v3 =	vmul.f32 v3, v11;
	v11 =	vld [tilespmem:s22+$0xEA60]  }
0xd1: {  	v10 =	vld [tilespmem:s28+$0xF6E0];
	v16 =	vsub.f32 $1.500000000e+00, v0;
	v0 =	vmax.f32 v7, $1.000000000e+00;
	v13 =	vmul.f32 v6, v1  }
0xd2: {  	v7 =	vld [tilespmem:s28+$0xFD20];
	v5 =	vshrl.u32 v0, $0x1;
	v0 =	vmul.f32 $5.000000000e-01, v0;
	v15 =	vmul.f32 v3, v8  }
0xd3: {  	v5 =	vsub.s32 $0x5F3759DF, v5;
	v13 =	vmul.f32 v13, v6;
	v12 =	vmul.f32 v16, v12  }
0xd4: {  	s23 =	simm.s32 $0x180;
	v14 =	vsub.f32 $1.500000000e+00, v14;
	v8 =	vmul.f32 v5, v0;
	v15 =	vmul.f32 v15, v3  }
.LBB2_4:
0xd5: {  	s26 =	sshra.s32 s23, $0x2;
	p0 =	sne.s32 s23, $0x18C0;
	s23 =	sadd.s32 $0x40, s23;
	v16 =	vadd.f32 v9, v11;
	v13 =	vsub.f32 $1.500000000e+00, v13;
	v17 =	vld [tilespmem:s29+$0xFD20]  }
0xd6: {  	v9 =	vld [tilespmem:s26+$0xF0A0];
	v14 =	vmul.f32 v4, v14;
	v18 =	vsub.f32 $1.500000000e+00, v15;
	v15 =	vmul.f32 v12, v10;
	v4 =	vmovc v5  }
.Ltmp1:
0xd7: {  	v20 =	vmul.f32 v12, v7;
	v11 =	vld [tilespmem:s26+$0xEA60];
	v5 =	vmax.f32 v16, $1.000000000e+00;
	v16 =	vmul.f32 v13, v6;
	(pc) =	sbr.rel @p0 .LBB2_4-.Ltmp1, $4  }
0xd8: {  	v12 =	vshrl.u32 v5, $0x1;
	v19 =	vmul.f32 $5.000000000e-01, v5;
	v13 =	vmul.f32 v14, v2;
	v10 =	vld [tilespmem:s29+$0xF6E0];
	[tilespmem:s28+$0x10360] =	vst v15;
	v6 =	vmovc v14  }
0xd9: {  	v5 =	vsub.s32 $0x5F3759DF, v12;
	v12 =	vmul.f32 v4, v8;
	v15 =	vmul.f32 v16, v1;
	[tilespmem:s28+$0x109A0] =	vst v20;
	v1 =	vmovc v2;
	s28 =	smov.u32 s29;
	s29 =	smov.u32 s20;
	s20 =	smov.u32 s30  }
0xda: {  	v2 =	vmovc v0;
	s30 =	smov.u32 s24;
	s24 =	smov.u32 s22;
	s22 =	smov.u32 s26;
	v8 =	vmul.f32 v5, v19;
	v13 =	vmul.f32 v13, v6;
	v7 =	vmovc v17;
	v0 =	vmov v19  }
0xdb: {  	v14 =	vsub.f32 $1.500000000e+00, v12;
	v15 =	vmul.f32 v15, v16;
	v12 =	vmul.f32 v18, v3;
	v3 =	vmovc v16  }
0xdc: {  	v9 =	vadd.f32 v9, v11  }
0xdd: {  	v11 =	vsub.f32 $1.500000000e+00, v13  }
0xde: {  	v8 =	vmul.f32 v5, v8;
	v4 =	vmul.f32 v4, v14;
	v9 =	vmax.f32 v9, $1.000000000e+00  }
0xdf: {  	v6 =	vmul.f32 v11, v6;
	v11 =	vshrl.u32 v9, $0x1;
	v9 =	vmul.f32 $5.000000000e-01, v9  }
0xe0: {  	v13 =	vsub.f32 $1.500000000e+00, v15;
	v15 =	vld [tilespmem:s29+$0xF6E0];
	v14 =	vmul.f32 v4, v2;
	v11 =	vsub.s32 $0x5F3759DF, v11  }
0xe1: {  	v10 =	vmul.f32 v12, v10;
	v16 =	vmul.f32 v11, v9  }
0xe2: {  	v8 =	vsub.f32 $1.500000000e+00, v8;
	v3 =	vmul.f32 v13, v3;
	v13 =	vld [tilespmem:s29+$0xFD20];
	v14 =	vmul.f32 v14, v4  }
0xe3: {  	v1 =	vmul.f32 v6, v1;
	v16 =	vmul.f32 v11, v16  }
0xe4: {  	v7 =	vmul.f32 v12, v7;
	v5 =	vmul.f32 v5, v8;
	v12 =	vsub.f32 $1.500000000e+00, v14  }
0xe5: {  	[tilespmem:s28+$0x10360] =	vst v10;
	v1 =	vmul.f32 v1, v6;
	v8 =	vmul.f32 v3, v15;
	v10 =	vsub.f32 $1.500000000e+00, v16  }
0xe6: {  	[tilespmem:s28+$0x109A0] =	vst v7;
	v7 =	vmul.f32 v5, v0;
	v4 =	vmul.f32 v12, v4  }
0xe7: {  	v3 =	vmul.f32 v3, v13;
	v12 =	vld [tilespmem:s20+$0xF6E0];
	v10 =	vmul.f32 v11, v10  }
0xe8: {  	v7 =	vmul.f32 v7, v5;
	v11 =	vld [tilespmem:s20+$0xFD20];
	v2 =	vmul.f32 v4, v2  }
0xe9: {  	v1 =	vsub.f32 $1.500000000e+00, v1;
	[tilespmem:s29+$0x10360] =	vst v8;
	v8 =	vmul.f32 v10, v9  }
0xea: {  	[tilespmem:s29+$0x109A0] =	vst v3;
	v3 =	vsub.f32 $1.500000000e+00, v7;
	v2 =	vmul.f32 v2, v4  }
0xeb: {  	v1 =	vmul.f32 v1, v6;
	v6 =	vld [tilespmem:s30+$0xF6E0];
	v7 =	vmul.f32 v8, v10  }
0xec: {  	v3 =	vmul.f32 v3, v5;
	v8 =	vld [tilespmem:s30+$0xFD20];
	v2 =	vsub.f32 $1.500000000e+00, v2  }
0xed: {  	v12 =	vmul.f32 v1, v12;
	v1 =	vmul.f32 v1, v11;
	v5 =	vsub.f32 $1.500000000e+00, v7  }
0xee: {  	v0 =	vmul.f32 v3, v0;
	v2 =	vmul.f32 v2, v4  }
0xef: {  	[tilespmem:s20+$0x109A0] =	vst v1;
	v1 =	vmul.f32 v5, v10  }
0xf0: {  	[tilespmem:s20+$0x10360] =	vst v12;
	v0 =	vmul.f32 v0, v3;
	v5 =	vmul.f32 v2, v6  }
0xf1: {  	v4 =	vld [tilespmem:s24+$0xFD20];
	v2 =	vmul.f32 v2, v8;
	v7 =	vmul.f32 v1, v9  }
0xf2: {  	v6 =	vld [tilespmem:s24+$0xF6E0];
	[tilespmem:s30+$0x10360] =	vst v5  }
0xf3: {  	v0 =	vsub.f32 $1.500000000e+00, v0;
	[tilespmem:s30+$0x109A0] =	vst v2;
	v2 =	vmul.f32 v7, v1  }
0xf4: {  	v5 =	vld [tilespmem:s22+$0xF6E0]  }
0xf5: {  	v0 =	vmul.f32 v0, v3;
	v3 =	vld [tilespmem:s22+$0xFD20];
	v2 =	vsub.f32 $1.500000000e+00, v2;
	_ =	sdelay $0x1  }
0xf6: {  	v6 =	vmul.f32 v0, v6;
	v1 =	vmul.f32 v2, v1  }
0xf7: {  	v0 =	vmul.f32 v0, v4  }
0xf8: {  	[tilespmem:s24+$0x10360] =	vst v6;
	v2 =	vmul.f32 v1, v5  }
0xf9: {  	[tilespmem:s24+$0x109A0] =	vst v0;
	s24 =	sld [smem:$0x7F0];
	v0 =	vmul.f32 v1, v3  }
0xfa: {  	[tilespmem:s22+$0x10360] =	vst v2  }
0xfb: {  	s26 =	simm.s32 $0x10360;
	[tilespmem:s22+$0x109A0] =	vst v0  }
0xfc: {  	[spmem:s24] =	stream.linear.scatter [tilespmem:s26], [sflag:$0x4], $0x640, $0x38;
	[tilespmem:$0x173E0] =	vst v63  }
0xfd: {  	_ =	swait.ge [sflag:s21], $0x640  }
0xfe: {  	s23 =	sld [smem:$0x7F1]  }
0xff: {  	[sflag:s21] =	ssyncset.done $0x0  }
0x100: {  	s24 =	simm.s32 $0x109A0;
	[sflag:s21] =	ssyncadd.s32 $0xFFFFF9C0  }
0x101: {  	[spmem:s23] =	stream.linear.scatter [tilespmem:s24], [sflag:$0x4], $0x640, $0x38;
	[tilespmem:$0x173E0] =	vst v63  }
0x102: {  	_ =	swait.ge [sflag:s21], $0x640  }
0x103: {  	s20 =	simm.s32 $0x0;
	[sflag:s21] =	ssyncset.done $0x0  }
0x104: {  	s23 =	simm.s32 $0xEA60;
	s26 =	rddreg [dreg:$0x12];
	[sflag:s21] =	ssyncadd.s32 $0xFFFFF9C0  }
0x105: {  	[tilespmem:s23], [sflag:$0x4] =	stream.linear.gather [hbm4b:s26+s20], $0x640, $0x38;
	[tilespmem:$0x173E0] =	vst v63  }
0x106: {  	_ =	swait.ge [sflag:s21], $0x640  }
0x107: {  	[sflag:s21] =	ssyncset.done $0x0  }
0x108: {  	s26 =	simm.s32 $0xF0A0;
	s24 =	rddreg [dreg:$0x14];
	[sflag:s21] =	ssyncadd.s32 $0xFFFFF9C0  }
0x109: {  	[tilespmem:s26], [sflag:$0x4] =	stream.linear.gather [hbm4b:s24+s20], $0x640, $0x38;
	[tilespmem:$0x173E0] =	vst v63  }
0x10a: {  	_ =	swait.ge [sflag:s21], $0x640  }
0x10b: {  	[sflag:s21] =	ssyncset.done $0x0  }
0x10c: {  	s26 =	simm.s32 $0xF6E0;
	s24 =	rddreg [dreg:$0x13];
	[sflag:s21] =	ssyncadd.s32 $0xFFFFF9C0  }
0x10d: {  	[tilespmem:s26], [sflag:$0x4] =	stream.linear.gather [hbm4b:s24+s20], $0x640, $0x38;
	[tilespmem:$0x173E0] =	vst v63  }
0x10e: {  	_ =	swait.ge [sflag:s21], $0x640  }
0x10f: {  	[sflag:s21] =	ssyncset.done $0x0  }
0x110: {  	s26 =	simm.s32 $0xFD20;
	s24 =	rddreg [dreg:$0x15];
	[sflag:s21] =	ssyncadd.s32 $0xFFFFF9C0  }
0x111: {  	[tilespmem:s26], [sflag:$0x4] =	stream.linear.gather [hbm4b:s24+s20], $0x640, $0x38;
	[tilespmem:$0x173E0] =	vst v63  }
0x112: {  	_ =	swait.ge [sflag:s21], $0x640  }
0x113: {  	[sflag:s21] =	ssyncset.done $0x0  }
0x114: {  	s28 =	simm.s32 $0x0;
	[sflag:s21] =	ssyncadd.s32 $0xFFFFF9C0  }
0x115: {  	v0 =	vld [tilespmem:s28+$0xF0A0]  }
0x116: {  	v1 =	vld [tilespmem:s28+$0xEA60];
	_ =	sdelay $0x3  }
0x117: {  	s29 =	simm.s32 $0x10  }
0x118: {  	v2 =	vld [tilespmem:s29+$0xEA60];
	v0 =	vadd.f32 v0, v1  }
0x119: {  	v1 =	vld [tilespmem:s29+$0xF0A0]  }
0x11a: {  	v0 =	vmax.f32 v0, $1.000000000e+00  }
0x11b: {  	v3 =	vshrl.u32 v0, $0x1;
	v0 =	vmul.f32 $5.000000000e-01, v0  }
0x11c: {  	v3 =	vsub.s32 $0x5F3759DF, v3  }
0x11d: {  	v4 =	vmul.f32 v3, v0  }
0x11e: {  	s20 =	simm.s32 $0x20;
	v1 =	vadd.f32 v1, v2  }
0x11f: {  	v5 =	vld [tilespmem:s20+$0xEA60];
	v4 =	vmul.f32 v3, v4  }
0x120: {  	v2 =	vld [tilespmem:s20+$0xF0A0];
	v1 =	vmax.f32 v1, $1.000000000e+00  }
0x121: {  	v6 =	vshrl.u32 v1, $0x1;
	v8 =	vmul.f32 $5.000000000e-01, v1;
	v1 =	vsub.f32 $1.500000000e+00, v4  }
0x122: {  	v4 =	vsub.s32 $0x5F3759DF, v6  }
0x123: {  	s30 =	simm.s32 $0x30;
	v6 =	vmul.f32 v4, v8;
	v3 =	vmul.f32 v3, v1  }
0x124: {  	v7 =	vld [tilespmem:s30+$0xF0A0]  }
0x125: {  	v1 =	vadd.f32 v2, v5;
	v2 =	vld [tilespmem:s30+$0xEA60];
	v6 =	vmul.f32 v4, v6;
	v5 =	vmul.f32 v3, v0;
	_ =	sdelay $0x1  }
0x126: {  	v1 =	vmax.f32 v1, $1.000000000e+00;
	v6 =	vsub.f32 $1.500000000e+00, v6;
	v5 =	vmul.f32 v5, v3  }
0x127: {  	s24 =	simm.s32 $0x40;
	v9 =	vshrl.u32 v1, $0x1;
	v1 =	vmul.f32 $5.000000000e-01, v1  }
0x128: {  	v10 =	vld [tilespmem:s24+$0xF0A0];
	v9 =	vsub.s32 $0x5F3759DF, v9;
	v11 =	vmul.f32 v4, v6;
	v5 =	vsub.f32 $1.500000000e+00, v5  }
0x129: {  	v4 =	vmul.f32 v9, v1;
	v2 =	vadd.f32 v7, v2;
	v6 =	vld [tilespmem:s24+$0xEA60]  }
0x12a: {  	v12 =	vmul.f32 v5, v3;
	v3 =	vmul.f32 v11, v8  }
0x12b: {  	v2 =	vmax.f32 v2, $1.000000000e+00;
	v5 =	vmul.f32 v9, v4  }
0x12c: {  	v4 =	vshrl.u32 v2, $0x1;
	v2 =	vmul.f32 $5.000000000e-01, v2;
	v3 =	vmul.f32 v3, v11  }
0x12d: {  	v4 =	vsub.s32 $0x5F3759DF, v4;
	v0 =	vmul.f32 v12, v0;
	v5 =	vsub.f32 $1.500000000e+00, v5  }
0x12e: {  	s22 =	simm.s32 $0x50;
	v7 =	vadd.f32 v10, v6;
	v10 =	vmul.f32 v4, v2;
	v3 =	vsub.f32 $1.500000000e+00, v3  }
0x12f: {  	v0 =	vmul.f32 v0, v12;
	v6 =	vmul.f32 v9, v5;
	v9 =	vld [tilespmem:s22+$0xF0A0]  }
0x130: {  	v14 =	vmul.f32 v4, v10;
	v3 =	vmul.f32 v3, v11;
	v11 =	vld [tilespmem:s22+$0xEA60]  }
0x131: {  	v10 =	vld [tilespmem:s28+$0xF6E0];
	v16 =	vsub.f32 $1.500000000e+00, v0;
	v0 =	vmax.f32 v7, $1.000000000e+00;
	v13 =	vmul.f32 v6, v1  }
0x132: {  	v7 =	vld [tilespmem:s28+$0xFD20];
	v5 =	vshrl.u32 v0, $0x1;
	v0 =	vmul.f32 $5.000000000e-01, v0;
	v15 =	vmul.f32 v3, v8  }
0x133: {  	v5 =	vsub.s32 $0x5F3759DF, v5;
	v13 =	vmul.f32 v13, v6;
	v12 =	vmul.f32 v16, v12  }
0x134: {  	s23 =	simm.s32 $0x180;
	v14 =	vsub.f32 $1.500000000e+00, v14;
	v8 =	vmul.f32 v5, v0;
	v15 =	vmul.f32 v15, v3  }
.LBB2_6:
0x135: {  	s26 =	sshra.s32 s23, $0x2;
	p0 =	sne.s32 s23, $0x18C0;
	s23 =	sadd.s32 $0x40, s23;
	v16 =	vadd.f32 v9, v11;
	v13 =	vsub.f32 $1.500000000e+00, v13;
	v17 =	vld [tilespmem:s29+$0xFD20]  }
0x136: {  	v9 =	vld [tilespmem:s26+$0xF0A0];
	v14 =	vmul.f32 v4, v14;
	v18 =	vsub.f32 $1.500000000e+00, v15;
	v15 =	vmul.f32 v12, v10;
	v4 =	vmovc v5  }
.Ltmp2:
0x137: {  	v20 =	vmul.f32 v12, v7;
	v11 =	vld [tilespmem:s26+$0xEA60];
	v5 =	vmax.f32 v16, $1.000000000e+00;
	v16 =	vmul.f32 v13, v6;
	(pc) =	sbr.rel @p0 .LBB2_6-.Ltmp2, $4  }
0x138: {  	v12 =	vshrl.u32 v5, $0x1;
	v19 =	vmul.f32 $5.000000000e-01, v5;
	v13 =	vmul.f32 v14, v2;
	v10 =	vld [tilespmem:s29+$0xF6E0];
	[tilespmem:s28+$0x10360] =	vst v15;
	v6 =	vmovc v14  }
0x139: {  	v5 =	vsub.s32 $0x5F3759DF, v12;
	v12 =	vmul.f32 v4, v8;
	v15 =	vmul.f32 v16, v1;
	[tilespmem:s28+$0x109A0] =	vst v20;
	v1 =	vmovc v2;
	s28 =	smov.u32 s29;
	s29 =	smov.u32 s20;
	s20 =	smov.u32 s30  }
0x13a: {  	v2 =	vmovc v0;
	s30 =	smov.u32 s24;
	s24 =	smov.u32 s22;
	s22 =	smov.u32 s26;
	v8 =	vmul.f32 v5, v19;
	v13 =	vmul.f32 v13, v6;
	v7 =	vmovc v17;
	v0 =	vmov v19  }
0x13b: {  	v14 =	vsub.f32 $1.500000000e+00, v12;
	v15 =	vmul.f32 v15, v16;
	v12 =	vmul.f32 v18, v3;
	v3 =	vmovc v16  }
0x13c: {  	v9 =	vadd.f32 v9, v11  }
0x13d: {  	v11 =	vsub.f32 $1.500000000e+00, v13  }
0x13e: {  	v8 =	vmul.f32 v5, v8;
	v4 =	vmul.f32 v4, v14;
	v9 =	vmax.f32 v9, $1.000000000e+00  }
0x13f: {  	v6 =	vmul.f32 v11, v6;
	v11 =	vshrl.u32 v9, $0x1;
	v9 =	vmul.f32 $5.000000000e-01, v9  }
0x140: {  	v13 =	vsub.f32 $1.500000000e+00, v15;
	v15 =	vld [tilespmem:s29+$0xF6E0];
	v14 =	vmul.f32 v4, v2;
	v11 =	vsub.s32 $0x5F3759DF, v11  }
0x141: {  	v10 =	vmul.f32 v12, v10;
	v16 =	vmul.f32 v11, v9  }
0x142: {  	v8 =	vsub.f32 $1.500000000e+00, v8;
	v3 =	vmul.f32 v13, v3;
	v13 =	vld [tilespmem:s29+$0xFD20];
	v14 =	vmul.f32 v14, v4  }
0x143: {  	v1 =	vmul.f32 v6, v1;
	v16 =	vmul.f32 v11, v16  }
0x144: {  	v7 =	vmul.f32 v12, v7;
	v5 =	vmul.f32 v5, v8;
	v12 =	vsub.f32 $1.500000000e+00, v14  }
0x145: {  	[tilespmem:s28+$0x10360] =	vst v10;
	v1 =	vmul.f32 v1, v6;
	v8 =	vmul.f32 v3, v15;
	v10 =	vsub.f32 $1.500000000e+00, v16  }
0x146: {  	[tilespmem:s28+$0x109A0] =	vst v7;
	v7 =	vmul.f32 v5, v0;
	v4 =	vmul.f32 v12, v4  }
0x147: {  	v3 =	vmul.f32 v3, v13;
	v12 =	vld [tilespmem:s20+$0xF6E0];
	v10 =	vmul.f32 v11, v10  }
0x148: {  	v7 =	vmul.f32 v7, v5;
	v11 =	vld [tilespmem:s20+$0xFD20];
	v2 =	vmul.f32 v4, v2  }
0x149: {  	v1 =	vsub.f32 $1.500000000e+00, v1;
	[tilespmem:s29+$0x10360] =	vst v8;
	v8 =	vmul.f32 v10, v9  }
0x14a: {  	[tilespmem:s29+$0x109A0] =	vst v3;
	v3 =	vsub.f32 $1.500000000e+00, v7;
	v2 =	vmul.f32 v2, v4  }
0x14b: {  	v1 =	vmul.f32 v1, v6;
	v6 =	vld [tilespmem:s30+$0xF6E0];
	v7 =	vmul.f32 v8, v10  }
0x14c: {  	v3 =	vmul.f32 v3, v5;
	v8 =	vld [tilespmem:s30+$0xFD20];
	v2 =	vsub.f32 $1.500000000e+00, v2  }
0x14d: {  	v12 =	vmul.f32 v1, v12;
	v1 =	vmul.f32 v1, v11;
	v5 =	vsub.f32 $1.500000000e+00, v7  }
0x14e: {  	v0 =	vmul.f32 v3, v0;
	v2 =	vmul.f32 v2, v4  }
0x14f: {  	[tilespmem:s20+$0x109A0] =	vst v1;
	v1 =	vmul.f32 v5, v10  }
0x150: {  	[tilespmem:s20+$0x10360] =	vst v12;
	v0 =	vmul.f32 v0, v3;
	v5 =	vmul.f32 v2, v6  }
0x151: {  	v4 =	vld [tilespmem:s24+$0xFD20];
	v2 =	vmul.f32 v2, v8;
	v7 =	vmul.f32 v1, v9  }
0x152: {  	v6 =	vld [tilespmem:s24+$0xF6E0];
	[tilespmem:s30+$0x10360] =	vst v5  }
0x153: {  	v0 =	vsub.f32 $1.500000000e+00, v0;
	[tilespmem:s30+$0x109A0] =	vst v2;
	v2 =	vmul.f32 v7, v1  }
0x154: {  	v5 =	vld [tilespmem:s22+$0xF6E0]  }
0x155: {  	v0 =	vmul.f32 v0, v3;
	v3 =	vld [tilespmem:s22+$0xFD20];
	v2 =	vsub.f32 $1.500000000e+00, v2;
	_ =	sdelay $0x1  }
0x156: {  	v6 =	vmul.f32 v0, v6;
	v1 =	vmul.f32 v2, v1  }
0x157: {  	v0 =	vmul.f32 v0, v4  }
0x158: {  	[tilespmem:s24+$0x10360] =	vst v6;
	v2 =	vmul.f32 v1, v5  }
0x159: {  	[tilespmem:s24+$0x109A0] =	vst v0;
	s24 =	sld [smem:$0x7F2];
	v0 =	vmul.f32 v1, v3  }
0x15a: {  	[tilespmem:s22+$0x10360] =	vst v2  }
0x15b: {  	s26 =	simm.s32 $0x10360;
	[tilespmem:s22+$0x109A0] =	vst v0  }
0x15c: {  	[spmem:s24] =	stream.linear.scatter [tilespmem:s26], [sflag:$0x4], $0x640, $0x38;
	[tilespmem:$0x173E0] =	vst v63  }
0x15d: {  	_ =	swait.ge [sflag:s21], $0x640  }
0x15e: {  	s23 =	sld [smem:$0x7F3]  }
0x15f: {  	[sflag:s21] =	ssyncset.done $0x0  }
0x160: {  	s24 =	simm.s32 $0x109A0;
	[sflag:s21] =	ssyncadd.s32 $0xFFFFF9C0  }
0x161: {  	[spmem:s23] =	stream.linear.scatter [tilespmem:s24], [sflag:$0x4], $0x640, $0x38;
	[tilespmem:$0x173E0] =	vst v63  }
0x162: {  	_ =	swait.ge [sflag:s21], $0x640  }
0x163: {  	s20 =	simm.s32 $0x0;
	[sflag:s21] =	ssyncset.done $0x0  }
0x164: {  	s23 =	simm.s32 $0xEA60;
	s26 =	rddreg [dreg:$0x18];
	[sflag:s21] =	ssyncadd.s32 $0xFFFFF9C0  }
0x165: {  	[tilespmem:s23], [sflag:$0x4] =	stream.linear.gather [hbm4b:s26+s20], $0x640, $0x38;
	[tilespmem:$0x173E0] =	vst v63  }
0x166: {  	_ =	swait.ge [sflag:s21], $0x640  }
0x167: {  	[sflag:s21] =	ssyncset.done $0x0  }
0x168: {  	s26 =	simm.s32 $0xF0A0;
	s24 =	rddreg [dreg:$0x19];
	[sflag:s21] =	ssyncadd.s32 $0xFFFFF9C0  }
0x169: {  	[tilespmem:s26], [sflag:$0x4] =	stream.linear.gather [hbm4b:s24+s20], $0x640, $0x38;
	[tilespmem:$0x173E0] =	vst v63  }
0x16a: {  	_ =	swait.ge [sflag:s21], $0x640  }
0x16b: {  	[sflag:s21] =	ssyncset.done $0x0  }
0x16c: {  	s26 =	simm.s32 $0xF6E0;
	s24 =	rddreg [dreg:$0x1a];
	[sflag:s21] =	ssyncadd.s32 $0xFFFFF9C0  }
0x16d: {  	[tilespmem:s26], [sflag:$0x4] =	stream.linear.gather [hbm4b:s24+s20], $0x640, $0x38;
	[tilespmem:$0x173E0] =	vst v63  }
0x16e: {  	_ =	swait.ge [sflag:s21], $0x640  }
0x16f: {  	[sflag:s21] =	ssyncset.done $0x0  }
0x170: {  	s26 =	simm.s32 $0xFD20;
	s24 =	rddreg [dreg:$0x1b];
	[sflag:s21] =	ssyncadd.s32 $0xFFFFF9C0  }
0x171: {  	[tilespmem:s26], [sflag:$0x4] =	stream.linear.gather [hbm4b:s24+s20], $0x640, $0x38;
	[tilespmem:$0x173E0] =	vst v63  }
0x172: {  	_ =	swait.ge [sflag:s21], $0x640  }
0x173: {  	[sflag:s21] =	ssyncset.done $0x0  }
0x174: {  	s28 =	simm.s32 $0x0;
	[sflag:s21] =	ssyncadd.s32 $0xFFFFF9C0  }
0x175: {  	v0 =	vld [tilespmem:s28+$0xF0A0]  }
0x176: {  	v1 =	vld [tilespmem:s28+$0xEA60];
	_ =	sdelay $0x3  }
0x177: {  	s29 =	simm.s32 $0x10  }
0x178: {  	v2 =	vld [tilespmem:s29+$0xEA60];
	v0 =	vadd.f32 v0, v1  }
0x179: {  	v1 =	vld [tilespmem:s29+$0xF0A0]  }
0x17a: {  	v0 =	vmax.f32 v0, $1.000000000e+00  }
0x17b: {  	v3 =	vshrl.u32 v0, $0x1;
	v0 =	vmul.f32 $5.000000000e-01, v0  }
0x17c: {  	v3 =	vsub.s32 $0x5F3759DF, v3  }
0x17d: {  	v4 =	vmul.f32 v3, v0  }
0x17e: {  	s20 =	simm.s32 $0x20;
	v1 =	vadd.f32 v1, v2  }
0x17f: {  	v5 =	vld [tilespmem:s20+$0xEA60];
	v4 =	vmul.f32 v3, v4  }
0x180: {  	v2 =	vld [tilespmem:s20+$0xF0A0];
	v1 =	vmax.f32 v1, $1.000000000e+00  }
0x181: {  	v6 =	vshrl.u32 v1, $0x1;
	v8 =	vmul.f32 $5.000000000e-01, v1;
	v1 =	vsub.f32 $1.500000000e+00, v4  }
0x182: {  	v4 =	vsub.s32 $0x5F3759DF, v6  }
0x183: {  	s30 =	simm.s32 $0x30;
	v6 =	vmul.f32 v4, v8;
	v3 =	vmul.f32 v3, v1  }
0x184: {  	v7 =	vld [tilespmem:s30+$0xF0A0]  }
0x185: {  	v1 =	vadd.f32 v2, v5;
	v2 =	vld [tilespmem:s30+$0xEA60];
	v6 =	vmul.f32 v4, v6;
	v5 =	vmul.f32 v3, v0;
	_ =	sdelay $0x1  }
0x186: {  	v1 =	vmax.f32 v1, $1.000000000e+00;
	v6 =	vsub.f32 $1.500000000e+00, v6;
	v5 =	vmul.f32 v5, v3  }
0x187: {  	s24 =	simm.s32 $0x40;
	v9 =	vshrl.u32 v1, $0x1;
	v1 =	vmul.f32 $5.000000000e-01, v1  }
0x188: {  	v10 =	vld [tilespmem:s24+$0xF0A0];
	v9 =	vsub.s32 $0x5F3759DF, v9;
	v11 =	vmul.f32 v4, v6;
	v5 =	vsub.f32 $1.500000000e+00, v5  }
0x189: {  	v4 =	vmul.f32 v9, v1;
	v2 =	vadd.f32 v7, v2;
	v6 =	vld [tilespmem:s24+$0xEA60]  }
0x18a: {  	v12 =	vmul.f32 v5, v3;
	v3 =	vmul.f32 v11, v8  }
0x18b: {  	v2 =	vmax.f32 v2, $1.000000000e+00;
	v5 =	vmul.f32 v9, v4  }
0x18c: {  	v4 =	vshrl.u32 v2, $0x1;
	v2 =	vmul.f32 $5.000000000e-01, v2;
	v3 =	vmul.f32 v3, v11  }
0x18d: {  	v4 =	vsub.s32 $0x5F3759DF, v4;
	v0 =	vmul.f32 v12, v0;
	v5 =	vsub.f32 $1.500000000e+00, v5  }
0x18e: {  	s22 =	simm.s32 $0x50;
	v7 =	vadd.f32 v10, v6;
	v10 =	vmul.f32 v4, v2;
	v3 =	vsub.f32 $1.500000000e+00, v3  }
0x18f: {  	v0 =	vmul.f32 v0, v12;
	v6 =	vmul.f32 v9, v5;
	v9 =	vld [tilespmem:s22+$0xF0A0]  }
0x190: {  	v14 =	vmul.f32 v4, v10;
	v3 =	vmul.f32 v3, v11;
	v11 =	vld [tilespmem:s22+$0xEA60]  }
0x191: {  	v10 =	vld [tilespmem:s28+$0xF6E0];
	v16 =	vsub.f32 $1.500000000e+00, v0;
	v0 =	vmax.f32 v7, $1.000000000e+00;
	v13 =	vmul.f32 v6, v1  }
0x192: {  	v7 =	vld [tilespmem:s28+$0xFD20];
	v5 =	vshrl.u32 v0, $0x1;
	v0 =	vmul.f32 $5.000000000e-01, v0;
	v15 =	vmul.f32 v3, v8  }
0x193: {  	v5 =	vsub.s32 $0x5F3759DF, v5;
	v13 =	vmul.f32 v13, v6;
	v12 =	vmul.f32 v16, v12  }
0x194: {  	s23 =	simm.s32 $0x180;
	v14 =	vsub.f32 $1.500000000e+00, v14;
	v8 =	vmul.f32 v5, v0;
	v15 =	vmul.f32 v15, v3  }
.LBB2_8:
0x195: {  	s26 =	sshra.s32 s23, $0x2;
	p0 =	sne.s32 s23, $0x18C0;
	s23 =	sadd.s32 $0x40, s23;
	v16 =	vadd.f32 v9, v11;
	v13 =	vsub.f32 $1.500000000e+00, v13;
	v17 =	vld [tilespmem:s29+$0xFD20]  }
0x196: {  	v9 =	vld [tilespmem:s26+$0xF0A0];
	v14 =	vmul.f32 v4, v14;
	v18 =	vsub.f32 $1.500000000e+00, v15;
	v15 =	vmul.f32 v12, v10;
	v4 =	vmovc v5  }
.Ltmp3:
0x197: {  	v20 =	vmul.f32 v12, v7;
	v11 =	vld [tilespmem:s26+$0xEA60];
	v5 =	vmax.f32 v16, $1.000000000e+00;
	v16 =	vmul.f32 v13, v6;
	(pc) =	sbr.rel @p0 .LBB2_8-.Ltmp3, $4  }
0x198: {  	v12 =	vshrl.u32 v5, $0x1;
	v19 =	vmul.f32 $5.000000000e-01, v5;
	v13 =	vmul.f32 v14, v2;
	v10 =	vld [tilespmem:s29+$0xF6E0];
	[tilespmem:s28+$0x10360] =	vst v15;
	v6 =	vmovc v14  }
0x199: {  	v5 =	vsub.s32 $0x5F3759DF, v12;
	v12 =	vmul.f32 v4, v8;
	v15 =	vmul.f32 v16, v1;
	[tilespmem:s28+$0x109A0] =	vst v20;
	v1 =	vmovc v2;
	s28 =	smov.u32 s29;
	s29 =	smov.u32 s20;
	s20 =	smov.u32 s30  }
0x19a: {  	v2 =	vmovc v0;
	s30 =	smov.u32 s24;
	s24 =	smov.u32 s22;
	s22 =	smov.u32 s26;
	v8 =	vmul.f32 v5, v19;
	v13 =	vmul.f32 v13, v6;
	v7 =	vmovc v17;
	v0 =	vmov v19  }
0x19b: {  	v14 =	vsub.f32 $1.500000000e+00, v12;
	v15 =	vmul.f32 v15, v16;
	v12 =	vmul.f32 v18, v3;
	v3 =	vmovc v16  }
0x19c: {  	v9 =	vadd.f32 v9, v11;
	_ =	sdelay $0x1  }
0x19d: {  	v36 =	vsub.f32 $1.500000000e+00, v13;
	v4 =	vmul.f32 v4, v14;
	v9 =	vmax.f32 v9, $1.000000000e+00  }
0x19e: {  	v39 =	vld [tilespmem:s29+$0xF6E0];
	v8 =	vmul.f32 v5, v8;
	v38 =	vshrl.u32 v9, $0x1;
	v9 =	vmul.f32 $5.000000000e-01, v9  }
0x19f: {  	v40 =	vld [tilespmem:s29+$0xFD20];
	v10 =	vmul.f32 v12, v10;
	v14 =	vmul.f32 v4, v2;
	v11 =	vsub.s32 $0x5F3759DF, v38  }
0x1a0: {  	v37 =	vsub.f32 $1.500000000e+00, v15;
	v7 =	vmul.f32 v12, v7;
	v16 =	vmul.f32 v11, v9  }
0x1a1: {  	v6 =	vmul.f32 v36, v6;
	v8 =	vsub.f32 $1.500000000e+00, v8;
	v14 =	vmul.f32 v14, v4  }
0x1a2: {  	v3 =	vmul.f32 v37, v3;
	v16 =	vmul.f32 v11, v16  }
0x1a3: {  	v1 =	vmul.f32 v6, v1;
	v42 =	vmul.f32 v5, v8;
	v41 =	vsub.f32 $1.500000000e+00, v14  }
0x1a4: {  	[tilespmem:s28+$0x10360] =	vst v10;
	v43 =	vmul.f32 v3, v39;
	v3 =	vmul.f32 v3, v40;
	v44 =	vsub.f32 $1.500000000e+00, v16  }
0x1a5: {  	[tilespmem:s28+$0x109A0] =	vst v7;
	v45 =	vmul.f32 v42, v0;
	v4 =	vmul.f32 v41, v4  }
0x1a6: {  	v46 =	vld [tilespmem:s20+$0xF6E0];
	v1 =	vmul.f32 v1, v6;
	v10 =	vmul.f32 v11, v44  }
0x1a7: {  	v47 =	vld [tilespmem:s20+$0xFD20];
	v7 =	vmul.f32 v45, v42;
	v48 =	vmul.f32 v4, v2  }
0x1a8: {  	[tilespmem:s29+$0x10360] =	vst v43;
	v1 =	vsub.f32 $1.500000000e+00, v1;
	v49 =	vmul.f32 v10, v9  }
0x1a9: {  	[tilespmem:s29+$0x109A0] =	vst v3;
	v50 =	vsub.f32 $1.500000000e+00, v7;
	v2 =	vmul.f32 v48, v4  }
0x1aa: {  	v51 =	vld [tilespmem:s30+$0xF6E0];
	v1 =	vmul.f32 v1, v6;
	v52 =	vmul.f32 v49, v10  }
0x1ab: {  	v53 =	vld [tilespmem:s30+$0xFD20];
	v3 =	vmul.f32 v50, v42;
	v2 =	vsub.f32 $1.500000000e+00, v2  }
0x1ac: {  	v12 =	vmul.f32 v1, v46;
	v1 =	vmul.f32 v1, v47;
	v54 =	vsub.f32 $1.500000000e+00, v52  }
0x1ad: {  	v55 =	vmul.f32 v3, v0;
	v2 =	vmul.f32 v2, v4  }
0x1ae: {  	[tilespmem:s20+$0x10360] =	vst v12;
	v56 =	vmul.f32 v54, v10  }
0x1af: {  	[tilespmem:s20+$0x109A0] =	vst v1;
	v0 =	vmul.f32 v55, v3;
	v58 =	vmul.f32 v2, v51  }
0x1b0: {  	v57 =	vld [tilespmem:s24+$0xFD20];
	v2 =	vmul.f32 v2, v53;
	v60 =	vmul.f32 v56, v9  }
0x1b1: {  	v59 =	vld [tilespmem:s24+$0xF6E0];
	[tilespmem:s30+$0x10360] =	vst v58  }
0x1b2: {  	v0 =	vsub.f32 $1.500000000e+00, v0;
	[tilespmem:s30+$0x109A0] =	vst v2;
	v61 =	vmul.f32 v60, v56  }
0x1b3: {  	v5 =	vld [tilespmem:s22+$0xF6E0]  }
0x1b4: {  	v0 =	vmul.f32 v0, v3;
	v62 =	vld [tilespmem:s22+$0xFD20];
	v2 =	vsub.f32 $1.500000000e+00, v61;
	_ =	sdelay $0x1  }
0x1b5: {  	v6 =	vmul.f32 v0, v59;
	v1 =	vmul.f32 v2, v56  }
0x1b6: {  	v0 =	vmul.f32 v0, v57  }
0x1b7: {  	[tilespmem:s24+$0x10360] =	vst v6;
	v2 =	vmul.f32 v1, v5  }
0x1b8: {  	s29 =	sld [smem:$0x7F4];
	[tilespmem:s24+$0x109A0] =	vst v0;
	v63 =	vmul.f32 v1, v62  }
0x1b9: {  	[tilespmem:s22+$0x10360] =	vst v2  }
0x1ba: {  	s30 =	simm.s32 $0x10360;
	[tilespmem:s22+$0x109A0] =	vst v63  }
0x1bb: {  	[spmem:s29] =	stream.linear.scatter [tilespmem:s30], [sflag:$0x4], $0x640, $0x38;
	[tilespmem:$0x173E0] =	vst v63  }
0x1bc: {  	_ =	swait.ge [sflag:s21], $0x640  }
0x1bd: {  	s23 =	sld [smem:$0x7F5]  }
0x1be: {  	[sflag:s21] =	ssyncset.done $0x0  }
0x1bf: {  	s24 =	simm.s32 $0x109A0;
	[sflag:s21] =	ssyncadd.s32 $0xFFFFF9C0  }
0x1c0: {  	[spmem:s23] =	stream.linear.scatter [tilespmem:s24], [sflag:$0x4], $0x640, $0x38;
	[tilespmem:$0x173E0] =	vst v63  }
0x1c1: {  	_ =	swait.ge [sflag:s21], $0x640  }
0x1c2: {  	[sflag:s21] =	ssyncset.done $0x0  }
0x1c3: {  	[sflag:s21] =	ssyncadd.s32 $0xFFFFF9C0  }
0x1c4: {  	[bflag:$0x0] =	sbarrier.arrive $0xFFFF  }
0x1c5: {  	s28 =	sld [smem:$0x7F6];
	_ =	sdelay $0x1  }
0x1c6: {  	s26 =	simm.s32 $0x0;
	s29 =	sld [smem:$0x7F7]  }
0x1c7: {  	[tilespmem:s26], [sflag:$0x1] =	stream.linear.gather [hbm4b:s28+s26], $0x1388, $0x38;
	[tilespmem:$0x173E0] =	vst v63  }
0x1c8: {  	s30 =	sld [smem:$0x7F8]  }
0x1c9: {  	[tilespmem:s31], [sflag:$0x1] =	stream.linear.gather [hbm4b:s29+s26], $0x1388, $0x38;
	[tilespmem:$0x173E0] =	vst v63  }
0x1ca: {  	s23 =	sld [smem:$0x7F9]  }
0x1cb: {  	[tilespmem:s0], [sflag:$0x1] =	stream.linear.gather [hbm4b:s30+s26], $0x1388, $0x38;
	[tilespmem:$0x173E0] =	vst v63  }
0x1cc: {  	_ = 	snop  }
0x1cd: {  	[tilespmem:s4], [sflag:$0x1] =	stream.linear.gather [hbm4b:s23+s26], $0x1388, $0x38;
	[tilespmem:$0x173E0] =	vst v63  }
0x1ce: {  	_ =	swait.ge [sflag:s9], $0x1388  }
0x1cf: {  	[sflag:s9] =	ssyncset.done $0x0  }
0x1d0: {  	[sflag:s9] =	ssyncadd.s32 $0xFFFFEC78  }
0x1d1: {  	_ =	swait.ge [sflag:s9], $0x1388  }
0x1d2: {  	p0 =	por $0x1, $0x1;
	[sflag:s9] =	ssyncset.done $0x0  }
0x1d3: {  	s20 =	simm.s32 @!p0 $0x3;
	[sflag:s9] =	ssyncadd.s32 $0xFFFFEC78  }
0x1d4: {  	_ =	swait.ge @!p0 [sflag:s20], $0x1388  }
0x1d5: {  	[sflag:s20] =	ssyncset.done @!p0 $0x0  }
0x1d6: {  	[sflag:s20] =	ssyncadd.s32 @!p0 $0xFFFFEC78  }
0x1d7: {  	_ =	swait.ge @!p0 [sflag:s20], $0x1388  }
0x1d8: {  	[sflag:s20] =	ssyncset.done @!p0 $0x0  }
0x1d9: {  	[sflag:s20] =	ssyncadd.s32 @!p0 $0xFFFFEC78  }
0x1da: {  	[tilespmem:s10], [sflag:$0x2] =	stream.indirect.gather [spmem:s3], $0x1, s6, s0, $0xb8;
	[tilespmem:$0x173E0] =	vst v63  }
0x1db: {  	s24 =	rddreg [dreg:$0xb]  }
0x1dc: {  	[tilespmem:s11], [sflag:$0x2] =	stream.indirect.gather [spmem:s5], $0x1, s6, s0, $0xb8;
	[tilespmem:$0x173E0] =	vst v63  }
0x1dd: {  	s23 =	rddreg [dreg:$0xa];
	s22 =	sadd.s32 $0x0, s24  }
0x1de: {  	[tilespmem:s12], [sflag:$0x1] =	stream.linear.gather [hbm4b:s22+s6], $0x1388, $0x38;
	[tilespmem:$0x173E0] =	vst v63  }
0x1df: {  	s26 =	sadd.s32 $0x0, s23  }
0x1e0: {  	[tilespmem:s13], [sflag:$0x1] =	stream.linear.gather [hbm4b:s26+s6], $0x1388, $0x38;
	[tilespmem:$0x173E0] =	vst v63  }
0x1e1: {  	_ =	swait.ge [sflag:s14], $0x1388  }
0x1e2: {  	[sflag:s14] =	ssyncset.done $0x0  }
0x1e3: {  	[sflag:s14] =	ssyncadd.s32 $0xFFFFEC78  }
0x1e4: {  	_ =	swait.ge [sflag:s14], $0x1388  }
0x1e5: {  	[sflag:s14] =	ssyncset.done $0x0  }
0x1e6: {  	[sflag:s14] =	ssyncadd.s32 $0xFFFFEC78  }
0x1e7: {  	[spmem:s1] =	stream.indirect.scatter.add.f32 [tilespmem:s10], [sflag:$0x3], $0x1, s31, s0, $0xb8;
	[tilespmem:$0x173E0] =	vst v63  }
0x1e8: {  	_ = 	snop  }
0x1e9: {  	[spmem:s2] =	stream.indirect.scatter.add.f32 [tilespmem:s11], [sflag:$0x3], $0x1, s31, s0, $0xb8;
	[tilespmem:$0x173E0] =	vst v63  }
0x1ea: {  	_ =	swait.ge [sflag:s9], $0x1388  }
0x1eb: {  	[sflag:s9] =	ssyncset.done $0x0  }
0x1ec: {  	[sflag:s9] =	ssyncadd.s32 $0xFFFFEC78  }
0x1ed: {  	_ =	swait.ge [sflag:s9], $0x1388  }
0x1ee: {  	[sflag:s9] =	ssyncset.done $0x0  }
0x1ef: {  	[sflag:s9] =	ssyncadd.s32 $0xFFFFEC78  }
0x1f0: {  	_ =	swait.ge @!p0 [sflag:s20], $0x1388  }
0x1f1: {  	[sflag:s20] =	ssyncset.done @!p0 $0x0  }
0x1f2: {  	[sflag:s20] =	ssyncadd.s32 @!p0 $0xFFFFEC78  }
0x1f3: {  	_ =	swait.ge @!p0 [sflag:s20], $0x1388  }
0x1f4: {  	[sflag:s20] =	ssyncset.done @!p0 $0x0  }
0x1f5: {  	[sflag:s20] =	ssyncadd.s32 @!p0 $0xFFFFEC78  }
0x1f6: {  	[tilespmem:s15], [sflag:$0x2] =	stream.indirect.gather [spmem:s3], $0x1, s0, s0, $0xb8;
	[tilespmem:$0x173E0] =	vst v63  }
0x1f7: {  	s28 =	rddreg [dreg:$0x9]  }
0x1f8: {  	[tilespmem:s16], [sflag:$0x2] =	stream.indirect.gather [spmem:s5], $0x1, s0, s0, $0xb8;
	[tilespmem:$0x173E0] =	vst v63  }
0x1f9: {  	s29 =	rddreg [dreg:$0x8];
	s20 =	sadd.s32 $0x0, s28  }
0x1fa: {  	[tilespmem:s17], [sflag:$0x1] =	stream.linear.gather [hbm4b:s20+s6], $0x1388, $0x38;
	[tilespmem:$0x173E0] =	vst v63  }
0x1fb: {  	s30 =	sadd.s32 $0x0, s29  }
0x1fc: {  	[tilespmem:s18], [sflag:$0x1] =	stream.linear.gather [hbm4b:s30+s6], $0x1388, $0x38;
	[tilespmem:$0x173E0] =	vst v63  }
0x1fd: {  	_ =	swait.ge [sflag:s14], $0x1388  }
0x1fe: {  	[sflag:s14] =	ssyncset.done $0x0  }
0x1ff: {  	[sflag:s14] =	ssyncadd.s32 $0xFFFFEC78  }
0x200: {  	_ =	swait.ge [sflag:s14], $0x1388  }
0x201: {  	[sflag:s14] =	ssyncset.done $0x0  }
0x202: {  	[sflag:s14] =	ssyncadd.s32 $0xFFFFEC78  }
0x203: {  	[spmem:s1] =	stream.indirect.scatter.add.f32 [tilespmem:s15], [sflag:$0x3], $0x1, s4, s0, $0xb8;
	[tilespmem:$0x173E0] =	vst v63  }
0x204: {  	_ = 	snop  }
0x205: {  	[spmem:s2] =	stream.indirect.scatter.add.f32 [tilespmem:s16], [sflag:$0x3], $0x1, s4, s0, $0xb8;
	[tilespmem:$0x173E0] =	vst v63  }
0x206: {  	_ =	swait.ge [sflag:s9], $0x1388  }
0x207: {  	[sflag:s9] =	ssyncset.done $0x0  }
0x208: {  	[sflag:s9] =	ssyncadd.s32 $0xFFFFEC78  }
0x209: {  	_ =	swait.ge [sflag:s9], $0x1388  }
0x20a: {  	[sflag:s9] =	ssyncset.done $0x0  }
0x20b: {  	[sflag:s9] =	ssyncadd.s32 $0xFFFFEC78  }
0x20c: {  	_ =	swait.ge [sflag:s19], $0x1388  }
0x20d: {  	[sflag:s19] =	ssyncset.done $0x0  }
0x20e: {  	[sflag:s19] =	ssyncadd.s32 $0xFFFFEC78  }
0x20f: {  	_ =	swait.ge [sflag:s19], $0x1388  }
0x210: {  	[sflag:s19] =	ssyncset.done $0x0;
	s26 =	sld [smem:$0x7FD]  }
0x211: {  	p0 =	por $0x0, $0x0;
	[sflag:s19] =	ssyncadd.s32 $0xFFFFEC78  }
0x212: {  	[tilespmem:s10], [sflag:$0x2] =	stream.indirect.gather [spmem:s3], $0x1, s12, s0, $0xb8;
	[tilespmem:$0x173E0] =	vst v63  }
0x213: {  	s20 =	sshrl.u32 @!p0 s26, $0x3  }
0x214: {  	[tilespmem:s11], [sflag:$0x2] =	stream.indirect.gather [spmem:s5], $0x1, s12, s0, $0xb8;
	[tilespmem:$0x173E0] =	vst v63  }
0x215: {  	s22 =	simm.s32 @!p0 $0x0;
	s23 =	sadd.s32 @!p0 s7, s20  }
0x216: {  	[tilespmem:s22], [sflag:$0x1] =	stream.linear.gather @!p0 [hbm4b:s23+s22], $0x1388, $0x38;
	[tilespmem:$0x173E0] =	vst v63  }
0x217: {  	s20 =	sadd.s32 @!p0 s8, s20;
	s23 =	simm.s32 @!p0 $0x4E20  }
0x218: {  	[tilespmem:s23], [sflag:$0x1] =	stream.linear.gather @!p0 [hbm4b:s20+s22], $0x1388, $0x38;
	[tilespmem:$0x173E0] =	vst v63  }
0x219: {  	_ =	swait.ge [sflag:s14], $0x1388  }
0x21a: {  	[sflag:s14] =	ssyncset.done $0x0  }
0x21b: {  	[sflag:s14] =	ssyncadd.s32 $0xFFFFEC78  }
0x21c: {  	_ =	swait.ge [sflag:s14], $0x1388  }
0x21d: {  	[sflag:s14] =	ssyncset.done $0x0  }
0x21e: {  	[sflag:s14] =	ssyncadd.s32 $0xFFFFEC78  }
0x21f: {  	[spmem:s1] =	stream.indirect.scatter.add.f32 [tilespmem:s10], [sflag:$0x3], $0x1, s13, s0, $0xb8;
	[tilespmem:$0x173E0] =	vst v63  }
0x220: {  	_ = 	snop  }
0x221: {  	[spmem:s2] =	stream.indirect.scatter.add.f32 [tilespmem:s11], [sflag:$0x3], $0x1, s13, s0, $0xb8;
	[tilespmem:$0x173E0] =	vst v63  }
0x222: {  	_ =	swait.ge [sflag:s9], $0x1388  }
0x223: {  	[sflag:s9] =	ssyncset.done $0x0  }
0x224: {  	[sflag:s9] =	ssyncadd.s32 $0xFFFFEC78  }
0x225: {  	_ =	swait.ge [sflag:s9], $0x1388  }
0x226: {  	[sflag:s9] =	ssyncset.done $0x0  }
0x227: {  	[sflag:s9] =	ssyncadd.s32 $0xFFFFEC78  }
0x228: {  	_ =	swait.ge [sflag:s19], $0x1388  }
0x229: {  	[sflag:s19] =	ssyncset.done $0x0  }
0x22a: {  	[sflag:s19] =	ssyncadd.s32 $0xFFFFEC78  }
0x22b: {  	_ =	swait.ge [sflag:s19], $0x1388  }
0x22c: {  	[sflag:s19] =	ssyncset.done $0x0  }
0x22d: {  	[sflag:s19] =	ssyncadd.s32 $0xFFFFEC78  }
0x22e: {  	[tilespmem:s15], [sflag:$0x2] =	stream.indirect.gather [spmem:s3], $0x1, s17, s0, $0xb8;
	[tilespmem:$0x173E0] =	vst v63  }
0x22f: {  	s20 =	rddreg [dreg:$0x7]  }
0x230: {  	[tilespmem:s16], [sflag:$0x2] =	stream.indirect.gather [spmem:s5], $0x1, s17, s0, $0xb8;
	[tilespmem:$0x173E0] =	vst v63  }
0x231: {  	s24 =	simm.s32 @!p0 $0x1388;
	s23 =	rddreg [dreg:$0x6];
	s20 =	sadd.s32 @!p0 $0x0, s20  }
0x232: {  	[tilespmem:s24], [sflag:$0x1] =	stream.linear.gather @!p0 [hbm4b:s20+s22], $0x1388, $0x38;
	[tilespmem:$0x173E0] =	vst v63  }
0x233: {  	s23 =	sadd.s32 @!p0 $0x0, s23;
	s20 =	simm.s32 @!p0 $0x61A8  }
0x234: {  	[tilespmem:s20], [sflag:$0x1] =	stream.linear.gather @!p0 [hbm4b:s23+s22], $0x1388, $0x38;
	[tilespmem:$0x173E0] =	vst v63  }
0x235: {  	_ =	swait.ge [sflag:s14], $0x1388  }
0x236: {  	[sflag:s14] =	ssyncset.done $0x0  }
0x237: {  	[sflag:s14] =	ssyncadd.s32 $0xFFFFEC78  }
0x238: {  	_ =	swait.ge [sflag:s14], $0x1388  }
0x239: {  	[sflag:s14] =	ssyncset.done $0x0  }
0x23a: {  	s24 =	simm.s32 $0x9C4;
	s20 =	smov.u32 s26;
	[sflag:s14] =	ssyncadd.s32 $0xFFFFEC78  }
0x23b: {  	[spmem:s1] =	stream.indirect.scatter.add.f32 [tilespmem:s15], [sflag:$0x3], $0x1, s18, s0, $0xb8;
	[tilespmem:$0x173E0] =	vst v63  }
.LBB2_10:
0x23c: {  	[spmem:s2] =	stream.indirect.scatter.add.f32 [tilespmem:s16], [sflag:$0x3], $0x1, s18, s0, $0xb8;
	[tilespmem:$0x173E0] =	vst v63  }
0x23d: {  	_ =	swait.ge [sflag:s9], $0x1388  }
0x23e: {  	[sflag:s9] =	ssyncset.done $0x0  }
0x23f: {  	[sflag:s9] =	ssyncadd.s32 $0xFFFFEC78  }
0x240: {  	s29 =	smov.u32 s24;
	_ =	swait.ge [sflag:s9], $0x1388  }
0x241: {  	p1 =	seq.s32 s29, $0x0;
	[sflag:s9] =	ssyncset.done $0x0  }
0x242: {  	s22 =	simm.s32 @!p1 $0x3;
	[sflag:s9] =	ssyncadd.s32 $0xFFFFEC78  }
0x243: {  	_ =	swait.ge @!p1 [sflag:s22], $0x1388  }
0x244: {  	[sflag:s22] =	ssyncset.done @!p1 $0x0  }
0x245: {  	[sflag:s22] =	ssyncadd.s32 @!p1 $0xFFFFEC78  }
0x246: {  	_ =	swait.ge @!p1 [sflag:s22], $0x1388  }
0x247: {  	[sflag:s22] =	ssyncset.done @!p1 $0x0  }
0x248: {  	[sflag:s22] =	ssyncadd.s32 @!p1 $0xFFFFEC78  }
0x249: {  	[tilespmem:s10], [sflag:$0x2] =	stream.indirect.gather [spmem:s3], $0x1, s6, s0, $0xb8;
	[tilespmem:$0x173E0] =	vst v63  }
0x24a: {  	s23 =	rddreg [dreg:$0xb]  }
0x24b: {  	[tilespmem:s11], [sflag:$0x2] =	stream.indirect.gather [spmem:s5], $0x1, s6, s0, $0xb8;
	[tilespmem:$0x173E0] =	vst v63  }
0x24c: {  	s26 =	rddreg [dreg:$0xa];
	s23 =	sadd.s32 s29, s23  }
0x24d: {  	[tilespmem:s12], [sflag:$0x1] =	stream.linear.gather [hbm4b:s23+s6], $0x1388, $0x38;
	[tilespmem:$0x173E0] =	vst v63  }
0x24e: {  	s30 =	sadd.s32 s29, s26  }
0x24f: {  	[tilespmem:s13], [sflag:$0x1] =	stream.linear.gather [hbm4b:s30+s6], $0x1388, $0x38;
	[tilespmem:$0x173E0] =	vst v63  }
0x250: {  	_ =	swait.ge [sflag:s14], $0x1388  }
0x251: {  	[sflag:s14] =	ssyncset.done $0x0  }
0x252: {  	[sflag:s14] =	ssyncadd.s32 $0xFFFFEC78  }
0x253: {  	_ =	swait.ge [sflag:s14], $0x1388  }
0x254: {  	[sflag:s14] =	ssyncset.done $0x0  }
0x255: {  	[sflag:s14] =	ssyncadd.s32 $0xFFFFEC78  }
0x256: {  	[spmem:s1] =	stream.indirect.scatter.add.f32 [tilespmem:s10], [sflag:$0x3], $0x1, s31, s0, $0xb8;
	[tilespmem:$0x173E0] =	vst v63  }
0x257: {  	_ = 	snop  }
0x258: {  	[spmem:s2] =	stream.indirect.scatter.add.f32 [tilespmem:s11], [sflag:$0x3], $0x1, s31, s0, $0xb8;
	[tilespmem:$0x173E0] =	vst v63  }
0x259: {  	_ =	swait.ge [sflag:s9], $0x1388  }
0x25a: {  	[sflag:s9] =	ssyncset.done $0x0  }
0x25b: {  	[sflag:s9] =	ssyncadd.s32 $0xFFFFEC78  }
0x25c: {  	_ =	swait.ge [sflag:s9], $0x1388  }
0x25d: {  	[sflag:s9] =	ssyncset.done $0x0  }
0x25e: {  	[sflag:s9] =	ssyncadd.s32 $0xFFFFEC78  }
0x25f: {  	_ =	swait.ge @!p1 [sflag:s22], $0x1388  }
0x260: {  	[sflag:s22] =	ssyncset.done @!p1 $0x0  }
0x261: {  	[sflag:s22] =	ssyncadd.s32 @!p1 $0xFFFFEC78  }
0x262: {  	_ =	swait.ge @!p1 [sflag:s22], $0x1388  }
0x263: {  	[sflag:s22] =	ssyncset.done @!p1 $0x0  }
0x264: {  	[sflag:s22] =	ssyncadd.s32 @!p1 $0xFFFFEC78  }
0x265: {  	[tilespmem:s15], [sflag:$0x2] =	stream.indirect.gather [spmem:s3], $0x1, s0, s0, $0xb8;
	[tilespmem:$0x173E0] =	vst v63  }
0x266: {  	s26 =	rddreg [dreg:$0x9]  }
0x267: {  	[tilespmem:s16], [sflag:$0x2] =	stream.indirect.gather [spmem:s5], $0x1, s0, s0, $0xb8;
	[tilespmem:$0x173E0] =	vst v63  }
0x268: {  	s28 =	rddreg [dreg:$0x8];
	s22 =	sadd.s32 s29, s26  }
0x269: {  	[tilespmem:s17], [sflag:$0x1] =	stream.linear.gather [hbm4b:s22+s6], $0x1388, $0x38;
	[tilespmem:$0x173E0] =	vst v63  }
0x26a: {  	s30 =	sadd.s32 s29, s28  }
0x26b: {  	[tilespmem:s18], [sflag:$0x1] =	stream.linear.gather [hbm4b:s30+s6], $0x1388, $0x38;
	[tilespmem:$0x173E0] =	vst v63  }
0x26c: {  	_ =	swait.ge [sflag:s14], $0x1388  }
0x26d: {  	[sflag:s14] =	ssyncset.done $0x0  }
0x26e: {  	[sflag:s14] =	ssyncadd.s32 $0xFFFFEC78  }
0x26f: {  	_ =	swait.ge [sflag:s14], $0x1388  }
0x270: {  	[sflag:s14] =	ssyncset.done $0x0  }
0x271: {  	[sflag:s14] =	ssyncadd.s32 $0xFFFFEC78  }
0x272: {  	[spmem:s1] =	stream.indirect.scatter.add.f32 [tilespmem:s15], [sflag:$0x3], $0x1, s4, s0, $0xb8;
	[tilespmem:$0x173E0] =	vst v63  }
0x273: {  	_ = 	snop  }
0x274: {  	[spmem:s2] =	stream.indirect.scatter.add.f32 [tilespmem:s16], [sflag:$0x3], $0x1, s4, s0, $0xb8;
	[tilespmem:$0x173E0] =	vst v63  }
0x275: {  	_ =	swait.ge [sflag:s9], $0x1388  }
0x276: {  	[sflag:s9] =	ssyncset.done $0x0  }
0x277: {  	[sflag:s9] =	ssyncadd.s32 $0xFFFFEC78  }
0x278: {  	_ =	swait.ge [sflag:s9], $0x1388  }
0x279: {  	[sflag:s9] =	ssyncset.done $0x0  }
0x27a: {  	[sflag:s9] =	ssyncadd.s32 $0xFFFFEC78  }
0x27b: {  	_ =	swait.ge [sflag:s19], $0x1388  }
0x27c: {  	[sflag:s19] =	ssyncset.done $0x0  }
0x27d: {  	[sflag:s19] =	ssyncadd.s32 $0xFFFFEC78  }
0x27e: {  	_ =	swait.ge [sflag:s19], $0x1388  }
0x27f: {  	[sflag:s19] =	ssyncset.done $0x0  }
0x280: {  	s20 =	sadd.s32 $0x4E20, s20;
	p1 =	seq.s32 s29, $0x57E4;
	[sflag:s19] =	ssyncadd.s32 $0xFFFFEC78  }
0x281: {  	[tilespmem:s10], [sflag:$0x2] =	stream.indirect.gather [spmem:s3], $0x1, s12, s0, $0xb8;
	[tilespmem:$0x173E0] =	vst v63  }
0x282: {  	s23 =	sshrl.u32 @!p1 s20, $0x3  }
0x283: {  	[tilespmem:s11], [sflag:$0x2] =	stream.indirect.gather [spmem:s5], $0x1, s12, s0, $0xb8;
	[tilespmem:$0x173E0] =	vst v63  }
0x284: {  	s26 =	sadd.s32 @!p1 s7, s23;
	s22 =	simm.s32 @!p1 $0x0  }
0x285: {  	[tilespmem:s22], [sflag:$0x1] =	stream.linear.gather @!p1 [hbm4b:s26+s22], $0x1388, $0x38;
	[tilespmem:$0x173E0] =	vst v63  }
0x286: {  	s28 =	simm.s32 @!p1 $0x4E20;
	s23 =	sadd.s32 @!p1 s8, s23  }
0x287: {  	[tilespmem:s28], [sflag:$0x1] =	stream.linear.gather @!p1 [hbm4b:s23+s22], $0x1388, $0x38;
	[tilespmem:$0x173E0] =	vst v63  }
0x288: {  	_ =	swait.ge [sflag:s14], $0x1388  }
0x289: {  	[sflag:s14] =	ssyncset.done $0x0  }
0x28a: {  	[sflag:s14] =	ssyncadd.s32 $0xFFFFEC78  }
0x28b: {  	_ =	swait.ge [sflag:s14], $0x1388  }
0x28c: {  	[sflag:s14] =	ssyncset.done $0x0  }
0x28d: {  	[sflag:s14] =	ssyncadd.s32 $0xFFFFEC78  }
0x28e: {  	[spmem:s1] =	stream.indirect.scatter.add.f32 [tilespmem:s10], [sflag:$0x3], $0x1, s13, s0, $0xb8;
	[tilespmem:$0x173E0] =	vst v63  }
0x28f: {  	_ = 	snop  }
0x290: {  	[spmem:s2] =	stream.indirect.scatter.add.f32 [tilespmem:s11], [sflag:$0x3], $0x1, s13, s0, $0xb8;
	[tilespmem:$0x173E0] =	vst v63  }
0x291: {  	_ =	swait.ge [sflag:s9], $0x1388  }
0x292: {  	[sflag:s9] =	ssyncset.done $0x0  }
0x293: {  	[sflag:s9] =	ssyncadd.s32 $0xFFFFEC78  }
0x294: {  	_ =	swait.ge [sflag:s9], $0x1388  }
0x295: {  	[sflag:s9] =	ssyncset.done $0x0  }
0x296: {  	[sflag:s9] =	ssyncadd.s32 $0xFFFFEC78  }
0x297: {  	_ =	swait.ge [sflag:s19], $0x1388  }
0x298: {  	[sflag:s19] =	ssyncset.done $0x0  }
0x299: {  	[sflag:s19] =	ssyncadd.s32 $0xFFFFEC78  }
0x29a: {  	_ =	swait.ge [sflag:s19], $0x1388  }
0x29b: {  	[sflag:s19] =	ssyncset.done $0x0  }
0x29c: {  	[sflag:s19] =	ssyncadd.s32 $0xFFFFEC78  }
0x29d: {  	[tilespmem:s15], [sflag:$0x2] =	stream.indirect.gather [spmem:s3], $0x1, s17, s0, $0xb8;
	[tilespmem:$0x173E0] =	vst v63  }
0x29e: {  	s23 =	rddreg [dreg:$0x7]  }
0x29f: {  	[tilespmem:s16], [sflag:$0x2] =	stream.indirect.gather [spmem:s5], $0x1, s17, s0, $0xb8;
	[tilespmem:$0x173E0] =	vst v63  }
0x2a0: {  	s28 =	simm.s32 @!p1 $0x1388;
	s26 =	rddreg [dreg:$0x6];
	s23 =	sadd.s32 @!p1 s29, s23  }
0x2a1: {  	[tilespmem:s28], [sflag:$0x1] =	stream.linear.gather @!p1 [hbm4b:s23+s22], $0x1388, $0x38;
	[tilespmem:$0x173E0] =	vst v63  }
0x2a2: {  	s30 =	simm.s32 @!p1 $0x61A8;
	s23 =	sadd.s32 @!p1 s29, s26  }
0x2a3: {  	[tilespmem:s30], [sflag:$0x1] =	stream.linear.gather @!p1 [hbm4b:s23+s22], $0x1388, $0x38;
	[tilespmem:$0x173E0] =	vst v63  }
0x2a4: {  	s24 =	sadd.s32 $0x9C4, s24;
	_ =	swait.ge [sflag:s14], $0x1388  }
0x2a5: {  	p0 =	sne.s32 s24, $0x61A8;
	[sflag:s14] =	ssyncset.done $0x0  }
.Ltmp4:
0x2a6: {  	[sflag:s14] =	ssyncadd.s32 $0xFFFFEC78;
	(pc) =	sbr.rel @p0 .LBB2_10-.Ltmp4, $4  }
0x2a7: {  	_ =	swait.ge [sflag:s14], $0x1388  }
0x2a8: {  	[sflag:s14] =	ssyncset.done $0x0  }
0x2a9: {  	[sflag:s14] =	ssyncadd.s32 $0xFFFFEC78  }
0x2aa: {  	[spmem:s1] =	stream.indirect.scatter.add.f32 [tilespmem:s15], [sflag:$0x3], $0x1, s18, s0, $0xb8;
	[tilespmem:$0x173E0] =	vst v63  }
0x2ab: {  	[spmem:s2] =	stream.indirect.scatter.add.f32 [tilespmem:s16], [sflag:$0x3], $0x1, s18, s0, $0xb8;
	[tilespmem:$0x173E0] =	vst v63  }
0x2ac: {  	_ =	swait.ge [sflag:s19], $0x1388  }
0x2ad: {  	[sflag:s19] =	ssyncset.done $0x0  }
0x2ae: {  	[sflag:s19] =	ssyncadd.s32 $0xFFFFEC78  }
0x2af: {  	_ =	swait.ge [sflag:s19], $0x1388  }
0x2b0: {  	[sflag:s19] =	ssyncset.done $0x0  }
0x2b1: {  	[sflag:s19] =	ssyncadd.s32 $0xFFFFEC78  }
0x2b2: {  	_ =	swait.ge [sflag:s19], $0x1388  }
0x2b3: {  	[sflag:s19] =	ssyncset.done $0x0  }
0x2b4: {  	[sflag:s19] =	ssyncadd.s32 $0xFFFFEC78  }
0x2b5: {  	_ =	swait.ge [sflag:s19], $0x1388  }
0x2b6: {  	[sflag:s19] =	ssyncset.done $0x0  }
0x2b7: {  	[sflag:s19] =	ssyncadd.s32 $0xFFFFEC78  }
0x2b8: {  	[bflag:$0x0] =	sbarrier.arrive $0xFFFF  }
0x2b9: {  	s20 =	sld [smem:$0x7FA]  }
0x2ba: {  	s23 =	sld [smem:$0x7EC];
	_ =	sdelay $0x1  }
0x2bb: {  	s22 =	rddreg [dreg:$0x1d]  }
0x2bc: {  	[hbm:s20], [sflag:s22] =	dma.local [spmem:s23], $0x320  }
0x2bd: {  	_ =	swait.ge [sflag:s21], $0x320  }
0x2be: {  	s28 =	sld [smem:$0x7FB]  }
0x2bf: {  	s29 =	sld [smem:$0x7ED]  }
0x2c0: {  	[sflag:s21] =	ssyncset.done $0x0  }
0x2c1: {  	[sflag:s21] =	ssyncadd.s32 $0xFFFFFCE0  }
0x2c2: {  	[hbm:s28], [sflag:s22] =	dma.local [spmem:s29], $0x320  }
0x2c3: {  	_ =	swait.ge [sflag:s21], $0x320  }
0x2c4: {  	s30 =	sld [smem:$0x7FC];
	_ =	sdelay $0x1  }
0x2c5: {  	s25 =	sadd.s32 $0x1, s25  }
0x2c6: {  	p0 =	sne.s32 s25, s30  }
.Ltmp5:
0x2c7: {  	_ = 	snop;
	(pc) =	sbr.rel @p0 .LBB2_1-.Ltmp5, $3  }
0x2c8: {  	_ =	sdelay $0x1  }
0x2c9: {  	[sflag:s21] =	ssyncset.done $0x0  }
0x2ca: {  	[sflag:s21] =	ssyncadd.s32 $0xFFFFFCE0  }
0x2cb: {  	_ =	sfence.sel $0x180000  }
0x2cc: {  	[bflag:$0x0] =	sbarrier.arrive $0xFFFF  }
0x2cd: {  	_ =	strace $0x9000004A  }
0x2ce: {  	s0 =	stileid.u32;
	[bflag:$0x2] =	sbarrier.arrive $0xFFFF  }
0x2cf: {  	p0 =	sne.s32 s0, $0x0;
	s0 =	rddreg [dreg:$0x5]  }
0x2d0: {  	s0 =	sadd.s32 @!p0 $0x100000, s0  }
0x2d1: {  	[sflag:s0] =	ssyncadd.tile.s32 @!p0 $0x1;
	_ =	shalt  }
.Lfunc_end2:
_tile_overlayer_lowered:
.L_overlay_start_2:
0x2d2: {  	(tag) =	ssettag $0x2  }
0x2d3: {  	s0 =	rddreg [dreg:$0x0];
	s2 =	stileid.u32  }
0x2d4: {  	s1 =	rddreg [dreg:$0x1];
	p0 =	sne.s32 s2, $0x0  }
0x2d5: {  	s3 =	rddreg [dreg:$0x2];
	[bflag:$0x3] =	sbarrier.arrive $0xFFFF;
	s2 =	simm.s32 @!p0 $0x1C04  }
0x2d6: {  	[timem:s3], [sflag:s2] =	dma.local @!p0 [hbm:s0], s1  }
0x2d7: {  	s0 =	simm.s32 @!p0 $0x4  }
0x2d8: {  	_ =	swait.ge @!p0 [sflag:s0], s1  }
0x2d9: {  	s1 =	ssub.s32 @!p0 $0x0, s1;
	[sflag:s0] =	ssyncset.done @!p0 $0x0  }
0x2da: {  	[sflag:s0] =	ssyncadd.s32 @!p0 s1  }
0x2db: {  	[bflag:$0x3] =	sbarrier.arrive $0xFFFF  }
0x2dc: {  	_ =	shalt  }

</sc_bundles>
